<compile_context>
chip_gen: v7x
topology: tpu7x:2x2x1
jax: 0.10.2.dev20260603
libtpu: 0.0.44.dev20260713+nightly
codegen_flags: <defaults>
</compile_context>

<pallas_src>
import jax
import jax.numpy as jnp
from jax import lax
from jax.experimental import pallas as pl
from jax.experimental.pallas import tpu as pltpu
from jax.experimental.pallas import tpu_sc as plsc

VOCAB = 1000000
D = 64
B = 4096
W = 20
K = 16
L = 8

NC = 2
NS = 16
NW = NC * NS
NB = B // NW

CPACK = 16
XPACK = 48
NE_CH = 2
NE_CW = (W * K) // NE_CH
WVO = CPACK + XPACK + W * K
PACK = WVO + 16
SLOT = 24
NEG_FILL = -100.0
TCG = 16


def _sc_scores(center_table, context_table, pack):
  mesh = plsc.VectorSubcoreMesh(
      core_axis_name="c", subcore_axis_name="s", num_cores=NC,
      num_subcores=NS)

  def body(center_hbm, context_hbm, pk_hbm, wout_hbm, mout_hbm,
           pk0, pk1, cr0, cr1, xr0, xr1, nr0, nr1, ws0, ws1, ms0, ms1,
           s_pk0, s_pk1, s_g0, s_g1, s_w0, s_w1):
    wid = lax.axis_index("s") * NC + lax.axis_index("c")
    base = wid * NB
    lane = lax.iota(jnp.int32, 16)
    mask15 = lane == 15
    fill = jnp.full((16,), NEG_FILL, jnp.float32)
    PK = (pk0, pk1)
    CR = (cr0, cr1)
    XR = (xr0, xr1)
    NR = (nr0, nr1)
    WS = (ws0, ws1)
    MS = (ms0, ms1)
    S_PK = (s_pk0, s_pk1)
    S_G = (s_g0, s_g1)
    S_W = (s_w0, s_w1)

    for p in range(2):
      WS[p][pl.ds(0, 16)] = fill
      WS[p][pl.ds(8, 16)] = fill
      for t in range(W * SLOT // 16):
        MS[p][pl.ds(16 * t, 16)] = fill

    def fire_pack(b, p):
      pltpu.async_copy(pk_hbm.at[pl.ds(b * PACK, PACK)], PK[p], S_PK[p])

    def drain_pack(p):
      pltpu.make_async_copy(pk_hbm.at[pl.ds(0, PACK)], PK[p], S_PK[p]).wait()

    def gather_list(p):
      yield center_hbm, PK[p].at[pl.ds(0, 1 + L)], CR[p]
      yield context_hbm, PK[p].at[pl.ds(CPACK, 1 + K + W)], XR[p]
      for j in range(NE_CH):
        yield (context_hbm, PK[p].at[pl.ds(CPACK + XPACK + j * NE_CW, NE_CW)],
               NR[p].at[pl.ds(j * NE_CW, NE_CW)])

    def fire_gathers(p):
      for tab, idx, dst in gather_list(p):
        pltpu.async_copy(tab.at[idx], dst, S_G[p])

    def drain_gathers(p):
      for tab, idx, dst in gather_list(p):
        pltpu.make_async_copy(tab.at[idx], dst, S_G[p]).wait()

    def fire_writes(b, p):
      pltpu.async_copy(WS[p], wout_hbm.at[pl.ds(b * SLOT, SLOT)], S_W[p])
      pltpu.async_copy(MS[p], mout_hbm.at[pl.ds(b * W * SLOT, W * SLOT)],
                       S_W[p])

    def drain_writes(p):
      pltpu.make_async_copy(WS[p], wout_hbm.at[pl.ds(0, SLOT)], S_W[p]).wait()
      pltpu.make_async_copy(MS[p], mout_hbm.at[pl.ds(0, W * SLOT)],
                            S_W[p]).wait()

    def splat(ref, pos):
      return plsc.load_gather(ref, [jnp.full((16,), pos, jnp.int32)])

    def chunks(ref, r):
      return [ref[r, pl.ds(16 * t, 16)] for t in range(4)]

    gdn = jax.lax.GatherDimensionNumbers(
        offset_dims=(), collapsed_slice_dims=(0,), start_index_map=(0,))
    perms = [(lane ^ sh)[:, None] for sh in (8, 4, 2, 1)]

    def dot(ref, r, q):
      c = chunks(ref, r)
      e = c[0] * q[0] + c[1] * q[1] + c[2] * q[2] + c[3] * q[3]
      for pm in perms:
        e = e + jax.lax.gather(
            e, pm, gdn, (1,), mode=jax.lax.GatherScatterMode.PROMISE_IN_BOUNDS)
      return e

    def put(ref, slot, vec):
      plsc.store_scatter(ref, [jnp.full((16,), slot, jnp.int32)], vec,
                         mask=mask15)

    def compute(p):
      qc = chunks(CR[p], 0)
      put(WS[p], 16, -dot(XR[p], 0, qc))
      for k in range(K):
        put(WS[p], k, dot(XR[p], 1 + k, qc))
      qm = [jnp.zeros((16,), jnp.float32) for _ in range(4)]
      for l in range(L):
        wl = plsc.bitcast(splat(PK[p], WVO + l), jnp.float32)
        rc = chunks(CR[p], 1 + l)
        qm = [qm[t] + wl * rc[t] for t in range(4)]

      @pl.loop(0, W)
      def _(w):
        vw = splat(PK[p], CPACK + 1 + K + w)
        mf = (vw != 0).astype(jnp.float32)
        off = (mf - 1.0) * (-NEG_FILL)
        put(MS[p], w * SLOT + 16, -dot(XR[p], 1 + K + w, qm) * mf + off)
        for k in range(K):
          put(MS[p], w * SLOT + k, dot(NR[p], w * K + k, qm) * mf + off)

    fire_pack(base, 0)
    fire_pack(base + 1, 1)
    drain_pack(0)
    fire_gathers(0)

    @pl.loop(0, NB, step=2)
    def _(i):
      for p in range(2):
        ie = i + p
        b = base + ie

        @pl.when(ie + 1 < NB)
        def _():
          drain_pack(1 - p)
          fire_gathers(1 - p)

        drain_gathers(p)

        @pl.when(ie >= 2)
        def _():
          drain_writes(p)

        compute(p)
        fire_writes(b, p)

        @pl.when(ie + 2 < NB)
        def _():
          fire_pack(b + 2, p)

    drain_writes(0)
    drain_writes(1)

  f = pl.kernel(
      body,
      out_type=[jax.ShapeDtypeStruct((B * SLOT,), jnp.float32),
                jax.ShapeDtypeStruct((B * W * SLOT,), jnp.float32)],
      mesh=mesh,
      compiler_params=pltpu.CompilerParams(needs_layout_passes=False,
                                           use_tc_tiling_on_sc=False),
      scratch_types=(
          [pltpu.VMEM((PACK,), jnp.int32)] * 2
          + [pltpu.VMEM((1 + L, D), jnp.float32)] * 2
          + [pltpu.VMEM((1 + K + W, D), jnp.float32)] * 2
          + [pltpu.VMEM((W * K, D), jnp.float32)] * 2
          + [pltpu.VMEM((SLOT,), jnp.float32)] * 2
          + [pltpu.VMEM((W * SLOT,), jnp.float32)] * 2
          + [pltpu.SemaphoreType.DMA] * 6
      ),
  )
  return f(center_table, context_table, pack)


def _tc_loss(word_sc, mwe_sc, vmask):
  wr = B * SLOT // 128 // TCG
  mr = B * W * SLOT // 128 // TCG
  vr = B * W // 128 // TCG

  def body(w_ref, m_ref, v_ref, o_ref, acc):
    def sp(x):
      return jnp.maximum(x, 0.0) + jnp.log1p(jnp.exp(-jnp.abs(x)))

    i = pl.program_id(0)

    @pl.when(i == 0)
    def _():
      acc[0] = 0.0
      acc[1] = 0.0
      acc[2] = 0.0

    acc[0] += jnp.sum(sp(w_ref[...]))
    acc[1] += jnp.sum(sp(m_ref[...]))
    acc[2] += jnp.sum(v_ref[...])

    @pl.when(i == TCG - 1)
    def _():
      lw = acc[0] / B
      lm = acc[1] / jnp.maximum(acc[2], 1.0)
      o_ref[...] = jnp.full((1, 1), lw + 25.0 * lm, jnp.float32)

  out = pl.pallas_call(
      body,
      grid=(TCG,),
      in_specs=[pl.BlockSpec((wr, 128), lambda i: (i, 0)),
                pl.BlockSpec((mr, 128), lambda i: (i, 0)),
                pl.BlockSpec((vr, 128), lambda i: (i, 0))],
      out_specs=pl.BlockSpec((1, 1), lambda i: (0, 0)),
      out_shape=jax.ShapeDtypeStruct((1, 1), jnp.float32),
      scratch_shapes=[pltpu.SMEM((3,), jnp.float32)],
  )(word_sc, mwe_sc, vmask)
  return out[0, 0]


def kernel(center_words, outside_words, negative_examples_words, mwe_words,
           mwe_length, outside_mwe_words, negative_examples_mwe,
           center_table, context_table):
  i32 = jnp.int32
  zc = jnp.zeros((B, CPACK - 1 - L), i32)
  zx = jnp.zeros((B, XPACK - 1 - K - W), i32)
  lenf = mwe_length.astype(jnp.float32)[:, None]
  wv = (jnp.arange(L)[None, :] < mwe_length[:, None]).astype(jnp.float32) / lenf
  wv = jnp.concatenate([wv, jnp.zeros((B, 16 - L), jnp.float32)], axis=1)
  pack = jnp.concatenate(
      [center_words[:, None].astype(i32), mwe_words.astype(i32), zc,
       outside_words[:, None].astype(i32),
       negative_examples_words.astype(i32),
       outside_mwe_words.astype(i32), zx,
       negative_examples_mwe.astype(i32).reshape(B, W * K),
       lax.bitcast_convert_type(wv, i32)], axis=1).reshape(-1)
  vmask = (outside_mwe_words.reshape(-1) != 0).astype(jnp.float32)

  word_sc, mwe_sc = _sc_scores(center_table, context_table, pack)
  return _tc_loss(word_sc.reshape(B * SLOT // 128, 128),
                  mwe_sc.reshape(B * W * SLOT // 128, 128),
                  vmask.reshape(B * W // 128, 128))

# --- scband reference (transcript-rebuilt; emitter-appended) ---
"""Pipeline reference for scband-mweword-level-skip-gram-task-model-75668733821512 (READ-ONLY COPY).

The authoritative reference and input builder live on the scoring server;
editing this copy changes nothing except your own understanding.
"""

import jax, jax.numpy as jnp
import numpy as np

VOCAB = 1000000
D = 64
B = 4096
W = 20
K = 16
L = 8


def setup_inputs(seed: int = 0):
    key = jax.random.key(seed)
    ks = jax.random.split(key, 9)
    center_words = jax.random.randint(ks[0], (B,), 0, VOCAB)
    outside_words = jax.random.randint(ks[1], (B,), 0, VOCAB)
    negative_examples_words = jax.random.randint(ks[2], (B, K), 0, VOCAB)
    mwe_words = jax.random.randint(ks[3], (B, L), 0, VOCAB)
    mwe_length = jax.random.randint(ks[4], (B,), 1, L + 1)
    outside_mwe_words = jax.random.randint(ks[5], (B, W), 0, VOCAB)
    negative_examples_mwe = jax.random.randint(ks[6], (B * W, K), 0, VOCAB)
    center_table = jax.random.normal(ks[7], (VOCAB, D), dtype=jnp.float32) * 0.01
    context_table = jax.random.normal(ks[8], (VOCAB, D), dtype=jnp.float32) * 0.01
    return {
        'center_words': center_words,
        'outside_words': outside_words,
        'negative_examples_words': negative_examples_words,
        'mwe_words': mwe_words,
        'mwe_length': mwe_length,
        'outside_mwe_words': outside_mwe_words,
        'negative_examples_mwe': negative_examples_mwe,
        'center_table': center_table,
        'context_table': context_table,
    }


def reference(center_words, outside_words, negative_examples_words, mwe_words,
              mwe_length, outside_mwe_words, negative_examples_mwe,
              center_table, context_table):
    ls = jax.nn.log_sigmoid
    # ---- word-level skip-gram with negative sampling ----
    c = jnp.take(center_table, center_words, axis=0)               # (B, D)
    o = jnp.take(context_table, outside_words, axis=0)             # (B, D)
    n = jnp.take(context_table, negative_examples_words, axis=0)   # (B, K, D)
    positive_loss = -ls(jnp.sum(o * c, axis=1))                    # (B,)
    negative_loss = jnp.sum(-ls(jnp.einsum('bkd,bd->bk', -n, c)), axis=1)  # (B,)
    loss_words = jnp.mean(positive_loss + negative_loss)
    # ---- MWE skip-gram ----
    cw = jnp.take(center_table, mwe_words, axis=0)                 # (B, L, D)
    lmask = (jnp.arange(L)[None, :] < mwe_length[:, None]).astype(jnp.float32)  # (B, L)
    mwe = jnp.sum(cw * lmask[:, :, None], axis=1) / mwe_length[:, None].astype(jnp.float32)  # (B, D) mwe_f = masked mean pool
    mwe_exp = jnp.broadcast_to(mwe[:, None, :], (B, W, D)).reshape(-1, D)      # (B*W, D)
    valid = (outside_mwe_words.reshape(-1) != 0).astype(jnp.float32)            # (B*W,) pad mask (torch: boolean filter)
    oe = jnp.take(context_table, outside_mwe_words, axis=0).reshape(-1, D)      # (B*W, D)
    ne = jnp.take(context_table, negative_examples_mwe, axis=0)                 # (B*W, K, D)
    pos_m = -ls(jnp.sum(oe * mwe_exp, axis=1))                                   # (B*W,)
    neg_m = jnp.sum(-ls(jnp.einsum('bkd,bd->bk', -ne, mwe_exp)), axis=1)        # (B*W,)
    loss_mwes = jnp.sum((pos_m + neg_m) * valid) / jnp.maximum(jnp.sum(valid), 1.0)
    return loss_words + 25.0 * loss_mwes

if __name__ == "__main__":
    import jax
    _d = setup_inputs()
    print(jax.jit(kernel)(*tuple(_d.values())))

</pallas_src>

<mosaic_0001>
#map = affine_map<(d0, d1) -> (0, 0)>
#map1 = affine_map<(d0, d1) -> (0)>
module attributes {stable_mosaic.version = 14 : i64} {
  func.func @body(%arg0: i32, %arg1: i32, %arg2: memref<1000000x64xf32, #tpu.memory_space<hbm>>, %arg3: memref<1000000x64xf32, #tpu.memory_space<hbm>>, %arg4: memref<1638400xi32, #tpu.memory_space<hbm>>, %arg5: memref<98304xf32, #tpu.memory_space<hbm>>, %arg6: memref<1966080xf32, #tpu.memory_space<hbm>>, %arg7: memref<400xi32, #tpu.memory_space<vmem>>, %arg8: memref<400xi32, #tpu.memory_space<vmem>>, %arg9: memref<9x64xf32, #tpu.memory_space<vmem>>, %arg10: memref<9x64xf32, #tpu.memory_space<vmem>>, %arg11: memref<37x64xf32, #tpu.memory_space<vmem>>, %arg12: memref<37x64xf32, #tpu.memory_space<vmem>>, %arg13: memref<320x64xf32, #tpu.memory_space<vmem>>, %arg14: memref<320x64xf32, #tpu.memory_space<vmem>>, %arg15: memref<24xf32, #tpu.memory_space<vmem>>, %arg16: memref<24xf32, #tpu.memory_space<vmem>>, %arg17: memref<480xf32, #tpu.memory_space<vmem>>, %arg18: memref<480xf32, #tpu.memory_space<vmem>>, %arg19: memref<!tpu.dma_semaphore, #tpu.memory_space<semaphore_mem>>, %arg20: memref<!tpu.dma_semaphore, #tpu.memory_space<semaphore_mem>>, %arg21: memref<!tpu.dma_semaphore, #tpu.memory_space<semaphore_mem>>, %arg22: memref<!tpu.dma_semaphore, #tpu.memory_space<semaphore_mem>>, %arg23: memref<!tpu.dma_semaphore, #tpu.memory_space<semaphore_mem>>, %arg24: memref<!tpu.dma_semaphore, #tpu.memory_space<semaphore_mem>>) attributes {dimension_semantics = [#tpu.dimension_semantics<core_parallel>, #tpu.dimension_semantics<subcore_parallel>], iteration_bounds = array<i64: 2, 16>, scalar_prefetch = 0 : i64, scratch_operands = 18 : i64, tpu.core_type = #tpu.core_type<sc_vector_subcore>, window_params = [{transform_indices = #map}, {transform_indices = #map}, {transform_indices = #map1}, {transform_indices = #map1}, {transform_indices = #map1}]} {
    %mul3A = arith.constant 2 : i32
    %mul3A_0 = arith.muli %arg1, %mul3A : i32
    %add3A = arith.addi %mul3A_0, %arg0 : i32
    %mul3A_1 = arith.constant 128 : i32
    %mul3A_2 = arith.muli %add3A, %mul3A_1 : i32
    %iota3A = tpu.iota {dimensions = array<i32: 0>} : vector<16xi32>
    %eq3A = arith.constant 15 : i32
    %eq3A_3 = vector.broadcast %eq3A : i32 to vector<16xi32>
    %eq3A_4 = arith.cmpi eq, %iota3A, %eq3A_3 : vector<16xi32>
    %broadcast_in_dim3A = arith.constant -1.000000e+02 : f32
    %broadcast_in_dim3A_5 = vector.broadcast %broadcast_in_dim3A : f32 to vector<16xf32>
    %swap3A = arith.constant 0 : index
    %swap3A_6 = tpu.vector_load %arg15[%swap3A] {strides = array<i32>} : memref<24xf32, #tpu.memory_space<vmem>>, vector<16xf32>,
    tpu.vector_store %arg15[%swap3A], %broadcast_in_dim3A_5 {strides = array<i32>} : memref<24xf32, #tpu.memory_space<vmem>>, vector<16xf32>,
    %swap3A_7 = arith.constant 8 : index
    %swap3A_8 = tpu.vector_load %arg15[%swap3A_7] {strides = array<i32>} : memref<24xf32, #tpu.memory_space<vmem>>, vector<16xf32>,
    tpu.vector_store %arg15[%swap3A_7], %broadcast_in_dim3A_5 {strides = array<i32>} : memref<24xf32, #tpu.memory_space<vmem>>, vector<16xf32>,
    %swap3A_9 = arith.constant 0 : index
    %swap3A_10 = tpu.vector_load %arg17[%swap3A_9] {strides = array<i32>} : memref<480xf32, #tpu.memory_space<vmem>>, vector<16xf32>,
    tpu.vector_store %arg17[%swap3A_9], %broadcast_in_dim3A_5 {strides = array<i32>} : memref<480xf32, #tpu.memory_space<vmem>>, vector<16xf32>,
    %swap3A_11 = arith.constant 16 : index
    %swap3A_12 = tpu.vector_load %arg17[%swap3A_11] {strides = array<i32>} : memref<480xf32, #tpu.memory_space<vmem>>, vector<16xf32>,
    tpu.vector_store %arg17[%swap3A_11], %broadcast_in_dim3A_5 {strides = array<i32>} : memref<480xf32, #tpu.memory_space<vmem>>, vector<16xf32>,
    %swap3A_13 = arith.constant 32 : index
    %swap3A_14 = tpu.vector_load %arg17[%swap3A_13] {strides = array<i32>} : memref<480xf32, #tpu.memory_space<vmem>>, vector<16xf32>,
    tpu.vector_store %arg17[%swap3A_13], %broadcast_in_dim3A_5 {strides = array<i32>} : memref<480xf32, #tpu.memory_space<vmem>>, vector<16xf32>,
    %swap3A_15 = arith.constant 48 : index
    %swap3A_16 = tpu.vector_load %arg17[%swap3A_15] {strides = array<i32>} : memref<480xf32, #tpu.memory_space<vmem>>, vector<16xf32>,
    tpu.vector_store %arg17[%swap3A_15], %broadcast_in_dim3A_5 {strides = array<i32>} : memref<480xf32, #tpu.memory_space<vmem>>, vector<16xf32>,
    %swap3A_17 = arith.constant 64 : index
    %swap3A_18 = tpu.vector_load %arg17[%swap3A_17] {strides = array<i32>} : memref<480xf32, #tpu.memory_space<vmem>>, vector<16xf32>,
    tpu.vector_store %arg17[%swap3A_17], %broadcast_in_dim3A_5 {strides = array<i32>} : memref<480xf32, #tpu.memory_space<vmem>>, vector<16xf32>,
    %swap3A_19 = arith.constant 80 : index
    %swap3A_20 = tpu.vector_load %arg17[%swap3A_19] {strides = array<i32>} : memref<480xf32, #tpu.memory_space<vmem>>, vector<16xf32>,
    tpu.vector_store %arg17[%swap3A_19], %broadcast_in_dim3A_5 {strides = array<i32>} : memref<480xf32, #tpu.memory_space<vmem>>, vector<16xf32>,
    %swap3A_21 = arith.constant 96 : index
    %swap3A_22 = tpu.vector_load %arg17[%swap3A_21] {strides = array<i32>} : memref<480xf32, #tpu.memory_space<vmem>>, vector<16xf32>,
    tpu.vector_store %arg17[%swap3A_21], %broadcast_in_dim3A_5 {strides = array<i32>} : memref<480xf32, #tpu.memory_space<vmem>>, vector<16xf32>,
    %swap3A_23 = arith.constant 112 : index
    %swap3A_24 = tpu.vector_load %arg17[%swap3A_23] {strides = array<i32>} : memref<480xf32, #tpu.memory_space<vmem>>, vector<16xf32>,
    tpu.vector_store %arg17[%swap3A_23], %broadcast_in_dim3A_5 {strides = array<i32>} : memref<480xf32, #tpu.memory_space<vmem>>, vector<16xf32>,
    %swap3A_25 = arith.constant 128 : index
    %swap3A_26 = tpu.vector_load %arg17[%swap3A_25] {strides = array<i32>} : memref<480xf32, #tpu.memory_space<vmem>>, vector<16xf32>,
    tpu.vector_store %arg17[%swap3A_25], %broadcast_in_dim3A_5 {strides = array<i32>} : memref<480xf32, #tpu.memory_space<vmem>>, vector<16xf32>,
    %swap3A_27 = arith.constant 144 : index
    %swap3A_28 = tpu.vector_load %arg17[%swap3A_27] {strides = array<i32>} : memref<480xf32, #tpu.memory_space<vmem>>, vector<16xf32>,
    tpu.vector_store %arg17[%swap3A_27], %broadcast_in_dim3A_5 {strides = array<i32>} : memref<480xf32, #tpu.memory_space<vmem>>, vector<16xf32>,
    %swap3A_29 = arith.constant 160 : index
    %swap3A_30 = tpu.vector_load %arg17[%swap3A_29] {strides = array<i32>} : memref<480xf32, #tpu.memory_space<vmem>>, vector<16xf32>,
    tpu.vector_store %arg17[%swap3A_29], %broadcast_in_dim3A_5 {strides = array<i32>} : memref<480xf32, #tpu.memory_space<vmem>>, vector<16xf32>,
    %swap3A_31 = arith.constant 176 : index
    %swap3A_32 = tpu.vector_load %arg17[%swap3A_31] {strides = array<i32>} : memref<480xf32, #tpu.memory_space<vmem>>, vector<16xf32>,
    tpu.vector_store %arg17[%swap3A_31], %broadcast_in_dim3A_5 {strides = array<i32>} : memref<480xf32, #tpu.memory_space<vmem>>, vector<16xf32>,
    %swap3A_33 = arith.constant 192 : index
    %swap3A_34 = tpu.vector_load %arg17[%swap3A_33] {strides = array<i32>} : memref<480xf32, #tpu.memory_space<vmem>>, vector<16xf32>,
    tpu.vector_store %arg17[%swap3A_33], %broadcast_in_dim3A_5 {strides = array<i32>} : memref<480xf32, #tpu.memory_space<vmem>>, vector<16xf32>,
    %swap3A_35 = arith.constant 208 : index
    %swap3A_36 = tpu.vector_load %arg17[%swap3A_35] {strides = array<i32>} : memref<480xf32, #tpu.memory_space<vmem>>, vector<16xf32>,
    tpu.vector_store %arg17[%swap3A_35], %broadcast_in_dim3A_5 {strides = array<i32>} : memref<480xf32, #tpu.memory_space<vmem>>, vector<16xf32>,
    %swap3A_37 = arith.constant 224 : index
    %swap3A_38 = tpu.vector_load %arg17[%swap3A_37] {strides = array<i32>} : memref<480xf32, #tpu.memory_space<vmem>>, vector<16xf32>,
    tpu.vector_store %arg17[%swap3A_37], %broadcast_in_dim3A_5 {strides = array<i32>} : memref<480xf32, #tpu.memory_space<vmem>>, vector<16xf32>,
    %swap3A_39 = arith.constant 240 : index
    %swap3A_40 = tpu.vector_load %arg17[%swap3A_39] {strides = array<i32>} : memref<480xf32, #tpu.memory_space<vmem>>, vector<16xf32>,
    tpu.vector_store %arg17[%swap3A_39], %broadcast_in_dim3A_5 {strides = array<i32>} : memref<480xf32, #tpu.memory_space<vmem>>, vector<16xf32>,
    %swap3A_41 = arith.constant 256 : index
    %swap3A_42 = tpu.vector_load %arg17[%swap3A_41] {strides = array<i32>} : memref<480xf32, #tpu.memory_space<vmem>>, vector<16xf32>,
    tpu.vector_store %arg17[%swap3A_41], %broadcast_in_dim3A_5 {strides = array<i32>} : memref<480xf32, #tpu.memory_space<vmem>>, vector<16xf32>,
    %swap3A_43 = arith.constant 272 : index
    %swap3A_44 = tpu.vector_load %arg17[%swap3A_43] {strides = array<i32>} : memref<480xf32, #tpu.memory_space<vmem>>, vector<16xf32>,
    tpu.vector_store %arg17[%swap3A_43], %broadcast_in_dim3A_5 {strides = array<i32>} : memref<480xf32, #tpu.memory_space<vmem>>, vector<16xf32>,
    %swap3A_45 = arith.constant 288 : index
    %swap3A_46 = tpu.vector_load %arg17[%swap3A_45] {strides = array<i32>} : memref<480xf32, #tpu.memory_space<vmem>>, vector<16xf32>,
    tpu.vector_store %arg17[%swap3A_45], %broadcast_in_dim3A_5 {strides = array<i32>} : memref<480xf32, #tpu.memory_space<vmem>>, vector<16xf32>,
    %swap3A_47 = arith.constant 304 : index
    %swap3A_48 = tpu.vector_load %arg17[%swap3A_47] {strides = array<i32>} : memref<480xf32, #tpu.memory_space<vmem>>, vector<16xf32>,
    tpu.vector_store %arg17[%swap3A_47], %broadcast_in_dim3A_5 {strides = array<i32>} : memref<480xf32, #tpu.memory_space<vmem>>, vector<16xf32>,
    %swap3A_49 = arith.constant 320 : index
    %swap3A_50 = tpu.vector_load %arg17[%swap3A_49] {strides = array<i32>} : memref<480xf32, #tpu.memory_space<vmem>>, vector<16xf32>,
    tpu.vector_store %arg17[%swap3A_49], %broadcast_in_dim3A_5 {strides = array<i32>} : memref<480xf32, #tpu.memory_space<vmem>>, vector<16xf32>,
    %swap3A_51 = arith.constant 336 : index
    %swap3A_52 = tpu.vector_load %arg17[%swap3A_51] {strides = array<i32>} : memref<480xf32, #tpu.memory_space<vmem>>, vector<16xf32>,
    tpu.vector_store %arg17[%swap3A_51], %broadcast_in_dim3A_5 {strides = array<i32>} : memref<480xf32, #tpu.memory_space<vmem>>, vector<16xf32>,
    %swap3A_53 = arith.constant 352 : index
    %swap3A_54 = tpu.vector_load %arg17[%swap3A_53] {strides = array<i32>} : memref<480xf32, #tpu.memory_space<vmem>>, vector<16xf32>,
    tpu.vector_store %arg17[%swap3A_53], %broadcast_in_dim3A_5 {strides = array<i32>} : memref<480xf32, #tpu.memory_space<vmem>>, vector<16xf32>,
    %swap3A_55 = arith.constant 368 : index
    %swap3A_56 = tpu.vector_load %arg17[%swap3A_55] {strides = array<i32>} : memref<480xf32, #tpu.memory_space<vmem>>, vector<16xf32>,
    tpu.vector_store %arg17[%swap3A_55], %broadcast_in_dim3A_5 {strides = array<i32>} : memref<480xf32, #tpu.memory_space<vmem>>, vector<16xf32>,
    %swap3A_57 = arith.constant 384 : index
    %swap3A_58 = tpu.vector_load %arg17[%swap3A_57] {strides = array<i32>} : memref<480xf32, #tpu.memory_space<vmem>>, vector<16xf32>,
    tpu.vector_store %arg17[%swap3A_57], %broadcast_in_dim3A_5 {strides = array<i32>} : memref<480xf32, #tpu.memory_space<vmem>>, vector<16xf32>,
    %swap3A_59 = arith.constant 400 : index
    %swap3A_60 = tpu.vector_load %arg17[%swap3A_59] {strides = array<i32>} : memref<480xf32, #tpu.memory_space<vmem>>, vector<16xf32>,
    tpu.vector_store %arg17[%swap3A_59], %broadcast_in_dim3A_5 {strides = array<i32>} : memref<480xf32, #tpu.memory_space<vmem>>, vector<16xf32>,
    %swap3A_61 = arith.constant 416 : index
    %swap3A_62 = tpu.vector_load %arg17[%swap3A_61] {strides = array<i32>} : memref<480xf32, #tpu.memory_space<vmem>>, vector<16xf32>,
    tpu.vector_store %arg17[%swap3A_61], %broadcast_in_dim3A_5 {strides = array<i32>} : memref<480xf32, #tpu.memory_space<vmem>>, vector<16xf32>,
    %swap3A_63 = arith.constant 432 : index
    %swap3A_64 = tpu.vector_load %arg17[%swap3A_63] {strides = array<i32>} : memref<480xf32, #tpu.memory_space<vmem>>, vector<16xf32>,
    tpu.vector_store %arg17[%swap3A_63], %broadcast_in_dim3A_5 {strides = array<i32>} : memref<480xf32, #tpu.memory_space<vmem>>, vector<16xf32>,
    %swap3A_65 = arith.constant 448 : index
    %swap3A_66 = tpu.vector_load %arg17[%swap3A_65] {strides = array<i32>} : memref<480xf32, #tpu.memory_space<vmem>>, vector<16xf32>,
    tpu.vector_store %arg17[%swap3A_65], %broadcast_in_dim3A_5 {strides = array<i32>} : memref<480xf32, #tpu.memory_space<vmem>>, vector<16xf32>,
    %swap3A_67 = arith.constant 464 : index
    %swap3A_68 = tpu.vector_load %arg17[%swap3A_67] {strides = array<i32>} : memref<480xf32, #tpu.memory_space<vmem>>, vector<16xf32>,
    tpu.vector_store %arg17[%swap3A_67], %broadcast_in_dim3A_5 {strides = array<i32>} : memref<480xf32, #tpu.memory_space<vmem>>, vector<16xf32>,
    %swap3A_69 = arith.constant 0 : index
    %swap3A_70 = tpu.vector_load %arg16[%swap3A_69] {strides = array<i32>} : memref<24xf32, #tpu.memory_space<vmem>>, vector<16xf32>,
    tpu.vector_store %arg16[%swap3A_69], %broadcast_in_dim3A_5 {strides = array<i32>} : memref<24xf32, #tpu.memory_space<vmem>>, vector<16xf32>,
    %swap3A_71 = arith.constant 8 : index
    %swap3A_72 = tpu.vector_load %arg16[%swap3A_71] {strides = array<i32>} : memref<24xf32, #tpu.memory_space<vmem>>, vector<16xf32>,
    tpu.vector_store %arg16[%swap3A_71], %broadcast_in_dim3A_5 {strides = array<i32>} : memref<24xf32, #tpu.memory_space<vmem>>, vector<16xf32>,
    %swap3A_73 = arith.constant 0 : index
    %swap3A_74 = tpu.vector_load %arg18[%swap3A_73] {strides = array<i32>} : memref<480xf32, #tpu.memory_space<vmem>>, vector<16xf32>,
    tpu.vector_store %arg18[%swap3A_73], %broadcast_in_dim3A_5 {strides = array<i32>} : memref<480xf32, #tpu.memory_space<vmem>>, vector<16xf32>,
    %swap3A_75 = arith.constant 16 : index
    %swap3A_76 = tpu.vector_load %arg18[%swap3A_75] {strides = array<i32>} : memref<480xf32, #tpu.memory_space<vmem>>, vector<16xf32>,
    tpu.vector_store %arg18[%swap3A_75], %broadcast_in_dim3A_5 {strides = array<i32>} : memref<480xf32, #tpu.memory_space<vmem>>, vector<16xf32>,
    %swap3A_77 = arith.constant 32 : index
    %swap3A_78 = tpu.vector_load %arg18[%swap3A_77] {strides = array<i32>} : memref<480xf32, #tpu.memory_space<vmem>>, vector<16xf32>,
    tpu.vector_store %arg18[%swap3A_77], %broadcast_in_dim3A_5 {strides = array<i32>} : memref<480xf32, #tpu.memory_space<vmem>>, vector<16xf32>,
    %swap3A_79 = arith.constant 48 : index
    %swap3A_80 = tpu.vector_load %arg18[%swap3A_79] {strides = array<i32>} : memref<480xf32, #tpu.memory_space<vmem>>, vector<16xf32>,
    tpu.vector_store %arg18[%swap3A_79], %broadcast_in_dim3A_5 {strides = array<i32>} : memref<480xf32, #tpu.memory_space<vmem>>, vector<16xf32>,
    %swap3A_81 = arith.constant 64 : index
    %swap3A_82 = tpu.vector_load %arg18[%swap3A_81] {strides = array<i32>} : memref<480xf32, #tpu.memory_space<vmem>>, vector<16xf32>,
    tpu.vector_store %arg18[%swap3A_81], %broadcast_in_dim3A_5 {strides = array<i32>} : memref<480xf32, #tpu.memory_space<vmem>>, vector<16xf32>,
    %swap3A_83 = arith.constant 80 : index
    %swap3A_84 = tpu.vector_load %arg18[%swap3A_83] {strides = array<i32>} : memref<480xf32, #tpu.memory_space<vmem>>, vector<16xf32>,
    tpu.vector_store %arg18[%swap3A_83], %broadcast_in_dim3A_5 {strides = array<i32>} : memref<480xf32, #tpu.memory_space<vmem>>, vector<16xf32>,
    %swap3A_85 = arith.constant 96 : index
    %swap3A_86 = tpu.vector_load %arg18[%swap3A_85] {strides = array<i32>} : memref<480xf32, #tpu.memory_space<vmem>>, vector<16xf32>,
    tpu.vector_store %arg18[%swap3A_85], %broadcast_in_dim3A_5 {strides = array<i32>} : memref<480xf32, #tpu.memory_space<vmem>>, vector<16xf32>,
    %swap3A_87 = arith.constant 112 : index
    %swap3A_88 = tpu.vector_load %arg18[%swap3A_87] {strides = array<i32>} : memref<480xf32, #tpu.memory_space<vmem>>, vector<16xf32>,
    tpu.vector_store %arg18[%swap3A_87], %broadcast_in_dim3A_5 {strides = array<i32>} : memref<480xf32, #tpu.memory_space<vmem>>, vector<16xf32>,
    %swap3A_89 = arith.constant 128 : index
    %swap3A_90 = tpu.vector_load %arg18[%swap3A_89] {strides = array<i32>} : memref<480xf32, #tpu.memory_space<vmem>>, vector<16xf32>,
    tpu.vector_store %arg18[%swap3A_89], %broadcast_in_dim3A_5 {strides = array<i32>} : memref<480xf32, #tpu.memory_space<vmem>>, vector<16xf32>,
    %swap3A_91 = arith.constant 144 : index
    %swap3A_92 = tpu.vector_load %arg18[%swap3A_91] {strides = array<i32>} : memref<480xf32, #tpu.memory_space<vmem>>, vector<16xf32>,
    tpu.vector_store %arg18[%swap3A_91], %broadcast_in_dim3A_5 {strides = array<i32>} : memref<480xf32, #tpu.memory_space<vmem>>, vector<16xf32>,
    %swap3A_93 = arith.constant 160 : index
    %swap3A_94 = tpu.vector_load %arg18[%swap3A_93] {strides = array<i32>} : memref<480xf32, #tpu.memory_space<vmem>>, vector<16xf32>,
    tpu.vector_store %arg18[%swap3A_93], %broadcast_in_dim3A_5 {strides = array<i32>} : memref<480xf32, #tpu.memory_space<vmem>>, vector<16xf32>,
    %swap3A_95 = arith.constant 176 : index
    %swap3A_96 = tpu.vector_load %arg18[%swap3A_95] {strides = array<i32>} : memref<480xf32, #tpu.memory_space<vmem>>, vector<16xf32>,
    tpu.vector_store %arg18[%swap3A_95], %broadcast_in_dim3A_5 {strides = array<i32>} : memref<480xf32, #tpu.memory_space<vmem>>, vector<16xf32>,
    %swap3A_97 = arith.constant 192 : index
    %swap3A_98 = tpu.vector_load %arg18[%swap3A_97] {strides = array<i32>} : memref<480xf32, #tpu.memory_space<vmem>>, vector<16xf32>,
    tpu.vector_store %arg18[%swap3A_97], %broadcast_in_dim3A_5 {strides = array<i32>} : memref<480xf32, #tpu.memory_space<vmem>>, vector<16xf32>,
    %swap3A_99 = arith.constant 208 : index
    %swap3A_100 = tpu.vector_load %arg18[%swap3A_99] {strides = array<i32>} : memref<480xf32, #tpu.memory_space<vmem>>, vector<16xf32>,
    tpu.vector_store %arg18[%swap3A_99], %broadcast_in_dim3A_5 {strides = array<i32>} : memref<480xf32, #tpu.memory_space<vmem>>, vector<16xf32>,
    %swap3A_101 = arith.constant 224 : index
    %swap3A_102 = tpu.vector_load %arg18[%swap3A_101] {strides = array<i32>} : memref<480xf32, #tpu.memory_space<vmem>>, vector<16xf32>,
    tpu.vector_store %arg18[%swap3A_101], %broadcast_in_dim3A_5 {strides = array<i32>} : memref<480xf32, #tpu.memory_space<vmem>>, vector<16xf32>,
    %swap3A_103 = arith.constant 240 : index
    %swap3A_104 = tpu.vector_load %arg18[%swap3A_103] {strides = array<i32>} : memref<480xf32, #tpu.memory_space<vmem>>, vector<16xf32>,
    tpu.vector_store %arg18[%swap3A_103], %broadcast_in_dim3A_5 {strides = array<i32>} : memref<480xf32, #tpu.memory_space<vmem>>, vector<16xf32>,
    %swap3A_105 = arith.constant 256 : index
    %swap3A_106 = tpu.vector_load %arg18[%swap3A_105] {strides = array<i32>} : memref<480xf32, #tpu.memory_space<vmem>>, vector<16xf32>,
    tpu.vector_store %arg18[%swap3A_105], %broadcast_in_dim3A_5 {strides = array<i32>} : memref<480xf32, #tpu.memory_space<vmem>>, vector<16xf32>,
    %swap3A_107 = arith.constant 272 : index
    %swap3A_108 = tpu.vector_load %arg18[%swap3A_107] {strides = array<i32>} : memref<480xf32, #tpu.memory_space<vmem>>, vector<16xf32>,
    tpu.vector_store %arg18[%swap3A_107], %broadcast_in_dim3A_5 {strides = array<i32>} : memref<480xf32, #tpu.memory_space<vmem>>, vector<16xf32>,
    %swap3A_109 = arith.constant 288 : index
    %swap3A_110 = tpu.vector_load %arg18[%swap3A_109] {strides = array<i32>} : memref<480xf32, #tpu.memory_space<vmem>>, vector<16xf32>,
    tpu.vector_store %arg18[%swap3A_109], %broadcast_in_dim3A_5 {strides = array<i32>} : memref<480xf32, #tpu.memory_space<vmem>>, vector<16xf32>,
    %swap3A_111 = arith.constant 304 : index
    %swap3A_112 = tpu.vector_load %arg18[%swap3A_111] {strides = array<i32>} : memref<480xf32, #tpu.memory_space<vmem>>, vector<16xf32>,
    tpu.vector_store %arg18[%swap3A_111], %broadcast_in_dim3A_5 {strides = array<i32>} : memref<480xf32, #tpu.memory_space<vmem>>, vector<16xf32>,
    %swap3A_113 = arith.constant 320 : index
    %swap3A_114 = tpu.vector_load %arg18[%swap3A_113] {strides = array<i32>} : memref<480xf32, #tpu.memory_space<vmem>>, vector<16xf32>,
    tpu.vector_store %arg18[%swap3A_113], %broadcast_in_dim3A_5 {strides = array<i32>} : memref<480xf32, #tpu.memory_space<vmem>>, vector<16xf32>,
    %swap3A_115 = arith.constant 336 : index
    %swap3A_116 = tpu.vector_load %arg18[%swap3A_115] {strides = array<i32>} : memref<480xf32, #tpu.memory_space<vmem>>, vector<16xf32>,
    tpu.vector_store %arg18[%swap3A_115], %broadcast_in_dim3A_5 {strides = array<i32>} : memref<480xf32, #tpu.memory_space<vmem>>, vector<16xf32>,
    %swap3A_117 = arith.constant 352 : index
    %swap3A_118 = tpu.vector_load %arg18[%swap3A_117] {strides = array<i32>} : memref<480xf32, #tpu.memory_space<vmem>>, vector<16xf32>,
    tpu.vector_store %arg18[%swap3A_117], %broadcast_in_dim3A_5 {strides = array<i32>} : memref<480xf32, #tpu.memory_space<vmem>>, vector<16xf32>,
    %swap3A_119 = arith.constant 368 : index
    %swap3A_120 = tpu.vector_load %arg18[%swap3A_119] {strides = array<i32>} : memref<480xf32, #tpu.memory_space<vmem>>, vector<16xf32>,
    tpu.vector_store %arg18[%swap3A_119], %broadcast_in_dim3A_5 {strides = array<i32>} : memref<480xf32, #tpu.memory_space<vmem>>, vector<16xf32>,
    %swap3A_121 = arith.constant 384 : index
    %swap3A_122 = tpu.vector_load %arg18[%swap3A_121] {strides = array<i32>} : memref<480xf32, #tpu.memory_space<vmem>>, vector<16xf32>,
    tpu.vector_store %arg18[%swap3A_121], %broadcast_in_dim3A_5 {strides = array<i32>} : memref<480xf32, #tpu.memory_space<vmem>>, vector<16xf32>,
    %swap3A_123 = arith.constant 400 : index
    %swap3A_124 = tpu.vector_load %arg18[%swap3A_123] {strides = array<i32>} : memref<480xf32, #tpu.memory_space<vmem>>, vector<16xf32>,
    tpu.vector_store %arg18[%swap3A_123], %broadcast_in_dim3A_5 {strides = array<i32>} : memref<480xf32, #tpu.memory_space<vmem>>, vector<16xf32>,
    %swap3A_125 = arith.constant 416 : index
    %swap3A_126 = tpu.vector_load %arg18[%swap3A_125] {strides = array<i32>} : memref<480xf32, #tpu.memory_space<vmem>>, vector<16xf32>,
    tpu.vector_store %arg18[%swap3A_125], %broadcast_in_dim3A_5 {strides = array<i32>} : memref<480xf32, #tpu.memory_space<vmem>>, vector<16xf32>,
    %swap3A_127 = arith.constant 432 : index
    %swap3A_128 = tpu.vector_load %arg18[%swap3A_127] {strides = array<i32>} : memref<480xf32, #tpu.memory_space<vmem>>, vector<16xf32>,
    tpu.vector_store %arg18[%swap3A_127], %broadcast_in_dim3A_5 {strides = array<i32>} : memref<480xf32, #tpu.memory_space<vmem>>, vector<16xf32>,
    %swap3A_129 = arith.constant 448 : index
    %swap3A_130 = tpu.vector_load %arg18[%swap3A_129] {strides = array<i32>} : memref<480xf32, #tpu.memory_space<vmem>>, vector<16xf32>,
    tpu.vector_store %arg18[%swap3A_129], %broadcast_in_dim3A_5 {strides = array<i32>} : memref<480xf32, #tpu.memory_space<vmem>>, vector<16xf32>,
    %swap3A_131 = arith.constant 464 : index
    %swap3A_132 = tpu.vector_load %arg18[%swap3A_131] {strides = array<i32>} : memref<480xf32, #tpu.memory_space<vmem>>, vector<16xf32>,
    tpu.vector_store %arg18[%swap3A_131], %broadcast_in_dim3A_5 {strides = array<i32>} : memref<480xf32, #tpu.memory_space<vmem>>, vector<16xf32>,
    %xor3A = arith.constant 8 : i32
    %xor3A_133 = vector.broadcast %xor3A : i32 to vector<16xi32>
    %xor3A_134 = arith.xori %iota3A, %xor3A_133 : vector<16xi32>
    %broadcast_in_dim3A_135 = vector.shape_cast %xor3A_134 : vector<16xi32> to vector<16x1xi32>
    %xor3A_136 = arith.constant 4 : i32
    %xor3A_137 = vector.broadcast %xor3A_136 : i32 to vector<16xi32>
    %xor3A_138 = arith.xori %iota3A, %xor3A_137 : vector<16xi32>
    %broadcast_in_dim3A_139 = vector.shape_cast %xor3A_138 : vector<16xi32> to vector<16x1xi32>
    %xor3A_140 = arith.constant 2 : i32
    %xor3A_141 = vector.broadcast %xor3A_140 : i32 to vector<16xi32>
    %xor3A_142 = arith.xori %iota3A, %xor3A_141 : vector<16xi32>
    %broadcast_in_dim3A_143 = vector.shape_cast %xor3A_142 : vector<16xi32> to vector<16x1xi32>
    %xor3A_144 = arith.constant 1 : i32
    %xor3A_145 = vector.broadcast %xor3A_144 : i32 to vector<16xi32>
    %xor3A_146 = arith.xori %iota3A, %xor3A_145 : vector<16xi32>
    %broadcast_in_dim3A_147 = vector.shape_cast %xor3A_146 : vector<16xi32> to vector<16x1xi32>
    %mul3A_148 = arith.constant 400 : i32
    %mul3A_149 = arith.muli %mul3A_2, %mul3A_148 : i32
    %dma_start3A = tpu.memref_slice %arg4[%mul3A_149] : memref<1638400xi32, #tpu.memory_space<hbm>> -> memref<400xi32, #tpu.memory_space<hbm>>
    %dma_start3A_150 = tpu.memref_slice %arg4[%mul3A_149] : memref<1638400xi32, #tpu.memory_space<hbm>> -> memref<400xi32, #tpu.memory_space<hbm>>
    tpu.enqueue_dma source(%dma_start3A_150 : memref<400xi32, #tpu.memory_space<hbm>>) target(%arg7 : memref<400xi32, #tpu.memory_space<vmem>>) target_semaphore(%arg19 : memref<!tpu.dma_semaphore, #tpu.memory_space<semaphore_mem>>)
    %add3A_151 = arith.constant 1 : i32
    %add3A_152 = arith.addi %mul3A_2, %add3A_151 : i32
    %mul3A_153 = arith.constant 400 : i32
    %mul3A_154 = arith.muli %add3A_152, %mul3A_153 : i32
    %dma_start3A_155 = tpu.memref_slice %arg4[%mul3A_154] : memref<1638400xi32, #tpu.memory_space<hbm>> -> memref<400xi32, #tpu.memory_space<hbm>>
    %dma_start3A_156 = tpu.memref_slice %arg4[%mul3A_154] : memref<1638400xi32, #tpu.memory_space<hbm>> -> memref<400xi32, #tpu.memory_space<hbm>>
    tpu.enqueue_dma source(%dma_start3A_156 : memref<400xi32, #tpu.memory_space<hbm>>) target(%arg8 : memref<400xi32, #tpu.memory_space<vmem>>) target_semaphore(%arg20 : memref<!tpu.dma_semaphore, #tpu.memory_space<semaphore_mem>>)
    %dma_wait3A = arith.constant 0 : i32
    %dma_wait3A_157 = tpu.memref_slice %arg4[%dma_wait3A] : memref<1638400xi32, #tpu.memory_space<hbm>> -> memref<400xi32, #tpu.memory_space<hbm>>
    %dma_wait3A_158 = arith.constant 0 : i32
    %dma_wait3A_159 = tpu.memref_slice %arg4[%dma_wait3A_158] : memref<1638400xi32, #tpu.memory_space<hbm>> -> memref<400xi32, #tpu.memory_space<hbm>>
    tpu.wait_dma2 semaphore(%arg19 : memref<!tpu.dma_semaphore, #tpu.memory_space<semaphore_mem>>) src(%dma_wait3A_159 : memref<400xi32, #tpu.memory_space<hbm>>) dst(%arg7 : memref<400xi32, #tpu.memory_space<vmem>>)
    %dma_start3A_160 = arith.constant 0 : i32
    %dma_start3A_161 = tpu.memref_slice %arg7[%dma_start3A_160] : memref<400xi32, #tpu.memory_space<vmem>> -> memref<9xi32, #tpu.memory_space<vmem>>
    %dma_start3A_162 = arith.constant 0 : i32
    %dma_start3A_163 = arith.constant 0 : i32
    %dma_start3A_164 = tpu.memref_slice %arg2[%dma_start3A_162, %dma_start3A_163] : memref<1000000x64xf32, #tpu.memory_space<hbm>> -> memref<1000000x64xf32, #tpu.memory_space<hbm>>
    tpu.enqueue_indirect_dma source(%dma_start3A_164 : memref<1000000x64xf32, #tpu.memory_space<hbm>>) target(%arg9 : memref<9x64xf32, #tpu.memory_space<vmem>>) offsets(%dma_start3A_161 : memref<9xi32, #tpu.memory_space<vmem>>) semaphore(%arg21 : memref<!tpu.dma_semaphore, #tpu.memory_space<semaphore_mem>>)
    %dma_start3A_165 = arith.constant 16 : i32
    %dma_start3A_166 = tpu.memref_slice %arg7[%dma_start3A_165] : memref<400xi32, #tpu.memory_space<vmem>> -> memref<37xi32, #tpu.memory_space<vmem>>
    %dma_start3A_167 = arith.constant 0 : i32
    %dma_start3A_168 = arith.constant 0 : i32
    %dma_start3A_169 = tpu.memref_slice %arg3[%dma_start3A_167, %dma_start3A_168] : memref<1000000x64xf32, #tpu.memory_space<hbm>> -> memref<1000000x64xf32, #tpu.memory_space<hbm>>
    tpu.enqueue_indirect_dma source(%dma_start3A_169 : memref<1000000x64xf32, #tpu.memory_space<hbm>>) target(%arg11 : memref<37x64xf32, #tpu.memory_space<vmem>>) offsets(%dma_start3A_166 : memref<37xi32, #tpu.memory_space<vmem>>) semaphore(%arg21 : memref<!tpu.dma_semaphore, #tpu.memory_space<semaphore_mem>>)
    %dma_start3A_170 = arith.constant 0 : i32
    %dma_start3A_171 = arith.constant 0 : i32
    %dma_start3A_172 = tpu.memref_slice %arg13[%dma_start3A_170, %dma_start3A_171] : memref<320x64xf32, #tpu.memory_space<vmem>> -> memref<160x64xf32, #tpu.memory_space<vmem>>
    %dma_start3A_173 = arith.constant 64 : i32
    %dma_start3A_174 = tpu.memref_slice %arg7[%dma_start3A_173] : memref<400xi32, #tpu.memory_space<vmem>> -> memref<160xi32, #tpu.memory_space<vmem>>
    %dma_start3A_175 = arith.constant 0 : i32
    %dma_start3A_176 = arith.constant 0 : i32
    %dma_start3A_177 = tpu.memref_slice %arg3[%dma_start3A_175, %dma_start3A_176] : memref<1000000x64xf32, #tpu.memory_space<hbm>> -> memref<1000000x64xf32, #tpu.memory_space<hbm>>
    tpu.enqueue_indirect_dma source(%dma_start3A_177 : memref<1000000x64xf32, #tpu.memory_space<hbm>>) target(%dma_start3A_172 : memref<160x64xf32, #tpu.memory_space<vmem>>) offsets(%dma_start3A_174 : memref<160xi32, #tpu.memory_space<vmem>>) semaphore(%arg21 : memref<!tpu.dma_semaphore, #tpu.memory_space<semaphore_mem>>)
    %dma_start3A_178 = arith.constant 160 : i32
    %dma_start3A_179 = arith.constant 0 : i32
    %dma_start3A_180 = tpu.memref_slice %arg13[%dma_start3A_178, %dma_start3A_179] : memref<320x64xf32, #tpu.memory_space<vmem>> -> memref<160x64xf32, #tpu.memory_space<vmem>>
    %dma_start3A_181 = arith.constant 224 : i32
    %dma_start3A_182 = tpu.memref_slice %arg7[%dma_start3A_181] : memref<400xi32, #tpu.memory_space<vmem>> -> memref<160xi32, #tpu.memory_space<vmem>>
    %dma_start3A_183 = arith.constant 0 : i32
    %dma_start3A_184 = arith.constant 0 : i32
    %dma_start3A_185 = tpu.memref_slice %arg3[%dma_start3A_183, %dma_start3A_184] : memref<1000000x64xf32, #tpu.memory_space<hbm>> -> memref<1000000x64xf32, #tpu.memory_space<hbm>>
    tpu.enqueue_indirect_dma source(%dma_start3A_185 : memref<1000000x64xf32, #tpu.memory_space<hbm>>) target(%dma_start3A_180 : memref<160x64xf32, #tpu.memory_space<vmem>>) offsets(%dma_start3A_182 : memref<160xi32, #tpu.memory_space<vmem>>) semaphore(%arg21 : memref<!tpu.dma_semaphore, #tpu.memory_space<semaphore_mem>>)
    %scan3A = arith.constant 0 : i32
    %scan3A_186 = arith.constant 64 : i32
    %scan3A_187 = arith.addi %scan3A, %scan3A_186 : i32
    %scan3A_188 = arith.constant 1 : i32
    scf.for %scan3A_206 = %scan3A to %scan3A_187 step %scan3A_188  : i32 {
      %mul3A_207 = arith.constant 2 : i32
      %mul3A_208 = arith.muli %scan3A_206, %mul3A_207 : i32
      %add3A_209 = arith.constant 0 : i32
      %add3A_210 = arith.addi %add3A_209, %mul3A_208 : i32
      %add3A_211 = arith.constant 0 : i32
      %add3A_212 = arith.addi %add3A_210, %add3A_211 : i32
      %add3A_213 = arith.addi %mul3A_2, %add3A_212 : i32
      %add3A_214 = arith.constant 1 : i32
      %add3A_215 = arith.addi %add3A_212, %add3A_214 : i32
      %lt3A = arith.constant 128 : i32
      %lt3A_216 = arith.cmpi slt, %add3A_215, %lt3A : i32
      %convert_element_type3A = arith.extui %lt3A_216 : i1 to i32
      %cond3A = arith.constant 0 : i32
      %cond3A_217 = arith.cmpi ne, %convert_element_type3A, %cond3A : i32
      scf.if %cond3A_217 {
        %dma_wait3A_2089 = arith.constant 0 : i32
        %dma_wait3A_2090 = tpu.memref_slice %arg4[%dma_wait3A_2089] : memref<1638400xi32, #tpu.memory_space<hbm>> -> memref<400xi32, #tpu.memory_space<hbm>>
        %dma_wait3A_2091 = arith.constant 0 : i32
        %dma_wait3A_2092 = tpu.memref_slice %arg4[%dma_wait3A_2091] : memref<1638400xi32, #tpu.memory_space<hbm>> -> memref<400xi32, #tpu.memory_space<hbm>>
        tpu.wait_dma2 semaphore(%arg20 : memref<!tpu.dma_semaphore, #tpu.memory_space<semaphore_mem>>) src(%dma_wait3A_2092 : memref<400xi32, #tpu.memory_space<hbm>>) dst(%arg8 : memref<400xi32, #tpu.memory_space<vmem>>)
        %dma_start3A_2093 = arith.constant 0 : i32
        %dma_start3A_2094 = tpu.memref_slice %arg8[%dma_start3A_2093] : memref<400xi32, #tpu.memory_space<vmem>> -> memref<9xi32, #tpu.memory_space<vmem>>
        %dma_start3A_2095 = arith.constant 0 : i32
        %dma_start3A_2096 = arith.constant 0 : i32
        %dma_start3A_2097 = tpu.memref_slice %arg2[%dma_start3A_2095, %dma_start3A_2096] : memref<1000000x64xf32, #tpu.memory_space<hbm>> -> memref<1000000x64xf32, #tpu.memory_space<hbm>>
        tpu.enqueue_indirect_dma source(%dma_start3A_2097 : memref<1000000x64xf32, #tpu.memory_space<hbm>>) target(%arg10 : memref<9x64xf32, #tpu.memory_space<vmem>>) offsets(%dma_start3A_2094 : memref<9xi32, #tpu.memory_space<vmem>>) semaphore(%arg22 : memref<!tpu.dma_semaphore, #tpu.memory_space<semaphore_mem>>)
        %dma_start3A_2098 = arith.constant 16 : i32
        %dma_start3A_2099 = tpu.memref_slice %arg8[%dma_start3A_2098] : memref<400xi32, #tpu.memory_space<vmem>> -> memref<37xi32, #tpu.memory_space<vmem>>
        %dma_start3A_2100 = arith.constant 0 : i32
        %dma_start3A_2101 = arith.constant 0 : i32
        %dma_start3A_2102 = tpu.memref_slice %arg3[%dma_start3A_2100, %dma_start3A_2101] : memref<1000000x64xf32, #tpu.memory_space<hbm>> -> memref<1000000x64xf32, #tpu.memory_space<hbm>>
        tpu.enqueue_indirect_dma source(%dma_start3A_2102 : memref<1000000x64xf32, #tpu.memory_space<hbm>>) target(%arg12 : memref<37x64xf32, #tpu.memory_space<vmem>>) offsets(%dma_start3A_2099 : memref<37xi32, #tpu.memory_space<vmem>>) semaphore(%arg22 : memref<!tpu.dma_semaphore, #tpu.memory_space<semaphore_mem>>)
        %dma_start3A_2103 = arith.constant 0 : i32
        %dma_start3A_2104 = arith.constant 0 : i32
        %dma_start3A_2105 = tpu.memref_slice %arg14[%dma_start3A_2103, %dma_start3A_2104] : memref<320x64xf32, #tpu.memory_space<vmem>> -> memref<160x64xf32, #tpu.memory_space<vmem>>
        %dma_start3A_2106 = arith.constant 64 : i32
        %dma_start3A_2107 = tpu.memref_slice %arg8[%dma_start3A_2106] : memref<400xi32, #tpu.memory_space<vmem>> -> memref<160xi32, #tpu.memory_space<vmem>>
        %dma_start3A_2108 = arith.constant 0 : i32
        %dma_start3A_2109 = arith.constant 0 : i32
        %dma_start3A_2110 = tpu.memref_slice %arg3[%dma_start3A_2108, %dma_start3A_2109] : memref<1000000x64xf32, #tpu.memory_space<hbm>> -> memref<1000000x64xf32, #tpu.memory_space<hbm>>
        tpu.enqueue_indirect_dma source(%dma_start3A_2110 : memref<1000000x64xf32, #tpu.memory_space<hbm>>) target(%dma_start3A_2105 : memref<160x64xf32, #tpu.memory_space<vmem>>) offsets(%dma_start3A_2107 : memref<160xi32, #tpu.memory_space<vmem>>) semaphore(%arg22 : memref<!tpu.dma_semaphore, #tpu.memory_space<semaphore_mem>>)
        %dma_start3A_2111 = arith.constant 160 : i32
        %dma_start3A_2112 = arith.constant 0 : i32
        %dma_start3A_2113 = tpu.memref_slice %arg14[%dma_start3A_2111, %dma_start3A_2112] : memref<320x64xf32, #tpu.memory_space<vmem>> -> memref<160x64xf32, #tpu.memory_space<vmem>>
        %dma_start3A_2114 = arith.constant 224 : i32
        %dma_start3A_2115 = tpu.memref_slice %arg8[%dma_start3A_2114] : memref<400xi32, #tpu.memory_space<vmem>> -> memref<160xi32, #tpu.memory_space<vmem>>
        %dma_start3A_2116 = arith.constant 0 : i32
        %dma_start3A_2117 = arith.constant 0 : i32
        %dma_start3A_2118 = tpu.memref_slice %arg3[%dma_start3A_2116, %dma_start3A_2117] : memref<1000000x64xf32, #tpu.memory_space<hbm>> -> memref<1000000x64xf32, #tpu.memory_space<hbm>>
        tpu.enqueue_indirect_dma source(%dma_start3A_2118 : memref<1000000x64xf32, #tpu.memory_space<hbm>>) target(%dma_start3A_2113 : memref<160x64xf32, #tpu.memory_space<vmem>>) offsets(%dma_start3A_2115 : memref<160xi32, #tpu.memory_space<vmem>>) semaphore(%arg22 : memref<!tpu.dma_semaphore, #tpu.memory_space<semaphore_mem>>)
      } else {
      }
      %dma_wait3A_218 = arith.constant 0 : i32
      %dma_wait3A_219 = tpu.memref_slice %arg7[%dma_wait3A_218] : memref<400xi32, #tpu.memory_space<vmem>> -> memref<9xi32, #tpu.memory_space<vmem>>
      %dma_wait3A_220 = arith.constant 0 : i32
      %dma_wait3A_221 = arith.constant 0 : i32
      %dma_wait3A_222 = tpu.memref_slice %arg2[%dma_wait3A_220, %dma_wait3A_221] : memref<1000000x64xf32, #tpu.memory_space<hbm>> -> memref<1000000x64xf32, #tpu.memory_space<hbm>>
      tpu.wait_indirect_dma semaphore(%arg21 : memref<!tpu.dma_semaphore, #tpu.memory_space<semaphore_mem>>) src(%dma_wait3A_222 : memref<1000000x64xf32, #tpu.memory_space<hbm>>) dst(%arg9 : memref<9x64xf32, #tpu.memory_space<vmem>>)
      %dma_wait3A_223 = arith.constant 16 : i32
      %dma_wait3A_224 = tpu.memref_slice %arg7[%dma_wait3A_223] : memref<400xi32, #tpu.memory_space<vmem>> -> memref<37xi32, #tpu.memory_space<vmem>>
      %dma_wait3A_225 = arith.constant 0 : i32
      %dma_wait3A_226 = arith.constant 0 : i32
      %dma_wait3A_227 = tpu.memref_slice %arg3[%dma_wait3A_225, %dma_wait3A_226] : memref<1000000x64xf32, #tpu.memory_space<hbm>> -> memref<1000000x64xf32, #tpu.memory_space<hbm>>
      tpu.wait_indirect_dma semaphore(%arg21 : memref<!tpu.dma_semaphore, #tpu.memory_space<semaphore_mem>>) src(%dma_wait3A_227 : memref<1000000x64xf32, #tpu.memory_space<hbm>>) dst(%arg11 : memref<37x64xf32, #tpu.memory_space<vmem>>)
      %dma_wait3A_228 = arith.constant 0 : i32
      %dma_wait3A_229 = arith.constant 0 : i32
      %dma_wait3A_230 = tpu.memref_slice %arg13[%dma_wait3A_228, %dma_wait3A_229] : memref<320x64xf32, #tpu.memory_space<vmem>> -> memref<160x64xf32, #tpu.memory_space<vmem>>
      %dma_wait3A_231 = arith.constant 64 : i32
      %dma_wait3A_232 = tpu.memref_slice %arg7[%dma_wait3A_231] : memref<400xi32, #tpu.memory_space<vmem>> -> memref<160xi32, #tpu.memory_space<vmem>>
      %dma_wait3A_233 = arith.constant 0 : i32
      %dma_wait3A_234 = arith.constant 0 : i32
      %dma_wait3A_235 = tpu.memref_slice %arg3[%dma_wait3A_233, %dma_wait3A_234] : memref<1000000x64xf32, #tpu.memory_space<hbm>> -> memref<1000000x64xf32, #tpu.memory_space<hbm>>
      tpu.wait_indirect_dma semaphore(%arg21 : memref<!tpu.dma_semaphore, #tpu.memory_space<semaphore_mem>>) src(%dma_wait3A_235 : memref<1000000x64xf32, #tpu.memory_space<hbm>>) dst(%dma_wait3A_230 : memref<160x64xf32, #tpu.memory_space<vmem>>)
      %dma_wait3A_236 = arith.constant 160 : i32
      %dma_wait3A_237 = arith.constant 0 : i32
      %dma_wait3A_238 = tpu.memref_slice %arg13[%dma_wait3A_236, %dma_wait3A_237] : memref<320x64xf32, #tpu.memory_space<vmem>> -> memref<160x64xf32, #tpu.memory_space<vmem>>
      %dma_wait3A_239 = arith.constant 224 : i32
      %dma_wait3A_240 = tpu.memref_slice %arg7[%dma_wait3A_239] : memref<400xi32, #tpu.memory_space<vmem>> -> memref<160xi32, #tpu.memory_space<vmem>>
      %dma_wait3A_241 = arith.constant 0 : i32
      %dma_wait3A_242 = arith.constant 0 : i32
      %dma_wait3A_243 = tpu.memref_slice %arg3[%dma_wait3A_241, %dma_wait3A_242] : memref<1000000x64xf32, #tpu.memory_space<hbm>> -> memref<1000000x64xf32, #tpu.memory_space<hbm>>
      tpu.wait_indirect_dma semaphore(%arg21 : memref<!tpu.dma_semaphore, #tpu.memory_space<semaphore_mem>>) src(%dma_wait3A_243 : memref<1000000x64xf32, #tpu.memory_space<hbm>>) dst(%dma_wait3A_238 : memref<160x64xf32, #tpu.memory_space<vmem>>)
      %ge3A = arith.constant 2 : i32
      %ge3A_244 = arith.cmpi sge, %add3A_212, %ge3A : i32
      %convert_element_type3A_245 = arith.extui %ge3A_244 : i1 to i32
      %cond3A_246 = arith.constant 0 : i32
      %cond3A_247 = arith.cmpi ne, %convert_element_type3A_245, %cond3A_246 : i32
      scf.if %cond3A_247 {
        %dma_wait3A_2089 = arith.constant 0 : i32
        %dma_wait3A_2090 = tpu.memref_slice %arg5[%dma_wait3A_2089] : memref<98304xf32, #tpu.memory_space<hbm>> -> memref<24xf32, #tpu.memory_space<hbm>>
        %dma_wait3A_2091 = arith.constant 0 : i32
        %dma_wait3A_2092 = tpu.memref_slice %arg5[%dma_wait3A_2091] : memref<98304xf32, #tpu.memory_space<hbm>> -> memref<24xf32, #tpu.memory_space<hbm>>
        tpu.wait_dma2 semaphore(%arg23 : memref<!tpu.dma_semaphore, #tpu.memory_space<semaphore_mem>>) src(%arg15 : memref<24xf32, #tpu.memory_space<vmem>>) dst(%dma_wait3A_2092 : memref<24xf32, #tpu.memory_space<hbm>>)
        %dma_wait3A_2093 = arith.constant 0 : i32
        %dma_wait3A_2094 = tpu.memref_slice %arg6[%dma_wait3A_2093] : memref<1966080xf32, #tpu.memory_space<hbm>> -> memref<480xf32, #tpu.memory_space<hbm>>
        %dma_wait3A_2095 = arith.constant 0 : i32
        %dma_wait3A_2096 = tpu.memref_slice %arg6[%dma_wait3A_2095] : memref<1966080xf32, #tpu.memory_space<hbm>> -> memref<480xf32, #tpu.memory_space<hbm>>
        tpu.wait_dma2 semaphore(%arg23 : memref<!tpu.dma_semaphore, #tpu.memory_space<semaphore_mem>>) src(%arg17 : memref<480xf32, #tpu.memory_space<vmem>>) dst(%dma_wait3A_2096 : memref<480xf32, #tpu.memory_space<hbm>>)
      } else {
      }
      %get3A = arith.constant 0 : i32
      %get3A_248 = arith.index_cast %get3A : i32 to index
      %get3A_249 = arith.constant 0 : index
      %get3A_250 = tpu.vector_load %arg9[%get3A_248, %get3A_249] {strides = array<i32>} : memref<9x64xf32, #tpu.memory_space<vmem>>, vector<16xf32>,
      %get3A_251 = arith.constant 0 : i32
      %get3A_252 = arith.index_cast %get3A_251 : i32 to index
      %get3A_253 = arith.constant 16 : index
      %get3A_254 = tpu.vector_load %arg9[%get3A_252, %get3A_253] {strides = array<i32>} : memref<9x64xf32, #tpu.memory_space<vmem>>, vector<16xf32>,
      %get3A_255 = arith.constant 0 : i32
      %get3A_256 = arith.index_cast %get3A_255 : i32 to index
      %get3A_257 = arith.constant 32 : index
      %get3A_258 = tpu.vector_load %arg9[%get3A_256, %get3A_257] {strides = array<i32>} : memref<9x64xf32, #tpu.memory_space<vmem>>, vector<16xf32>,
      %get3A_259 = arith.constant 0 : i32
      %get3A_260 = arith.index_cast %get3A_259 : i32 to index
      %get3A_261 = arith.constant 48 : index
      %get3A_262 = tpu.vector_load %arg9[%get3A_260, %get3A_261] {strides = array<i32>} : memref<9x64xf32, #tpu.memory_space<vmem>>, vector<16xf32>,
      %get3A_263 = arith.constant 0 : i32
      %get3A_264 = arith.index_cast %get3A_263 : i32 to index
      %get3A_265 = arith.constant 0 : index
      %get3A_266 = tpu.vector_load %arg11[%get3A_264, %get3A_265] {strides = array<i32>} : memref<37x64xf32, #tpu.memory_space<vmem>>, vector<16xf32>,
      %get3A_267 = arith.constant 0 : i32
      %get3A_268 = arith.index_cast %get3A_267 : i32 to index
      %get3A_269 = arith.constant 16 : index
      %get3A_270 = tpu.vector_load %arg11[%get3A_268, %get3A_269] {strides = array<i32>} : memref<37x64xf32, #tpu.memory_space<vmem>>, vector<16xf32>,
      %get3A_271 = arith.constant 0 : i32
      %get3A_272 = arith.index_cast %get3A_271 : i32 to index
      %get3A_273 = arith.constant 32 : index
      %get3A_274 = tpu.vector_load %arg11[%get3A_272, %get3A_273] {strides = array<i32>} : memref<37x64xf32, #tpu.memory_space<vmem>>, vector<16xf32>,
      %get3A_275 = arith.constant 0 : i32
      %get3A_276 = arith.index_cast %get3A_275 : i32 to index
      %get3A_277 = arith.constant 48 : index
      %get3A_278 = tpu.vector_load %arg11[%get3A_276, %get3A_277] {strides = array<i32>} : memref<37x64xf32, #tpu.memory_space<vmem>>, vector<16xf32>,
      %mul3A_279 = arith.mulf %get3A_266, %get3A_250 : vector<16xf32>
      %mul3A_280 = arith.mulf %get3A_270, %get3A_254 : vector<16xf32>
      %add3A_281 = arith.addf %mul3A_279, %mul3A_280 : vector<16xf32>
      %mul3A_282 = arith.mulf %get3A_274, %get3A_258 : vector<16xf32>
      %add3A_283 = arith.addf %add3A_281, %mul3A_282 : vector<16xf32>
      %mul3A_284 = arith.mulf %get3A_278, %get3A_262 : vector<16xf32>
      %add3A_285 = arith.addf %add3A_283, %mul3A_284 : vector<16xf32>
      %gather3A = vector.shape_cast %broadcast_in_dim3A_135 : vector<16x1xi32> to vector<16xi32>
      %gather3A_286 = tpu.dynamic_gather %add3A_285[%gather3A] in [0] : vector<16xf32>, vector<16xi32> -> vector<16xf32>
      %add3A_287 = arith.addf %add3A_285, %gather3A_286 : vector<16xf32>
      %gather3A_288 = vector.shape_cast %broadcast_in_dim3A_139 : vector<16x1xi32> to vector<16xi32>
      %gather3A_289 = tpu.dynamic_gather %add3A_287[%gather3A_288] in [0] : vector<16xf32>, vector<16xi32> -> vector<16xf32>
      %add3A_290 = arith.addf %add3A_287, %gather3A_289 : vector<16xf32>
      %gather3A_291 = vector.shape_cast %broadcast_in_dim3A_143 : vector<16x1xi32> to vector<16xi32>
      %gather3A_292 = tpu.dynamic_gather %add3A_290[%gather3A_291] in [0] : vector<16xf32>, vector<16xi32> -> vector<16xf32>
      %add3A_293 = arith.addf %add3A_290, %gather3A_292 : vector<16xf32>
      %gather3A_294 = vector.shape_cast %broadcast_in_dim3A_147 : vector<16x1xi32> to vector<16xi32>
      %gather3A_295 = tpu.dynamic_gather %add3A_293[%gather3A_294] in [0] : vector<16xf32>, vector<16xi32> -> vector<16xf32>
      %add3A_296 = arith.addf %add3A_293, %gather3A_295 : vector<16xf32>
      %neg3A = arith.constant 0.000000e+00 : f32
      %neg3A_297 = vector.broadcast %neg3A : f32 to vector<16xf32>
      %neg3A_298 = arith.subf %neg3A_297, %add3A_296 : vector<16xf32>
      %broadcast_in_dim3A_299 = arith.constant 16 : i32
      %broadcast_in_dim3A_300 = vector.broadcast %broadcast_in_dim3A_299 : i32 to vector<16xi32>
      tpu.vector_store_idx %arg15[%broadcast_in_dim3A_300], %neg3A_298 masked %eq3A_4 : memref<24xf32, #tpu.memory_space<vmem>>[vector<16xi32>], vector<16xf32>, vector<16xi1>
      %get3A_301 = arith.constant 1 : i32
      %get3A_302 = arith.index_cast %get3A_301 : i32 to index
      %get3A_303 = arith.constant 0 : index
      %get3A_304 = tpu.vector_load %arg11[%get3A_302, %get3A_303] {strides = array<i32>} : memref<37x64xf32, #tpu.memory_space<vmem>>, vector<16xf32>,
      %get3A_305 = arith.constant 1 : i32
      %get3A_306 = arith.index_cast %get3A_305 : i32 to index
      %get3A_307 = arith.constant 16 : index
      %get3A_308 = tpu.vector_load %arg11[%get3A_306, %get3A_307] {strides = array<i32>} : memref<37x64xf32, #tpu.memory_space<vmem>>, vector<16xf32>,
      %get3A_309 = arith.constant 1 : i32
      %get3A_310 = arith.index_cast %get3A_309 : i32 to index
      %get3A_311 = arith.constant 32 : index
      %get3A_312 = tpu.vector_load %arg11[%get3A_310, %get3A_311] {strides = array<i32>} : memref<37x64xf32, #tpu.memory_space<vmem>>, vector<16xf32>,
      %get3A_313 = arith.constant 1 : i32
      %get3A_314 = arith.index_cast %get3A_313 : i32 to index
      %get3A_315 = arith.constant 48 : index
      %get3A_316 = tpu.vector_load %arg11[%get3A_314, %get3A_315] {strides = array<i32>} : memref<37x64xf32, #tpu.memory_space<vmem>>, vector<16xf32>,
      %mul3A_317 = arith.mulf %get3A_304, %get3A_250 : vector<16xf32>
      %mul3A_318 = arith.mulf %get3A_308, %get3A_254 : vector<16xf32>
      %add3A_319 = arith.addf %mul3A_317, %mul3A_318 : vector<16xf32>
      %mul3A_320 = arith.mulf %get3A_312, %get3A_258 : vector<16xf32>
      %add3A_321 = arith.addf %add3A_319, %mul3A_320 : vector<16xf32>
      %mul3A_322 = arith.mulf %get3A_316, %get3A_262 : vector<16xf32>
      %add3A_323 = arith.addf %add3A_321, %mul3A_322 : vector<16xf32>
      %gather3A_324 = vector.shape_cast %broadcast_in_dim3A_135 : vector<16x1xi32> to vector<16xi32>
      %gather3A_325 = tpu.dynamic_gather %add3A_323[%gather3A_324] in [0] : vector<16xf32>, vector<16xi32> -> vector<16xf32>
      %add3A_326 = arith.addf %add3A_323, %gather3A_325 : vector<16xf32>
      %gather3A_327 = vector.shape_cast %broadcast_in_dim3A_139 : vector<16x1xi32> to vector<16xi32>
      %gather3A_328 = tpu.dynamic_gather %add3A_326[%gather3A_327] in [0] : vector<16xf32>, vector<16xi32> -> vector<16xf32>
      %add3A_329 = arith.addf %add3A_326, %gather3A_328 : vector<16xf32>
      %gather3A_330 = vector.shape_cast %broadcast_in_dim3A_143 : vector<16x1xi32> to vector<16xi32>
      %gather3A_331 = tpu.dynamic_gather %add3A_329[%gather3A_330] in [0] : vector<16xf32>, vector<16xi32> -> vector<16xf32>
      %add3A_332 = arith.addf %add3A_329, %gather3A_331 : vector<16xf32>
      %gather3A_333 = vector.shape_cast %broadcast_in_dim3A_147 : vector<16x1xi32> to vector<16xi32>
      %gather3A_334 = tpu.dynamic_gather %add3A_332[%gather3A_333] in [0] : vector<16xf32>, vector<16xi32> -> vector<16xf32>
      %add3A_335 = arith.addf %add3A_332, %gather3A_334 : vector<16xf32>
      %broadcast_in_dim3A_336 = arith.constant 0 : i32
      %broadcast_in_dim3A_337 = vector.broadcast %broadcast_in_dim3A_336 : i32 to vector<16xi32>
      tpu.vector_store_idx %arg15[%broadcast_in_dim3A_337], %add3A_335 masked %eq3A_4 : memref<24xf32, #tpu.memory_space<vmem>>[vector<16xi32>], vector<16xf32>, vector<16xi1>
      %get3A_338 = arith.constant 2 : i32
      %get3A_339 = arith.index_cast %get3A_338 : i32 to index
      %get3A_340 = arith.constant 0 : index
      %get3A_341 = tpu.vector_load %arg11[%get3A_339, %get3A_340] {strides = array<i32>} : memref<37x64xf32, #tpu.memory_space<vmem>>, vector<16xf32>,
      %get3A_342 = arith.constant 2 : i32
      %get3A_343 = arith.index_cast %get3A_342 : i32 to index
      %get3A_344 = arith.constant 16 : index
      %get3A_345 = tpu.vector_load %arg11[%get3A_343, %get3A_344] {strides = array<i32>} : memref<37x64xf32, #tpu.memory_space<vmem>>, vector<16xf32>,
      %get3A_346 = arith.constant 2 : i32
      %get3A_347 = arith.index_cast %get3A_346 : i32 to index
      %get3A_348 = arith.constant 32 : index
      %get3A_349 = tpu.vector_load %arg11[%get3A_347, %get3A_348] {strides = array<i32>} : memref<37x64xf32, #tpu.memory_space<vmem>>, vector<16xf32>,
      %get3A_350 = arith.constant 2 : i32
      %get3A_351 = arith.index_cast %get3A_350 : i32 to index
      %get3A_352 = arith.constant 48 : index
      %get3A_353 = tpu.vector_load %arg11[%get3A_351, %get3A_352] {strides = array<i32>} : memref<37x64xf32, #tpu.memory_space<vmem>>, vector<16xf32>,
      %mul3A_354 = arith.mulf %get3A_341, %get3A_250 : vector<16xf32>
      %mul3A_355 = arith.mulf %get3A_345, %get3A_254 : vector<16xf32>
      %add3A_356 = arith.addf %mul3A_354, %mul3A_355 : vector<16xf32>
      %mul3A_357 = arith.mulf %get3A_349, %get3A_258 : vector<16xf32>
      %add3A_358 = arith.addf %add3A_356, %mul3A_357 : vector<16xf32>
      %mul3A_359 = arith.mulf %get3A_353, %get3A_262 : vector<16xf32>
      %add3A_360 = arith.addf %add3A_358, %mul3A_359 : vector<16xf32>
      %gather3A_361 = vector.shape_cast %broadcast_in_dim3A_135 : vector<16x1xi32> to vector<16xi32>
      %gather3A_362 = tpu.dynamic_gather %add3A_360[%gather3A_361] in [0] : vector<16xf32>, vector<16xi32> -> vector<16xf32>
      %add3A_363 = arith.addf %add3A_360, %gather3A_362 : vector<16xf32>
      %gather3A_364 = vector.shape_cast %broadcast_in_dim3A_139 : vector<16x1xi32> to vector<16xi32>
      %gather3A_365 = tpu.dynamic_gather %add3A_363[%gather3A_364] in [0] : vector<16xf32>, vector<16xi32> -> vector<16xf32>
      %add3A_366 = arith.addf %add3A_363, %gather3A_365 : vector<16xf32>
      %gather3A_367 = vector.shape_cast %broadcast_in_dim3A_143 : vector<16x1xi32> to vector<16xi32>
      %gather3A_368 = tpu.dynamic_gather %add3A_366[%gather3A_367] in [0] : vector<16xf32>, vector<16xi32> -> vector<16xf32>
      %add3A_369 = arith.addf %add3A_366, %gather3A_368 : vector<16xf32>
      %gather3A_370 = vector.shape_cast %broadcast_in_dim3A_147 : vector<16x1xi32> to vector<16xi32>
      %gather3A_371 = tpu.dynamic_gather %add3A_369[%gather3A_370] in [0] : vector<16xf32>, vector<16xi32> -> vector<16xf32>
      %add3A_372 = arith.addf %add3A_369, %gather3A_371 : vector<16xf32>
      %broadcast_in_dim3A_373 = arith.constant 1 : i32
      %broadcast_in_dim3A_374 = vector.broadcast %broadcast_in_dim3A_373 : i32 to vector<16xi32>
      tpu.vector_store_idx %arg15[%broadcast_in_dim3A_374], %add3A_372 masked %eq3A_4 : memref<24xf32, #tpu.memory_space<vmem>>[vector<16xi32>], vector<16xf32>, vector<16xi1>
      %get3A_375 = arith.constant 3 : i32
      %get3A_376 = arith.index_cast %get3A_375 : i32 to index
      %get3A_377 = arith.constant 0 : index
      %get3A_378 = tpu.vector_load %arg11[%get3A_376, %get3A_377] {strides = array<i32>} : memref<37x64xf32, #tpu.memory_space<vmem>>, vector<16xf32>,
      %get3A_379 = arith.constant 3 : i32
      %get3A_380 = arith.index_cast %get3A_379 : i32 to index
      %get3A_381 = arith.constant 16 : index
      %get3A_382 = tpu.vector_load %arg11[%get3A_380, %get3A_381] {strides = array<i32>} : memref<37x64xf32, #tpu.memory_space<vmem>>, vector<16xf32>,
      %get3A_383 = arith.constant 3 : i32
      %get3A_384 = arith.index_cast %get3A_383 : i32 to index
      %get3A_385 = arith.constant 32 : index
      %get3A_386 = tpu.vector_load %arg11[%get3A_384, %get3A_385] {strides = array<i32>} : memref<37x64xf32, #tpu.memory_space<vmem>>, vector<16xf32>,
      %get3A_387 = arith.constant 3 : i32
      %get3A_388 = arith.index_cast %get3A_387 : i32 to index
      %get3A_389 = arith.constant 48 : index
      %get3A_390 = tpu.vector_load %arg11[%get3A_388, %get3A_389] {strides = array<i32>} : memref<37x64xf32, #tpu.memory_space<vmem>>, vector<16xf32>,
      %mul3A_391 = arith.mulf %get3A_378, %get3A_250 : vector<16xf32>
      %mul3A_392 = arith.mulf %get3A_382, %get3A_254 : vector<16xf32>
      %add3A_393 = arith.addf %mul3A_391, %mul3A_392 : vector<16xf32>
      %mul3A_394 = arith.mulf %get3A_386, %get3A_258 : vector<16xf32>
      %add3A_395 = arith.addf %add3A_393, %mul3A_394 : vector<16xf32>
      %mul3A_396 = arith.mulf %get3A_390, %get3A_262 : vector<16xf32>
      %add3A_397 = arith.addf %add3A_395, %mul3A_396 : vector<16xf32>
      %gather3A_398 = vector.shape_cast %broadcast_in_dim3A_135 : vector<16x1xi32> to vector<16xi32>
      %gather3A_399 = tpu.dynamic_gather %add3A_397[%gather3A_398] in [0] : vector<16xf32>, vector<16xi32> -> vector<16xf32>
      %add3A_400 = arith.addf %add3A_397, %gather3A_399 : vector<16xf32>
      %gather3A_401 = vector.shape_cast %broadcast_in_dim3A_139 : vector<16x1xi32> to vector<16xi32>
      %gather3A_402 = tpu.dynamic_gather %add3A_400[%gather3A_401] in [0] : vector<16xf32>, vector<16xi32> -> vector<16xf32>
      %add3A_403 = arith.addf %add3A_400, %gather3A_402 : vector<16xf32>
      %gather3A_404 = vector.shape_cast %broadcast_in_dim3A_143 : vector<16x1xi32> to vector<16xi32>
      %gather3A_405 = tpu.dynamic_gather %add3A_403[%gather3A_404] in [0] : vector<16xf32>, vector<16xi32> -> vector<16xf32>
      %add3A_406 = arith.addf %add3A_403, %gather3A_405 : vector<16xf32>
      %gather3A_407 = vector.shape_cast %broadcast_in_dim3A_147 : vector<16x1xi32> to vector<16xi32>
      %gather3A_408 = tpu.dynamic_gather %add3A_406[%gather3A_407] in [0] : vector<16xf32>, vector<16xi32> -> vector<16xf32>
      %add3A_409 = arith.addf %add3A_406, %gather3A_408 : vector<16xf32>
      %broadcast_in_dim3A_410 = arith.constant 2 : i32
      %broadcast_in_dim3A_411 = vector.broadcast %broadcast_in_dim3A_410 : i32 to vector<16xi32>
      tpu.vector_store_idx %arg15[%broadcast_in_dim3A_411], %add3A_409 masked %eq3A_4 : memref<24xf32, #tpu.memory_space<vmem>>[vector<16xi32>], vector<16xf32>, vector<16xi1>
      %get3A_412 = arith.constant 4 : i32
      %get3A_413 = arith.index_cast %get3A_412 : i32 to index
      %get3A_414 = arith.constant 0 : index
      %get3A_415 = tpu.vector_load %arg11[%get3A_413, %get3A_414] {strides = array<i32>} : memref<37x64xf32, #tpu.memory_space<vmem>>, vector<16xf32>,
      %get3A_416 = arith.constant 4 : i32
      %get3A_417 = arith.index_cast %get3A_416 : i32 to index
      %get3A_418 = arith.constant 16 : index
      %get3A_419 = tpu.vector_load %arg11[%get3A_417, %get3A_418] {strides = array<i32>} : memref<37x64xf32, #tpu.memory_space<vmem>>, vector<16xf32>,
      %get3A_420 = arith.constant 4 : i32
      %get3A_421 = arith.index_cast %get3A_420 : i32 to index
      %get3A_422 = arith.constant 32 : index
      %get3A_423 = tpu.vector_load %arg11[%get3A_421, %get3A_422] {strides = array<i32>} : memref<37x64xf32, #tpu.memory_space<vmem>>, vector<16xf32>,
      %get3A_424 = arith.constant 4 : i32
      %get3A_425 = arith.index_cast %get3A_424 : i32 to index
      %get3A_426 = arith.constant 48 : index
      %get3A_427 = tpu.vector_load %arg11[%get3A_425, %get3A_426] {strides = array<i32>} : memref<37x64xf32, #tpu.memory_space<vmem>>, vector<16xf32>,
      %mul3A_428 = arith.mulf %get3A_415, %get3A_250 : vector<16xf32>
      %mul3A_429 = arith.mulf %get3A_419, %get3A_254 : vector<16xf32>
      %add3A_430 = arith.addf %mul3A_428, %mul3A_429 : vector<16xf32>
      %mul3A_431 = arith.mulf %get3A_423, %get3A_258 : vector<16xf32>
      %add3A_432 = arith.addf %add3A_430, %mul3A_431 : vector<16xf32>
      %mul3A_433 = arith.mulf %get3A_427, %get3A_262 : vector<16xf32>
      %add3A_434 = arith.addf %add3A_432, %mul3A_433 : vector<16xf32>
      %gather3A_435 = vector.shape_cast %broadcast_in_dim3A_135 : vector<16x1xi32> to vector<16xi32>
      %gather3A_436 = tpu.dynamic_gather %add3A_434[%gather3A_435] in [0] : vector<16xf32>, vector<16xi32> -> vector<16xf32>
      %add3A_437 = arith.addf %add3A_434, %gather3A_436 : vector<16xf32>
      %gather3A_438 = vector.shape_cast %broadcast_in_dim3A_139 : vector<16x1xi32> to vector<16xi32>
      %gather3A_439 = tpu.dynamic_gather %add3A_437[%gather3A_438] in [0] : vector<16xf32>, vector<16xi32> -> vector<16xf32>
      %add3A_440 = arith.addf %add3A_437, %gather3A_439 : vector<16xf32>
      %gather3A_441 = vector.shape_cast %broadcast_in_dim3A_143 : vector<16x1xi32> to vector<16xi32>
      %gather3A_442 = tpu.dynamic_gather %add3A_440[%gather3A_441] in [0] : vector<16xf32>, vector<16xi32> -> vector<16xf32>
      %add3A_443 = arith.addf %add3A_440, %gather3A_442 : vector<16xf32>
      %gather3A_444 = vector.shape_cast %broadcast_in_dim3A_147 : vector<16x1xi32> to vector<16xi32>
      %gather3A_445 = tpu.dynamic_gather %add3A_443[%gather3A_444] in [0] : vector<16xf32>, vector<16xi32> -> vector<16xf32>
      %add3A_446 = arith.addf %add3A_443, %gather3A_445 : vector<16xf32>
      %broadcast_in_dim3A_447 = arith.constant 3 : i32
      %broadcast_in_dim3A_448 = vector.broadcast %broadcast_in_dim3A_447 : i32 to vector<16xi32>
      tpu.vector_store_idx %arg15[%broadcast_in_dim3A_448], %add3A_446 masked %eq3A_4 : memref<24xf32, #tpu.memory_space<vmem>>[vector<16xi32>], vector<16xf32>, vector<16xi1>
      %get3A_449 = arith.constant 5 : i32
      %get3A_450 = arith.index_cast %get3A_449 : i32 to index
      %get3A_451 = arith.constant 0 : index
      %get3A_452 = tpu.vector_load %arg11[%get3A_450, %get3A_451] {strides = array<i32>} : memref<37x64xf32, #tpu.memory_space<vmem>>, vector<16xf32>,
      %get3A_453 = arith.constant 5 : i32
      %get3A_454 = arith.index_cast %get3A_453 : i32 to index
      %get3A_455 = arith.constant 16 : index
      %get3A_456 = tpu.vector_load %arg11[%get3A_454, %get3A_455] {strides = array<i32>} : memref<37x64xf32, #tpu.memory_space<vmem>>, vector<16xf32>,
      %get3A_457 = arith.constant 5 : i32
      %get3A_458 = arith.index_cast %get3A_457 : i32 to index
      %get3A_459 = arith.constant 32 : index
      %get3A_460 = tpu.vector_load %arg11[%get3A_458, %get3A_459] {strides = array<i32>} : memref<37x64xf32, #tpu.memory_space<vmem>>, vector<16xf32>,
      %get3A_461 = arith.constant 5 : i32
      %get3A_462 = arith.index_cast %get3A_461 : i32 to index
      %get3A_463 = arith.constant 48 : index
      %get3A_464 = tpu.vector_load %arg11[%get3A_462, %get3A_463] {strides = array<i32>} : memref<37x64xf32, #tpu.memory_space<vmem>>, vector<16xf32>,
      %mul3A_465 = arith.mulf %get3A_452, %get3A_250 : vector<16xf32>
      %mul3A_466 = arith.mulf %get3A_456, %get3A_254 : vector<16xf32>
      %add3A_467 = arith.addf %mul3A_465, %mul3A_466 : vector<16xf32>
      %mul3A_468 = arith.mulf %get3A_460, %get3A_258 : vector<16xf32>
      %add3A_469 = arith.addf %add3A_467, %mul3A_468 : vector<16xf32>
      %mul3A_470 = arith.mulf %get3A_464, %get3A_262 : vector<16xf32>
      %add3A_471 = arith.addf %add3A_469, %mul3A_470 : vector<16xf32>
      %gather3A_472 = vector.shape_cast %broadcast_in_dim3A_135 : vector<16x1xi32> to vector<16xi32>
      %gather3A_473 = tpu.dynamic_gather %add3A_471[%gather3A_472] in [0] : vector<16xf32>, vector<16xi32> -> vector<16xf32>
      %add3A_474 = arith.addf %add3A_471, %gather3A_473 : vector<16xf32>
      %gather3A_475 = vector.shape_cast %broadcast_in_dim3A_139 : vector<16x1xi32> to vector<16xi32>
      %gather3A_476 = tpu.dynamic_gather %add3A_474[%gather3A_475] in [0] : vector<16xf32>, vector<16xi32> -> vector<16xf32>
      %add3A_477 = arith.addf %add3A_474, %gather3A_476 : vector<16xf32>
      %gather3A_478 = vector.shape_cast %broadcast_in_dim3A_143 : vector<16x1xi32> to vector<16xi32>
      %gather3A_479 = tpu.dynamic_gather %add3A_477[%gather3A_478] in [0] : vector<16xf32>, vector<16xi32> -> vector<16xf32>
      %add3A_480 = arith.addf %add3A_477, %gather3A_479 : vector<16xf32>
      %gather3A_481 = vector.shape_cast %broadcast_in_dim3A_147 : vector<16x1xi32> to vector<16xi32>
      %gather3A_482 = tpu.dynamic_gather %add3A_480[%gather3A_481] in [0] : vector<16xf32>, vector<16xi32> -> vector<16xf32>
      %add3A_483 = arith.addf %add3A_480, %gather3A_482 : vector<16xf32>
      %broadcast_in_dim3A_484 = arith.constant 4 : i32
      %broadcast_in_dim3A_485 = vector.broadcast %broadcast_in_dim3A_484 : i32 to vector<16xi32>
      tpu.vector_store_idx %arg15[%broadcast_in_dim3A_485], %add3A_483 masked %eq3A_4 : memref<24xf32, #tpu.memory_space<vmem>>[vector<16xi32>], vector<16xf32>, vector<16xi1>
      %get3A_486 = arith.constant 6 : i32
      %get3A_487 = arith.index_cast %get3A_486 : i32 to index
      %get3A_488 = arith.constant 0 : index
      %get3A_489 = tpu.vector_load %arg11[%get3A_487, %get3A_488] {strides = array<i32>} : memref<37x64xf32, #tpu.memory_space<vmem>>, vector<16xf32>,
      %get3A_490 = arith.constant 6 : i32
      %get3A_491 = arith.index_cast %get3A_490 : i32 to index
      %get3A_492 = arith.constant 16 : index
      %get3A_493 = tpu.vector_load %arg11[%get3A_491, %get3A_492] {strides = array<i32>} : memref<37x64xf32, #tpu.memory_space<vmem>>, vector<16xf32>,
      %get3A_494 = arith.constant 6 : i32
      %get3A_495 = arith.index_cast %get3A_494 : i32 to index
      %get3A_496 = arith.constant 32 : index
      %get3A_497 = tpu.vector_load %arg11[%get3A_495, %get3A_496] {strides = array<i32>} : memref<37x64xf32, #tpu.memory_space<vmem>>, vector<16xf32>,
      %get3A_498 = arith.constant 6 : i32
      %get3A_499 = arith.index_cast %get3A_498 : i32 to index
      %get3A_500 = arith.constant 48 : index
      %get3A_501 = tpu.vector_load %arg11[%get3A_499, %get3A_500] {strides = array<i32>} : memref<37x64xf32, #tpu.memory_space<vmem>>, vector<16xf32>,
      %mul3A_502 = arith.mulf %get3A_489, %get3A_250 : vector<16xf32>
      %mul3A_503 = arith.mulf %get3A_493, %get3A_254 : vector<16xf32>
      %add3A_504 = arith.addf %mul3A_502, %mul3A_503 : vector<16xf32>
      %mul3A_505 = arith.mulf %get3A_497, %get3A_258 : vector<16xf32>
      %add3A_506 = arith.addf %add3A_504, %mul3A_505 : vector<16xf32>
      %mul3A_507 = arith.mulf %get3A_501, %get3A_262 : vector<16xf32>
      %add3A_508 = arith.addf %add3A_506, %mul3A_507 : vector<16xf32>
      %gather3A_509 = vector.shape_cast %broadcast_in_dim3A_135 : vector<16x1xi32> to vector<16xi32>
      %gather3A_510 = tpu.dynamic_gather %add3A_508[%gather3A_509] in [0] : vector<16xf32>, vector<16xi32> -> vector<16xf32>
      %add3A_511 = arith.addf %add3A_508, %gather3A_510 : vector<16xf32>
      %gather3A_512 = vector.shape_cast %broadcast_in_dim3A_139 : vector<16x1xi32> to vector<16xi32>
      %gather3A_513 = tpu.dynamic_gather %add3A_511[%gather3A_512] in [0] : vector<16xf32>, vector<16xi32> -> vector<16xf32>
      %add3A_514 = arith.addf %add3A_511, %gather3A_513 : vector<16xf32>
      %gather3A_515 = vector.shape_cast %broadcast_in_dim3A_143 : vector<16x1xi32> to vector<16xi32>
      %gather3A_516 = tpu.dynamic_gather %add3A_514[%gather3A_515] in [0] : vector<16xf32>, vector<16xi32> -> vector<16xf32>
      %add3A_517 = arith.addf %add3A_514, %gather3A_516 : vector<16xf32>
      %gather3A_518 = vector.shape_cast %broadcast_in_dim3A_147 : vector<16x1xi32> to vector<16xi32>
      %gather3A_519 = tpu.dynamic_gather %add3A_517[%gather3A_518] in [0] : vector<16xf32>, vector<16xi32> -> vector<16xf32>
      %add3A_520 = arith.addf %add3A_517, %gather3A_519 : vector<16xf32>
      %broadcast_in_dim3A_521 = arith.constant 5 : i32
      %broadcast_in_dim3A_522 = vector.broadcast %broadcast_in_dim3A_521 : i32 to vector<16xi32>
      tpu.vector_store_idx %arg15[%broadcast_in_dim3A_522], %add3A_520 masked %eq3A_4 : memref<24xf32, #tpu.memory_space<vmem>>[vector<16xi32>], vector<16xf32>, vector<16xi1>
      %get3A_523 = arith.constant 7 : i32
      %get3A_524 = arith.index_cast %get3A_523 : i32 to index
      %get3A_525 = arith.constant 0 : index
      %get3A_526 = tpu.vector_load %arg11[%get3A_524, %get3A_525] {strides = array<i32>} : memref<37x64xf32, #tpu.memory_space<vmem>>, vector<16xf32>,
      %get3A_527 = arith.constant 7 : i32
      %get3A_528 = arith.index_cast %get3A_527 : i32 to index
      %get3A_529 = arith.constant 16 : index
      %get3A_530 = tpu.vector_load %arg11[%get3A_528, %get3A_529] {strides = array<i32>} : memref<37x64xf32, #tpu.memory_space<vmem>>, vector<16xf32>,
      %get3A_531 = arith.constant 7 : i32
      %get3A_532 = arith.index_cast %get3A_531 : i32 to index
      %get3A_533 = arith.constant 32 : index
      %get3A_534 = tpu.vector_load %arg11[%get3A_532, %get3A_533] {strides = array<i32>} : memref<37x64xf32, #tpu.memory_space<vmem>>, vector<16xf32>,
      %get3A_535 = arith.constant 7 : i32
      %get3A_536 = arith.index_cast %get3A_535 : i32 to index
      %get3A_537 = arith.constant 48 : index
      %get3A_538 = tpu.vector_load %arg11[%get3A_536, %get3A_537] {strides = array<i32>} : memref<37x64xf32, #tpu.memory_space<vmem>>, vector<16xf32>,
      %mul3A_539 = arith.mulf %get3A_526, %get3A_250 : vector<16xf32>
      %mul3A_540 = arith.mulf %get3A_530, %get3A_254 : vector<16xf32>
      %add3A_541 = arith.addf %mul3A_539, %mul3A_540 : vector<16xf32>
      %mul3A_542 = arith.mulf %get3A_534, %get3A_258 : vector<16xf32>
      %add3A_543 = arith.addf %add3A_541, %mul3A_542 : vector<16xf32>
      %mul3A_544 = arith.mulf %get3A_538, %get3A_262 : vector<16xf32>
      %add3A_545 = arith.addf %add3A_543, %mul3A_544 : vector<16xf32>
      %gather3A_546 = vector.shape_cast %broadcast_in_dim3A_135 : vector<16x1xi32> to vector<16xi32>
      %gather3A_547 = tpu.dynamic_gather %add3A_545[%gather3A_546] in [0] : vector<16xf32>, vector<16xi32> -> vector<16xf32>
      %add3A_548 = arith.addf %add3A_545, %gather3A_547 : vector<16xf32>
      %gather3A_549 = vector.shape_cast %broadcast_in_dim3A_139 : vector<16x1xi32> to vector<16xi32>
      %gather3A_550 = tpu.dynamic_gather %add3A_548[%gather3A_549] in [0] : vector<16xf32>, vector<16xi32> -> vector<16xf32>
      %add3A_551 = arith.addf %add3A_548, %gather3A_550 : vector<16xf32>
      %gather3A_552 = vector.shape_cast %broadcast_in_dim3A_143 : vector<16x1xi32> to vector<16xi32>
      %gather3A_553 = tpu.dynamic_gather %add3A_551[%gather3A_552] in [0] : vector<16xf32>, vector<16xi32> -> vector<16xf32>
      %add3A_554 = arith.addf %add3A_551, %gather3A_553 : vector<16xf32>
      %gather3A_555 = vector.shape_cast %broadcast_in_dim3A_147 : vector<16x1xi32> to vector<16xi32>
      %gather3A_556 = tpu.dynamic_gather %add3A_554[%gather3A_555] in [0] : vector<16xf32>, vector<16xi32> -> vector<16xf32>
      %add3A_557 = arith.addf %add3A_554, %gather3A_556 : vector<16xf32>
      %broadcast_in_dim3A_558 = arith.constant 6 : i32
      %broadcast_in_dim3A_559 = vector.broadcast %broadcast_in_dim3A_558 : i32 to vector<16xi32>
      tpu.vector_store_idx %arg15[%broadcast_in_dim3A_559], %add3A_557 masked %eq3A_4 : memref<24xf32, #tpu.memory_space<vmem>>[vector<16xi32>], vector<16xf32>, vector<16xi1>
      %get3A_560 = arith.constant 8 : i32
      %get3A_561 = arith.index_cast %get3A_560 : i32 to index
      %get3A_562 = arith.constant 0 : index
      %get3A_563 = tpu.vector_load %arg11[%get3A_561, %get3A_562] {strides = array<i32>} : memref<37x64xf32, #tpu.memory_space<vmem>>, vector<16xf32>,
      %get3A_564 = arith.constant 8 : i32
      %get3A_565 = arith.index_cast %get3A_564 : i32 to index
      %get3A_566 = arith.constant 16 : index
      %get3A_567 = tpu.vector_load %arg11[%get3A_565, %get3A_566] {strides = array<i32>} : memref<37x64xf32, #tpu.memory_space<vmem>>, vector<16xf32>,
      %get3A_568 = arith.constant 8 : i32
      %get3A_569 = arith.index_cast %get3A_568 : i32 to index
      %get3A_570 = arith.constant 32 : index
      %get3A_571 = tpu.vector_load %arg11[%get3A_569, %get3A_570] {strides = array<i32>} : memref<37x64xf32, #tpu.memory_space<vmem>>, vector<16xf32>,
      %get3A_572 = arith.constant 8 : i32
      %get3A_573 = arith.index_cast %get3A_572 : i32 to index
      %get3A_574 = arith.constant 48 : index
      %get3A_575 = tpu.vector_load %arg11[%get3A_573, %get3A_574] {strides = array<i32>} : memref<37x64xf32, #tpu.memory_space<vmem>>, vector<16xf32>,
      %mul3A_576 = arith.mulf %get3A_563, %get3A_250 : vector<16xf32>
      %mul3A_577 = arith.mulf %get3A_567, %get3A_254 : vector<16xf32>
      %add3A_578 = arith.addf %mul3A_576, %mul3A_577 : vector<16xf32>
      %mul3A_579 = arith.mulf %get3A_571, %get3A_258 : vector<16xf32>
      %add3A_580 = arith.addf %add3A_578, %mul3A_579 : vector<16xf32>
      %mul3A_581 = arith.mulf %get3A_575, %get3A_262 : vector<16xf32>
      %add3A_582 = arith.addf %add3A_580, %mul3A_581 : vector<16xf32>
      %gather3A_583 = vector.shape_cast %broadcast_in_dim3A_135 : vector<16x1xi32> to vector<16xi32>
      %gather3A_584 = tpu.dynamic_gather %add3A_582[%gather3A_583] in [0] : vector<16xf32>, vector<16xi32> -> vector<16xf32>
      %add3A_585 = arith.addf %add3A_582, %gather3A_584 : vector<16xf32>
      %gather3A_586 = vector.shape_cast %broadcast_in_dim3A_139 : vector<16x1xi32> to vector<16xi32>
      %gather3A_587 = tpu.dynamic_gather %add3A_585[%gather3A_586] in [0] : vector<16xf32>, vector<16xi32> -> vector<16xf32>
      %add3A_588 = arith.addf %add3A_585, %gather3A_587 : vector<16xf32>
      %gather3A_589 = vector.shape_cast %broadcast_in_dim3A_143 : vector<16x1xi32> to vector<16xi32>
      %gather3A_590 = tpu.dynamic_gather %add3A_588[%gather3A_589] in [0] : vector<16xf32>, vector<16xi32> -> vector<16xf32>
      %add3A_591 = arith.addf %add3A_588, %gather3A_590 : vector<16xf32>
      %gather3A_592 = vector.shape_cast %broadcast_in_dim3A_147 : vector<16x1xi32> to vector<16xi32>
      %gather3A_593 = tpu.dynamic_gather %add3A_591[%gather3A_592] in [0] : vector<16xf32>, vector<16xi32> -> vector<16xf32>
      %add3A_594 = arith.addf %add3A_591, %gather3A_593 : vector<16xf32>
      %broadcast_in_dim3A_595 = arith.constant 7 : i32
      %broadcast_in_dim3A_596 = vector.broadcast %broadcast_in_dim3A_595 : i32 to vector<16xi32>
      tpu.vector_store_idx %arg15[%broadcast_in_dim3A_596], %add3A_594 masked %eq3A_4 : memref<24xf32, #tpu.memory_space<vmem>>[vector<16xi32>], vector<16xf32>, vector<16xi1>
      %get3A_597 = arith.constant 9 : i32
      %get3A_598 = arith.index_cast %get3A_597 : i32 to index
      %get3A_599 = arith.constant 0 : index
      %get3A_600 = tpu.vector_load %arg11[%get3A_598, %get3A_599] {strides = array<i32>} : memref<37x64xf32, #tpu.memory_space<vmem>>, vector<16xf32>,
      %get3A_601 = arith.constant 9 : i32
      %get3A_602 = arith.index_cast %get3A_601 : i32 to index
      %get3A_603 = arith.constant 16 : index
      %get3A_604 = tpu.vector_load %arg11[%get3A_602, %get3A_603] {strides = array<i32>} : memref<37x64xf32, #tpu.memory_space<vmem>>, vector<16xf32>,
      %get3A_605 = arith.constant 9 : i32
      %get3A_606 = arith.index_cast %get3A_605 : i32 to index
      %get3A_607 = arith.constant 32 : index
      %get3A_608 = tpu.vector_load %arg11[%get3A_606, %get3A_607] {strides = array<i32>} : memref<37x64xf32, #tpu.memory_space<vmem>>, vector<16xf32>,
      %get3A_609 = arith.constant 9 : i32
      %get3A_610 = arith.index_cast %get3A_609 : i32 to index
      %get3A_611 = arith.constant 48 : index
      %get3A_612 = tpu.vector_load %arg11[%get3A_610, %get3A_611] {strides = array<i32>} : memref<37x64xf32, #tpu.memory_space<vmem>>, vector<16xf32>,
      %mul3A_613 = arith.mulf %get3A_600, %get3A_250 : vector<16xf32>
      %mul3A_614 = arith.mulf %get3A_604, %get3A_254 : vector<16xf32>
      %add3A_615 = arith.addf %mul3A_613, %mul3A_614 : vector<16xf32>
      %mul3A_616 = arith.mulf %get3A_608, %get3A_258 : vector<16xf32>
      %add3A_617 = arith.addf %add3A_615, %mul3A_616 : vector<16xf32>
      %mul3A_618 = arith.mulf %get3A_612, %get3A_262 : vector<16xf32>
      %add3A_619 = arith.addf %add3A_617, %mul3A_618 : vector<16xf32>
      %gather3A_620 = vector.shape_cast %broadcast_in_dim3A_135 : vector<16x1xi32> to vector<16xi32>
      %gather3A_621 = tpu.dynamic_gather %add3A_619[%gather3A_620] in [0] : vector<16xf32>, vector<16xi32> -> vector<16xf32>
      %add3A_622 = arith.addf %add3A_619, %gather3A_621 : vector<16xf32>
      %gather3A_623 = vector.shape_cast %broadcast_in_dim3A_139 : vector<16x1xi32> to vector<16xi32>
      %gather3A_624 = tpu.dynamic_gather %add3A_622[%gather3A_623] in [0] : vector<16xf32>, vector<16xi32> -> vector<16xf32>
      %add3A_625 = arith.addf %add3A_622, %gather3A_624 : vector<16xf32>
      %gather3A_626 = vector.shape_cast %broadcast_in_dim3A_143 : vector<16x1xi32> to vector<16xi32>
      %gather3A_627 = tpu.dynamic_gather %add3A_625[%gather3A_626] in [0] : vector<16xf32>, vector<16xi32> -> vector<16xf32>
      %add3A_628 = arith.addf %add3A_625, %gather3A_627 : vector<16xf32>
      %gather3A_629 = vector.shape_cast %broadcast_in_dim3A_147 : vector<16x1xi32> to vector<16xi32>
      %gather3A_630 = tpu.dynamic_gather %add3A_628[%gather3A_629] in [0] : vector<16xf32>, vector<16xi32> -> vector<16xf32>
      %add3A_631 = arith.addf %add3A_628, %gather3A_630 : vector<16xf32>
      %broadcast_in_dim3A_632 = arith.constant 8 : i32
      %broadcast_in_dim3A_633 = vector.broadcast %broadcast_in_dim3A_632 : i32 to vector<16xi32>
      tpu.vector_store_idx %arg15[%broadcast_in_dim3A_633], %add3A_631 masked %eq3A_4 : memref<24xf32, #tpu.memory_space<vmem>>[vector<16xi32>], vector<16xf32>, vector<16xi1>
      %get3A_634 = arith.constant 10 : i32
      %get3A_635 = arith.index_cast %get3A_634 : i32 to index
      %get3A_636 = arith.constant 0 : index
      %get3A_637 = tpu.vector_load %arg11[%get3A_635, %get3A_636] {strides = array<i32>} : memref<37x64xf32, #tpu.memory_space<vmem>>, vector<16xf32>,
      %get3A_638 = arith.constant 10 : i32
      %get3A_639 = arith.index_cast %get3A_638 : i32 to index
      %get3A_640 = arith.constant 16 : index
      %get3A_641 = tpu.vector_load %arg11[%get3A_639, %get3A_640] {strides = array<i32>} : memref<37x64xf32, #tpu.memory_space<vmem>>, vector<16xf32>,
      %get3A_642 = arith.constant 10 : i32
      %get3A_643 = arith.index_cast %get3A_642 : i32 to index
      %get3A_644 = arith.constant 32 : index
      %get3A_645 = tpu.vector_load %arg11[%get3A_643, %get3A_644] {strides = array<i32>} : memref<37x64xf32, #tpu.memory_space<vmem>>, vector<16xf32>,
      %get3A_646 = arith.constant 10 : i32
      %get3A_647 = arith.index_cast %get3A_646 : i32 to index
      %get3A_648 = arith.constant 48 : index
      %get3A_649 = tpu.vector_load %arg11[%get3A_647, %get3A_648] {strides = array<i32>} : memref<37x64xf32, #tpu.memory_space<vmem>>, vector<16xf32>,
      %mul3A_650 = arith.mulf %get3A_637, %get3A_250 : vector<16xf32>
      %mul3A_651 = arith.mulf %get3A_641, %get3A_254 : vector<16xf32>
      %add3A_652 = arith.addf %mul3A_650, %mul3A_651 : vector<16xf32>
      %mul3A_653 = arith.mulf %get3A_645, %get3A_258 : vector<16xf32>
      %add3A_654 = arith.addf %add3A_652, %mul3A_653 : vector<16xf32>
      %mul3A_655 = arith.mulf %get3A_649, %get3A_262 : vector<16xf32>
      %add3A_656 = arith.addf %add3A_654, %mul3A_655 : vector<16xf32>
      %gather3A_657 = vector.shape_cast %broadcast_in_dim3A_135 : vector<16x1xi32> to vector<16xi32>
      %gather3A_658 = tpu.dynamic_gather %add3A_656[%gather3A_657] in [0] : vector<16xf32>, vector<16xi32> -> vector<16xf32>
      %add3A_659 = arith.addf %add3A_656, %gather3A_658 : vector<16xf32>
      %gather3A_660 = vector.shape_cast %broadcast_in_dim3A_139 : vector<16x1xi32> to vector<16xi32>
      %gather3A_661 = tpu.dynamic_gather %add3A_659[%gather3A_660] in [0] : vector<16xf32>, vector<16xi32> -> vector<16xf32>
      %add3A_662 = arith.addf %add3A_659, %gather3A_661 : vector<16xf32>
      %gather3A_663 = vector.shape_cast %broadcast_in_dim3A_143 : vector<16x1xi32> to vector<16xi32>
      %gather3A_664 = tpu.dynamic_gather %add3A_662[%gather3A_663] in [0] : vector<16xf32>, vector<16xi32> -> vector<16xf32>
      %add3A_665 = arith.addf %add3A_662, %gather3A_664 : vector<16xf32>
      %gather3A_666 = vector.shape_cast %broadcast_in_dim3A_147 : vector<16x1xi32> to vector<16xi32>
      %gather3A_667 = tpu.dynamic_gather %add3A_665[%gather3A_666] in [0] : vector<16xf32>, vector<16xi32> -> vector<16xf32>
      %add3A_668 = arith.addf %add3A_665, %gather3A_667 : vector<16xf32>
      %broadcast_in_dim3A_669 = arith.constant 9 : i32
      %broadcast_in_dim3A_670 = vector.broadcast %broadcast_in_dim3A_669 : i32 to vector<16xi32>
      tpu.vector_store_idx %arg15[%broadcast_in_dim3A_670], %add3A_668 masked %eq3A_4 : memref<24xf32, #tpu.memory_space<vmem>>[vector<16xi32>], vector<16xf32>, vector<16xi1>
      %get3A_671 = arith.constant 11 : i32
      %get3A_672 = arith.index_cast %get3A_671 : i32 to index
      %get3A_673 = arith.constant 0 : index
      %get3A_674 = tpu.vector_load %arg11[%get3A_672, %get3A_673] {strides = array<i32>} : memref<37x64xf32, #tpu.memory_space<vmem>>, vector<16xf32>,
      %get3A_675 = arith.constant 11 : i32
      %get3A_676 = arith.index_cast %get3A_675 : i32 to index
      %get3A_677 = arith.constant 16 : index
      %get3A_678 = tpu.vector_load %arg11[%get3A_676, %get3A_677] {strides = array<i32>} : memref<37x64xf32, #tpu.memory_space<vmem>>, vector<16xf32>,
      %get3A_679 = arith.constant 11 : i32
      %get3A_680 = arith.index_cast %get3A_679 : i32 to index
      %get3A_681 = arith.constant 32 : index
      %get3A_682 = tpu.vector_load %arg11[%get3A_680, %get3A_681] {strides = array<i32>} : memref<37x64xf32, #tpu.memory_space<vmem>>, vector<16xf32>,
      %get3A_683 = arith.constant 11 : i32
      %get3A_684 = arith.index_cast %get3A_683 : i32 to index
      %get3A_685 = arith.constant 48 : index
      %get3A_686 = tpu.vector_load %arg11[%get3A_684, %get3A_685] {strides = array<i32>} : memref<37x64xf32, #tpu.memory_space<vmem>>, vector<16xf32>,
      %mul3A_687 = arith.mulf %get3A_674, %get3A_250 : vector<16xf32>
      %mul3A_688 = arith.mulf %get3A_678, %get3A_254 : vector<16xf32>
      %add3A_689 = arith.addf %mul3A_687, %mul3A_688 : vector<16xf32>
      %mul3A_690 = arith.mulf %get3A_682, %get3A_258 : vector<16xf32>
      %add3A_691 = arith.addf %add3A_689, %mul3A_690 : vector<16xf32>
      %mul3A_692 = arith.mulf %get3A_686, %get3A_262 : vector<16xf32>
      %add3A_693 = arith.addf %add3A_691, %mul3A_692 : vector<16xf32>
      %gather3A_694 = vector.shape_cast %broadcast_in_dim3A_135 : vector<16x1xi32> to vector<16xi32>
      %gather3A_695 = tpu.dynamic_gather %add3A_693[%gather3A_694] in [0] : vector<16xf32>, vector<16xi32> -> vector<16xf32>
      %add3A_696 = arith.addf %add3A_693, %gather3A_695 : vector<16xf32>
      %gather3A_697 = vector.shape_cast %broadcast_in_dim3A_139 : vector<16x1xi32> to vector<16xi32>
      %gather3A_698 = tpu.dynamic_gather %add3A_696[%gather3A_697] in [0] : vector<16xf32>, vector<16xi32> -> vector<16xf32>
      %add3A_699 = arith.addf %add3A_696, %gather3A_698 : vector<16xf32>
      %gather3A_700 = vector.shape_cast %broadcast_in_dim3A_143 : vector<16x1xi32> to vector<16xi32>
      %gather3A_701 = tpu.dynamic_gather %add3A_699[%gather3A_700] in [0] : vector<16xf32>, vector<16xi32> -> vector<16xf32>
      %add3A_702 = arith.addf %add3A_699, %gather3A_701 : vector<16xf32>
      %gather3A_703 = vector.shape_cast %broadcast_in_dim3A_147 : vector<16x1xi32> to vector<16xi32>
      %gather3A_704 = tpu.dynamic_gather %add3A_702[%gather3A_703] in [0] : vector<16xf32>, vector<16xi32> -> vector<16xf32>
      %add3A_705 = arith.addf %add3A_702, %gather3A_704 : vector<16xf32>
      %broadcast_in_dim3A_706 = arith.constant 10 : i32
      %broadcast_in_dim3A_707 = vector.broadcast %broadcast_in_dim3A_706 : i32 to vector<16xi32>
      tpu.vector_store_idx %arg15[%broadcast_in_dim3A_707], %add3A_705 masked %eq3A_4 : memref<24xf32, #tpu.memory_space<vmem>>[vector<16xi32>], vector<16xf32>, vector<16xi1>
      %get3A_708 = arith.constant 12 : i32
      %get3A_709 = arith.index_cast %get3A_708 : i32 to index
      %get3A_710 = arith.constant 0 : index
      %get3A_711 = tpu.vector_load %arg11[%get3A_709, %get3A_710] {strides = array<i32>} : memref<37x64xf32, #tpu.memory_space<vmem>>, vector<16xf32>,
      %get3A_712 = arith.constant 12 : i32
      %get3A_713 = arith.index_cast %get3A_712 : i32 to index
      %get3A_714 = arith.constant 16 : index
      %get3A_715 = tpu.vector_load %arg11[%get3A_713, %get3A_714] {strides = array<i32>} : memref<37x64xf32, #tpu.memory_space<vmem>>, vector<16xf32>,
      %get3A_716 = arith.constant 12 : i32
      %get3A_717 = arith.index_cast %get3A_716 : i32 to index
      %get3A_718 = arith.constant 32 : index
      %get3A_719 = tpu.vector_load %arg11[%get3A_717, %get3A_718] {strides = array<i32>} : memref<37x64xf32, #tpu.memory_space<vmem>>, vector<16xf32>,
      %get3A_720 = arith.constant 12 : i32
      %get3A_721 = arith.index_cast %get3A_720 : i32 to index
      %get3A_722 = arith.constant 48 : index
      %get3A_723 = tpu.vector_load %arg11[%get3A_721, %get3A_722] {strides = array<i32>} : memref<37x64xf32, #tpu.memory_space<vmem>>, vector<16xf32>,
      %mul3A_724 = arith.mulf %get3A_711, %get3A_250 : vector<16xf32>
      %mul3A_725 = arith.mulf %get3A_715, %get3A_254 : vector<16xf32>
      %add3A_726 = arith.addf %mul3A_724, %mul3A_725 : vector<16xf32>
      %mul3A_727 = arith.mulf %get3A_719, %get3A_258 : vector<16xf32>
      %add3A_728 = arith.addf %add3A_726, %mul3A_727 : vector<16xf32>
      %mul3A_729 = arith.mulf %get3A_723, %get3A_262 : vector<16xf32>
      %add3A_730 = arith.addf %add3A_728, %mul3A_729 : vector<16xf32>
      %gather3A_731 = vector.shape_cast %broadcast_in_dim3A_135 : vector<16x1xi32> to vector<16xi32>
      %gather3A_732 = tpu.dynamic_gather %add3A_730[%gather3A_731] in [0] : vector<16xf32>, vector<16xi32> -> vector<16xf32>
      %add3A_733 = arith.addf %add3A_730, %gather3A_732 : vector<16xf32>
      %gather3A_734 = vector.shape_cast %broadcast_in_dim3A_139 : vector<16x1xi32> to vector<16xi32>
      %gather3A_735 = tpu.dynamic_gather %add3A_733[%gather3A_734] in [0] : vector<16xf32>, vector<16xi32> -> vector<16xf32>
      %add3A_736 = arith.addf %add3A_733, %gather3A_735 : vector<16xf32>
      %gather3A_737 = vector.shape_cast %broadcast_in_dim3A_143 : vector<16x1xi32> to vector<16xi32>
      %gather3A_738 = tpu.dynamic_gather %add3A_736[%gather3A_737] in [0] : vector<16xf32>, vector<16xi32> -> vector<16xf32>
      %add3A_739 = arith.addf %add3A_736, %gather3A_738 : vector<16xf32>
      %gather3A_740 = vector.shape_cast %broadcast_in_dim3A_147 : vector<16x1xi32> to vector<16xi32>
      %gather3A_741 = tpu.dynamic_gather %add3A_739[%gather3A_740] in [0] : vector<16xf32>, vector<16xi32> -> vector<16xf32>
      %add3A_742 = arith.addf %add3A_739, %gather3A_741 : vector<16xf32>
      %broadcast_in_dim3A_743 = arith.constant 11 : i32
      %broadcast_in_dim3A_744 = vector.broadcast %broadcast_in_dim3A_743 : i32 to vector<16xi32>
      tpu.vector_store_idx %arg15[%broadcast_in_dim3A_744], %add3A_742 masked %eq3A_4 : memref<24xf32, #tpu.memory_space<vmem>>[vector<16xi32>], vector<16xf32>, vector<16xi1>
      %get3A_745 = arith.constant 13 : i32
      %get3A_746 = arith.index_cast %get3A_745 : i32 to index
      %get3A_747 = arith.constant 0 : index
      %get3A_748 = tpu.vector_load %arg11[%get3A_746, %get3A_747] {strides = array<i32>} : memref<37x64xf32, #tpu.memory_space<vmem>>, vector<16xf32>,
      %get3A_749 = arith.constant 13 : i32
      %get3A_750 = arith.index_cast %get3A_749 : i32 to index
      %get3A_751 = arith.constant 16 : index
      %get3A_752 = tpu.vector_load %arg11[%get3A_750, %get3A_751] {strides = array<i32>} : memref<37x64xf32, #tpu.memory_space<vmem>>, vector<16xf32>,
      %get3A_753 = arith.constant 13 : i32
      %get3A_754 = arith.index_cast %get3A_753 : i32 to index
      %get3A_755 = arith.constant 32 : index
      %get3A_756 = tpu.vector_load %arg11[%get3A_754, %get3A_755] {strides = array<i32>} : memref<37x64xf32, #tpu.memory_space<vmem>>, vector<16xf32>,
      %get3A_757 = arith.constant 13 : i32
      %get3A_758 = arith.index_cast %get3A_757 : i32 to index
      %get3A_759 = arith.constant 48 : index
      %get3A_760 = tpu.vector_load %arg11[%get3A_758, %get3A_759] {strides = array<i32>} : memref<37x64xf32, #tpu.memory_space<vmem>>, vector<16xf32>,
      %mul3A_761 = arith.mulf %get3A_748, %get3A_250 : vector<16xf32>
      %mul3A_762 = arith.mulf %get3A_752, %get3A_254 : vector<16xf32>
      %add3A_763 = arith.addf %mul3A_761, %mul3A_762 : vector<16xf32>
      %mul3A_764 = arith.mulf %get3A_756, %get3A_258 : vector<16xf32>
      %add3A_765 = arith.addf %add3A_763, %mul3A_764 : vector<16xf32>
      %mul3A_766 = arith.mulf %get3A_760, %get3A_262 : vector<16xf32>
      %add3A_767 = arith.addf %add3A_765, %mul3A_766 : vector<16xf32>
      %gather3A_768 = vector.shape_cast %broadcast_in_dim3A_135 : vector<16x1xi32> to vector<16xi32>
      %gather3A_769 = tpu.dynamic_gather %add3A_767[%gather3A_768] in [0] : vector<16xf32>, vector<16xi32> -> vector<16xf32>
      %add3A_770 = arith.addf %add3A_767, %gather3A_769 : vector<16xf32>
      %gather3A_771 = vector.shape_cast %broadcast_in_dim3A_139 : vector<16x1xi32> to vector<16xi32>
      %gather3A_772 = tpu.dynamic_gather %add3A_770[%gather3A_771] in [0] : vector<16xf32>, vector<16xi32> -> vector<16xf32>
      %add3A_773 = arith.addf %add3A_770, %gather3A_772 : vector<16xf32>
      %gather3A_774 = vector.shape_cast %broadcast_in_dim3A_143 : vector<16x1xi32> to vector<16xi32>
      %gather3A_775 = tpu.dynamic_gather %add3A_773[%gather3A_774] in [0] : vector<16xf32>, vector<16xi32> -> vector<16xf32>
      %add3A_776 = arith.addf %add3A_773, %gather3A_775 : vector<16xf32>
      %gather3A_777 = vector.shape_cast %broadcast_in_dim3A_147 : vector<16x1xi32> to vector<16xi32>
      %gather3A_778 = tpu.dynamic_gather %add3A_776[%gather3A_777] in [0] : vector<16xf32>, vector<16xi32> -> vector<16xf32>
      %add3A_779 = arith.addf %add3A_776, %gather3A_778 : vector<16xf32>
      %broadcast_in_dim3A_780 = arith.constant 12 : i32
      %broadcast_in_dim3A_781 = vector.broadcast %broadcast_in_dim3A_780 : i32 to vector<16xi32>
      tpu.vector_store_idx %arg15[%broadcast_in_dim3A_781], %add3A_779 masked %eq3A_4 : memref<24xf32, #tpu.memory_space<vmem>>[vector<16xi32>], vector<16xf32>, vector<16xi1>
      %get3A_782 = arith.constant 14 : i32
      %get3A_783 = arith.index_cast %get3A_782 : i32 to index
      %get3A_784 = arith.constant 0 : index
      %get3A_785 = tpu.vector_load %arg11[%get3A_783, %get3A_784] {strides = array<i32>} : memref<37x64xf32, #tpu.memory_space<vmem>>, vector<16xf32>,
      %get3A_786 = arith.constant 14 : i32
      %get3A_787 = arith.index_cast %get3A_786 : i32 to index
      %get3A_788 = arith.constant 16 : index
      %get3A_789 = tpu.vector_load %arg11[%get3A_787, %get3A_788] {strides = array<i32>} : memref<37x64xf32, #tpu.memory_space<vmem>>, vector<16xf32>,
      %get3A_790 = arith.constant 14 : i32
      %get3A_791 = arith.index_cast %get3A_790 : i32 to index
      %get3A_792 = arith.constant 32 : index
      %get3A_793 = tpu.vector_load %arg11[%get3A_791, %get3A_792] {strides = array<i32>} : memref<37x64xf32, #tpu.memory_space<vmem>>, vector<16xf32>,
      %get3A_794 = arith.constant 14 : i32
      %get3A_795 = arith.index_cast %get3A_794 : i32 to index
      %get3A_796 = arith.constant 48 : index
      %get3A_797 = tpu.vector_load %arg11[%get3A_795, %get3A_796] {strides = array<i32>} : memref<37x64xf32, #tpu.memory_space<vmem>>, vector<16xf32>,
      %mul3A_798 = arith.mulf %get3A_785, %get3A_250 : vector<16xf32>
      %mul3A_799 = arith.mulf %get3A_789, %get3A_254 : vector<16xf32>
      %add3A_800 = arith.addf %mul3A_798, %mul3A_799 : vector<16xf32>
      %mul3A_801 = arith.mulf %get3A_793, %get3A_258 : vector<16xf32>
      %add3A_802 = arith.addf %add3A_800, %mul3A_801 : vector<16xf32>
      %mul3A_803 = arith.mulf %get3A_797, %get3A_262 : vector<16xf32>
      %add3A_804 = arith.addf %add3A_802, %mul3A_803 : vector<16xf32>
      %gather3A_805 = vector.shape_cast %broadcast_in_dim3A_135 : vector<16x1xi32> to vector<16xi32>
      %gather3A_806 = tpu.dynamic_gather %add3A_804[%gather3A_805] in [0] : vector<16xf32>, vector<16xi32> -> vector<16xf32>
      %add3A_807 = arith.addf %add3A_804, %gather3A_806 : vector<16xf32>
      %gather3A_808 = vector.shape_cast %broadcast_in_dim3A_139 : vector<16x1xi32> to vector<16xi32>
      %gather3A_809 = tpu.dynamic_gather %add3A_807[%gather3A_808] in [0] : vector<16xf32>, vector<16xi32> -> vector<16xf32>
      %add3A_810 = arith.addf %add3A_807, %gather3A_809 : vector<16xf32>
      %gather3A_811 = vector.shape_cast %broadcast_in_dim3A_143 : vector<16x1xi32> to vector<16xi32>
      %gather3A_812 = tpu.dynamic_gather %add3A_810[%gather3A_811] in [0] : vector<16xf32>, vector<16xi32> -> vector<16xf32>
      %add3A_813 = arith.addf %add3A_810, %gather3A_812 : vector<16xf32>
      %gather3A_814 = vector.shape_cast %broadcast_in_dim3A_147 : vector<16x1xi32> to vector<16xi32>
      %gather3A_815 = tpu.dynamic_gather %add3A_813[%gather3A_814] in [0] : vector<16xf32>, vector<16xi32> -> vector<16xf32>
      %add3A_816 = arith.addf %add3A_813, %gather3A_815 : vector<16xf32>
      %broadcast_in_dim3A_817 = arith.constant 13 : i32
      %broadcast_in_dim3A_818 = vector.broadcast %broadcast_in_dim3A_817 : i32 to vector<16xi32>
      tpu.vector_store_idx %arg15[%broadcast_in_dim3A_818], %add3A_816 masked %eq3A_4 : memref<24xf32, #tpu.memory_space<vmem>>[vector<16xi32>], vector<16xf32>, vector<16xi1>
      %get3A_819 = arith.constant 15 : i32
      %get3A_820 = arith.index_cast %get3A_819 : i32 to index
      %get3A_821 = arith.constant 0 : index
      %get3A_822 = tpu.vector_load %arg11[%get3A_820, %get3A_821] {strides = array<i32>} : memref<37x64xf32, #tpu.memory_space<vmem>>, vector<16xf32>,
      %get3A_823 = arith.constant 15 : i32
      %get3A_824 = arith.index_cast %get3A_823 : i32 to index
      %get3A_825 = arith.constant 16 : index
      %get3A_826 = tpu.vector_load %arg11[%get3A_824, %get3A_825] {strides = array<i32>} : memref<37x64xf32, #tpu.memory_space<vmem>>, vector<16xf32>,
      %get3A_827 = arith.constant 15 : i32
      %get3A_828 = arith.index_cast %get3A_827 : i32 to index
      %get3A_829 = arith.constant 32 : index
      %get3A_830 = tpu.vector_load %arg11[%get3A_828, %get3A_829] {strides = array<i32>} : memref<37x64xf32, #tpu.memory_space<vmem>>, vector<16xf32>,
      %get3A_831 = arith.constant 15 : i32
      %get3A_832 = arith.index_cast %get3A_831 : i32 to index
      %get3A_833 = arith.constant 48 : index
      %get3A_834 = tpu.vector_load %arg11[%get3A_832, %get3A_833] {strides = array<i32>} : memref<37x64xf32, #tpu.memory_space<vmem>>, vector<16xf32>,
      %mul3A_835 = arith.mulf %get3A_822, %get3A_250 : vector<16xf32>
      %mul3A_836 = arith.mulf %get3A_826, %get3A_254 : vector<16xf32>
      %add3A_837 = arith.addf %mul3A_835, %mul3A_836 : vector<16xf32>
      %mul3A_838 = arith.mulf %get3A_830, %get3A_258 : vector<16xf32>
      %add3A_839 = arith.addf %add3A_837, %mul3A_838 : vector<16xf32>
      %mul3A_840 = arith.mulf %get3A_834, %get3A_262 : vector<16xf32>
      %add3A_841 = arith.addf %add3A_839, %mul3A_840 : vector<16xf32>
      %gather3A_842 = vector.shape_cast %broadcast_in_dim3A_135 : vector<16x1xi32> to vector<16xi32>
      %gather3A_843 = tpu.dynamic_gather %add3A_841[%gather3A_842] in [0] : vector<16xf32>, vector<16xi32> -> vector<16xf32>
      %add3A_844 = arith.addf %add3A_841, %gather3A_843 : vector<16xf32>
      %gather3A_845 = vector.shape_cast %broadcast_in_dim3A_139 : vector<16x1xi32> to vector<16xi32>
      %gather3A_846 = tpu.dynamic_gather %add3A_844[%gather3A_845] in [0] : vector<16xf32>, vector<16xi32> -> vector<16xf32>
      %add3A_847 = arith.addf %add3A_844, %gather3A_846 : vector<16xf32>
      %gather3A_848 = vector.shape_cast %broadcast_in_dim3A_143 : vector<16x1xi32> to vector<16xi32>
      %gather3A_849 = tpu.dynamic_gather %add3A_847[%gather3A_848] in [0] : vector<16xf32>, vector<16xi32> -> vector<16xf32>
      %add3A_850 = arith.addf %add3A_847, %gather3A_849 : vector<16xf32>
      %gather3A_851 = vector.shape_cast %broadcast_in_dim3A_147 : vector<16x1xi32> to vector<16xi32>
      %gather3A_852 = tpu.dynamic_gather %add3A_850[%gather3A_851] in [0] : vector<16xf32>, vector<16xi32> -> vector<16xf32>
      %add3A_853 = arith.addf %add3A_850, %gather3A_852 : vector<16xf32>
      %broadcast_in_dim3A_854 = arith.constant 14 : i32
      %broadcast_in_dim3A_855 = vector.broadcast %broadcast_in_dim3A_854 : i32 to vector<16xi32>
      tpu.vector_store_idx %arg15[%broadcast_in_dim3A_855], %add3A_853 masked %eq3A_4 : memref<24xf32, #tpu.memory_space<vmem>>[vector<16xi32>], vector<16xf32>, vector<16xi1>
      %get3A_856 = arith.constant 16 : i32
      %get3A_857 = arith.index_cast %get3A_856 : i32 to index
      %get3A_858 = arith.constant 0 : index
      %get3A_859 = tpu.vector_load %arg11[%get3A_857, %get3A_858] {strides = array<i32>} : memref<37x64xf32, #tpu.memory_space<vmem>>, vector<16xf32>,
      %get3A_860 = arith.constant 16 : i32
      %get3A_861 = arith.index_cast %get3A_860 : i32 to index
      %get3A_862 = arith.constant 16 : index
      %get3A_863 = tpu.vector_load %arg11[%get3A_861, %get3A_862] {strides = array<i32>} : memref<37x64xf32, #tpu.memory_space<vmem>>, vector<16xf32>,
      %get3A_864 = arith.constant 16 : i32
      %get3A_865 = arith.index_cast %get3A_864 : i32 to index
      %get3A_866 = arith.constant 32 : index
      %get3A_867 = tpu.vector_load %arg11[%get3A_865, %get3A_866] {strides = array<i32>} : memref<37x64xf32, #tpu.memory_space<vmem>>, vector<16xf32>,
      %get3A_868 = arith.constant 16 : i32
      %get3A_869 = arith.index_cast %get3A_868 : i32 to index
      %get3A_870 = arith.constant 48 : index
      %get3A_871 = tpu.vector_load %arg11[%get3A_869, %get3A_870] {strides = array<i32>} : memref<37x64xf32, #tpu.memory_space<vmem>>, vector<16xf32>,
      %mul3A_872 = arith.mulf %get3A_859, %get3A_250 : vector<16xf32>
      %mul3A_873 = arith.mulf %get3A_863, %get3A_254 : vector<16xf32>
      %add3A_874 = arith.addf %mul3A_872, %mul3A_873 : vector<16xf32>
      %mul3A_875 = arith.mulf %get3A_867, %get3A_258 : vector<16xf32>
      %add3A_876 = arith.addf %add3A_874, %mul3A_875 : vector<16xf32>
      %mul3A_877 = arith.mulf %get3A_871, %get3A_262 : vector<16xf32>
      %add3A_878 = arith.addf %add3A_876, %mul3A_877 : vector<16xf32>
      %gather3A_879 = vector.shape_cast %broadcast_in_dim3A_135 : vector<16x1xi32> to vector<16xi32>
      %gather3A_880 = tpu.dynamic_gather %add3A_878[%gather3A_879] in [0] : vector<16xf32>, vector<16xi32> -> vector<16xf32>
      %add3A_881 = arith.addf %add3A_878, %gather3A_880 : vector<16xf32>
      %gather3A_882 = vector.shape_cast %broadcast_in_dim3A_139 : vector<16x1xi32> to vector<16xi32>
      %gather3A_883 = tpu.dynamic_gather %add3A_881[%gather3A_882] in [0] : vector<16xf32>, vector<16xi32> -> vector<16xf32>
      %add3A_884 = arith.addf %add3A_881, %gather3A_883 : vector<16xf32>
      %gather3A_885 = vector.shape_cast %broadcast_in_dim3A_143 : vector<16x1xi32> to vector<16xi32>
      %gather3A_886 = tpu.dynamic_gather %add3A_884[%gather3A_885] in [0] : vector<16xf32>, vector<16xi32> -> vector<16xf32>
      %add3A_887 = arith.addf %add3A_884, %gather3A_886 : vector<16xf32>
      %gather3A_888 = vector.shape_cast %broadcast_in_dim3A_147 : vector<16x1xi32> to vector<16xi32>
      %gather3A_889 = tpu.dynamic_gather %add3A_887[%gather3A_888] in [0] : vector<16xf32>, vector<16xi32> -> vector<16xf32>
      %add3A_890 = arith.addf %add3A_887, %gather3A_889 : vector<16xf32>
      %broadcast_in_dim3A_891 = arith.constant 15 : i32
      %broadcast_in_dim3A_892 = vector.broadcast %broadcast_in_dim3A_891 : i32 to vector<16xi32>
      tpu.vector_store_idx %arg15[%broadcast_in_dim3A_892], %add3A_890 masked %eq3A_4 : memref<24xf32, #tpu.memory_space<vmem>>[vector<16xi32>], vector<16xf32>, vector<16xi1>
      %broadcast_in_dim3A_893 = arith.constant 0.000000e+00 : f32
      %broadcast_in_dim3A_894 = vector.broadcast %broadcast_in_dim3A_893 : f32 to vector<16xf32>
      %broadcast_in_dim3A_895 = arith.constant 0.000000e+00 : f32
      %broadcast_in_dim3A_896 = vector.broadcast %broadcast_in_dim3A_895 : f32 to vector<16xf32>
      %broadcast_in_dim3A_897 = arith.constant 0.000000e+00 : f32
      %broadcast_in_dim3A_898 = vector.broadcast %broadcast_in_dim3A_897 : f32 to vector<16xf32>
      %broadcast_in_dim3A_899 = arith.constant 0.000000e+00 : f32
      %broadcast_in_dim3A_900 = vector.broadcast %broadcast_in_dim3A_899 : f32 to vector<16xf32>
      %broadcast_in_dim3A_901 = arith.constant 384 : i32
      %broadcast_in_dim3A_902 = vector.broadcast %broadcast_in_dim3A_901 : i32 to vector<16xi32>
      %gather3A_903 = tpu.vector_load_idx %arg7[%broadcast_in_dim3A_902] : memref<400xi32, #tpu.memory_space<vmem>>[vector<16xi32>], vector<16xi32>,
      %bitcast3A = vector.bitcast %gather3A_903 : vector<16xi32> to vector<16xf32>
      %get3A_904 = arith.constant 1 : i32
      %get3A_905 = arith.index_cast %get3A_904 : i32 to index
      %get3A_906 = arith.constant 0 : index
      %get3A_907 = tpu.vector_load %arg9[%get3A_905, %get3A_906] {strides = array<i32>} : memref<9x64xf32, #tpu.memory_space<vmem>>, vector<16xf32>,
      %get3A_908 = arith.constant 1 : i32
      %get3A_909 = arith.index_cast %get3A_908 : i32 to index
      %get3A_910 = arith.constant 16 : index
      %get3A_911 = tpu.vector_load %arg9[%get3A_909, %get3A_910] {strides = array<i32>} : memref<9x64xf32, #tpu.memory_space<vmem>>, vector<16xf32>,
      %get3A_912 = arith.constant 1 : i32
      %get3A_913 = arith.index_cast %get3A_912 : i32 to index
      %get3A_914 = arith.constant 32 : index
      %get3A_915 = tpu.vector_load %arg9[%get3A_913, %get3A_914] {strides = array<i32>} : memref<9x64xf32, #tpu.memory_space<vmem>>, vector<16xf32>,
      %get3A_916 = arith.constant 1 : i32
      %get3A_917 = arith.index_cast %get3A_916 : i32 to index
      %get3A_918 = arith.constant 48 : index
      %get3A_919 = tpu.vector_load %arg9[%get3A_917, %get3A_918] {strides = array<i32>} : memref<9x64xf32, #tpu.memory_space<vmem>>, vector<16xf32>,
      %mul3A_920 = arith.mulf %bitcast3A, %get3A_907 : vector<16xf32>
      %add3A_921 = arith.addf %broadcast_in_dim3A_894, %mul3A_920 : vector<16xf32>
      %mul3A_922 = arith.mulf %bitcast3A, %get3A_911 : vector<16xf32>
      %add3A_923 = arith.addf %broadcast_in_dim3A_896, %mul3A_922 : vector<16xf32>
      %mul3A_924 = arith.mulf %bitcast3A, %get3A_915 : vector<16xf32>
      %add3A_925 = arith.addf %broadcast_in_dim3A_898, %mul3A_924 : vector<16xf32>
      %mul3A_926 = arith.mulf %bitcast3A, %get3A_919 : vector<16xf32>
      %add3A_927 = arith.addf %broadcast_in_dim3A_900, %mul3A_926 : vector<16xf32>
      %broadcast_in_dim3A_928 = arith.constant 385 : i32
      %broadcast_in_dim3A_929 = vector.broadcast %broadcast_in_dim3A_928 : i32 to vector<16xi32>
      %gather3A_930 = tpu.vector_load_idx %arg7[%broadcast_in_dim3A_929] : memref<400xi32, #tpu.memory_space<vmem>>[vector<16xi32>], vector<16xi32>,
      %bitcast3A_931 = vector.bitcast %gather3A_930 : vector<16xi32> to vector<16xf32>
      %get3A_932 = arith.constant 2 : i32
      %get3A_933 = arith.index_cast %get3A_932 : i32 to index
      %get3A_934 = arith.constant 0 : index
      %get3A_935 = tpu.vector_load %arg9[%get3A_933, %get3A_934] {strides = array<i32>} : memref<9x64xf32, #tpu.memory_space<vmem>>, vector<16xf32>,
      %get3A_936 = arith.constant 2 : i32
      %get3A_937 = arith.index_cast %get3A_936 : i32 to index
      %get3A_938 = arith.constant 16 : index
      %get3A_939 = tpu.vector_load %arg9[%get3A_937, %get3A_938] {strides = array<i32>} : memref<9x64xf32, #tpu.memory_space<vmem>>, vector<16xf32>,
      %get3A_940 = arith.constant 2 : i32
      %get3A_941 = arith.index_cast %get3A_940 : i32 to index
      %get3A_942 = arith.constant 32 : index
      %get3A_943 = tpu.vector_load %arg9[%get3A_941, %get3A_942] {strides = array<i32>} : memref<9x64xf32, #tpu.memory_space<vmem>>, vector<16xf32>,
      %get3A_944 = arith.constant 2 : i32
      %get3A_945 = arith.index_cast %get3A_944 : i32 to index
      %get3A_946 = arith.constant 48 : index
      %get3A_947 = tpu.vector_load %arg9[%get3A_945, %get3A_946] {strides = array<i32>} : memref<9x64xf32, #tpu.memory_space<vmem>>, vector<16xf32>,
      %mul3A_948 = arith.mulf %bitcast3A_931, %get3A_935 : vector<16xf32>
      %add3A_949 = arith.addf %add3A_921, %mul3A_948 : vector<16xf32>
      %mul3A_950 = arith.mulf %bitcast3A_931, %get3A_939 : vector<16xf32>
      %add3A_951 = arith.addf %add3A_923, %mul3A_950 : vector<16xf32>
      %mul3A_952 = arith.mulf %bitcast3A_931, %get3A_943 : vector<16xf32>
      %add3A_953 = arith.addf %add3A_925, %mul3A_952 : vector<16xf32>
      %mul3A_954 = arith.mulf %bitcast3A_931, %get3A_947 : vector<16xf32>
      %add3A_955 = arith.addf %add3A_927, %mul3A_954 : vector<16xf32>
      %broadcast_in_dim3A_956 = arith.constant 386 : i32
      %broadcast_in_dim3A_957 = vector.broadcast %broadcast_in_dim3A_956 : i32 to vector<16xi32>
      %gather3A_958 = tpu.vector_load_idx %arg7[%broadcast_in_dim3A_957] : memref<400xi32, #tpu.memory_space<vmem>>[vector<16xi32>], vector<16xi32>,
      %bitcast3A_959 = vector.bitcast %gather3A_958 : vector<16xi32> to vector<16xf32>
      %get3A_960 = arith.constant 3 : i32
      %get3A_961 = arith.index_cast %get3A_960 : i32 to index
      %get3A_962 = arith.constant 0 : index
      %get3A_963 = tpu.vector_load %arg9[%get3A_961, %get3A_962] {strides = array<i32>} : memref<9x64xf32, #tpu.memory_space<vmem>>, vector<16xf32>,
      %get3A_964 = arith.constant 3 : i32
      %get3A_965 = arith.index_cast %get3A_964 : i32 to index
      %get3A_966 = arith.constant 16 : index
      %get3A_967 = tpu.vector_load %arg9[%get3A_965, %get3A_966] {strides = array<i32>} : memref<9x64xf32, #tpu.memory_space<vmem>>, vector<16xf32>,
      %get3A_968 = arith.constant 3 : i32
      %get3A_969 = arith.index_cast %get3A_968 : i32 to index
      %get3A_970 = arith.constant 32 : index
      %get3A_971 = tpu.vector_load %arg9[%get3A_969, %get3A_970] {strides = array<i32>} : memref<9x64xf32, #tpu.memory_space<vmem>>, vector<16xf32>,
      %get3A_972 = arith.constant 3 : i32
      %get3A_973 = arith.index_cast %get3A_972 : i32 to index
      %get3A_974 = arith.constant 48 : index
      %get3A_975 = tpu.vector_load %arg9[%get3A_973, %get3A_974] {strides = array<i32>} : memref<9x64xf32, #tpu.memory_space<vmem>>, vector<16xf32>,
      %mul3A_976 = arith.mulf %bitcast3A_959, %get3A_963 : vector<16xf32>
      %add3A_977 = arith.addf %add3A_949, %mul3A_976 : vector<16xf32>
      %mul3A_978 = arith.mulf %bitcast3A_959, %get3A_967 : vector<16xf32>
      %add3A_979 = arith.addf %add3A_951, %mul3A_978 : vector<16xf32>
      %mul3A_980 = arith.mulf %bitcast3A_959, %get3A_971 : vector<16xf32>
      %add3A_981 = arith.addf %add3A_953, %mul3A_980 : vector<16xf32>
      %mul3A_982 = arith.mulf %bitcast3A_959, %get3A_975 : vector<16xf32>
      %add3A_983 = arith.addf %add3A_955, %mul3A_982 : vector<16xf32>
      %broadcast_in_dim3A_984 = arith.constant 387 : i32
      %broadcast_in_dim3A_985 = vector.broadcast %broadcast_in_dim3A_984 : i32 to vector<16xi32>
      %gather3A_986 = tpu.vector_load_idx %arg7[%broadcast_in_dim3A_985] : memref<400xi32, #tpu.memory_space<vmem>>[vector<16xi32>], vector<16xi32>,
      %bitcast3A_987 = vector.bitcast %gather3A_986 : vector<16xi32> to vector<16xf32>
      %get3A_988 = arith.constant 4 : i32
      %get3A_989 = arith.index_cast %get3A_988 : i32 to index
      %get3A_990 = arith.constant 0 : index
      %get3A_991 = tpu.vector_load %arg9[%get3A_989, %get3A_990] {strides = array<i32>} : memref<9x64xf32, #tpu.memory_space<vmem>>, vector<16xf32>,
      %get3A_992 = arith.constant 4 : i32
      %get3A_993 = arith.index_cast %get3A_992 : i32 to index
      %get3A_994 = arith.constant 16 : index
      %get3A_995 = tpu.vector_load %arg9[%get3A_993, %get3A_994] {strides = array<i32>} : memref<9x64xf32, #tpu.memory_space<vmem>>, vector<16xf32>,
      %get3A_996 = arith.constant 4 : i32
      %get3A_997 = arith.index_cast %get3A_996 : i32 to index
      %get3A_998 = arith.constant 32 : index
      %get3A_999 = tpu.vector_load %arg9[%get3A_997, %get3A_998] {strides = array<i32>} : memref<9x64xf32, #tpu.memory_space<vmem>>, vector<16xf32>,
      %get3A_1000 = arith.constant 4 : i32
      %get3A_1001 = arith.index_cast %get3A_1000 : i32 to index
      %get3A_1002 = arith.constant 48 : index
      %get3A_1003 = tpu.vector_load %arg9[%get3A_1001, %get3A_1002] {strides = array<i32>} : memref<9x64xf32, #tpu.memory_space<vmem>>, vector<16xf32>,
      %mul3A_1004 = arith.mulf %bitcast3A_987, %get3A_991 : vector<16xf32>
      %add3A_1005 = arith.addf %add3A_977, %mul3A_1004 : vector<16xf32>
      %mul3A_1006 = arith.mulf %bitcast3A_987, %get3A_995 : vector<16xf32>
      %add3A_1007 = arith.addf %add3A_979, %mul3A_1006 : vector<16xf32>
      %mul3A_1008 = arith.mulf %bitcast3A_987, %get3A_999 : vector<16xf32>
      %add3A_1009 = arith.addf %add3A_981, %mul3A_1008 : vector<16xf32>
      %mul3A_1010 = arith.mulf %bitcast3A_987, %get3A_1003 : vector<16xf32>
      %add3A_1011 = arith.addf %add3A_983, %mul3A_1010 : vector<16xf32>
      %broadcast_in_dim3A_1012 = arith.constant 388 : i32
      %broadcast_in_dim3A_1013 = vector.broadcast %broadcast_in_dim3A_1012 : i32 to vector<16xi32>
      %gather3A_1014 = tpu.vector_load_idx %arg7[%broadcast_in_dim3A_1013] : memref<400xi32, #tpu.memory_space<vmem>>[vector<16xi32>], vector<16xi32>,
      %bitcast3A_1015 = vector.bitcast %gather3A_1014 : vector<16xi32> to vector<16xf32>
      %get3A_1016 = arith.constant 5 : i32
      %get3A_1017 = arith.index_cast %get3A_1016 : i32 to index
      %get3A_1018 = arith.constant 0 : index
      %get3A_1019 = tpu.vector_load %arg9[%get3A_1017, %get3A_1018] {strides = array<i32>} : memref<9x64xf32, #tpu.memory_space<vmem>>, vector<16xf32>,
      %get3A_1020 = arith.constant 5 : i32
      %get3A_1021 = arith.index_cast %get3A_1020 : i32 to index
      %get3A_1022 = arith.constant 16 : index
      %get3A_1023 = tpu.vector_load %arg9[%get3A_1021, %get3A_1022] {strides = array<i32>} : memref<9x64xf32, #tpu.memory_space<vmem>>, vector<16xf32>,
      %get3A_1024 = arith.constant 5 : i32
      %get3A_1025 = arith.index_cast %get3A_1024 : i32 to index
      %get3A_1026 = arith.constant 32 : index
      %get3A_1027 = tpu.vector_load %arg9[%get3A_1025, %get3A_1026] {strides = array<i32>} : memref<9x64xf32, #tpu.memory_space<vmem>>, vector<16xf32>,
      %get3A_1028 = arith.constant 5 : i32
      %get3A_1029 = arith.index_cast %get3A_1028 : i32 to index
      %get3A_1030 = arith.constant 48 : index
      %get3A_1031 = tpu.vector_load %arg9[%get3A_1029, %get3A_1030] {strides = array<i32>} : memref<9x64xf32, #tpu.memory_space<vmem>>, vector<16xf32>,
      %mul3A_1032 = arith.mulf %bitcast3A_1015, %get3A_1019 : vector<16xf32>
      %add3A_1033 = arith.addf %add3A_1005, %mul3A_1032 : vector<16xf32>
      %mul3A_1034 = arith.mulf %bitcast3A_1015, %get3A_1023 : vector<16xf32>
      %add3A_1035 = arith.addf %add3A_1007, %mul3A_1034 : vector<16xf32>
      %mul3A_1036 = arith.mulf %bitcast3A_1015, %get3A_1027 : vector<16xf32>
      %add3A_1037 = arith.addf %add3A_1009, %mul3A_1036 : vector<16xf32>
      %mul3A_1038 = arith.mulf %bitcast3A_1015, %get3A_1031 : vector<16xf32>
      %add3A_1039 = arith.addf %add3A_1011, %mul3A_1038 : vector<16xf32>
      %broadcast_in_dim3A_1040 = arith.constant 389 : i32
      %broadcast_in_dim3A_1041 = vector.broadcast %broadcast_in_dim3A_1040 : i32 to vector<16xi32>
      %gather3A_1042 = tpu.vector_load_idx %arg7[%broadcast_in_dim3A_1041] : memref<400xi32, #tpu.memory_space<vmem>>[vector<16xi32>], vector<16xi32>,
      %bitcast3A_1043 = vector.bitcast %gather3A_1042 : vector<16xi32> to vector<16xf32>
      %get3A_1044 = arith.constant 6 : i32
      %get3A_1045 = arith.index_cast %get3A_1044 : i32 to index
      %get3A_1046 = arith.constant 0 : index
      %get3A_1047 = tpu.vector_load %arg9[%get3A_1045, %get3A_1046] {strides = array<i32>} : memref<9x64xf32, #tpu.memory_space<vmem>>, vector<16xf32>,
      %get3A_1048 = arith.constant 6 : i32
      %get3A_1049 = arith.index_cast %get3A_1048 : i32 to index
      %get3A_1050 = arith.constant 16 : index
      %get3A_1051 = tpu.vector_load %arg9[%get3A_1049, %get3A_1050] {strides = array<i32>} : memref<9x64xf32, #tpu.memory_space<vmem>>, vector<16xf32>,
      %get3A_1052 = arith.constant 6 : i32
      %get3A_1053 = arith.index_cast %get3A_1052 : i32 to index
      %get3A_1054 = arith.constant 32 : index
      %get3A_1055 = tpu.vector_load %arg9[%get3A_1053, %get3A_1054] {strides = array<i32>} : memref<9x64xf32, #tpu.memory_space<vmem>>, vector<16xf32>,
      %get3A_1056 = arith.constant 6 : i32
      %get3A_1057 = arith.index_cast %get3A_1056 : i32 to index
      %get3A_1058 = arith.constant 48 : index
      %get3A_1059 = tpu.vector_load %arg9[%get3A_1057, %get3A_1058] {strides = array<i32>} : memref<9x64xf32, #tpu.memory_space<vmem>>, vector<16xf32>,
      %mul3A_1060 = arith.mulf %bitcast3A_1043, %get3A_1047 : vector<16xf32>
      %add3A_1061 = arith.addf %add3A_1033, %mul3A_1060 : vector<16xf32>
      %mul3A_1062 = arith.mulf %bitcast3A_1043, %get3A_1051 : vector<16xf32>
      %add3A_1063 = arith.addf %add3A_1035, %mul3A_1062 : vector<16xf32>
      %mul3A_1064 = arith.mulf %bitcast3A_1043, %get3A_1055 : vector<16xf32>
      %add3A_1065 = arith.addf %add3A_1037, %mul3A_1064 : vector<16xf32>
      %mul3A_1066 = arith.mulf %bitcast3A_1043, %get3A_1059 : vector<16xf32>
      %add3A_1067 = arith.addf %add3A_1039, %mul3A_1066 : vector<16xf32>
      %broadcast_in_dim3A_1068 = arith.constant 390 : i32
      %broadcast_in_dim3A_1069 = vector.broadcast %broadcast_in_dim3A_1068 : i32 to vector<16xi32>
      %gather3A_1070 = tpu.vector_load_idx %arg7[%broadcast_in_dim3A_1069] : memref<400xi32, #tpu.memory_space<vmem>>[vector<16xi32>], vector<16xi32>,
      %bitcast3A_1071 = vector.bitcast %gather3A_1070 : vector<16xi32> to vector<16xf32>
      %get3A_1072 = arith.constant 7 : i32
      %get3A_1073 = arith.index_cast %get3A_1072 : i32 to index
      %get3A_1074 = arith.constant 0 : index
      %get3A_1075 = tpu.vector_load %arg9[%get3A_1073, %get3A_1074] {strides = array<i32>} : memref<9x64xf32, #tpu.memory_space<vmem>>, vector<16xf32>,
      %get3A_1076 = arith.constant 7 : i32
      %get3A_1077 = arith.index_cast %get3A_1076 : i32 to index
      %get3A_1078 = arith.constant 16 : index
      %get3A_1079 = tpu.vector_load %arg9[%get3A_1077, %get3A_1078] {strides = array<i32>} : memref<9x64xf32, #tpu.memory_space<vmem>>, vector<16xf32>,
      %get3A_1080 = arith.constant 7 : i32
      %get3A_1081 = arith.index_cast %get3A_1080 : i32 to index
      %get3A_1082 = arith.constant 32 : index
      %get3A_1083 = tpu.vector_load %arg9[%get3A_1081, %get3A_1082] {strides = array<i32>} : memref<9x64xf32, #tpu.memory_space<vmem>>, vector<16xf32>,
      %get3A_1084 = arith.constant 7 : i32
      %get3A_1085 = arith.index_cast %get3A_1084 : i32 to index
      %get3A_1086 = arith.constant 48 : index
      %get3A_1087 = tpu.vector_load %arg9[%get3A_1085, %get3A_1086] {strides = array<i32>} : memref<9x64xf32, #tpu.memory_space<vmem>>, vector<16xf32>,
      %mul3A_1088 = arith.mulf %bitcast3A_1071, %get3A_1075 : vector<16xf32>
      %add3A_1089 = arith.addf %add3A_1061, %mul3A_1088 : vector<16xf32>
      %mul3A_1090 = arith.mulf %bitcast3A_1071, %get3A_1079 : vector<16xf32>
      %add3A_1091 = arith.addf %add3A_1063, %mul3A_1090 : vector<16xf32>
      %mul3A_1092 = arith.mulf %bitcast3A_1071, %get3A_1083 : vector<16xf32>
      %add3A_1093 = arith.addf %add3A_1065, %mul3A_1092 : vector<16xf32>
      %mul3A_1094 = arith.mulf %bitcast3A_1071, %get3A_1087 : vector<16xf32>
      %add3A_1095 = arith.addf %add3A_1067, %mul3A_1094 : vector<16xf32>
      %broadcast_in_dim3A_1096 = arith.constant 391 : i32
      %broadcast_in_dim3A_1097 = vector.broadcast %broadcast_in_dim3A_1096 : i32 to vector<16xi32>
      %gather3A_1098 = tpu.vector_load_idx %arg7[%broadcast_in_dim3A_1097] : memref<400xi32, #tpu.memory_space<vmem>>[vector<16xi32>], vector<16xi32>,
      %bitcast3A_1099 = vector.bitcast %gather3A_1098 : vector<16xi32> to vector<16xf32>
      %get3A_1100 = arith.constant 8 : i32
      %get3A_1101 = arith.index_cast %get3A_1100 : i32 to index
      %get3A_1102 = arith.constant 0 : index
      %get3A_1103 = tpu.vector_load %arg9[%get3A_1101, %get3A_1102] {strides = array<i32>} : memref<9x64xf32, #tpu.memory_space<vmem>>, vector<16xf32>,
      %get3A_1104 = arith.constant 8 : i32
      %get3A_1105 = arith.index_cast %get3A_1104 : i32 to index
      %get3A_1106 = arith.constant 16 : index
      %get3A_1107 = tpu.vector_load %arg9[%get3A_1105, %get3A_1106] {strides = array<i32>} : memref<9x64xf32, #tpu.memory_space<vmem>>, vector<16xf32>,
      %get3A_1108 = arith.constant 8 : i32
      %get3A_1109 = arith.index_cast %get3A_1108 : i32 to index
      %get3A_1110 = arith.constant 32 : index
      %get3A_1111 = tpu.vector_load %arg9[%get3A_1109, %get3A_1110] {strides = array<i32>} : memref<9x64xf32, #tpu.memory_space<vmem>>, vector<16xf32>,
      %get3A_1112 = arith.constant 8 : i32
      %get3A_1113 = arith.index_cast %get3A_1112 : i32 to index
      %get3A_1114 = arith.constant 48 : index
      %get3A_1115 = tpu.vector_load %arg9[%get3A_1113, %get3A_1114] {strides = array<i32>} : memref<9x64xf32, #tpu.memory_space<vmem>>, vector<16xf32>,
      %mul3A_1116 = arith.mulf %bitcast3A_1099, %get3A_1103 : vector<16xf32>
      %add3A_1117 = arith.addf %add3A_1089, %mul3A_1116 : vector<16xf32>
      %mul3A_1118 = arith.mulf %bitcast3A_1099, %get3A_1107 : vector<16xf32>
      %add3A_1119 = arith.addf %add3A_1091, %mul3A_1118 : vector<16xf32>
      %mul3A_1120 = arith.mulf %bitcast3A_1099, %get3A_1111 : vector<16xf32>
      %add3A_1121 = arith.addf %add3A_1093, %mul3A_1120 : vector<16xf32>
      %mul3A_1122 = arith.mulf %bitcast3A_1099, %get3A_1115 : vector<16xf32>
      %add3A_1123 = arith.addf %add3A_1095, %mul3A_1122 : vector<16xf32>
      %scan3A_1124 = arith.constant 0 : i32
      %scan3A_1125 = arith.constant 20 : i32
      %scan3A_1126 = arith.addi %scan3A_1124, %scan3A_1125 : i32
      %scan3A_1127 = arith.constant 1 : i32
      scf.for %scan3A_2089 = %scan3A_1124 to %scan3A_1126 step %scan3A_1127  : i32 {
        %mul3A_2090 = arith.constant 1 : i32
        %mul3A_2091 = arith.muli %scan3A_2089, %mul3A_2090 : i32
        %add3A_2092 = arith.constant 0 : i32
        %add3A_2093 = arith.addi %add3A_2092, %mul3A_2091 : i32
        %add3A_2094 = arith.constant 33 : i32
        %add3A_2095 = arith.addi %add3A_2094, %add3A_2093 : i32
        %broadcast_in_dim3A_2096 = vector.broadcast %add3A_2095 : i32 to vector<16xi32>
        %gather3A_2097 = tpu.vector_load_idx %arg7[%broadcast_in_dim3A_2096] : memref<400xi32, #tpu.memory_space<vmem>>[vector<16xi32>], vector<16xi32>,
        %ne3A = arith.constant 0 : i32
        %ne3A_2098 = vector.broadcast %ne3A : i32 to vector<16xi32>
        %ne3A_2099 = arith.cmpi ne, %gather3A_2097, %ne3A_2098 : vector<16xi32>
        %convert_element_type3A_2100 = arith.extui %ne3A_2099 : vector<16xi1> to vector<16xi32>
        %convert_element_type3A_2101 = arith.sitofp %convert_element_type3A_2100 : vector<16xi32> to vector<16xf32>
        %sub3A = arith.constant 1.000000e+00 : f32
        %sub3A_2102 = vector.broadcast %sub3A : f32 to vector<16xf32>
        %sub3A_2103 = arith.subf %convert_element_type3A_2101, %sub3A_2102 : vector<16xf32>
        %mul3A_2104 = arith.constant 1.000000e+02 : f32
        %mul3A_2105 = vector.broadcast %mul3A_2104 : f32 to vector<16xf32>
        %mul3A_2106 = arith.mulf %sub3A_2103, %mul3A_2105 : vector<16xf32>
        %mul3A_2107 = arith.constant 24 : i32
        %mul3A_2108 = arith.muli %add3A_2093, %mul3A_2107 : i32
        %add3A_2109 = arith.constant 16 : i32
        %add3A_2110 = arith.addi %mul3A_2108, %add3A_2109 : i32
        %add3A_2111 = arith.constant 17 : i32
        %add3A_2112 = arith.addi %add3A_2111, %add3A_2093 : i32
        %get3A_2113 = arith.index_cast %add3A_2112 : i32 to index
        %get3A_2114 = arith.constant 0 : index
        %get3A_2115 = tpu.vector_load %arg11[%get3A_2113, %get3A_2114] {strides = array<i32>} : memref<37x64xf32, #tpu.memory_space<vmem>>, vector<16xf32>,
        %get3A_2116 = arith.index_cast %add3A_2112 : i32 to index
        %get3A_2117 = arith.constant 16 : index
        %get3A_2118 = tpu.vector_load %arg11[%get3A_2116, %get3A_2117] {strides = array<i32>} : memref<37x64xf32, #tpu.memory_space<vmem>>, vector<16xf32>,
        %get3A_2119 = arith.index_cast %add3A_2112 : i32 to index
        %get3A_2120 = arith.constant 32 : index
        %get3A_2121 = tpu.vector_load %arg11[%get3A_2119, %get3A_2120] {strides = array<i32>} : memref<37x64xf32, #tpu.memory_space<vmem>>, vector<16xf32>,
        %get3A_2122 = arith.index_cast %add3A_2112 : i32 to index
        %get3A_2123 = arith.constant 48 : index
        %get3A_2124 = tpu.vector_load %arg11[%get3A_2122, %get3A_2123] {strides = array<i32>} : memref<37x64xf32, #tpu.memory_space<vmem>>, vector<16xf32>,
        %mul3A_2125 = arith.mulf %get3A_2115, %add3A_1117 : vector<16xf32>
        %mul3A_2126 = arith.mulf %get3A_2118, %add3A_1119 : vector<16xf32>
        %add3A_2127 = arith.addf %mul3A_2125, %mul3A_2126 : vector<16xf32>
        %mul3A_2128 = arith.mulf %get3A_2121, %add3A_1121 : vector<16xf32>
        %add3A_2129 = arith.addf %add3A_2127, %mul3A_2128 : vector<16xf32>
        %mul3A_2130 = arith.mulf %get3A_2124, %add3A_1123 : vector<16xf32>
        %add3A_2131 = arith.addf %add3A_2129, %mul3A_2130 : vector<16xf32>
        %gather3A_2132 = vector.shape_cast %broadcast_in_dim3A_135 : vector<16x1xi32> to vector<16xi32>
        %gather3A_2133 = tpu.dynamic_gather %add3A_2131[%gather3A_2132] in [0] : vector<16xf32>, vector<16xi32> -> vector<16xf32>
        %add3A_2134 = arith.addf %add3A_2131, %gather3A_2133 : vector<16xf32>
        %gather3A_2135 = vector.shape_cast %broadcast_in_dim3A_139 : vector<16x1xi32> to vector<16xi32>
        %gather3A_2136 = tpu.dynamic_gather %add3A_2134[%gather3A_2135] in [0] : vector<16xf32>, vector<16xi32> -> vector<16xf32>
        %add3A_2137 = arith.addf %add3A_2134, %gather3A_2136 : vector<16xf32>
        %gather3A_2138 = vector.shape_cast %broadcast_in_dim3A_143 : vector<16x1xi32> to vector<16xi32>
        %gather3A_2139 = tpu.dynamic_gather %add3A_2137[%gather3A_2138] in [0] : vector<16xf32>, vector<16xi32> -> vector<16xf32>
        %add3A_2140 = arith.addf %add3A_2137, %gather3A_2139 : vector<16xf32>
        %gather3A_2141 = vector.shape_cast %broadcast_in_dim3A_147 : vector<16x1xi32> to vector<16xi32>
        %gather3A_2142 = tpu.dynamic_gather %add3A_2140[%gather3A_2141] in [0] : vector<16xf32>, vector<16xi32> -> vector<16xf32>
        %add3A_2143 = arith.addf %add3A_2140, %gather3A_2142 : vector<16xf32>
        %neg3A_2144 = arith.constant 0.000000e+00 : f32
        %neg3A_2145 = vector.broadcast %neg3A_2144 : f32 to vector<16xf32>
        %neg3A_2146 = arith.subf %neg3A_2145, %add3A_2143 : vector<16xf32>
        %mul3A_2147 = arith.mulf %neg3A_2146, %convert_element_type3A_2101 : vector<16xf32>
        %add3A_2148 = arith.addf %mul3A_2147, %mul3A_2106 : vector<16xf32>
        %broadcast_in_dim3A_2149 = vector.broadcast %add3A_2110 : i32 to vector<16xi32>
        tpu.vector_store_idx %arg17[%broadcast_in_dim3A_2149], %add3A_2148 masked %eq3A_4 : memref<480xf32, #tpu.memory_space<vmem>>[vector<16xi32>], vector<16xf32>, vector<16xi1>
        %mul3A_2150 = arith.constant 24 : i32
        %mul3A_2151 = arith.muli %add3A_2093, %mul3A_2150 : i32
        %add3A_2152 = arith.constant 0 : i32
        %add3A_2153 = arith.addi %mul3A_2151, %add3A_2152 : i32
        %mul3A_2154 = arith.constant 16 : i32
        %mul3A_2155 = arith.muli %add3A_2093, %mul3A_2154 : i32
        %add3A_2156 = arith.constant 0 : i32
        %add3A_2157 = arith.addi %mul3A_2155, %add3A_2156 : i32
        %get3A_2158 = arith.index_cast %add3A_2157 : i32 to index
        %get3A_2159 = arith.constant 0 : index
        %get3A_2160 = tpu.vector_load %arg13[%get3A_2158, %get3A_2159] {strides = array<i32>} : memref<320x64xf32, #tpu.memory_space<vmem>>, vector<16xf32>,
        %get3A_2161 = arith.index_cast %add3A_2157 : i32 to index
        %get3A_2162 = arith.constant 16 : index
        %get3A_2163 = tpu.vector_load %arg13[%get3A_2161, %get3A_2162] {strides = array<i32>} : memref<320x64xf32, #tpu.memory_space<vmem>>, vector<16xf32>,
        %get3A_2164 = arith.index_cast %add3A_2157 : i32 to index
        %get3A_2165 = arith.constant 32 : index
        %get3A_2166 = tpu.vector_load %arg13[%get3A_2164, %get3A_2165] {strides = array<i32>} : memref<320x64xf32, #tpu.memory_space<vmem>>, vector<16xf32>,
        %get3A_2167 = arith.index_cast %add3A_2157 : i32 to index
        %get3A_2168 = arith.constant 48 : index
        %get3A_2169 = tpu.vector_load %arg13[%get3A_2167, %get3A_2168] {strides = array<i32>} : memref<320x64xf32, #tpu.memory_space<vmem>>, vector<16xf32>,
        %mul3A_2170 = arith.mulf %get3A_2160, %add3A_1117 : vector<16xf32>
        %mul3A_2171 = arith.mulf %get3A_2163, %add3A_1119 : vector<16xf32>
        %add3A_2172 = arith.addf %mul3A_2170, %mul3A_2171 : vector<16xf32>
        %mul3A_2173 = arith.mulf %get3A_2166, %add3A_1121 : vector<16xf32>
        %add3A_2174 = arith.addf %add3A_2172, %mul3A_2173 : vector<16xf32>
        %mul3A_2175 = arith.mulf %get3A_2169, %add3A_1123 : vector<16xf32>
        %add3A_2176 = arith.addf %add3A_2174, %mul3A_2175 : vector<16xf32>
        %gather3A_2177 = vector.shape_cast %broadcast_in_dim3A_135 : vector<16x1xi32> to vector<16xi32>
        %gather3A_2178 = tpu.dynamic_gather %add3A_2176[%gather3A_2177] in [0] : vector<16xf32>, vector<16xi32> -> vector<16xf32>
        %add3A_2179 = arith.addf %add3A_2176, %gather3A_2178 : vector<16xf32>
        %gather3A_2180 = vector.shape_cast %broadcast_in_dim3A_139 : vector<16x1xi32> to vector<16xi32>
        %gather3A_2181 = tpu.dynamic_gather %add3A_2179[%gather3A_2180] in [0] : vector<16xf32>, vector<16xi32> -> vector<16xf32>
        %add3A_2182 = arith.addf %add3A_2179, %gather3A_2181 : vector<16xf32>
        %gather3A_2183 = vector.shape_cast %broadcast_in_dim3A_143 : vector<16x1xi32> to vector<16xi32>
        %gather3A_2184 = tpu.dynamic_gather %add3A_2182[%gather3A_2183] in [0] : vector<16xf32>, vector<16xi32> -> vector<16xf32>
        %add3A_2185 = arith.addf %add3A_2182, %gather3A_2184 : vector<16xf32>
        %gather3A_2186 = vector.shape_cast %broadcast_in_dim3A_147 : vector<16x1xi32> to vector<16xi32>
        %gather3A_2187 = tpu.dynamic_gather %add3A_2185[%gather3A_2186] in [0] : vector<16xf32>, vector<16xi32> -> vector<16xf32>
        %add3A_2188 = arith.addf %add3A_2185, %gather3A_2187 : vector<16xf32>
        %mul3A_2189 = arith.mulf %add3A_2188, %convert_element_type3A_2101 : vector<16xf32>
        %add3A_2190 = arith.addf %mul3A_2189, %mul3A_2106 : vector<16xf32>
        %broadcast_in_dim3A_2191 = vector.broadcast %add3A_2153 : i32 to vector<16xi32>
        tpu.vector_store_idx %arg17[%broadcast_in_dim3A_2191], %add3A_2190 masked %eq3A_4 : memref<480xf32, #tpu.memory_space<vmem>>[vector<16xi32>], vector<16xf32>, vector<16xi1>
        %mul3A_2192 = arith.constant 24 : i32
        %mul3A_2193 = arith.muli %add3A_2093, %mul3A_2192 : i32
        %add3A_2194 = arith.constant 1 : i32
        %add3A_2195 = arith.addi %mul3A_2193, %add3A_2194 : i32
        %mul3A_2196 = arith.constant 16 : i32
        %mul3A_2197 = arith.muli %add3A_2093, %mul3A_2196 : i32
        %add3A_2198 = arith.constant 1 : i32
        %add3A_2199 = arith.addi %mul3A_2197, %add3A_2198 : i32
        %get3A_2200 = arith.index_cast %add3A_2199 : i32 to index
        %get3A_2201 = arith.constant 0 : index
        %get3A_2202 = tpu.vector_load %arg13[%get3A_2200, %get3A_2201] {strides = array<i32>} : memref<320x64xf32, #tpu.memory_space<vmem>>, vector<16xf32>,
        %get3A_2203 = arith.index_cast %add3A_2199 : i32 to index
        %get3A_2204 = arith.constant 16 : index
        %get3A_2205 = tpu.vector_load %arg13[%get3A_2203, %get3A_2204] {strides = array<i32>} : memref<320x64xf32, #tpu.memory_space<vmem>>, vector<16xf32>,
        %get3A_2206 = arith.index_cast %add3A_2199 : i32 to index
        %get3A_2207 = arith.constant 32 : index
        %get3A_2208 = tpu.vector_load %arg13[%get3A_2206, %get3A_2207] {strides = array<i32>} : memref<320x64xf32, #tpu.memory_space<vmem>>, vector<16xf32>,
        %get3A_2209 = arith.index_cast %add3A_2199 : i32 to index
        %get3A_2210 = arith.constant 48 : index
        %get3A_2211 = tpu.vector_load %arg13[%get3A_2209, %get3A_2210] {strides = array<i32>} : memref<320x64xf32, #tpu.memory_space<vmem>>, vector<16xf32>,
        %mul3A_2212 = arith.mulf %get3A_2202, %add3A_1117 : vector<16xf32>
        %mul3A_2213 = arith.mulf %get3A_2205, %add3A_1119 : vector<16xf32>
        %add3A_2214 = arith.addf %mul3A_2212, %mul3A_2213 : vector<16xf32>
        %mul3A_2215 = arith.mulf %get3A_2208, %add3A_1121 : vector<16xf32>
        %add3A_2216 = arith.addf %add3A_2214, %mul3A_2215 : vector<16xf32>
        %mul3A_2217 = arith.mulf %get3A_2211, %add3A_1123 : vector<16xf32>
        %add3A_2218 = arith.addf %add3A_2216, %mul3A_2217 : vector<16xf32>
        %gather3A_2219 = vector.shape_cast %broadcast_in_dim3A_135 : vector<16x1xi32> to vector<16xi32>
        %gather3A_2220 = tpu.dynamic_gather %add3A_2218[%gather3A_2219] in [0] : vector<16xf32>, vector<16xi32> -> vector<16xf32>
        %add3A_2221 = arith.addf %add3A_2218, %gather3A_2220 : vector<16xf32>
        %gather3A_2222 = vector.shape_cast %broadcast_in_dim3A_139 : vector<16x1xi32> to vector<16xi32>
        %gather3A_2223 = tpu.dynamic_gather %add3A_2221[%gather3A_2222] in [0] : vector<16xf32>, vector<16xi32> -> vector<16xf32>
        %add3A_2224 = arith.addf %add3A_2221, %gather3A_2223 : vector<16xf32>
        %gather3A_2225 = vector.shape_cast %broadcast_in_dim3A_143 : vector<16x1xi32> to vector<16xi32>
        %gather3A_2226 = tpu.dynamic_gather %add3A_2224[%gather3A_2225] in [0] : vector<16xf32>, vector<16xi32> -> vector<16xf32>
        %add3A_2227 = arith.addf %add3A_2224, %gather3A_2226 : vector<16xf32>
        %gather3A_2228 = vector.shape_cast %broadcast_in_dim3A_147 : vector<16x1xi32> to vector<16xi32>
        %gather3A_2229 = tpu.dynamic_gather %add3A_2227[%gather3A_2228] in [0] : vector<16xf32>, vector<16xi32> -> vector<16xf32>
        %add3A_2230 = arith.addf %add3A_2227, %gather3A_2229 : vector<16xf32>
        %mul3A_2231 = arith.mulf %add3A_2230, %convert_element_type3A_2101 : vector<16xf32>
        %add3A_2232 = arith.addf %mul3A_2231, %mul3A_2106 : vector<16xf32>
        %broadcast_in_dim3A_2233 = vector.broadcast %add3A_2195 : i32 to vector<16xi32>
        tpu.vector_store_idx %arg17[%broadcast_in_dim3A_2233], %add3A_2232 masked %eq3A_4 : memref<480xf32, #tpu.memory_space<vmem>>[vector<16xi32>], vector<16xf32>, vector<16xi1>
        %mul3A_2234 = arith.constant 24 : i32
        %mul3A_2235 = arith.muli %add3A_2093, %mul3A_2234 : i32
        %add3A_2236 = arith.constant 2 : i32
        %add3A_2237 = arith.addi %mul3A_2235, %add3A_2236 : i32
        %mul3A_2238 = arith.constant 16 : i32
        %mul3A_2239 = arith.muli %add3A_2093, %mul3A_2238 : i32
        %add3A_2240 = arith.constant 2 : i32
        %add3A_2241 = arith.addi %mul3A_2239, %add3A_2240 : i32
        %get3A_2242 = arith.index_cast %add3A_2241 : i32 to index
        %get3A_2243 = arith.constant 0 : index
        %get3A_2244 = tpu.vector_load %arg13[%get3A_2242, %get3A_2243] {strides = array<i32>} : memref<320x64xf32, #tpu.memory_space<vmem>>, vector<16xf32>,
        %get3A_2245 = arith.index_cast %add3A_2241 : i32 to index
        %get3A_2246 = arith.constant 16 : index
        %get3A_2247 = tpu.vector_load %arg13[%get3A_2245, %get3A_2246] {strides = array<i32>} : memref<320x64xf32, #tpu.memory_space<vmem>>, vector<16xf32>,
        %get3A_2248 = arith.index_cast %add3A_2241 : i32 to index
        %get3A_2249 = arith.constant 32 : index
        %get3A_2250 = tpu.vector_load %arg13[%get3A_2248, %get3A_2249] {strides = array<i32>} : memref<320x64xf32, #tpu.memory_space<vmem>>, vector<16xf32>,
        %get3A_2251 = arith.index_cast %add3A_2241 : i32 to index
        %get3A_2252 = arith.constant 48 : index
        %get3A_2253 = tpu.vector_load %arg13[%get3A_2251, %get3A_2252] {strides = array<i32>} : memref<320x64xf32, #tpu.memory_space<vmem>>, vector<16xf32>,
        %mul3A_2254 = arith.mulf %get3A_2244, %add3A_1117 : vector<16xf32>
        %mul3A_2255 = arith.mulf %get3A_2247, %add3A_1119 : vector<16xf32>
        %add3A_2256 = arith.addf %mul3A_2254, %mul3A_2255 : vector<16xf32>
        %mul3A_2257 = arith.mulf %get3A_2250, %add3A_1121 : vector<16xf32>
        %add3A_2258 = arith.addf %add3A_2256, %mul3A_2257 : vector<16xf32>
        %mul3A_2259 = arith.mulf %get3A_2253, %add3A_1123 : vector<16xf32>
        %add3A_2260 = arith.addf %add3A_2258, %mul3A_2259 : vector<16xf32>
        %gather3A_2261 = vector.shape_cast %broadcast_in_dim3A_135 : vector<16x1xi32> to vector<16xi32>
        %gather3A_2262 = tpu.dynamic_gather %add3A_2260[%gather3A_2261] in [0] : vector<16xf32>, vector<16xi32> -> vector<16xf32>
        %add3A_2263 = arith.addf %add3A_2260, %gather3A_2262 : vector<16xf32>
        %gather3A_2264 = vector.shape_cast %broadcast_in_dim3A_139 : vector<16x1xi32> to vector<16xi32>
        %gather3A_2265 = tpu.dynamic_gather %add3A_2263[%gather3A_2264] in [0] : vector<16xf32>, vector<16xi32> -> vector<16xf32>
        %add3A_2266 = arith.addf %add3A_2263, %gather3A_2265 : vector<16xf32>
        %gather3A_2267 = vector.shape_cast %broadcast_in_dim3A_143 : vector<16x1xi32> to vector<16xi32>
        %gather3A_2268 = tpu.dynamic_gather %add3A_2266[%gather3A_2267] in [0] : vector<16xf32>, vector<16xi32> -> vector<16xf32>
        %add3A_2269 = arith.addf %add3A_2266, %gather3A_2268 : vector<16xf32>
        %gather3A_2270 = vector.shape_cast %broadcast_in_dim3A_147 : vector<16x1xi32> to vector<16xi32>
        %gather3A_2271 = tpu.dynamic_gather %add3A_2269[%gather3A_2270] in [0] : vector<16xf32>, vector<16xi32> -> vector<16xf32>
        %add3A_2272 = arith.addf %add3A_2269, %gather3A_2271 : vector<16xf32>
        %mul3A_2273 = arith.mulf %add3A_2272, %convert_element_type3A_2101 : vector<16xf32>
        %add3A_2274 = arith.addf %mul3A_2273, %mul3A_2106 : vector<16xf32>
        %broadcast_in_dim3A_2275 = vector.broadcast %add3A_2237 : i32 to vector<16xi32>
        tpu.vector_store_idx %arg17[%broadcast_in_dim3A_2275], %add3A_2274 masked %eq3A_4 : memref<480xf32, #tpu.memory_space<vmem>>[vector<16xi32>], vector<16xf32>, vector<16xi1>
        %mul3A_2276 = arith.constant 24 : i32
        %mul3A_2277 = arith.muli %add3A_2093, %mul3A_2276 : i32
        %add3A_2278 = arith.constant 3 : i32
        %add3A_2279 = arith.addi %mul3A_2277, %add3A_2278 : i32
        %mul3A_2280 = arith.constant 16 : i32
        %mul3A_2281 = arith.muli %add3A_2093, %mul3A_2280 : i32
        %add3A_2282 = arith.constant 3 : i32
        %add3A_2283 = arith.addi %mul3A_2281, %add3A_2282 : i32
        %get3A_2284 = arith.index_cast %add3A_2283 : i32 to index
        %get3A_2285 = arith.constant 0 : index
        %get3A_2286 = tpu.vector_load %arg13[%get3A_2284, %get3A_2285] {strides = array<i32>} : memref<320x64xf32, #tpu.memory_space<vmem>>, vector<16xf32>,
        %get3A_2287 = arith.index_cast %add3A_2283 : i32 to index
        %get3A_2288 = arith.constant 16 : index
        %get3A_2289 = tpu.vector_load %arg13[%get3A_2287, %get3A_2288] {strides = array<i32>} : memref<320x64xf32, #tpu.memory_space<vmem>>, vector<16xf32>,
        %get3A_2290 = arith.index_cast %add3A_2283 : i32 to index
        %get3A_2291 = arith.constant 32 : index
        %get3A_2292 = tpu.vector_load %arg13[%get3A_2290, %get3A_2291] {strides = array<i32>} : memref<320x64xf32, #tpu.memory_space<vmem>>, vector<16xf32>,
        %get3A_2293 = arith.index_cast %add3A_2283 : i32 to index
        %get3A_2294 = arith.constant 48 : index
        %get3A_2295 = tpu.vector_load %arg13[%get3A_2293, %get3A_2294] {strides = array<i32>} : memref<320x64xf32, #tpu.memory_space<vmem>>, vector<16xf32>,
        %mul3A_2296 = arith.mulf %get3A_2286, %add3A_1117 : vector<16xf32>
        %mul3A_2297 = arith.mulf %get3A_2289, %add3A_1119 : vector<16xf32>
        %add3A_2298 = arith.addf %mul3A_2296, %mul3A_2297 : vector<16xf32>
        %mul3A_2299 = arith.mulf %get3A_2292, %add3A_1121 : vector<16xf32>
        %add3A_2300 = arith.addf %add3A_2298, %mul3A_2299 : vector<16xf32>
        %mul3A_2301 = arith.mulf %get3A_2295, %add3A_1123 : vector<16xf32>
        %add3A_2302 = arith.addf %add3A_2300, %mul3A_2301 : vector<16xf32>
        %gather3A_2303 = vector.shape_cast %broadcast_in_dim3A_135 : vector<16x1xi32> to vector<16xi32>
        %gather3A_2304 = tpu.dynamic_gather %add3A_2302[%gather3A_2303] in [0] : vector<16xf32>, vector<16xi32> -> vector<16xf32>
        %add3A_2305 = arith.addf %add3A_2302, %gather3A_2304 : vector<16xf32>
        %gather3A_2306 = vector.shape_cast %broadcast_in_dim3A_139 : vector<16x1xi32> to vector<16xi32>
        %gather3A_2307 = tpu.dynamic_gather %add3A_2305[%gather3A_2306] in [0] : vector<16xf32>, vector<16xi32> -> vector<16xf32>
        %add3A_2308 = arith.addf %add3A_2305, %gather3A_2307 : vector<16xf32>
        %gather3A_2309 = vector.shape_cast %broadcast_in_dim3A_143 : vector<16x1xi32> to vector<16xi32>
        %gather3A_2310 = tpu.dynamic_gather %add3A_2308[%gather3A_2309] in [0] : vector<16xf32>, vector<16xi32> -> vector<16xf32>
        %add3A_2311 = arith.addf %add3A_2308, %gather3A_2310 : vector<16xf32>
        %gather3A_2312 = vector.shape_cast %broadcast_in_dim3A_147 : vector<16x1xi32> to vector<16xi32>
        %gather3A_2313 = tpu.dynamic_gather %add3A_2311[%gather3A_2312] in [0] : vector<16xf32>, vector<16xi32> -> vector<16xf32>
        %add3A_2314 = arith.addf %add3A_2311, %gather3A_2313 : vector<16xf32>
        %mul3A_2315 = arith.mulf %add3A_2314, %convert_element_type3A_2101 : vector<16xf32>
        %add3A_2316 = arith.addf %mul3A_2315, %mul3A_2106 : vector<16xf32>
        %broadcast_in_dim3A_2317 = vector.broadcast %add3A_2279 : i32 to vector<16xi32>
        tpu.vector_store_idx %arg17[%broadcast_in_dim3A_2317], %add3A_2316 masked %eq3A_4 : memref<480xf32, #tpu.memory_space<vmem>>[vector<16xi32>], vector<16xf32>, vector<16xi1>
        %mul3A_2318 = arith.constant 24 : i32
        %mul3A_2319 = arith.muli %add3A_2093, %mul3A_2318 : i32
        %add3A_2320 = arith.constant 4 : i32
        %add3A_2321 = arith.addi %mul3A_2319, %add3A_2320 : i32
        %mul3A_2322 = arith.constant 16 : i32
        %mul3A_2323 = arith.muli %add3A_2093, %mul3A_2322 : i32
        %add3A_2324 = arith.constant 4 : i32
        %add3A_2325 = arith.addi %mul3A_2323, %add3A_2324 : i32
        %get3A_2326 = arith.index_cast %add3A_2325 : i32 to index
        %get3A_2327 = arith.constant 0 : index
        %get3A_2328 = tpu.vector_load %arg13[%get3A_2326, %get3A_2327] {strides = array<i32>} : memref<320x64xf32, #tpu.memory_space<vmem>>, vector<16xf32>,
        %get3A_2329 = arith.index_cast %add3A_2325 : i32 to index
        %get3A_2330 = arith.constant 16 : index
        %get3A_2331 = tpu.vector_load %arg13[%get3A_2329, %get3A_2330] {strides = array<i32>} : memref<320x64xf32, #tpu.memory_space<vmem>>, vector<16xf32>,
        %get3A_2332 = arith.index_cast %add3A_2325 : i32 to index
        %get3A_2333 = arith.constant 32 : index
        %get3A_2334 = tpu.vector_load %arg13[%get3A_2332, %get3A_2333] {strides = array<i32>} : memref<320x64xf32, #tpu.memory_space<vmem>>, vector<16xf32>,
        %get3A_2335 = arith.index_cast %add3A_2325 : i32 to index
        %get3A_2336 = arith.constant 48 : index
        %get3A_2337 = tpu.vector_load %arg13[%get3A_2335, %get3A_2336] {strides = array<i32>} : memref<320x64xf32, #tpu.memory_space<vmem>>, vector<16xf32>,
        %mul3A_2338 = arith.mulf %get3A_2328, %add3A_1117 : vector<16xf32>
        %mul3A_2339 = arith.mulf %get3A_2331, %add3A_1119 : vector<16xf32>
        %add3A_2340 = arith.addf %mul3A_2338, %mul3A_2339 : vector<16xf32>
        %mul3A_2341 = arith.mulf %get3A_2334, %add3A_1121 : vector<16xf32>
        %add3A_2342 = arith.addf %add3A_2340, %mul3A_2341 : vector<16xf32>
        %mul3A_2343 = arith.mulf %get3A_2337, %add3A_1123 : vector<16xf32>
        %add3A_2344 = arith.addf %add3A_2342, %mul3A_2343 : vector<16xf32>
        %gather3A_2345 = vector.shape_cast %broadcast_in_dim3A_135 : vector<16x1xi32> to vector<16xi32>
        %gather3A_2346 = tpu.dynamic_gather %add3A_2344[%gather3A_2345] in [0] : vector<16xf32>, vector<16xi32> -> vector<16xf32>
        %add3A_2347 = arith.addf %add3A_2344, %gather3A_2346 : vector<16xf32>
        %gather3A_2348 = vector.shape_cast %broadcast_in_dim3A_139 : vector<16x1xi32> to vector<16xi32>
        %gather3A_2349 = tpu.dynamic_gather %add3A_2347[%gather3A_2348] in [0] : vector<16xf32>, vector<16xi32> -> vector<16xf32>
        %add3A_2350 = arith.addf %add3A_2347, %gather3A_2349 : vector<16xf32>
        %gather3A_2351 = vector.shape_cast %broadcast_in_dim3A_143 : vector<16x1xi32> to vector<16xi32>
        %gather3A_2352 = tpu.dynamic_gather %add3A_2350[%gather3A_2351] in [0] : vector<16xf32>, vector<16xi32> -> vector<16xf32>
        %add3A_2353 = arith.addf %add3A_2350, %gather3A_2352 : vector<16xf32>
        %gather3A_2354 = vector.shape_cast %broadcast_in_dim3A_147 : vector<16x1xi32> to vector<16xi32>
        %gather3A_2355 = tpu.dynamic_gather %add3A_2353[%gather3A_2354] in [0] : vector<16xf32>, vector<16xi32> -> vector<16xf32>
        %add3A_2356 = arith.addf %add3A_2353, %gather3A_2355 : vector<16xf32>
        %mul3A_2357 = arith.mulf %add3A_2356, %convert_element_type3A_2101 : vector<16xf32>
        %add3A_2358 = arith.addf %mul3A_2357, %mul3A_2106 : vector<16xf32>
        %broadcast_in_dim3A_2359 = vector.broadcast %add3A_2321 : i32 to vector<16xi32>
        tpu.vector_store_idx %arg17[%broadcast_in_dim3A_2359], %add3A_2358 masked %eq3A_4 : memref<480xf32, #tpu.memory_space<vmem>>[vector<16xi32>], vector<16xf32>, vector<16xi1>
        %mul3A_2360 = arith.constant 24 : i32
        %mul3A_2361 = arith.muli %add3A_2093, %mul3A_2360 : i32
        %add3A_2362 = arith.constant 5 : i32
        %add3A_2363 = arith.addi %mul3A_2361, %add3A_2362 : i32
        %mul3A_2364 = arith.constant 16 : i32
        %mul3A_2365 = arith.muli %add3A_2093, %mul3A_2364 : i32
        %add3A_2366 = arith.constant 5 : i32
        %add3A_2367 = arith.addi %mul3A_2365, %add3A_2366 : i32
        %get3A_2368 = arith.index_cast %add3A_2367 : i32 to index
        %get3A_2369 = arith.constant 0 : index
        %get3A_2370 = tpu.vector_load %arg13[%get3A_2368, %get3A_2369] {strides = array<i32>} : memref<320x64xf32, #tpu.memory_space<vmem>>, vector<16xf32>,
        %get3A_2371 = arith.index_cast %add3A_2367 : i32 to index
        %get3A_2372 = arith.constant 16 : index
        %get3A_2373 = tpu.vector_load %arg13[%get3A_2371, %get3A_2372] {strides = array<i32>} : memref<320x64xf32, #tpu.memory_space<vmem>>, vector<16xf32>,
        %get3A_2374 = arith.index_cast %add3A_2367 : i32 to index
        %get3A_2375 = arith.constant 32 : index
        %get3A_2376 = tpu.vector_load %arg13[%get3A_2374, %get3A_2375] {strides = array<i32>} : memref<320x64xf32, #tpu.memory_space<vmem>>, vector<16xf32>,
        %get3A_2377 = arith.index_cast %add3A_2367 : i32 to index
        %get3A_2378 = arith.constant 48 : index
        %get3A_2379 = tpu.vector_load %arg13[%get3A_2377, %get3A_2378] {strides = array<i32>} : memref<320x64xf32, #tpu.memory_space<vmem>>, vector<16xf32>,
        %mul3A_2380 = arith.mulf %get3A_2370, %add3A_1117 : vector<16xf32>
        %mul3A_2381 = arith.mulf %get3A_2373, %add3A_1119 : vector<16xf32>
        %add3A_2382 = arith.addf %mul3A_2380, %mul3A_2381 : vector<16xf32>
        %mul3A_2383 = arith.mulf %get3A_2376, %add3A_1121 : vector<16xf32>
        %add3A_2384 = arith.addf %add3A_2382, %mul3A_2383 : vector<16xf32>
        %mul3A_2385 = arith.mulf %get3A_2379, %add3A_1123 : vector<16xf32>
        %add3A_2386 = arith.addf %add3A_2384, %mul3A_2385 : vector<16xf32>
        %gather3A_2387 = vector.shape_cast %broadcast_in_dim3A_135 : vector<16x1xi32> to vector<16xi32>
        %gather3A_2388 = tpu.dynamic_gather %add3A_2386[%gather3A_2387] in [0] : vector<16xf32>, vector<16xi32> -> vector<16xf32>
        %add3A_2389 = arith.addf %add3A_2386, %gather3A_2388 : vector<16xf32>
        %gather3A_2390 = vector.shape_cast %broadcast_in_dim3A_139 : vector<16x1xi32> to vector<16xi32>
        %gather3A_2391 = tpu.dynamic_gather %add3A_2389[%gather3A_2390] in [0] : vector<16xf32>, vector<16xi32> -> vector<16xf32>
        %add3A_2392 = arith.addf %add3A_2389, %gather3A_2391 : vector<16xf32>
        %gather3A_2393 = vector.shape_cast %broadcast_in_dim3A_143 : vector<16x1xi32> to vector<16xi32>
        %gather3A_2394 = tpu.dynamic_gather %add3A_2392[%gather3A_2393] in [0] : vector<16xf32>, vector<16xi32> -> vector<16xf32>
        %add3A_2395 = arith.addf %add3A_2392, %gather3A_2394 : vector<16xf32>
        %gather3A_2396 = vector.shape_cast %broadcast_in_dim3A_147 : vector<16x1xi32> to vector<16xi32>
        %gather3A_2397 = tpu.dynamic_gather %add3A_2395[%gather3A_2396] in [0] : vector<16xf32>, vector<16xi32> -> vector<16xf32>
        %add3A_2398 = arith.addf %add3A_2395, %gather3A_2397 : vector<16xf32>
        %mul3A_2399 = arith.mulf %add3A_2398, %convert_element_type3A_2101 : vector<16xf32>
        %add3A_2400 = arith.addf %mul3A_2399, %mul3A_2106 : vector<16xf32>
        %broadcast_in_dim3A_2401 = vector.broadcast %add3A_2363 : i32 to vector<16xi32>
        tpu.vector_store_idx %arg17[%broadcast_in_dim3A_2401], %add3A_2400 masked %eq3A_4 : memref<480xf32, #tpu.memory_space<vmem>>[vector<16xi32>], vector<16xf32>, vector<16xi1>
        %mul3A_2402 = arith.constant 24 : i32
        %mul3A_2403 = arith.muli %add3A_2093, %mul3A_2402 : i32
        %add3A_2404 = arith.constant 6 : i32
        %add3A_2405 = arith.addi %mul3A_2403, %add3A_2404 : i32
        %mul3A_2406 = arith.constant 16 : i32
        %mul3A_2407 = arith.muli %add3A_2093, %mul3A_2406 : i32
        %add3A_2408 = arith.constant 6 : i32
        %add3A_2409 = arith.addi %mul3A_2407, %add3A_2408 : i32
        %get3A_2410 = arith.index_cast %add3A_2409 : i32 to index
        %get3A_2411 = arith.constant 0 : index
        %get3A_2412 = tpu.vector_load %arg13[%get3A_2410, %get3A_2411] {strides = array<i32>} : memref<320x64xf32, #tpu.memory_space<vmem>>, vector<16xf32>,
        %get3A_2413 = arith.index_cast %add3A_2409 : i32 to index
        %get3A_2414 = arith.constant 16 : index
        %get3A_2415 = tpu.vector_load %arg13[%get3A_2413, %get3A_2414] {strides = array<i32>} : memref<320x64xf32, #tpu.memory_space<vmem>>, vector<16xf32>,
        %get3A_2416 = arith.index_cast %add3A_2409 : i32 to index
        %get3A_2417 = arith.constant 32 : index
        %get3A_2418 = tpu.vector_load %arg13[%get3A_2416, %get3A_2417] {strides = array<i32>} : memref<320x64xf32, #tpu.memory_space<vmem>>, vector<16xf32>,
        %get3A_2419 = arith.index_cast %add3A_2409 : i32 to index
        %get3A_2420 = arith.constant 48 : index
        %get3A_2421 = tpu.vector_load %arg13[%get3A_2419, %get3A_2420] {strides = array<i32>} : memref<320x64xf32, #tpu.memory_space<vmem>>, vector<16xf32>,
        %mul3A_2422 = arith.mulf %get3A_2412, %add3A_1117 : vector<16xf32>
        %mul3A_2423 = arith.mulf %get3A_2415, %add3A_1119 : vector<16xf32>
        %add3A_2424 = arith.addf %mul3A_2422, %mul3A_2423 : vector<16xf32>
        %mul3A_2425 = arith.mulf %get3A_2418, %add3A_1121 : vector<16xf32>
        %add3A_2426 = arith.addf %add3A_2424, %mul3A_2425 : vector<16xf32>
        %mul3A_2427 = arith.mulf %get3A_2421, %add3A_1123 : vector<16xf32>
        %add3A_2428 = arith.addf %add3A_2426, %mul3A_2427 : vector<16xf32>
        %gather3A_2429 = vector.shape_cast %broadcast_in_dim3A_135 : vector<16x1xi32> to vector<16xi32>
        %gather3A_2430 = tpu.dynamic_gather %add3A_2428[%gather3A_2429] in [0] : vector<16xf32>, vector<16xi32> -> vector<16xf32>
        %add3A_2431 = arith.addf %add3A_2428, %gather3A_2430 : vector<16xf32>
        %gather3A_2432 = vector.shape_cast %broadcast_in_dim3A_139 : vector<16x1xi32> to vector<16xi32>
        %gather3A_2433 = tpu.dynamic_gather %add3A_2431[%gather3A_2432] in [0] : vector<16xf32>, vector<16xi32> -> vector<16xf32>
        %add3A_2434 = arith.addf %add3A_2431, %gather3A_2433 : vector<16xf32>
        %gather3A_2435 = vector.shape_cast %broadcast_in_dim3A_143 : vector<16x1xi32> to vector<16xi32>
        %gather3A_2436 = tpu.dynamic_gather %add3A_2434[%gather3A_2435] in [0] : vector<16xf32>, vector<16xi32> -> vector<16xf32>
        %add3A_2437 = arith.addf %add3A_2434, %gather3A_2436 : vector<16xf32>
        %gather3A_2438 = vector.shape_cast %broadcast_in_dim3A_147 : vector<16x1xi32> to vector<16xi32>
        %gather3A_2439 = tpu.dynamic_gather %add3A_2437[%gather3A_2438] in [0] : vector<16xf32>, vector<16xi32> -> vector<16xf32>
        %add3A_2440 = arith.addf %add3A_2437, %gather3A_2439 : vector<16xf32>
        %mul3A_2441 = arith.mulf %add3A_2440, %convert_element_type3A_2101 : vector<16xf32>
        %add3A_2442 = arith.addf %mul3A_2441, %mul3A_2106 : vector<16xf32>
        %broadcast_in_dim3A_2443 = vector.broadcast %add3A_2405 : i32 to vector<16xi32>
        tpu.vector_store_idx %arg17[%broadcast_in_dim3A_2443], %add3A_2442 masked %eq3A_4 : memref<480xf32, #tpu.memory_space<vmem>>[vector<16xi32>], vector<16xf32>, vector<16xi1>
        %mul3A_2444 = arith.constant 24 : i32
        %mul3A_2445 = arith.muli %add3A_2093, %mul3A_2444 : i32
        %add3A_2446 = arith.constant 7 : i32
        %add3A_2447 = arith.addi %mul3A_2445, %add3A_2446 : i32
        %mul3A_2448 = arith.constant 16 : i32
        %mul3A_2449 = arith.muli %add3A_2093, %mul3A_2448 : i32
        %add3A_2450 = arith.constant 7 : i32
        %add3A_2451 = arith.addi %mul3A_2449, %add3A_2450 : i32
        %get3A_2452 = arith.index_cast %add3A_2451 : i32 to index
        %get3A_2453 = arith.constant 0 : index
        %get3A_2454 = tpu.vector_load %arg13[%get3A_2452, %get3A_2453] {strides = array<i32>} : memref<320x64xf32, #tpu.memory_space<vmem>>, vector<16xf32>,
        %get3A_2455 = arith.index_cast %add3A_2451 : i32 to index
        %get3A_2456 = arith.constant 16 : index
        %get3A_2457 = tpu.vector_load %arg13[%get3A_2455, %get3A_2456] {strides = array<i32>} : memref<320x64xf32, #tpu.memory_space<vmem>>, vector<16xf32>,
        %get3A_2458 = arith.index_cast %add3A_2451 : i32 to index
        %get3A_2459 = arith.constant 32 : index
        %get3A_2460 = tpu.vector_load %arg13[%get3A_2458, %get3A_2459] {strides = array<i32>} : memref<320x64xf32, #tpu.memory_space<vmem>>, vector<16xf32>,
        %get3A_2461 = arith.index_cast %add3A_2451 : i32 to index
        %get3A_2462 = arith.constant 48 : index
        %get3A_2463 = tpu.vector_load %arg13[%get3A_2461, %get3A_2462] {strides = array<i32>} : memref<320x64xf32, #tpu.memory_space<vmem>>, vector<16xf32>,
        %mul3A_2464 = arith.mulf %get3A_2454, %add3A_1117 : vector<16xf32>
        %mul3A_2465 = arith.mulf %get3A_2457, %add3A_1119 : vector<16xf32>
        %add3A_2466 = arith.addf %mul3A_2464, %mul3A_2465 : vector<16xf32>
        %mul3A_2467 = arith.mulf %get3A_2460, %add3A_1121 : vector<16xf32>
        %add3A_2468 = arith.addf %add3A_2466, %mul3A_2467 : vector<16xf32>
        %mul3A_2469 = arith.mulf %get3A_2463, %add3A_1123 : vector<16xf32>
        %add3A_2470 = arith.addf %add3A_2468, %mul3A_2469 : vector<16xf32>
        %gather3A_2471 = vector.shape_cast %broadcast_in_dim3A_135 : vector<16x1xi32> to vector<16xi32>
        %gather3A_2472 = tpu.dynamic_gather %add3A_2470[%gather3A_2471] in [0] : vector<16xf32>, vector<16xi32> -> vector<16xf32>
        %add3A_2473 = arith.addf %add3A_2470, %gather3A_2472 : vector<16xf32>
        %gather3A_2474 = vector.shape_cast %broadcast_in_dim3A_139 : vector<16x1xi32> to vector<16xi32>
        %gather3A_2475 = tpu.dynamic_gather %add3A_2473[%gather3A_2474] in [0] : vector<16xf32>, vector<16xi32> -> vector<16xf32>
        %add3A_2476 = arith.addf %add3A_2473, %gather3A_2475 : vector<16xf32>
        %gather3A_2477 = vector.shape_cast %broadcast_in_dim3A_143 : vector<16x1xi32> to vector<16xi32>
        %gather3A_2478 = tpu.dynamic_gather %add3A_2476[%gather3A_2477] in [0] : vector<16xf32>, vector<16xi32> -> vector<16xf32>
        %add3A_2479 = arith.addf %add3A_2476, %gather3A_2478 : vector<16xf32>
        %gather3A_2480 = vector.shape_cast %broadcast_in_dim3A_147 : vector<16x1xi32> to vector<16xi32>
        %gather3A_2481 = tpu.dynamic_gather %add3A_2479[%gather3A_2480] in [0] : vector<16xf32>, vector<16xi32> -> vector<16xf32>
        %add3A_2482 = arith.addf %add3A_2479, %gather3A_2481 : vector<16xf32>
        %mul3A_2483 = arith.mulf %add3A_2482, %convert_element_type3A_2101 : vector<16xf32>
        %add3A_2484 = arith.addf %mul3A_2483, %mul3A_2106 : vector<16xf32>
        %broadcast_in_dim3A_2485 = vector.broadcast %add3A_2447 : i32 to vector<16xi32>
        tpu.vector_store_idx %arg17[%broadcast_in_dim3A_2485], %add3A_2484 masked %eq3A_4 : memref<480xf32, #tpu.memory_space<vmem>>[vector<16xi32>], vector<16xf32>, vector<16xi1>
        %mul3A_2486 = arith.constant 24 : i32
        %mul3A_2487 = arith.muli %add3A_2093, %mul3A_2486 : i32
        %add3A_2488 = arith.constant 8 : i32
        %add3A_2489 = arith.addi %mul3A_2487, %add3A_2488 : i32
        %mul3A_2490 = arith.constant 16 : i32
        %mul3A_2491 = arith.muli %add3A_2093, %mul3A_2490 : i32
        %add3A_2492 = arith.constant 8 : i32
        %add3A_2493 = arith.addi %mul3A_2491, %add3A_2492 : i32
        %get3A_2494 = arith.index_cast %add3A_2493 : i32 to index
        %get3A_2495 = arith.constant 0 : index
        %get3A_2496 = tpu.vector_load %arg13[%get3A_2494, %get3A_2495] {strides = array<i32>} : memref<320x64xf32, #tpu.memory_space<vmem>>, vector<16xf32>,
        %get3A_2497 = arith.index_cast %add3A_2493 : i32 to index
        %get3A_2498 = arith.constant 16 : index
        %get3A_2499 = tpu.vector_load %arg13[%get3A_2497, %get3A_2498] {strides = array<i32>} : memref<320x64xf32, #tpu.memory_space<vmem>>, vector<16xf32>,
        %get3A_2500 = arith.index_cast %add3A_2493 : i32 to index
        %get3A_2501 = arith.constant 32 : index
        %get3A_2502 = tpu.vector_load %arg13[%get3A_2500, %get3A_2501] {strides = array<i32>} : memref<320x64xf32, #tpu.memory_space<vmem>>, vector<16xf32>,
        %get3A_2503 = arith.index_cast %add3A_2493 : i32 to index
        %get3A_2504 = arith.constant 48 : index
        %get3A_2505 = tpu.vector_load %arg13[%get3A_2503, %get3A_2504] {strides = array<i32>} : memref<320x64xf32, #tpu.memory_space<vmem>>, vector<16xf32>,
        %mul3A_2506 = arith.mulf %get3A_2496, %add3A_1117 : vector<16xf32>
        %mul3A_2507 = arith.mulf %get3A_2499, %add3A_1119 : vector<16xf32>
        %add3A_2508 = arith.addf %mul3A_2506, %mul3A_2507 : vector<16xf32>
        %mul3A_2509 = arith.mulf %get3A_2502, %add3A_1121 : vector<16xf32>
        %add3A_2510 = arith.addf %add3A_2508, %mul3A_2509 : vector<16xf32>
        %mul3A_2511 = arith.mulf %get3A_2505, %add3A_1123 : vector<16xf32>
        %add3A_2512 = arith.addf %add3A_2510, %mul3A_2511 : vector<16xf32>
        %gather3A_2513 = vector.shape_cast %broadcast_in_dim3A_135 : vector<16x1xi32> to vector<16xi32>
        %gather3A_2514 = tpu.dynamic_gather %add3A_2512[%gather3A_2513] in [0] : vector<16xf32>, vector<16xi32> -> vector<16xf32>
        %add3A_2515 = arith.addf %add3A_2512, %gather3A_2514 : vector<16xf32>
        %gather3A_2516 = vector.shape_cast %broadcast_in_dim3A_139 : vector<16x1xi32> to vector<16xi32>
        %gather3A_2517 = tpu.dynamic_gather %add3A_2515[%gather3A_2516] in [0] : vector<16xf32>, vector<16xi32> -> vector<16xf32>
        %add3A_2518 = arith.addf %add3A_2515, %gather3A_2517 : vector<16xf32>
        %gather3A_2519 = vector.shape_cast %broadcast_in_dim3A_143 : vector<16x1xi32> to vector<16xi32>
        %gather3A_2520 = tpu.dynamic_gather %add3A_2518[%gather3A_2519] in [0] : vector<16xf32>, vector<16xi32> -> vector<16xf32>
        %add3A_2521 = arith.addf %add3A_2518, %gather3A_2520 : vector<16xf32>
        %gather3A_2522 = vector.shape_cast %broadcast_in_dim3A_147 : vector<16x1xi32> to vector<16xi32>
        %gather3A_2523 = tpu.dynamic_gather %add3A_2521[%gather3A_2522] in [0] : vector<16xf32>, vector<16xi32> -> vector<16xf32>
        %add3A_2524 = arith.addf %add3A_2521, %gather3A_2523 : vector<16xf32>
        %mul3A_2525 = arith.mulf %add3A_2524, %convert_element_type3A_2101 : vector<16xf32>
        %add3A_2526 = arith.addf %mul3A_2525, %mul3A_2106 : vector<16xf32>
        %broadcast_in_dim3A_2527 = vector.broadcast %add3A_2489 : i32 to vector<16xi32>
        tpu.vector_store_idx %arg17[%broadcast_in_dim3A_2527], %add3A_2526 masked %eq3A_4 : memref<480xf32, #tpu.memory_space<vmem>>[vector<16xi32>], vector<16xf32>, vector<16xi1>
        %mul3A_2528 = arith.constant 24 : i32
        %mul3A_2529 = arith.muli %add3A_2093, %mul3A_2528 : i32
        %add3A_2530 = arith.constant 9 : i32
        %add3A_2531 = arith.addi %mul3A_2529, %add3A_2530 : i32
        %mul3A_2532 = arith.constant 16 : i32
        %mul3A_2533 = arith.muli %add3A_2093, %mul3A_2532 : i32
        %add3A_2534 = arith.constant 9 : i32
        %add3A_2535 = arith.addi %mul3A_2533, %add3A_2534 : i32
        %get3A_2536 = arith.index_cast %add3A_2535 : i32 to index
        %get3A_2537 = arith.constant 0 : index
        %get3A_2538 = tpu.vector_load %arg13[%get3A_2536, %get3A_2537] {strides = array<i32>} : memref<320x64xf32, #tpu.memory_space<vmem>>, vector<16xf32>,
        %get3A_2539 = arith.index_cast %add3A_2535 : i32 to index
        %get3A_2540 = arith.constant 16 : index
        %get3A_2541 = tpu.vector_load %arg13[%get3A_2539, %get3A_2540] {strides = array<i32>} : memref<320x64xf32, #tpu.memory_space<vmem>>, vector<16xf32>,
        %get3A_2542 = arith.index_cast %add3A_2535 : i32 to index
        %get3A_2543 = arith.constant 32 : index
        %get3A_2544 = tpu.vector_load %arg13[%get3A_2542, %get3A_2543] {strides = array<i32>} : memref<320x64xf32, #tpu.memory_space<vmem>>, vector<16xf32>,
        %get3A_2545 = arith.index_cast %add3A_2535 : i32 to index
        %get3A_2546 = arith.constant 48 : index
        %get3A_2547 = tpu.vector_load %arg13[%get3A_2545, %get3A_2546] {strides = array<i32>} : memref<320x64xf32, #tpu.memory_space<vmem>>, vector<16xf32>,
        %mul3A_2548 = arith.mulf %get3A_2538, %add3A_1117 : vector<16xf32>
        %mul3A_2549 = arith.mulf %get3A_2541, %add3A_1119 : vector<16xf32>
        %add3A_2550 = arith.addf %mul3A_2548, %mul3A_2549 : vector<16xf32>
        %mul3A_2551 = arith.mulf %get3A_2544, %add3A_1121 : vector<16xf32>
        %add3A_2552 = arith.addf %add3A_2550, %mul3A_2551 : vector<16xf32>
        %mul3A_2553 = arith.mulf %get3A_2547, %add3A_1123 : vector<16xf32>
        %add3A_2554 = arith.addf %add3A_2552, %mul3A_2553 : vector<16xf32>
        %gather3A_2555 = vector.shape_cast %broadcast_in_dim3A_135 : vector<16x1xi32> to vector<16xi32>
        %gather3A_2556 = tpu.dynamic_gather %add3A_2554[%gather3A_2555] in [0] : vector<16xf32>, vector<16xi32> -> vector<16xf32>
        %add3A_2557 = arith.addf %add3A_2554, %gather3A_2556 : vector<16xf32>
        %gather3A_2558 = vector.shape_cast %broadcast_in_dim3A_139 : vector<16x1xi32> to vector<16xi32>
        %gather3A_2559 = tpu.dynamic_gather %add3A_2557[%gather3A_2558] in [0] : vector<16xf32>, vector<16xi32> -> vector<16xf32>
        %add3A_2560 = arith.addf %add3A_2557, %gather3A_2559 : vector<16xf32>
        %gather3A_2561 = vector.shape_cast %broadcast_in_dim3A_143 : vector<16x1xi32> to vector<16xi32>
        %gather3A_2562 = tpu.dynamic_gather %add3A_2560[%gather3A_2561] in [0] : vector<16xf32>, vector<16xi32> -> vector<16xf32>
        %add3A_2563 = arith.addf %add3A_2560, %gather3A_2562 : vector<16xf32>
        %gather3A_2564 = vector.shape_cast %broadcast_in_dim3A_147 : vector<16x1xi32> to vector<16xi32>
        %gather3A_2565 = tpu.dynamic_gather %add3A_2563[%gather3A_2564] in [0] : vector<16xf32>, vector<16xi32> -> vector<16xf32>
        %add3A_2566 = arith.addf %add3A_2563, %gather3A_2565 : vector<16xf32>
        %mul3A_2567 = arith.mulf %add3A_2566, %convert_element_type3A_2101 : vector<16xf32>
        %add3A_2568 = arith.addf %mul3A_2567, %mul3A_2106 : vector<16xf32>
        %broadcast_in_dim3A_2569 = vector.broadcast %add3A_2531 : i32 to vector<16xi32>
        tpu.vector_store_idx %arg17[%broadcast_in_dim3A_2569], %add3A_2568 masked %eq3A_4 : memref<480xf32, #tpu.memory_space<vmem>>[vector<16xi32>], vector<16xf32>, vector<16xi1>
        %mul3A_2570 = arith.constant 24 : i32
        %mul3A_2571 = arith.muli %add3A_2093, %mul3A_2570 : i32
        %add3A_2572 = arith.constant 10 : i32
        %add3A_2573 = arith.addi %mul3A_2571, %add3A_2572 : i32
        %mul3A_2574 = arith.constant 16 : i32
        %mul3A_2575 = arith.muli %add3A_2093, %mul3A_2574 : i32
        %add3A_2576 = arith.constant 10 : i32
        %add3A_2577 = arith.addi %mul3A_2575, %add3A_2576 : i32
        %get3A_2578 = arith.index_cast %add3A_2577 : i32 to index
        %get3A_2579 = arith.constant 0 : index
        %get3A_2580 = tpu.vector_load %arg13[%get3A_2578, %get3A_2579] {strides = array<i32>} : memref<320x64xf32, #tpu.memory_space<vmem>>, vector<16xf32>,
        %get3A_2581 = arith.index_cast %add3A_2577 : i32 to index
        %get3A_2582 = arith.constant 16 : index
        %get3A_2583 = tpu.vector_load %arg13[%get3A_2581, %get3A_2582] {strides = array<i32>} : memref<320x64xf32, #tpu.memory_space<vmem>>, vector<16xf32>,
        %get3A_2584 = arith.index_cast %add3A_2577 : i32 to index
        %get3A_2585 = arith.constant 32 : index
        %get3A_2586 = tpu.vector_load %arg13[%get3A_2584, %get3A_2585] {strides = array<i32>} : memref<320x64xf32, #tpu.memory_space<vmem>>, vector<16xf32>,
        %get3A_2587 = arith.index_cast %add3A_2577 : i32 to index
        %get3A_2588 = arith.constant 48 : index
        %get3A_2589 = tpu.vector_load %arg13[%get3A_2587, %get3A_2588] {strides = array<i32>} : memref<320x64xf32, #tpu.memory_space<vmem>>, vector<16xf32>,
        %mul3A_2590 = arith.mulf %get3A_2580, %add3A_1117 : vector<16xf32>
        %mul3A_2591 = arith.mulf %get3A_2583, %add3A_1119 : vector<16xf32>
        %add3A_2592 = arith.addf %mul3A_2590, %mul3A_2591 : vector<16xf32>
        %mul3A_2593 = arith.mulf %get3A_2586, %add3A_1121 : vector<16xf32>
        %add3A_2594 = arith.addf %add3A_2592, %mul3A_2593 : vector<16xf32>
        %mul3A_2595 = arith.mulf %get3A_2589, %add3A_1123 : vector<16xf32>
        %add3A_2596 = arith.addf %add3A_2594, %mul3A_2595 : vector<16xf32>
        %gather3A_2597 = vector.shape_cast %broadcast_in_dim3A_135 : vector<16x1xi32> to vector<16xi32>
        %gather3A_2598 = tpu.dynamic_gather %add3A_2596[%gather3A_2597] in [0] : vector<16xf32>, vector<16xi32> -> vector<16xf32>
        %add3A_2599 = arith.addf %add3A_2596, %gather3A_2598 : vector<16xf32>
        %gather3A_2600 = vector.shape_cast %broadcast_in_dim3A_139 : vector<16x1xi32> to vector<16xi32>
        %gather3A_2601 = tpu.dynamic_gather %add3A_2599[%gather3A_2600] in [0] : vector<16xf32>, vector<16xi32> -> vector<16xf32>
        %add3A_2602 = arith.addf %add3A_2599, %gather3A_2601 : vector<16xf32>
        %gather3A_2603 = vector.shape_cast %broadcast_in_dim3A_143 : vector<16x1xi32> to vector<16xi32>
        %gather3A_2604 = tpu.dynamic_gather %add3A_2602[%gather3A_2603] in [0] : vector<16xf32>, vector<16xi32> -> vector<16xf32>
        %add3A_2605 = arith.addf %add3A_2602, %gather3A_2604 : vector<16xf32>
        %gather3A_2606 = vector.shape_cast %broadcast_in_dim3A_147 : vector<16x1xi32> to vector<16xi32>
        %gather3A_2607 = tpu.dynamic_gather %add3A_2605[%gather3A_2606] in [0] : vector<16xf32>, vector<16xi32> -> vector<16xf32>
        %add3A_2608 = arith.addf %add3A_2605, %gather3A_2607 : vector<16xf32>
        %mul3A_2609 = arith.mulf %add3A_2608, %convert_element_type3A_2101 : vector<16xf32>
        %add3A_2610 = arith.addf %mul3A_2609, %mul3A_2106 : vector<16xf32>
        %broadcast_in_dim3A_2611 = vector.broadcast %add3A_2573 : i32 to vector<16xi32>
        tpu.vector_store_idx %arg17[%broadcast_in_dim3A_2611], %add3A_2610 masked %eq3A_4 : memref<480xf32, #tpu.memory_space<vmem>>[vector<16xi32>], vector<16xf32>, vector<16xi1>
        %mul3A_2612 = arith.constant 24 : i32
        %mul3A_2613 = arith.muli %add3A_2093, %mul3A_2612 : i32
        %add3A_2614 = arith.constant 11 : i32
        %add3A_2615 = arith.addi %mul3A_2613, %add3A_2614 : i32
        %mul3A_2616 = arith.constant 16 : i32
        %mul3A_2617 = arith.muli %add3A_2093, %mul3A_2616 : i32
        %add3A_2618 = arith.constant 11 : i32
        %add3A_2619 = arith.addi %mul3A_2617, %add3A_2618 : i32
        %get3A_2620 = arith.index_cast %add3A_2619 : i32 to index
        %get3A_2621 = arith.constant 0 : index
        %get3A_2622 = tpu.vector_load %arg13[%get3A_2620, %get3A_2621] {strides = array<i32>} : memref<320x64xf32, #tpu.memory_space<vmem>>, vector<16xf32>,
        %get3A_2623 = arith.index_cast %add3A_2619 : i32 to index
        %get3A_2624 = arith.constant 16 : index
        %get3A_2625 = tpu.vector_load %arg13[%get3A_2623, %get3A_2624] {strides = array<i32>} : memref<320x64xf32, #tpu.memory_space<vmem>>, vector<16xf32>,
        %get3A_2626 = arith.index_cast %add3A_2619 : i32 to index
        %get3A_2627 = arith.constant 32 : index
        %get3A_2628 = tpu.vector_load %arg13[%get3A_2626, %get3A_2627] {strides = array<i32>} : memref<320x64xf32, #tpu.memory_space<vmem>>, vector<16xf32>,
        %get3A_2629 = arith.index_cast %add3A_2619 : i32 to index
        %get3A_2630 = arith.constant 48 : index
        %get3A_2631 = tpu.vector_load %arg13[%get3A_2629, %get3A_2630] {strides = array<i32>} : memref<320x64xf32, #tpu.memory_space<vmem>>, vector<16xf32>,
        %mul3A_2632 = arith.mulf %get3A_2622, %add3A_1117 : vector<16xf32>
        %mul3A_2633 = arith.mulf %get3A_2625, %add3A_1119 : vector<16xf32>
        %add3A_2634 = arith.addf %mul3A_2632, %mul3A_2633 : vector<16xf32>
        %mul3A_2635 = arith.mulf %get3A_2628, %add3A_1121 : vector<16xf32>
        %add3A_2636 = arith.addf %add3A_2634, %mul3A_2635 : vector<16xf32>
        %mul3A_2637 = arith.mulf %get3A_2631, %add3A_1123 : vector<16xf32>
        %add3A_2638 = arith.addf %add3A_2636, %mul3A_2637 : vector<16xf32>
        %gather3A_2639 = vector.shape_cast %broadcast_in_dim3A_135 : vector<16x1xi32> to vector<16xi32>
        %gather3A_2640 = tpu.dynamic_gather %add3A_2638[%gather3A_2639] in [0] : vector<16xf32>, vector<16xi32> -> vector<16xf32>
        %add3A_2641 = arith.addf %add3A_2638, %gather3A_2640 : vector<16xf32>
        %gather3A_2642 = vector.shape_cast %broadcast_in_dim3A_139 : vector<16x1xi32> to vector<16xi32>
        %gather3A_2643 = tpu.dynamic_gather %add3A_2641[%gather3A_2642] in [0] : vector<16xf32>, vector<16xi32> -> vector<16xf32>
        %add3A_2644 = arith.addf %add3A_2641, %gather3A_2643 : vector<16xf32>
        %gather3A_2645 = vector.shape_cast %broadcast_in_dim3A_143 : vector<16x1xi32> to vector<16xi32>
        %gather3A_2646 = tpu.dynamic_gather %add3A_2644[%gather3A_2645] in [0] : vector<16xf32>, vector<16xi32> -> vector<16xf32>
        %add3A_2647 = arith.addf %add3A_2644, %gather3A_2646 : vector<16xf32>
        %gather3A_2648 = vector.shape_cast %broadcast_in_dim3A_147 : vector<16x1xi32> to vector<16xi32>
        %gather3A_2649 = tpu.dynamic_gather %add3A_2647[%gather3A_2648] in [0] : vector<16xf32>, vector<16xi32> -> vector<16xf32>
        %add3A_2650 = arith.addf %add3A_2647, %gather3A_2649 : vector<16xf32>
        %mul3A_2651 = arith.mulf %add3A_2650, %convert_element_type3A_2101 : vector<16xf32>
        %add3A_2652 = arith.addf %mul3A_2651, %mul3A_2106 : vector<16xf32>
        %broadcast_in_dim3A_2653 = vector.broadcast %add3A_2615 : i32 to vector<16xi32>
        tpu.vector_store_idx %arg17[%broadcast_in_dim3A_2653], %add3A_2652 masked %eq3A_4 : memref<480xf32, #tpu.memory_space<vmem>>[vector<16xi32>], vector<16xf32>, vector<16xi1>
        %mul3A_2654 = arith.constant 24 : i32
        %mul3A_2655 = arith.muli %add3A_2093, %mul3A_2654 : i32
        %add3A_2656 = arith.constant 12 : i32
        %add3A_2657 = arith.addi %mul3A_2655, %add3A_2656 : i32
        %mul3A_2658 = arith.constant 16 : i32
        %mul3A_2659 = arith.muli %add3A_2093, %mul3A_2658 : i32
        %add3A_2660 = arith.constant 12 : i32
        %add3A_2661 = arith.addi %mul3A_2659, %add3A_2660 : i32
        %get3A_2662 = arith.index_cast %add3A_2661 : i32 to index
        %get3A_2663 = arith.constant 0 : index
        %get3A_2664 = tpu.vector_load %arg13[%get3A_2662, %get3A_2663] {strides = array<i32>} : memref<320x64xf32, #tpu.memory_space<vmem>>, vector<16xf32>,
        %get3A_2665 = arith.index_cast %add3A_2661 : i32 to index
        %get3A_2666 = arith.constant 16 : index
        %get3A_2667 = tpu.vector_load %arg13[%get3A_2665, %get3A_2666] {strides = array<i32>} : memref<320x64xf32, #tpu.memory_space<vmem>>, vector<16xf32>,
        %get3A_2668 = arith.index_cast %add3A_2661 : i32 to index
        %get3A_2669 = arith.constant 32 : index
        %get3A_2670 = tpu.vector_load %arg13[%get3A_2668, %get3A_2669] {strides = array<i32>} : memref<320x64xf32, #tpu.memory_space<vmem>>, vector<16xf32>,
        %get3A_2671 = arith.index_cast %add3A_2661 : i32 to index
        %get3A_2672 = arith.constant 48 : index
        %get3A_2673 = tpu.vector_load %arg13[%get3A_2671, %get3A_2672] {strides = array<i32>} : memref<320x64xf32, #tpu.memory_space<vmem>>, vector<16xf32>,
        %mul3A_2674 = arith.mulf %get3A_2664, %add3A_1117 : vector<16xf32>
        %mul3A_2675 = arith.mulf %get3A_2667, %add3A_1119 : vector<16xf32>
        %add3A_2676 = arith.addf %mul3A_2674, %mul3A_2675 : vector<16xf32>
        %mul3A_2677 = arith.mulf %get3A_2670, %add3A_1121 : vector<16xf32>
        %add3A_2678 = arith.addf %add3A_2676, %mul3A_2677 : vector<16xf32>
        %mul3A_2679 = arith.mulf %get3A_2673, %add3A_1123 : vector<16xf32>
        %add3A_2680 = arith.addf %add3A_2678, %mul3A_2679 : vector<16xf32>
        %gather3A_2681 = vector.shape_cast %broadcast_in_dim3A_135 : vector<16x1xi32> to vector<16xi32>
        %gather3A_2682 = tpu.dynamic_gather %add3A_2680[%gather3A_2681] in [0] : vector<16xf32>, vector<16xi32> -> vector<16xf32>
        %add3A_2683 = arith.addf %add3A_2680, %gather3A_2682 : vector<16xf32>
        %gather3A_2684 = vector.shape_cast %broadcast_in_dim3A_139 : vector<16x1xi32> to vector<16xi32>
        %gather3A_2685 = tpu.dynamic_gather %add3A_2683[%gather3A_2684] in [0] : vector<16xf32>, vector<16xi32> -> vector<16xf32>
        %add3A_2686 = arith.addf %add3A_2683, %gather3A_2685 : vector<16xf32>
        %gather3A_2687 = vector.shape_cast %broadcast_in_dim3A_143 : vector<16x1xi32> to vector<16xi32>
        %gather3A_2688 = tpu.dynamic_gather %add3A_2686[%gather3A_2687] in [0] : vector<16xf32>, vector<16xi32> -> vector<16xf32>
        %add3A_2689 = arith.addf %add3A_2686, %gather3A_2688 : vector<16xf32>
        %gather3A_2690 = vector.shape_cast %broadcast_in_dim3A_147 : vector<16x1xi32> to vector<16xi32>
        %gather3A_2691 = tpu.dynamic_gather %add3A_2689[%gather3A_2690] in [0] : vector<16xf32>, vector<16xi32> -> vector<16xf32>
        %add3A_2692 = arith.addf %add3A_2689, %gather3A_2691 : vector<16xf32>
        %mul3A_2693 = arith.mulf %add3A_2692, %convert_element_type3A_2101 : vector<16xf32>
        %add3A_2694 = arith.addf %mul3A_2693, %mul3A_2106 : vector<16xf32>
        %broadcast_in_dim3A_2695 = vector.broadcast %add3A_2657 : i32 to vector<16xi32>
        tpu.vector_store_idx %arg17[%broadcast_in_dim3A_2695], %add3A_2694 masked %eq3A_4 : memref<480xf32, #tpu.memory_space<vmem>>[vector<16xi32>], vector<16xf32>, vector<16xi1>
        %mul3A_2696 = arith.constant 24 : i32
        %mul3A_2697 = arith.muli %add3A_2093, %mul3A_2696 : i32
        %add3A_2698 = arith.constant 13 : i32
        %add3A_2699 = arith.addi %mul3A_2697, %add3A_2698 : i32
        %mul3A_2700 = arith.constant 16 : i32
        %mul3A_2701 = arith.muli %add3A_2093, %mul3A_2700 : i32
        %add3A_2702 = arith.constant 13 : i32
        %add3A_2703 = arith.addi %mul3A_2701, %add3A_2702 : i32
        %get3A_2704 = arith.index_cast %add3A_2703 : i32 to index
        %get3A_2705 = arith.constant 0 : index
        %get3A_2706 = tpu.vector_load %arg13[%get3A_2704, %get3A_2705] {strides = array<i32>} : memref<320x64xf32, #tpu.memory_space<vmem>>, vector<16xf32>,
        %get3A_2707 = arith.index_cast %add3A_2703 : i32 to index
        %get3A_2708 = arith.constant 16 : index
        %get3A_2709 = tpu.vector_load %arg13[%get3A_2707, %get3A_2708] {strides = array<i32>} : memref<320x64xf32, #tpu.memory_space<vmem>>, vector<16xf32>,
        %get3A_2710 = arith.index_cast %add3A_2703 : i32 to index
        %get3A_2711 = arith.constant 32 : index
        %get3A_2712 = tpu.vector_load %arg13[%get3A_2710, %get3A_2711] {strides = array<i32>} : memref<320x64xf32, #tpu.memory_space<vmem>>, vector<16xf32>,
        %get3A_2713 = arith.index_cast %add3A_2703 : i32 to index
        %get3A_2714 = arith.constant 48 : index
        %get3A_2715 = tpu.vector_load %arg13[%get3A_2713, %get3A_2714] {strides = array<i32>} : memref<320x64xf32, #tpu.memory_space<vmem>>, vector<16xf32>,
        %mul3A_2716 = arith.mulf %get3A_2706, %add3A_1117 : vector<16xf32>
        %mul3A_2717 = arith.mulf %get3A_2709, %add3A_1119 : vector<16xf32>
        %add3A_2718 = arith.addf %mul3A_2716, %mul3A_2717 : vector<16xf32>
        %mul3A_2719 = arith.mulf %get3A_2712, %add3A_1121 : vector<16xf32>
        %add3A_2720 = arith.addf %add3A_2718, %mul3A_2719 : vector<16xf32>
        %mul3A_2721 = arith.mulf %get3A_2715, %add3A_1123 : vector<16xf32>
        %add3A_2722 = arith.addf %add3A_2720, %mul3A_2721 : vector<16xf32>
        %gather3A_2723 = vector.shape_cast %broadcast_in_dim3A_135 : vector<16x1xi32> to vector<16xi32>
        %gather3A_2724 = tpu.dynamic_gather %add3A_2722[%gather3A_2723] in [0] : vector<16xf32>, vector<16xi32> -> vector<16xf32>
        %add3A_2725 = arith.addf %add3A_2722, %gather3A_2724 : vector<16xf32>
        %gather3A_2726 = vector.shape_cast %broadcast_in_dim3A_139 : vector<16x1xi32> to vector<16xi32>
        %gather3A_2727 = tpu.dynamic_gather %add3A_2725[%gather3A_2726] in [0] : vector<16xf32>, vector<16xi32> -> vector<16xf32>
        %add3A_2728 = arith.addf %add3A_2725, %gather3A_2727 : vector<16xf32>
        %gather3A_2729 = vector.shape_cast %broadcast_in_dim3A_143 : vector<16x1xi32> to vector<16xi32>
        %gather3A_2730 = tpu.dynamic_gather %add3A_2728[%gather3A_2729] in [0] : vector<16xf32>, vector<16xi32> -> vector<16xf32>
        %add3A_2731 = arith.addf %add3A_2728, %gather3A_2730 : vector<16xf32>
        %gather3A_2732 = vector.shape_cast %broadcast_in_dim3A_147 : vector<16x1xi32> to vector<16xi32>
        %gather3A_2733 = tpu.dynamic_gather %add3A_2731[%gather3A_2732] in [0] : vector<16xf32>, vector<16xi32> -> vector<16xf32>
        %add3A_2734 = arith.addf %add3A_2731, %gather3A_2733 : vector<16xf32>
        %mul3A_2735 = arith.mulf %add3A_2734, %convert_element_type3A_2101 : vector<16xf32>
        %add3A_2736 = arith.addf %mul3A_2735, %mul3A_2106 : vector<16xf32>
        %broadcast_in_dim3A_2737 = vector.broadcast %add3A_2699 : i32 to vector<16xi32>
        tpu.vector_store_idx %arg17[%broadcast_in_dim3A_2737], %add3A_2736 masked %eq3A_4 : memref<480xf32, #tpu.memory_space<vmem>>[vector<16xi32>], vector<16xf32>, vector<16xi1>
        %mul3A_2738 = arith.constant 24 : i32
        %mul3A_2739 = arith.muli %add3A_2093, %mul3A_2738 : i32
        %add3A_2740 = arith.constant 14 : i32
        %add3A_2741 = arith.addi %mul3A_2739, %add3A_2740 : i32
        %mul3A_2742 = arith.constant 16 : i32
        %mul3A_2743 = arith.muli %add3A_2093, %mul3A_2742 : i32
        %add3A_2744 = arith.constant 14 : i32
        %add3A_2745 = arith.addi %mul3A_2743, %add3A_2744 : i32
        %get3A_2746 = arith.index_cast %add3A_2745 : i32 to index
        %get3A_2747 = arith.constant 0 : index
        %get3A_2748 = tpu.vector_load %arg13[%get3A_2746, %get3A_2747] {strides = array<i32>} : memref<320x64xf32, #tpu.memory_space<vmem>>, vector<16xf32>,
        %get3A_2749 = arith.index_cast %add3A_2745 : i32 to index
        %get3A_2750 = arith.constant 16 : index
        %get3A_2751 = tpu.vector_load %arg13[%get3A_2749, %get3A_2750] {strides = array<i32>} : memref<320x64xf32, #tpu.memory_space<vmem>>, vector<16xf32>,
        %get3A_2752 = arith.index_cast %add3A_2745 : i32 to index
        %get3A_2753 = arith.constant 32 : index
        %get3A_2754 = tpu.vector_load %arg13[%get3A_2752, %get3A_2753] {strides = array<i32>} : memref<320x64xf32, #tpu.memory_space<vmem>>, vector<16xf32>,
        %get3A_2755 = arith.index_cast %add3A_2745 : i32 to index
        %get3A_2756 = arith.constant 48 : index
        %get3A_2757 = tpu.vector_load %arg13[%get3A_2755, %get3A_2756] {strides = array<i32>} : memref<320x64xf32, #tpu.memory_space<vmem>>, vector<16xf32>,
        %mul3A_2758 = arith.mulf %get3A_2748, %add3A_1117 : vector<16xf32>
        %mul3A_2759 = arith.mulf %get3A_2751, %add3A_1119 : vector<16xf32>
        %add3A_2760 = arith.addf %mul3A_2758, %mul3A_2759 : vector<16xf32>
        %mul3A_2761 = arith.mulf %get3A_2754, %add3A_1121 : vector<16xf32>
        %add3A_2762 = arith.addf %add3A_2760, %mul3A_2761 : vector<16xf32>
        %mul3A_2763 = arith.mulf %get3A_2757, %add3A_1123 : vector<16xf32>
        %add3A_2764 = arith.addf %add3A_2762, %mul3A_2763 : vector<16xf32>
        %gather3A_2765 = vector.shape_cast %broadcast_in_dim3A_135 : vector<16x1xi32> to vector<16xi32>
        %gather3A_2766 = tpu.dynamic_gather %add3A_2764[%gather3A_2765] in [0] : vector<16xf32>, vector<16xi32> -> vector<16xf32>
        %add3A_2767 = arith.addf %add3A_2764, %gather3A_2766 : vector<16xf32>
        %gather3A_2768 = vector.shape_cast %broadcast_in_dim3A_139 : vector<16x1xi32> to vector<16xi32>
        %gather3A_2769 = tpu.dynamic_gather %add3A_2767[%gather3A_2768] in [0] : vector<16xf32>, vector<16xi32> -> vector<16xf32>
        %add3A_2770 = arith.addf %add3A_2767, %gather3A_2769 : vector<16xf32>
        %gather3A_2771 = vector.shape_cast %broadcast_in_dim3A_143 : vector<16x1xi32> to vector<16xi32>
        %gather3A_2772 = tpu.dynamic_gather %add3A_2770[%gather3A_2771] in [0] : vector<16xf32>, vector<16xi32> -> vector<16xf32>
        %add3A_2773 = arith.addf %add3A_2770, %gather3A_2772 : vector<16xf32>
        %gather3A_2774 = vector.shape_cast %broadcast_in_dim3A_147 : vector<16x1xi32> to vector<16xi32>
        %gather3A_2775 = tpu.dynamic_gather %add3A_2773[%gather3A_2774] in [0] : vector<16xf32>, vector<16xi32> -> vector<16xf32>
        %add3A_2776 = arith.addf %add3A_2773, %gather3A_2775 : vector<16xf32>
        %mul3A_2777 = arith.mulf %add3A_2776, %convert_element_type3A_2101 : vector<16xf32>
        %add3A_2778 = arith.addf %mul3A_2777, %mul3A_2106 : vector<16xf32>
        %broadcast_in_dim3A_2779 = vector.broadcast %add3A_2741 : i32 to vector<16xi32>
        tpu.vector_store_idx %arg17[%broadcast_in_dim3A_2779], %add3A_2778 masked %eq3A_4 : memref<480xf32, #tpu.memory_space<vmem>>[vector<16xi32>], vector<16xf32>, vector<16xi1>
        %mul3A_2780 = arith.constant 24 : i32
        %mul3A_2781 = arith.muli %add3A_2093, %mul3A_2780 : i32
        %add3A_2782 = arith.constant 15 : i32
        %add3A_2783 = arith.addi %mul3A_2781, %add3A_2782 : i32
        %mul3A_2784 = arith.constant 16 : i32
        %mul3A_2785 = arith.muli %add3A_2093, %mul3A_2784 : i32
        %add3A_2786 = arith.constant 15 : i32
        %add3A_2787 = arith.addi %mul3A_2785, %add3A_2786 : i32
        %get3A_2788 = arith.index_cast %add3A_2787 : i32 to index
        %get3A_2789 = arith.constant 0 : index
        %get3A_2790 = tpu.vector_load %arg13[%get3A_2788, %get3A_2789] {strides = array<i32>} : memref<320x64xf32, #tpu.memory_space<vmem>>, vector<16xf32>,
        %get3A_2791 = arith.index_cast %add3A_2787 : i32 to index
        %get3A_2792 = arith.constant 16 : index
        %get3A_2793 = tpu.vector_load %arg13[%get3A_2791, %get3A_2792] {strides = array<i32>} : memref<320x64xf32, #tpu.memory_space<vmem>>, vector<16xf32>,
        %get3A_2794 = arith.index_cast %add3A_2787 : i32 to index
        %get3A_2795 = arith.constant 32 : index
        %get3A_2796 = tpu.vector_load %arg13[%get3A_2794, %get3A_2795] {strides = array<i32>} : memref<320x64xf32, #tpu.memory_space<vmem>>, vector<16xf32>,
        %get3A_2797 = arith.index_cast %add3A_2787 : i32 to index
        %get3A_2798 = arith.constant 48 : index
        %get3A_2799 = tpu.vector_load %arg13[%get3A_2797, %get3A_2798] {strides = array<i32>} : memref<320x64xf32, #tpu.memory_space<vmem>>, vector<16xf32>,
        %mul3A_2800 = arith.mulf %get3A_2790, %add3A_1117 : vector<16xf32>
        %mul3A_2801 = arith.mulf %get3A_2793, %add3A_1119 : vector<16xf32>
        %add3A_2802 = arith.addf %mul3A_2800, %mul3A_2801 : vector<16xf32>
        %mul3A_2803 = arith.mulf %get3A_2796, %add3A_1121 : vector<16xf32>
        %add3A_2804 = arith.addf %add3A_2802, %mul3A_2803 : vector<16xf32>
        %mul3A_2805 = arith.mulf %get3A_2799, %add3A_1123 : vector<16xf32>
        %add3A_2806 = arith.addf %add3A_2804, %mul3A_2805 : vector<16xf32>
        %gather3A_2807 = vector.shape_cast %broadcast_in_dim3A_135 : vector<16x1xi32> to vector<16xi32>
        %gather3A_2808 = tpu.dynamic_gather %add3A_2806[%gather3A_2807] in [0] : vector<16xf32>, vector<16xi32> -> vector<16xf32>
        %add3A_2809 = arith.addf %add3A_2806, %gather3A_2808 : vector<16xf32>
        %gather3A_2810 = vector.shape_cast %broadcast_in_dim3A_139 : vector<16x1xi32> to vector<16xi32>
        %gather3A_2811 = tpu.dynamic_gather %add3A_2809[%gather3A_2810] in [0] : vector<16xf32>, vector<16xi32> -> vector<16xf32>
        %add3A_2812 = arith.addf %add3A_2809, %gather3A_2811 : vector<16xf32>
        %gather3A_2813 = vector.shape_cast %broadcast_in_dim3A_143 : vector<16x1xi32> to vector<16xi32>
        %gather3A_2814 = tpu.dynamic_gather %add3A_2812[%gather3A_2813] in [0] : vector<16xf32>, vector<16xi32> -> vector<16xf32>
        %add3A_2815 = arith.addf %add3A_2812, %gather3A_2814 : vector<16xf32>
        %gather3A_2816 = vector.shape_cast %broadcast_in_dim3A_147 : vector<16x1xi32> to vector<16xi32>
        %gather3A_2817 = tpu.dynamic_gather %add3A_2815[%gather3A_2816] in [0] : vector<16xf32>, vector<16xi32> -> vector<16xf32>
        %add3A_2818 = arith.addf %add3A_2815, %gather3A_2817 : vector<16xf32>
        %mul3A_2819 = arith.mulf %add3A_2818, %convert_element_type3A_2101 : vector<16xf32>
        %add3A_2820 = arith.addf %mul3A_2819, %mul3A_2106 : vector<16xf32>
        %broadcast_in_dim3A_2821 = vector.broadcast %add3A_2783 : i32 to vector<16xi32>
        tpu.vector_store_idx %arg17[%broadcast_in_dim3A_2821], %add3A_2820 masked %eq3A_4 : memref<480xf32, #tpu.memory_space<vmem>>[vector<16xi32>], vector<16xf32>, vector<16xi1>
      }
      %scan3A_1128 = arith.constant 20 : i32
      %mul3A_1129 = arith.constant 24 : i32
      %mul3A_1130 = arith.muli %add3A_213, %mul3A_1129 : i32
      %dma_start3A_1131 = tpu.memref_slice %arg5[%mul3A_1130] : memref<98304xf32, #tpu.memory_space<hbm>> -> memref<24xf32, #tpu.memory_space<hbm>>
      %dma_start3A_1132 = tpu.memref_slice %arg5[%mul3A_1130] : memref<98304xf32, #tpu.memory_space<hbm>> -> memref<24xf32, #tpu.memory_space<hbm>>
      tpu.enqueue_dma source(%arg15 : memref<24xf32, #tpu.memory_space<vmem>>) target(%dma_start3A_1132 : memref<24xf32, #tpu.memory_space<hbm>>) target_semaphore(%arg23 : memref<!tpu.dma_semaphore, #tpu.memory_space<semaphore_mem>>)
      %mul3A_1133 = arith.constant 20 : i32
      %mul3A_1134 = arith.muli %add3A_213, %mul3A_1133 : i32
      %mul3A_1135 = arith.constant 24 : i32
      %mul3A_1136 = arith.muli %mul3A_1134, %mul3A_1135 : i32
      %dma_start3A_1137 = tpu.memref_slice %arg6[%mul3A_1136] : memref<1966080xf32, #tpu.memory_space<hbm>> -> memref<480xf32, #tpu.memory_space<hbm>>
      %dma_start3A_1138 = tpu.memref_slice %arg6[%mul3A_1136] : memref<1966080xf32, #tpu.memory_space<hbm>> -> memref<480xf32, #tpu.memory_space<hbm>>
      tpu.enqueue_dma source(%arg17 : memref<480xf32, #tpu.memory_space<vmem>>) target(%dma_start3A_1138 : memref<480xf32, #tpu.memory_space<hbm>>) target_semaphore(%arg23 : memref<!tpu.dma_semaphore, #tpu.memory_space<semaphore_mem>>)
      %add3A_1139 = arith.constant 2 : i32
      %add3A_1140 = arith.addi %add3A_212, %add3A_1139 : i32
      %lt3A_1141 = arith.constant 128 : i32
      %lt3A_1142 = arith.cmpi slt, %add3A_1140, %lt3A_1141 : i32
      %convert_element_type3A_1143 = arith.extui %lt3A_1142 : i1 to i32
      %cond3A_1144 = arith.constant 0 : i32
      %cond3A_1145 = arith.cmpi ne, %convert_element_type3A_1143, %cond3A_1144 : i32
      scf.if %cond3A_1145 {
        %add3A_2089 = arith.constant 2 : i32
        %add3A_2090 = arith.addi %add3A_213, %add3A_2089 : i32
        %mul3A_2091 = arith.constant 400 : i32
        %mul3A_2092 = arith.muli %add3A_2090, %mul3A_2091 : i32
        %dma_start3A_2093 = tpu.memref_slice %arg4[%mul3A_2092] : memref<1638400xi32, #tpu.memory_space<hbm>> -> memref<400xi32, #tpu.memory_space<hbm>>
        %dma_start3A_2094 = tpu.memref_slice %arg4[%mul3A_2092] : memref<1638400xi32, #tpu.memory_space<hbm>> -> memref<400xi32, #tpu.memory_space<hbm>>
        tpu.enqueue_dma source(%dma_start3A_2094 : memref<400xi32, #tpu.memory_space<hbm>>) target(%arg7 : memref<400xi32, #tpu.memory_space<vmem>>) target_semaphore(%arg19 : memref<!tpu.dma_semaphore, #tpu.memory_space<semaphore_mem>>)
      } else {
      }
      %add3A_1146 = arith.constant 1 : i32
      %add3A_1147 = arith.addi %add3A_210, %add3A_1146 : i32
      %add3A_1148 = arith.addi %mul3A_2, %add3A_1147 : i32
      %add3A_1149 = arith.constant 1 : i32
      %add3A_1150 = arith.addi %add3A_1147, %add3A_1149 : i32
      %lt3A_1151 = arith.constant 128 : i32
      %lt3A_1152 = arith.cmpi slt, %add3A_1150, %lt3A_1151 : i32
      %convert_element_type3A_1153 = arith.extui %lt3A_1152 : i1 to i32
      %cond3A_1154 = arith.constant 0 : i32
      %cond3A_1155 = arith.cmpi ne, %convert_element_type3A_1153, %cond3A_1154 : i32
      scf.if %cond3A_1155 {
        %dma_wait3A_2089 = arith.constant 0 : i32
        %dma_wait3A_2090 = tpu.memref_slice %arg4[%dma_wait3A_2089] : memref<1638400xi32, #tpu.memory_space<hbm>> -> memref<400xi32, #tpu.memory_space<hbm>>
        %dma_wait3A_2091 = arith.constant 0 : i32
        %dma_wait3A_2092 = tpu.memref_slice %arg4[%dma_wait3A_2091] : memref<1638400xi32, #tpu.memory_space<hbm>> -> memref<400xi32, #tpu.memory_space<hbm>>
        tpu.wait_dma2 semaphore(%arg19 : memref<!tpu.dma_semaphore, #tpu.memory_space<semaphore_mem>>) src(%dma_wait3A_2092 : memref<400xi32, #tpu.memory_space<hbm>>) dst(%arg7 : memref<400xi32, #tpu.memory_space<vmem>>)
        %dma_start3A_2093 = arith.constant 0 : i32
        %dma_start3A_2094 = tpu.memref_slice %arg7[%dma_start3A_2093] : memref<400xi32, #tpu.memory_space<vmem>> -> memref<9xi32, #tpu.memory_space<vmem>>
        %dma_start3A_2095 = arith.constant 0 : i32
        %dma_start3A_2096 = arith.constant 0 : i32
        %dma_start3A_2097 = tpu.memref_slice %arg2[%dma_start3A_2095, %dma_start3A_2096] : memref<1000000x64xf32, #tpu.memory_space<hbm>> -> memref<1000000x64xf32, #tpu.memory_space<hbm>>
        tpu.enqueue_indirect_dma source(%dma_start3A_2097 : memref<1000000x64xf32, #tpu.memory_space<hbm>>) target(%arg9 : memref<9x64xf32, #tpu.memory_space<vmem>>) offsets(%dma_start3A_2094 : memref<9xi32, #tpu.memory_space<vmem>>) semaphore(%arg21 : memref<!tpu.dma_semaphore, #tpu.memory_space<semaphore_mem>>)
        %dma_start3A_2098 = arith.constant 16 : i32
        %dma_start3A_2099 = tpu.memref_slice %arg7[%dma_start3A_2098] : memref<400xi32, #tpu.memory_space<vmem>> -> memref<37xi32, #tpu.memory_space<vmem>>
        %dma_start3A_2100 = arith.constant 0 : i32
        %dma_start3A_2101 = arith.constant 0 : i32
        %dma_start3A_2102 = tpu.memref_slice %arg3[%dma_start3A_2100, %dma_start3A_2101] : memref<1000000x64xf32, #tpu.memory_space<hbm>> -> memref<1000000x64xf32, #tpu.memory_space<hbm>>
        tpu.enqueue_indirect_dma source(%dma_start3A_2102 : memref<1000000x64xf32, #tpu.memory_space<hbm>>) target(%arg11 : memref<37x64xf32, #tpu.memory_space<vmem>>) offsets(%dma_start3A_2099 : memref<37xi32, #tpu.memory_space<vmem>>) semaphore(%arg21 : memref<!tpu.dma_semaphore, #tpu.memory_space<semaphore_mem>>)
        %dma_start3A_2103 = arith.constant 0 : i32
        %dma_start3A_2104 = arith.constant 0 : i32
        %dma_start3A_2105 = tpu.memref_slice %arg13[%dma_start3A_2103, %dma_start3A_2104] : memref<320x64xf32, #tpu.memory_space<vmem>> -> memref<160x64xf32, #tpu.memory_space<vmem>>
        %dma_start3A_2106 = arith.constant 64 : i32
        %dma_start3A_2107 = tpu.memref_slice %arg7[%dma_start3A_2106] : memref<400xi32, #tpu.memory_space<vmem>> -> memref<160xi32, #tpu.memory_space<vmem>>
        %dma_start3A_2108 = arith.constant 0 : i32
        %dma_start3A_2109 = arith.constant 0 : i32
        %dma_start3A_2110 = tpu.memref_slice %arg3[%dma_start3A_2108, %dma_start3A_2109] : memref<1000000x64xf32, #tpu.memory_space<hbm>> -> memref<1000000x64xf32, #tpu.memory_space<hbm>>
        tpu.enqueue_indirect_dma source(%dma_start3A_2110 : memref<1000000x64xf32, #tpu.memory_space<hbm>>) target(%dma_start3A_2105 : memref<160x64xf32, #tpu.memory_space<vmem>>) offsets(%dma_start3A_2107 : memref<160xi32, #tpu.memory_space<vmem>>) semaphore(%arg21 : memref<!tpu.dma_semaphore, #tpu.memory_space<semaphore_mem>>)
        %dma_start3A_2111 = arith.constant 160 : i32
        %dma_start3A_2112 = arith.constant 0 : i32
        %dma_start3A_2113 = tpu.memref_slice %arg13[%dma_start3A_2111, %dma_start3A_2112] : memref<320x64xf32, #tpu.memory_space<vmem>> -> memref<160x64xf32, #tpu.memory_space<vmem>>
        %dma_start3A_2114 = arith.constant 224 : i32
        %dma_start3A_2115 = tpu.memref_slice %arg7[%dma_start3A_2114] : memref<400xi32, #tpu.memory_space<vmem>> -> memref<160xi32, #tpu.memory_space<vmem>>
        %dma_start3A_2116 = arith.constant 0 : i32
        %dma_start3A_2117 = arith.constant 0 : i32
        %dma_start3A_2118 = tpu.memref_slice %arg3[%dma_start3A_2116, %dma_start3A_2117] : memref<1000000x64xf32, #tpu.memory_space<hbm>> -> memref<1000000x64xf32, #tpu.memory_space<hbm>>
        tpu.enqueue_indirect_dma source(%dma_start3A_2118 : memref<1000000x64xf32, #tpu.memory_space<hbm>>) target(%dma_start3A_2113 : memref<160x64xf32, #tpu.memory_space<vmem>>) offsets(%dma_start3A_2115 : memref<160xi32, #tpu.memory_space<vmem>>) semaphore(%arg21 : memref<!tpu.dma_semaphore, #tpu.memory_space<semaphore_mem>>)
      } else {
      }
      %dma_wait3A_1156 = arith.constant 0 : i32
      %dma_wait3A_1157 = tpu.memref_slice %arg8[%dma_wait3A_1156] : memref<400xi32, #tpu.memory_space<vmem>> -> memref<9xi32, #tpu.memory_space<vmem>>
      %dma_wait3A_1158 = arith.constant 0 : i32
      %dma_wait3A_1159 = arith.constant 0 : i32
      %dma_wait3A_1160 = tpu.memref_slice %arg2[%dma_wait3A_1158, %dma_wait3A_1159] : memref<1000000x64xf32, #tpu.memory_space<hbm>> -> memref<1000000x64xf32, #tpu.memory_space<hbm>>
      tpu.wait_indirect_dma semaphore(%arg22 : memref<!tpu.dma_semaphore, #tpu.memory_space<semaphore_mem>>) src(%dma_wait3A_1160 : memref<1000000x64xf32, #tpu.memory_space<hbm>>) dst(%arg10 : memref<9x64xf32, #tpu.memory_space<vmem>>)
      %dma_wait3A_1161 = arith.constant 16 : i32
      %dma_wait3A_1162 = tpu.memref_slice %arg8[%dma_wait3A_1161] : memref<400xi32, #tpu.memory_space<vmem>> -> memref<37xi32, #tpu.memory_space<vmem>>
      %dma_wait3A_1163 = arith.constant 0 : i32
      %dma_wait3A_1164 = arith.constant 0 : i32
      %dma_wait3A_1165 = tpu.memref_slice %arg3[%dma_wait3A_1163, %dma_wait3A_1164] : memref<1000000x64xf32, #tpu.memory_space<hbm>> -> memref<1000000x64xf32, #tpu.memory_space<hbm>>
      tpu.wait_indirect_dma semaphore(%arg22 : memref<!tpu.dma_semaphore, #tpu.memory_space<semaphore_mem>>) src(%dma_wait3A_1165 : memref<1000000x64xf32, #tpu.memory_space<hbm>>) dst(%arg12 : memref<37x64xf32, #tpu.memory_space<vmem>>)
      %dma_wait3A_1166 = arith.constant 0 : i32
      %dma_wait3A_1167 = arith.constant 0 : i32
      %dma_wait3A_1168 = tpu.memref_slice %arg14[%dma_wait3A_1166, %dma_wait3A_1167] : memref<320x64xf32, #tpu.memory_space<vmem>> -> memref<160x64xf32, #tpu.memory_space<vmem>>
      %dma_wait3A_1169 = arith.constant 64 : i32
      %dma_wait3A_1170 = tpu.memref_slice %arg8[%dma_wait3A_1169] : memref<400xi32, #tpu.memory_space<vmem>> -> memref<160xi32, #tpu.memory_space<vmem>>
      %dma_wait3A_1171 = arith.constant 0 : i32
      %dma_wait3A_1172 = arith.constant 0 : i32
      %dma_wait3A_1173 = tpu.memref_slice %arg3[%dma_wait3A_1171, %dma_wait3A_1172] : memref<1000000x64xf32, #tpu.memory_space<hbm>> -> memref<1000000x64xf32, #tpu.memory_space<hbm>>
      tpu.wait_indirect_dma semaphore(%arg22 : memref<!tpu.dma_semaphore, #tpu.memory_space<semaphore_mem>>) src(%dma_wait3A_1173 : memref<1000000x64xf32, #tpu.memory_space<hbm>>) dst(%dma_wait3A_1168 : memref<160x64xf32, #tpu.memory_space<vmem>>)
      %dma_wait3A_1174 = arith.constant 160 : i32
      %dma_wait3A_1175 = arith.constant 0 : i32
      %dma_wait3A_1176 = tpu.memref_slice %arg14[%dma_wait3A_1174, %dma_wait3A_1175] : memref<320x64xf32, #tpu.memory_space<vmem>> -> memref<160x64xf32, #tpu.memory_space<vmem>>
      %dma_wait3A_1177 = arith.constant 224 : i32
      %dma_wait3A_1178 = tpu.memref_slice %arg8[%dma_wait3A_1177] : memref<400xi32, #tpu.memory_space<vmem>> -> memref<160xi32, #tpu.memory_space<vmem>>
      %dma_wait3A_1179 = arith.constant 0 : i32
      %dma_wait3A_1180 = arith.constant 0 : i32
      %dma_wait3A_1181 = tpu.memref_slice %arg3[%dma_wait3A_1179, %dma_wait3A_1180] : memref<1000000x64xf32, #tpu.memory_space<hbm>> -> memref<1000000x64xf32, #tpu.memory_space<hbm>>
      tpu.wait_indirect_dma semaphore(%arg22 : memref<!tpu.dma_semaphore, #tpu.memory_space<semaphore_mem>>) src(%dma_wait3A_1181 : memref<1000000x64xf32, #tpu.memory_space<hbm>>) dst(%dma_wait3A_1176 : memref<160x64xf32, #tpu.memory_space<vmem>>)
      %ge3A_1182 = arith.constant 2 : i32
      %ge3A_1183 = arith.cmpi sge, %add3A_1147, %ge3A_1182 : i32
      %convert_element_type3A_1184 = arith.extui %ge3A_1183 : i1 to i32
      %cond3A_1185 = arith.constant 0 : i32
      %cond3A_1186 = arith.cmpi ne, %convert_element_type3A_1184, %cond3A_1185 : i32
      scf.if %cond3A_1186 {
        %dma_wait3A_2089 = arith.constant 0 : i32
        %dma_wait3A_2090 = tpu.memref_slice %arg5[%dma_wait3A_2089] : memref<98304xf32, #tpu.memory_space<hbm>> -> memref<24xf32, #tpu.memory_space<hbm>>
        %dma_wait3A_2091 = arith.constant 0 : i32
        %dma_wait3A_2092 = tpu.memref_slice %arg5[%dma_wait3A_2091] : memref<98304xf32, #tpu.memory_space<hbm>> -> memref<24xf32, #tpu.memory_space<hbm>>
        tpu.wait_dma2 semaphore(%arg24 : memref<!tpu.dma_semaphore, #tpu.memory_space<semaphore_mem>>) src(%arg16 : memref<24xf32, #tpu.memory_space<vmem>>) dst(%dma_wait3A_2092 : memref<24xf32, #tpu.memory_space<hbm>>)
        %dma_wait3A_2093 = arith.constant 0 : i32
        %dma_wait3A_2094 = tpu.memref_slice %arg6[%dma_wait3A_2093] : memref<1966080xf32, #tpu.memory_space<hbm>> -> memref<480xf32, #tpu.memory_space<hbm>>
        %dma_wait3A_2095 = arith.constant 0 : i32
        %dma_wait3A_2096 = tpu.memref_slice %arg6[%dma_wait3A_2095] : memref<1966080xf32, #tpu.memory_space<hbm>> -> memref<480xf32, #tpu.memory_space<hbm>>
        tpu.wait_dma2 semaphore(%arg24 : memref<!tpu.dma_semaphore, #tpu.memory_space<semaphore_mem>>) src(%arg18 : memref<480xf32, #tpu.memory_space<vmem>>) dst(%dma_wait3A_2096 : memref<480xf32, #tpu.memory_space<hbm>>)
      } else {
      }
      %get3A_1187 = arith.constant 0 : i32
      %get3A_1188 = arith.index_cast %get3A_1187 : i32 to index
      %get3A_1189 = arith.constant 0 : index
      %get3A_1190 = tpu.vector_load %arg10[%get3A_1188, %get3A_1189] {strides = array<i32>} : memref<9x64xf32, #tpu.memory_space<vmem>>, vector<16xf32>,
      %get3A_1191 = arith.constant 0 : i32
      %get3A_1192 = arith.index_cast %get3A_1191 : i32 to index
      %get3A_1193 = arith.constant 16 : index
      %get3A_1194 = tpu.vector_load %arg10[%get3A_1192, %get3A_1193] {strides = array<i32>} : memref<9x64xf32, #tpu.memory_space<vmem>>, vector<16xf32>,
      %get3A_1195 = arith.constant 0 : i32
      %get3A_1196 = arith.index_cast %get3A_1195 : i32 to index
      %get3A_1197 = arith.constant 32 : index
      %get3A_1198 = tpu.vector_load %arg10[%get3A_1196, %get3A_1197] {strides = array<i32>} : memref<9x64xf32, #tpu.memory_space<vmem>>, vector<16xf32>,
      %get3A_1199 = arith.constant 0 : i32
      %get3A_1200 = arith.index_cast %get3A_1199 : i32 to index
      %get3A_1201 = arith.constant 48 : index
      %get3A_1202 = tpu.vector_load %arg10[%get3A_1200, %get3A_1201] {strides = array<i32>} : memref<9x64xf32, #tpu.memory_space<vmem>>, vector<16xf32>,
      %get3A_1203 = arith.constant 0 : i32
      %get3A_1204 = arith.index_cast %get3A_1203 : i32 to index
      %get3A_1205 = arith.constant 0 : index
      %get3A_1206 = tpu.vector_load %arg12[%get3A_1204, %get3A_1205] {strides = array<i32>} : memref<37x64xf32, #tpu.memory_space<vmem>>, vector<16xf32>,
      %get3A_1207 = arith.constant 0 : i32
      %get3A_1208 = arith.index_cast %get3A_1207 : i32 to index
      %get3A_1209 = arith.constant 16 : index
      %get3A_1210 = tpu.vector_load %arg12[%get3A_1208, %get3A_1209] {strides = array<i32>} : memref<37x64xf32, #tpu.memory_space<vmem>>, vector<16xf32>,
      %get3A_1211 = arith.constant 0 : i32
      %get3A_1212 = arith.index_cast %get3A_1211 : i32 to index
      %get3A_1213 = arith.constant 32 : index
      %get3A_1214 = tpu.vector_load %arg12[%get3A_1212, %get3A_1213] {strides = array<i32>} : memref<37x64xf32, #tpu.memory_space<vmem>>, vector<16xf32>,
      %get3A_1215 = arith.constant 0 : i32
      %get3A_1216 = arith.index_cast %get3A_1215 : i32 to index
      %get3A_1217 = arith.constant 48 : index
      %get3A_1218 = tpu.vector_load %arg12[%get3A_1216, %get3A_1217] {strides = array<i32>} : memref<37x64xf32, #tpu.memory_space<vmem>>, vector<16xf32>,
      %mul3A_1219 = arith.mulf %get3A_1206, %get3A_1190 : vector<16xf32>
      %mul3A_1220 = arith.mulf %get3A_1210, %get3A_1194 : vector<16xf32>
      %add3A_1221 = arith.addf %mul3A_1219, %mul3A_1220 : vector<16xf32>
      %mul3A_1222 = arith.mulf %get3A_1214, %get3A_1198 : vector<16xf32>
      %add3A_1223 = arith.addf %add3A_1221, %mul3A_1222 : vector<16xf32>
      %mul3A_1224 = arith.mulf %get3A_1218, %get3A_1202 : vector<16xf32>
      %add3A_1225 = arith.addf %add3A_1223, %mul3A_1224 : vector<16xf32>
      %gather3A_1226 = vector.shape_cast %broadcast_in_dim3A_135 : vector<16x1xi32> to vector<16xi32>
      %gather3A_1227 = tpu.dynamic_gather %add3A_1225[%gather3A_1226] in [0] : vector<16xf32>, vector<16xi32> -> vector<16xf32>
      %add3A_1228 = arith.addf %add3A_1225, %gather3A_1227 : vector<16xf32>
      %gather3A_1229 = vector.shape_cast %broadcast_in_dim3A_139 : vector<16x1xi32> to vector<16xi32>
      %gather3A_1230 = tpu.dynamic_gather %add3A_1228[%gather3A_1229] in [0] : vector<16xf32>, vector<16xi32> -> vector<16xf32>
      %add3A_1231 = arith.addf %add3A_1228, %gather3A_1230 : vector<16xf32>
      %gather3A_1232 = vector.shape_cast %broadcast_in_dim3A_143 : vector<16x1xi32> to vector<16xi32>
      %gather3A_1233 = tpu.dynamic_gather %add3A_1231[%gather3A_1232] in [0] : vector<16xf32>, vector<16xi32> -> vector<16xf32>
      %add3A_1234 = arith.addf %add3A_1231, %gather3A_1233 : vector<16xf32>
      %gather3A_1235 = vector.shape_cast %broadcast_in_dim3A_147 : vector<16x1xi32> to vector<16xi32>
      %gather3A_1236 = tpu.dynamic_gather %add3A_1234[%gather3A_1235] in [0] : vector<16xf32>, vector<16xi32> -> vector<16xf32>
      %add3A_1237 = arith.addf %add3A_1234, %gather3A_1236 : vector<16xf32>
      %neg3A_1238 = arith.constant 0.000000e+00 : f32
      %neg3A_1239 = vector.broadcast %neg3A_1238 : f32 to vector<16xf32>
      %neg3A_1240 = arith.subf %neg3A_1239, %add3A_1237 : vector<16xf32>
      %broadcast_in_dim3A_1241 = arith.constant 16 : i32
      %broadcast_in_dim3A_1242 = vector.broadcast %broadcast_in_dim3A_1241 : i32 to vector<16xi32>
      tpu.vector_store_idx %arg16[%broadcast_in_dim3A_1242], %neg3A_1240 masked %eq3A_4 : memref<24xf32, #tpu.memory_space<vmem>>[vector<16xi32>], vector<16xf32>, vector<16xi1>
      %get3A_1243 = arith.constant 1 : i32
      %get3A_1244 = arith.index_cast %get3A_1243 : i32 to index
      %get3A_1245 = arith.constant 0 : index
      %get3A_1246 = tpu.vector_load %arg12[%get3A_1244, %get3A_1245] {strides = array<i32>} : memref<37x64xf32, #tpu.memory_space<vmem>>, vector<16xf32>,
      %get3A_1247 = arith.constant 1 : i32
      %get3A_1248 = arith.index_cast %get3A_1247 : i32 to index
      %get3A_1249 = arith.constant 16 : index
      %get3A_1250 = tpu.vector_load %arg12[%get3A_1248, %get3A_1249] {strides = array<i32>} : memref<37x64xf32, #tpu.memory_space<vmem>>, vector<16xf32>,
      %get3A_1251 = arith.constant 1 : i32
      %get3A_1252 = arith.index_cast %get3A_1251 : i32 to index
      %get3A_1253 = arith.constant 32 : index
      %get3A_1254 = tpu.vector_load %arg12[%get3A_1252, %get3A_1253] {strides = array<i32>} : memref<37x64xf32, #tpu.memory_space<vmem>>, vector<16xf32>,
      %get3A_1255 = arith.constant 1 : i32
      %get3A_1256 = arith.index_cast %get3A_1255 : i32 to index
      %get3A_1257 = arith.constant 48 : index
      %get3A_1258 = tpu.vector_load %arg12[%get3A_1256, %get3A_1257] {strides = array<i32>} : memref<37x64xf32, #tpu.memory_space<vmem>>, vector<16xf32>,
      %mul3A_1259 = arith.mulf %get3A_1246, %get3A_1190 : vector<16xf32>
      %mul3A_1260 = arith.mulf %get3A_1250, %get3A_1194 : vector<16xf32>
      %add3A_1261 = arith.addf %mul3A_1259, %mul3A_1260 : vector<16xf32>
      %mul3A_1262 = arith.mulf %get3A_1254, %get3A_1198 : vector<16xf32>
      %add3A_1263 = arith.addf %add3A_1261, %mul3A_1262 : vector<16xf32>
      %mul3A_1264 = arith.mulf %get3A_1258, %get3A_1202 : vector<16xf32>
      %add3A_1265 = arith.addf %add3A_1263, %mul3A_1264 : vector<16xf32>
      %gather3A_1266 = vector.shape_cast %broadcast_in_dim3A_135 : vector<16x1xi32> to vector<16xi32>
      %gather3A_1267 = tpu.dynamic_gather %add3A_1265[%gather3A_1266] in [0] : vector<16xf32>, vector<16xi32> -> vector<16xf32>
      %add3A_1268 = arith.addf %add3A_1265, %gather3A_1267 : vector<16xf32>
      %gather3A_1269 = vector.shape_cast %broadcast_in_dim3A_139 : vector<16x1xi32> to vector<16xi32>
      %gather3A_1270 = tpu.dynamic_gather %add3A_1268[%gather3A_1269] in [0] : vector<16xf32>, vector<16xi32> -> vector<16xf32>
      %add3A_1271 = arith.addf %add3A_1268, %gather3A_1270 : vector<16xf32>
      %gather3A_1272 = vector.shape_cast %broadcast_in_dim3A_143 : vector<16x1xi32> to vector<16xi32>
      %gather3A_1273 = tpu.dynamic_gather %add3A_1271[%gather3A_1272] in [0] : vector<16xf32>, vector<16xi32> -> vector<16xf32>
      %add3A_1274 = arith.addf %add3A_1271, %gather3A_1273 : vector<16xf32>
      %gather3A_1275 = vector.shape_cast %broadcast_in_dim3A_147 : vector<16x1xi32> to vector<16xi32>
      %gather3A_1276 = tpu.dynamic_gather %add3A_1274[%gather3A_1275] in [0] : vector<16xf32>, vector<16xi32> -> vector<16xf32>
      %add3A_1277 = arith.addf %add3A_1274, %gather3A_1276 : vector<16xf32>
      %broadcast_in_dim3A_1278 = arith.constant 0 : i32
      %broadcast_in_dim3A_1279 = vector.broadcast %broadcast_in_dim3A_1278 : i32 to vector<16xi32>
      tpu.vector_store_idx %arg16[%broadcast_in_dim3A_1279], %add3A_1277 masked %eq3A_4 : memref<24xf32, #tpu.memory_space<vmem>>[vector<16xi32>], vector<16xf32>, vector<16xi1>
      %get3A_1280 = arith.constant 2 : i32
      %get3A_1281 = arith.index_cast %get3A_1280 : i32 to index
      %get3A_1282 = arith.constant 0 : index
      %get3A_1283 = tpu.vector_load %arg12[%get3A_1281, %get3A_1282] {strides = array<i32>} : memref<37x64xf32, #tpu.memory_space<vmem>>, vector<16xf32>,
      %get3A_1284 = arith.constant 2 : i32
      %get3A_1285 = arith.index_cast %get3A_1284 : i32 to index
      %get3A_1286 = arith.constant 16 : index
      %get3A_1287 = tpu.vector_load %arg12[%get3A_1285, %get3A_1286] {strides = array<i32>} : memref<37x64xf32, #tpu.memory_space<vmem>>, vector<16xf32>,
      %get3A_1288 = arith.constant 2 : i32
      %get3A_1289 = arith.index_cast %get3A_1288 : i32 to index
      %get3A_1290 = arith.constant 32 : index
      %get3A_1291 = tpu.vector_load %arg12[%get3A_1289, %get3A_1290] {strides = array<i32>} : memref<37x64xf32, #tpu.memory_space<vmem>>, vector<16xf32>,
      %get3A_1292 = arith.constant 2 : i32
      %get3A_1293 = arith.index_cast %get3A_1292 : i32 to index
      %get3A_1294 = arith.constant 48 : index
      %get3A_1295 = tpu.vector_load %arg12[%get3A_1293, %get3A_1294] {strides = array<i32>} : memref<37x64xf32, #tpu.memory_space<vmem>>, vector<16xf32>,
      %mul3A_1296 = arith.mulf %get3A_1283, %get3A_1190 : vector<16xf32>
      %mul3A_1297 = arith.mulf %get3A_1287, %get3A_1194 : vector<16xf32>
      %add3A_1298 = arith.addf %mul3A_1296, %mul3A_1297 : vector<16xf32>
      %mul3A_1299 = arith.mulf %get3A_1291, %get3A_1198 : vector<16xf32>
      %add3A_1300 = arith.addf %add3A_1298, %mul3A_1299 : vector<16xf32>
      %mul3A_1301 = arith.mulf %get3A_1295, %get3A_1202 : vector<16xf32>
      %add3A_1302 = arith.addf %add3A_1300, %mul3A_1301 : vector<16xf32>
      %gather3A_1303 = vector.shape_cast %broadcast_in_dim3A_135 : vector<16x1xi32> to vector<16xi32>
      %gather3A_1304 = tpu.dynamic_gather %add3A_1302[%gather3A_1303] in [0] : vector<16xf32>, vector<16xi32> -> vector<16xf32>
      %add3A_1305 = arith.addf %add3A_1302, %gather3A_1304 : vector<16xf32>
      %gather3A_1306 = vector.shape_cast %broadcast_in_dim3A_139 : vector<16x1xi32> to vector<16xi32>
      %gather3A_1307 = tpu.dynamic_gather %add3A_1305[%gather3A_1306] in [0] : vector<16xf32>, vector<16xi32> -> vector<16xf32>
      %add3A_1308 = arith.addf %add3A_1305, %gather3A_1307 : vector<16xf32>
      %gather3A_1309 = vector.shape_cast %broadcast_in_dim3A_143 : vector<16x1xi32> to vector<16xi32>
      %gather3A_1310 = tpu.dynamic_gather %add3A_1308[%gather3A_1309] in [0] : vector<16xf32>, vector<16xi32> -> vector<16xf32>
      %add3A_1311 = arith.addf %add3A_1308, %gather3A_1310 : vector<16xf32>
      %gather3A_1312 = vector.shape_cast %broadcast_in_dim3A_147 : vector<16x1xi32> to vector<16xi32>
      %gather3A_1313 = tpu.dynamic_gather %add3A_1311[%gather3A_1312] in [0] : vector<16xf32>, vector<16xi32> -> vector<16xf32>
      %add3A_1314 = arith.addf %add3A_1311, %gather3A_1313 : vector<16xf32>
      %broadcast_in_dim3A_1315 = arith.constant 1 : i32
      %broadcast_in_dim3A_1316 = vector.broadcast %broadcast_in_dim3A_1315 : i32 to vector<16xi32>
      tpu.vector_store_idx %arg16[%broadcast_in_dim3A_1316], %add3A_1314 masked %eq3A_4 : memref<24xf32, #tpu.memory_space<vmem>>[vector<16xi32>], vector<16xf32>, vector<16xi1>
      %get3A_1317 = arith.constant 3 : i32
      %get3A_1318 = arith.index_cast %get3A_1317 : i32 to index
      %get3A_1319 = arith.constant 0 : index
      %get3A_1320 = tpu.vector_load %arg12[%get3A_1318, %get3A_1319] {strides = array<i32>} : memref<37x64xf32, #tpu.memory_space<vmem>>, vector<16xf32>,
      %get3A_1321 = arith.constant 3 : i32
      %get3A_1322 = arith.index_cast %get3A_1321 : i32 to index
      %get3A_1323 = arith.constant 16 : index
      %get3A_1324 = tpu.vector_load %arg12[%get3A_1322, %get3A_1323] {strides = array<i32>} : memref<37x64xf32, #tpu.memory_space<vmem>>, vector<16xf32>,
      %get3A_1325 = arith.constant 3 : i32
      %get3A_1326 = arith.index_cast %get3A_1325 : i32 to index
      %get3A_1327 = arith.constant 32 : index
      %get3A_1328 = tpu.vector_load %arg12[%get3A_1326, %get3A_1327] {strides = array<i32>} : memref<37x64xf32, #tpu.memory_space<vmem>>, vector<16xf32>,
      %get3A_1329 = arith.constant 3 : i32
      %get3A_1330 = arith.index_cast %get3A_1329 : i32 to index
      %get3A_1331 = arith.constant 48 : index
      %get3A_1332 = tpu.vector_load %arg12[%get3A_1330, %get3A_1331] {strides = array<i32>} : memref<37x64xf32, #tpu.memory_space<vmem>>, vector<16xf32>,
      %mul3A_1333 = arith.mulf %get3A_1320, %get3A_1190 : vector<16xf32>
      %mul3A_1334 = arith.mulf %get3A_1324, %get3A_1194 : vector<16xf32>
      %add3A_1335 = arith.addf %mul3A_1333, %mul3A_1334 : vector<16xf32>
      %mul3A_1336 = arith.mulf %get3A_1328, %get3A_1198 : vector<16xf32>
      %add3A_1337 = arith.addf %add3A_1335, %mul3A_1336 : vector<16xf32>
      %mul3A_1338 = arith.mulf %get3A_1332, %get3A_1202 : vector<16xf32>
      %add3A_1339 = arith.addf %add3A_1337, %mul3A_1338 : vector<16xf32>
      %gather3A_1340 = vector.shape_cast %broadcast_in_dim3A_135 : vector<16x1xi32> to vector<16xi32>
      %gather3A_1341 = tpu.dynamic_gather %add3A_1339[%gather3A_1340] in [0] : vector<16xf32>, vector<16xi32> -> vector<16xf32>
      %add3A_1342 = arith.addf %add3A_1339, %gather3A_1341 : vector<16xf32>
      %gather3A_1343 = vector.shape_cast %broadcast_in_dim3A_139 : vector<16x1xi32> to vector<16xi32>
      %gather3A_1344 = tpu.dynamic_gather %add3A_1342[%gather3A_1343] in [0] : vector<16xf32>, vector<16xi32> -> vector<16xf32>
      %add3A_1345 = arith.addf %add3A_1342, %gather3A_1344 : vector<16xf32>
      %gather3A_1346 = vector.shape_cast %broadcast_in_dim3A_143 : vector<16x1xi32> to vector<16xi32>
      %gather3A_1347 = tpu.dynamic_gather %add3A_1345[%gather3A_1346] in [0] : vector<16xf32>, vector<16xi32> -> vector<16xf32>
      %add3A_1348 = arith.addf %add3A_1345, %gather3A_1347 : vector<16xf32>
      %gather3A_1349 = vector.shape_cast %broadcast_in_dim3A_147 : vector<16x1xi32> to vector<16xi32>
      %gather3A_1350 = tpu.dynamic_gather %add3A_1348[%gather3A_1349] in [0] : vector<16xf32>, vector<16xi32> -> vector<16xf32>
      %add3A_1351 = arith.addf %add3A_1348, %gather3A_1350 : vector<16xf32>
      %broadcast_in_dim3A_1352 = arith.constant 2 : i32
      %broadcast_in_dim3A_1353 = vector.broadcast %broadcast_in_dim3A_1352 : i32 to vector<16xi32>
      tpu.vector_store_idx %arg16[%broadcast_in_dim3A_1353], %add3A_1351 masked %eq3A_4 : memref<24xf32, #tpu.memory_space<vmem>>[vector<16xi32>], vector<16xf32>, vector<16xi1>
      %get3A_1354 = arith.constant 4 : i32
      %get3A_1355 = arith.index_cast %get3A_1354 : i32 to index
      %get3A_1356 = arith.constant 0 : index
      %get3A_1357 = tpu.vector_load %arg12[%get3A_1355, %get3A_1356] {strides = array<i32>} : memref<37x64xf32, #tpu.memory_space<vmem>>, vector<16xf32>,
      %get3A_1358 = arith.constant 4 : i32
      %get3A_1359 = arith.index_cast %get3A_1358 : i32 to index
      %get3A_1360 = arith.constant 16 : index
      %get3A_1361 = tpu.vector_load %arg12[%get3A_1359, %get3A_1360] {strides = array<i32>} : memref<37x64xf32, #tpu.memory_space<vmem>>, vector<16xf32>,
      %get3A_1362 = arith.constant 4 : i32
      %get3A_1363 = arith.index_cast %get3A_1362 : i32 to index
      %get3A_1364 = arith.constant 32 : index
      %get3A_1365 = tpu.vector_load %arg12[%get3A_1363, %get3A_1364] {strides = array<i32>} : memref<37x64xf32, #tpu.memory_space<vmem>>, vector<16xf32>,
      %get3A_1366 = arith.constant 4 : i32
      %get3A_1367 = arith.index_cast %get3A_1366 : i32 to index
      %get3A_1368 = arith.constant 48 : index
      %get3A_1369 = tpu.vector_load %arg12[%get3A_1367, %get3A_1368] {strides = array<i32>} : memref<37x64xf32, #tpu.memory_space<vmem>>, vector<16xf32>,
      %mul3A_1370 = arith.mulf %get3A_1357, %get3A_1190 : vector<16xf32>
      %mul3A_1371 = arith.mulf %get3A_1361, %get3A_1194 : vector<16xf32>
      %add3A_1372 = arith.addf %mul3A_1370, %mul3A_1371 : vector<16xf32>
      %mul3A_1373 = arith.mulf %get3A_1365, %get3A_1198 : vector<16xf32>
      %add3A_1374 = arith.addf %add3A_1372, %mul3A_1373 : vector<16xf32>
      %mul3A_1375 = arith.mulf %get3A_1369, %get3A_1202 : vector<16xf32>
      %add3A_1376 = arith.addf %add3A_1374, %mul3A_1375 : vector<16xf32>
      %gather3A_1377 = vector.shape_cast %broadcast_in_dim3A_135 : vector<16x1xi32> to vector<16xi32>
      %gather3A_1378 = tpu.dynamic_gather %add3A_1376[%gather3A_1377] in [0] : vector<16xf32>, vector<16xi32> -> vector<16xf32>
      %add3A_1379 = arith.addf %add3A_1376, %gather3A_1378 : vector<16xf32>
      %gather3A_1380 = vector.shape_cast %broadcast_in_dim3A_139 : vector<16x1xi32> to vector<16xi32>
      %gather3A_1381 = tpu.dynamic_gather %add3A_1379[%gather3A_1380] in [0] : vector<16xf32>, vector<16xi32> -> vector<16xf32>
      %add3A_1382 = arith.addf %add3A_1379, %gather3A_1381 : vector<16xf32>
      %gather3A_1383 = vector.shape_cast %broadcast_in_dim3A_143 : vector<16x1xi32> to vector<16xi32>
      %gather3A_1384 = tpu.dynamic_gather %add3A_1382[%gather3A_1383] in [0] : vector<16xf32>, vector<16xi32> -> vector<16xf32>
      %add3A_1385 = arith.addf %add3A_1382, %gather3A_1384 : vector<16xf32>
      %gather3A_1386 = vector.shape_cast %broadcast_in_dim3A_147 : vector<16x1xi32> to vector<16xi32>
      %gather3A_1387 = tpu.dynamic_gather %add3A_1385[%gather3A_1386] in [0] : vector<16xf32>, vector<16xi32> -> vector<16xf32>
      %add3A_1388 = arith.addf %add3A_1385, %gather3A_1387 : vector<16xf32>
      %broadcast_in_dim3A_1389 = arith.constant 3 : i32
      %broadcast_in_dim3A_1390 = vector.broadcast %broadcast_in_dim3A_1389 : i32 to vector<16xi32>
      tpu.vector_store_idx %arg16[%broadcast_in_dim3A_1390], %add3A_1388 masked %eq3A_4 : memref<24xf32, #tpu.memory_space<vmem>>[vector<16xi32>], vector<16xf32>, vector<16xi1>
      %get3A_1391 = arith.constant 5 : i32
      %get3A_1392 = arith.index_cast %get3A_1391 : i32 to index
      %get3A_1393 = arith.constant 0 : index
      %get3A_1394 = tpu.vector_load %arg12[%get3A_1392, %get3A_1393] {strides = array<i32>} : memref<37x64xf32, #tpu.memory_space<vmem>>, vector<16xf32>,
      %get3A_1395 = arith.constant 5 : i32
      %get3A_1396 = arith.index_cast %get3A_1395 : i32 to index
      %get3A_1397 = arith.constant 16 : index
      %get3A_1398 = tpu.vector_load %arg12[%get3A_1396, %get3A_1397] {strides = array<i32>} : memref<37x64xf32, #tpu.memory_space<vmem>>, vector<16xf32>,
      %get3A_1399 = arith.constant 5 : i32
      %get3A_1400 = arith.index_cast %get3A_1399 : i32 to index
      %get3A_1401 = arith.constant 32 : index
      %get3A_1402 = tpu.vector_load %arg12[%get3A_1400, %get3A_1401] {strides = array<i32>} : memref<37x64xf32, #tpu.memory_space<vmem>>, vector<16xf32>,
      %get3A_1403 = arith.constant 5 : i32
      %get3A_1404 = arith.index_cast %get3A_1403 : i32 to index
      %get3A_1405 = arith.constant 48 : index
      %get3A_1406 = tpu.vector_load %arg12[%get3A_1404, %get3A_1405] {strides = array<i32>} : memref<37x64xf32, #tpu.memory_space<vmem>>, vector<16xf32>,
      %mul3A_1407 = arith.mulf %get3A_1394, %get3A_1190 : vector<16xf32>
      %mul3A_1408 = arith.mulf %get3A_1398, %get3A_1194 : vector<16xf32>
      %add3A_1409 = arith.addf %mul3A_1407, %mul3A_1408 : vector<16xf32>
      %mul3A_1410 = arith.mulf %get3A_1402, %get3A_1198 : vector<16xf32>
      %add3A_1411 = arith.addf %add3A_1409, %mul3A_1410 : vector<16xf32>
      %mul3A_1412 = arith.mulf %get3A_1406, %get3A_1202 : vector<16xf32>
      %add3A_1413 = arith.addf %add3A_1411, %mul3A_1412 : vector<16xf32>
      %gather3A_1414 = vector.shape_cast %broadcast_in_dim3A_135 : vector<16x1xi32> to vector<16xi32>
      %gather3A_1415 = tpu.dynamic_gather %add3A_1413[%gather3A_1414] in [0] : vector<16xf32>, vector<16xi32> -> vector<16xf32>
      %add3A_1416 = arith.addf %add3A_1413, %gather3A_1415 : vector<16xf32>
      %gather3A_1417 = vector.shape_cast %broadcast_in_dim3A_139 : vector<16x1xi32> to vector<16xi32>
      %gather3A_1418 = tpu.dynamic_gather %add3A_1416[%gather3A_1417] in [0] : vector<16xf32>, vector<16xi32> -> vector<16xf32>
      %add3A_1419 = arith.addf %add3A_1416, %gather3A_1418 : vector<16xf32>
      %gather3A_1420 = vector.shape_cast %broadcast_in_dim3A_143 : vector<16x1xi32> to vector<16xi32>
      %gather3A_1421 = tpu.dynamic_gather %add3A_1419[%gather3A_1420] in [0] : vector<16xf32>, vector<16xi32> -> vector<16xf32>
      %add3A_1422 = arith.addf %add3A_1419, %gather3A_1421 : vector<16xf32>
      %gather3A_1423 = vector.shape_cast %broadcast_in_dim3A_147 : vector<16x1xi32> to vector<16xi32>
      %gather3A_1424 = tpu.dynamic_gather %add3A_1422[%gather3A_1423] in [0] : vector<16xf32>, vector<16xi32> -> vector<16xf32>
      %add3A_1425 = arith.addf %add3A_1422, %gather3A_1424 : vector<16xf32>
      %broadcast_in_dim3A_1426 = arith.constant 4 : i32
      %broadcast_in_dim3A_1427 = vector.broadcast %broadcast_in_dim3A_1426 : i32 to vector<16xi32>
      tpu.vector_store_idx %arg16[%broadcast_in_dim3A_1427], %add3A_1425 masked %eq3A_4 : memref<24xf32, #tpu.memory_space<vmem>>[vector<16xi32>], vector<16xf32>, vector<16xi1>
      %get3A_1428 = arith.constant 6 : i32
      %get3A_1429 = arith.index_cast %get3A_1428 : i32 to index
      %get3A_1430 = arith.constant 0 : index
      %get3A_1431 = tpu.vector_load %arg12[%get3A_1429, %get3A_1430] {strides = array<i32>} : memref<37x64xf32, #tpu.memory_space<vmem>>, vector<16xf32>,
      %get3A_1432 = arith.constant 6 : i32
      %get3A_1433 = arith.index_cast %get3A_1432 : i32 to index
      %get3A_1434 = arith.constant 16 : index
      %get3A_1435 = tpu.vector_load %arg12[%get3A_1433, %get3A_1434] {strides = array<i32>} : memref<37x64xf32, #tpu.memory_space<vmem>>, vector<16xf32>,
      %get3A_1436 = arith.constant 6 : i32
      %get3A_1437 = arith.index_cast %get3A_1436 : i32 to index
      %get3A_1438 = arith.constant 32 : index
      %get3A_1439 = tpu.vector_load %arg12[%get3A_1437, %get3A_1438] {strides = array<i32>} : memref<37x64xf32, #tpu.memory_space<vmem>>, vector<16xf32>,
      %get3A_1440 = arith.constant 6 : i32
      %get3A_1441 = arith.index_cast %get3A_1440 : i32 to index
      %get3A_1442 = arith.constant 48 : index
      %get3A_1443 = tpu.vector_load %arg12[%get3A_1441, %get3A_1442] {strides = array<i32>} : memref<37x64xf32, #tpu.memory_space<vmem>>, vector<16xf32>,
      %mul3A_1444 = arith.mulf %get3A_1431, %get3A_1190 : vector<16xf32>
      %mul3A_1445 = arith.mulf %get3A_1435, %get3A_1194 : vector<16xf32>
      %add3A_1446 = arith.addf %mul3A_1444, %mul3A_1445 : vector<16xf32>
      %mul3A_1447 = arith.mulf %get3A_1439, %get3A_1198 : vector<16xf32>
      %add3A_1448 = arith.addf %add3A_1446, %mul3A_1447 : vector<16xf32>
      %mul3A_1449 = arith.mulf %get3A_1443, %get3A_1202 : vector<16xf32>
      %add3A_1450 = arith.addf %add3A_1448, %mul3A_1449 : vector<16xf32>
      %gather3A_1451 = vector.shape_cast %broadcast_in_dim3A_135 : vector<16x1xi32> to vector<16xi32>
      %gather3A_1452 = tpu.dynamic_gather %add3A_1450[%gather3A_1451] in [0] : vector<16xf32>, vector<16xi32> -> vector<16xf32>
      %add3A_1453 = arith.addf %add3A_1450, %gather3A_1452 : vector<16xf32>
      %gather3A_1454 = vector.shape_cast %broadcast_in_dim3A_139 : vector<16x1xi32> to vector<16xi32>
      %gather3A_1455 = tpu.dynamic_gather %add3A_1453[%gather3A_1454] in [0] : vector<16xf32>, vector<16xi32> -> vector<16xf32>
      %add3A_1456 = arith.addf %add3A_1453, %gather3A_1455 : vector<16xf32>
      %gather3A_1457 = vector.shape_cast %broadcast_in_dim3A_143 : vector<16x1xi32> to vector<16xi32>
      %gather3A_1458 = tpu.dynamic_gather %add3A_1456[%gather3A_1457] in [0] : vector<16xf32>, vector<16xi32> -> vector<16xf32>
      %add3A_1459 = arith.addf %add3A_1456, %gather3A_1458 : vector<16xf32>
      %gather3A_1460 = vector.shape_cast %broadcast_in_dim3A_147 : vector<16x1xi32> to vector<16xi32>
      %gather3A_1461 = tpu.dynamic_gather %add3A_1459[%gather3A_1460] in [0] : vector<16xf32>, vector<16xi32> -> vector<16xf32>
      %add3A_1462 = arith.addf %add3A_1459, %gather3A_1461 : vector<16xf32>
      %broadcast_in_dim3A_1463 = arith.constant 5 : i32
      %broadcast_in_dim3A_1464 = vector.broadcast %broadcast_in_dim3A_1463 : i32 to vector<16xi32>
      tpu.vector_store_idx %arg16[%broadcast_in_dim3A_1464], %add3A_1462 masked %eq3A_4 : memref<24xf32, #tpu.memory_space<vmem>>[vector<16xi32>], vector<16xf32>, vector<16xi1>
      %get3A_1465 = arith.constant 7 : i32
      %get3A_1466 = arith.index_cast %get3A_1465 : i32 to index
      %get3A_1467 = arith.constant 0 : index
      %get3A_1468 = tpu.vector_load %arg12[%get3A_1466, %get3A_1467] {strides = array<i32>} : memref<37x64xf32, #tpu.memory_space<vmem>>, vector<16xf32>,
      %get3A_1469 = arith.constant 7 : i32
      %get3A_1470 = arith.index_cast %get3A_1469 : i32 to index
      %get3A_1471 = arith.constant 16 : index
      %get3A_1472 = tpu.vector_load %arg12[%get3A_1470, %get3A_1471] {strides = array<i32>} : memref<37x64xf32, #tpu.memory_space<vmem>>, vector<16xf32>,
      %get3A_1473 = arith.constant 7 : i32
      %get3A_1474 = arith.index_cast %get3A_1473 : i32 to index
      %get3A_1475 = arith.constant 32 : index
      %get3A_1476 = tpu.vector_load %arg12[%get3A_1474, %get3A_1475] {strides = array<i32>} : memref<37x64xf32, #tpu.memory_space<vmem>>, vector<16xf32>,
      %get3A_1477 = arith.constant 7 : i32
      %get3A_1478 = arith.index_cast %get3A_1477 : i32 to index
      %get3A_1479 = arith.constant 48 : index
      %get3A_1480 = tpu.vector_load %arg12[%get3A_1478, %get3A_1479] {strides = array<i32>} : memref<37x64xf32, #tpu.memory_space<vmem>>, vector<16xf32>,
      %mul3A_1481 = arith.mulf %get3A_1468, %get3A_1190 : vector<16xf32>
      %mul3A_1482 = arith.mulf %get3A_1472, %get3A_1194 : vector<16xf32>
      %add3A_1483 = arith.addf %mul3A_1481, %mul3A_1482 : vector<16xf32>
      %mul3A_1484 = arith.mulf %get3A_1476, %get3A_1198 : vector<16xf32>
      %add3A_1485 = arith.addf %add3A_1483, %mul3A_1484 : vector<16xf32>
      %mul3A_1486 = arith.mulf %get3A_1480, %get3A_1202 : vector<16xf32>
      %add3A_1487 = arith.addf %add3A_1485, %mul3A_1486 : vector<16xf32>
      %gather3A_1488 = vector.shape_cast %broadcast_in_dim3A_135 : vector<16x1xi32> to vector<16xi32>
      %gather3A_1489 = tpu.dynamic_gather %add3A_1487[%gather3A_1488] in [0] : vector<16xf32>, vector<16xi32> -> vector<16xf32>
      %add3A_1490 = arith.addf %add3A_1487, %gather3A_1489 : vector<16xf32>
      %gather3A_1491 = vector.shape_cast %broadcast_in_dim3A_139 : vector<16x1xi32> to vector<16xi32>
      %gather3A_1492 = tpu.dynamic_gather %add3A_1490[%gather3A_1491] in [0] : vector<16xf32>, vector<16xi32> -> vector<16xf32>
      %add3A_1493 = arith.addf %add3A_1490, %gather3A_1492 : vector<16xf32>
      %gather3A_1494 = vector.shape_cast %broadcast_in_dim3A_143 : vector<16x1xi32> to vector<16xi32>
      %gather3A_1495 = tpu.dynamic_gather %add3A_1493[%gather3A_1494] in [0] : vector<16xf32>, vector<16xi32> -> vector<16xf32>
      %add3A_1496 = arith.addf %add3A_1493, %gather3A_1495 : vector<16xf32>
      %gather3A_1497 = vector.shape_cast %broadcast_in_dim3A_147 : vector<16x1xi32> to vector<16xi32>
      %gather3A_1498 = tpu.dynamic_gather %add3A_1496[%gather3A_1497] in [0] : vector<16xf32>, vector<16xi32> -> vector<16xf32>
      %add3A_1499 = arith.addf %add3A_1496, %gather3A_1498 : vector<16xf32>
      %broadcast_in_dim3A_1500 = arith.constant 6 : i32
      %broadcast_in_dim3A_1501 = vector.broadcast %broadcast_in_dim3A_1500 : i32 to vector<16xi32>
      tpu.vector_store_idx %arg16[%broadcast_in_dim3A_1501], %add3A_1499 masked %eq3A_4 : memref<24xf32, #tpu.memory_space<vmem>>[vector<16xi32>], vector<16xf32>, vector<16xi1>
      %get3A_1502 = arith.constant 8 : i32
      %get3A_1503 = arith.index_cast %get3A_1502 : i32 to index
      %get3A_1504 = arith.constant 0 : index
      %get3A_1505 = tpu.vector_load %arg12[%get3A_1503, %get3A_1504] {strides = array<i32>} : memref<37x64xf32, #tpu.memory_space<vmem>>, vector<16xf32>,
      %get3A_1506 = arith.constant 8 : i32
      %get3A_1507 = arith.index_cast %get3A_1506 : i32 to index
      %get3A_1508 = arith.constant 16 : index
      %get3A_1509 = tpu.vector_load %arg12[%get3A_1507, %get3A_1508] {strides = array<i32>} : memref<37x64xf32, #tpu.memory_space<vmem>>, vector<16xf32>,
      %get3A_1510 = arith.constant 8 : i32
      %get3A_1511 = arith.index_cast %get3A_1510 : i32 to index
      %get3A_1512 = arith.constant 32 : index
      %get3A_1513 = tpu.vector_load %arg12[%get3A_1511, %get3A_1512] {strides = array<i32>} : memref<37x64xf32, #tpu.memory_space<vmem>>, vector<16xf32>,
      %get3A_1514 = arith.constant 8 : i32
      %get3A_1515 = arith.index_cast %get3A_1514 : i32 to index
      %get3A_1516 = arith.constant 48 : index
      %get3A_1517 = tpu.vector_load %arg12[%get3A_1515, %get3A_1516] {strides = array<i32>} : memref<37x64xf32, #tpu.memory_space<vmem>>, vector<16xf32>,
      %mul3A_1518 = arith.mulf %get3A_1505, %get3A_1190 : vector<16xf32>
      %mul3A_1519 = arith.mulf %get3A_1509, %get3A_1194 : vector<16xf32>
      %add3A_1520 = arith.addf %mul3A_1518, %mul3A_1519 : vector<16xf32>
      %mul3A_1521 = arith.mulf %get3A_1513, %get3A_1198 : vector<16xf32>
      %add3A_1522 = arith.addf %add3A_1520, %mul3A_1521 : vector<16xf32>
      %mul3A_1523 = arith.mulf %get3A_1517, %get3A_1202 : vector<16xf32>
      %add3A_1524 = arith.addf %add3A_1522, %mul3A_1523 : vector<16xf32>
      %gather3A_1525 = vector.shape_cast %broadcast_in_dim3A_135 : vector<16x1xi32> to vector<16xi32>
      %gather3A_1526 = tpu.dynamic_gather %add3A_1524[%gather3A_1525] in [0] : vector<16xf32>, vector<16xi32> -> vector<16xf32>
      %add3A_1527 = arith.addf %add3A_1524, %gather3A_1526 : vector<16xf32>
      %gather3A_1528 = vector.shape_cast %broadcast_in_dim3A_139 : vector<16x1xi32> to vector<16xi32>
      %gather3A_1529 = tpu.dynamic_gather %add3A_1527[%gather3A_1528] in [0] : vector<16xf32>, vector<16xi32> -> vector<16xf32>
      %add3A_1530 = arith.addf %add3A_1527, %gather3A_1529 : vector<16xf32>
      %gather3A_1531 = vector.shape_cast %broadcast_in_dim3A_143 : vector<16x1xi32> to vector<16xi32>
      %gather3A_1532 = tpu.dynamic_gather %add3A_1530[%gather3A_1531] in [0] : vector<16xf32>, vector<16xi32> -> vector<16xf32>
      %add3A_1533 = arith.addf %add3A_1530, %gather3A_1532 : vector<16xf32>
      %gather3A_1534 = vector.shape_cast %broadcast_in_dim3A_147 : vector<16x1xi32> to vector<16xi32>
      %gather3A_1535 = tpu.dynamic_gather %add3A_1533[%gather3A_1534] in [0] : vector<16xf32>, vector<16xi32> -> vector<16xf32>
      %add3A_1536 = arith.addf %add3A_1533, %gather3A_1535 : vector<16xf32>
      %broadcast_in_dim3A_1537 = arith.constant 7 : i32
      %broadcast_in_dim3A_1538 = vector.broadcast %broadcast_in_dim3A_1537 : i32 to vector<16xi32>
      tpu.vector_store_idx %arg16[%broadcast_in_dim3A_1538], %add3A_1536 masked %eq3A_4 : memref<24xf32, #tpu.memory_space<vmem>>[vector<16xi32>], vector<16xf32>, vector<16xi1>
      %get3A_1539 = arith.constant 9 : i32
      %get3A_1540 = arith.index_cast %get3A_1539 : i32 to index
      %get3A_1541 = arith.constant 0 : index
      %get3A_1542 = tpu.vector_load %arg12[%get3A_1540, %get3A_1541] {strides = array<i32>} : memref<37x64xf32, #tpu.memory_space<vmem>>, vector<16xf32>,
      %get3A_1543 = arith.constant 9 : i32
      %get3A_1544 = arith.index_cast %get3A_1543 : i32 to index
      %get3A_1545 = arith.constant 16 : index
      %get3A_1546 = tpu.vector_load %arg12[%get3A_1544, %get3A_1545] {strides = array<i32>} : memref<37x64xf32, #tpu.memory_space<vmem>>, vector<16xf32>,
      %get3A_1547 = arith.constant 9 : i32
      %get3A_1548 = arith.index_cast %get3A_1547 : i32 to index
      %get3A_1549 = arith.constant 32 : index
      %get3A_1550 = tpu.vector_load %arg12[%get3A_1548, %get3A_1549] {strides = array<i32>} : memref<37x64xf32, #tpu.memory_space<vmem>>, vector<16xf32>,
      %get3A_1551 = arith.constant 9 : i32
      %get3A_1552 = arith.index_cast %get3A_1551 : i32 to index
      %get3A_1553 = arith.constant 48 : index
      %get3A_1554 = tpu.vector_load %arg12[%get3A_1552, %get3A_1553] {strides = array<i32>} : memref<37x64xf32, #tpu.memory_space<vmem>>, vector<16xf32>,
      %mul3A_1555 = arith.mulf %get3A_1542, %get3A_1190 : vector<16xf32>
      %mul3A_1556 = arith.mulf %get3A_1546, %get3A_1194 : vector<16xf32>
      %add3A_1557 = arith.addf %mul3A_1555, %mul3A_1556 : vector<16xf32>
      %mul3A_1558 = arith.mulf %get3A_1550, %get3A_1198 : vector<16xf32>
      %add3A_1559 = arith.addf %add3A_1557, %mul3A_1558 : vector<16xf32>
      %mul3A_1560 = arith.mulf %get3A_1554, %get3A_1202 : vector<16xf32>
      %add3A_1561 = arith.addf %add3A_1559, %mul3A_1560 : vector<16xf32>
      %gather3A_1562 = vector.shape_cast %broadcast_in_dim3A_135 : vector<16x1xi32> to vector<16xi32>
      %gather3A_1563 = tpu.dynamic_gather %add3A_1561[%gather3A_1562] in [0] : vector<16xf32>, vector<16xi32> -> vector<16xf32>
      %add3A_1564 = arith.addf %add3A_1561, %gather3A_1563 : vector<16xf32>
      %gather3A_1565 = vector.shape_cast %broadcast_in_dim3A_139 : vector<16x1xi32> to vector<16xi32>
      %gather3A_1566 = tpu.dynamic_gather %add3A_1564[%gather3A_1565] in [0] : vector<16xf32>, vector<16xi32> -> vector<16xf32>
      %add3A_1567 = arith.addf %add3A_1564, %gather3A_1566 : vector<16xf32>
      %gather3A_1568 = vector.shape_cast %broadcast_in_dim3A_143 : vector<16x1xi32> to vector<16xi32>
      %gather3A_1569 = tpu.dynamic_gather %add3A_1567[%gather3A_1568] in [0] : vector<16xf32>, vector<16xi32> -> vector<16xf32>
      %add3A_1570 = arith.addf %add3A_1567, %gather3A_1569 : vector<16xf32>
      %gather3A_1571 = vector.shape_cast %broadcast_in_dim3A_147 : vector<16x1xi32> to vector<16xi32>
      %gather3A_1572 = tpu.dynamic_gather %add3A_1570[%gather3A_1571] in [0] : vector<16xf32>, vector<16xi32> -> vector<16xf32>
      %add3A_1573 = arith.addf %add3A_1570, %gather3A_1572 : vector<16xf32>
      %broadcast_in_dim3A_1574 = arith.constant 8 : i32
      %broadcast_in_dim3A_1575 = vector.broadcast %broadcast_in_dim3A_1574 : i32 to vector<16xi32>
      tpu.vector_store_idx %arg16[%broadcast_in_dim3A_1575], %add3A_1573 masked %eq3A_4 : memref<24xf32, #tpu.memory_space<vmem>>[vector<16xi32>], vector<16xf32>, vector<16xi1>
      %get3A_1576 = arith.constant 10 : i32
      %get3A_1577 = arith.index_cast %get3A_1576 : i32 to index
      %get3A_1578 = arith.constant 0 : index
      %get3A_1579 = tpu.vector_load %arg12[%get3A_1577, %get3A_1578] {strides = array<i32>} : memref<37x64xf32, #tpu.memory_space<vmem>>, vector<16xf32>,
      %get3A_1580 = arith.constant 10 : i32
      %get3A_1581 = arith.index_cast %get3A_1580 : i32 to index
      %get3A_1582 = arith.constant 16 : index
      %get3A_1583 = tpu.vector_load %arg12[%get3A_1581, %get3A_1582] {strides = array<i32>} : memref<37x64xf32, #tpu.memory_space<vmem>>, vector<16xf32>,
      %get3A_1584 = arith.constant 10 : i32
      %get3A_1585 = arith.index_cast %get3A_1584 : i32 to index
      %get3A_1586 = arith.constant 32 : index
      %get3A_1587 = tpu.vector_load %arg12[%get3A_1585, %get3A_1586] {strides = array<i32>} : memref<37x64xf32, #tpu.memory_space<vmem>>, vector<16xf32>,
      %get3A_1588 = arith.constant 10 : i32
      %get3A_1589 = arith.index_cast %get3A_1588 : i32 to index
      %get3A_1590 = arith.constant 48 : index
      %get3A_1591 = tpu.vector_load %arg12[%get3A_1589, %get3A_1590] {strides = array<i32>} : memref<37x64xf32, #tpu.memory_space<vmem>>, vector<16xf32>,
      %mul3A_1592 = arith.mulf %get3A_1579, %get3A_1190 : vector<16xf32>
      %mul3A_1593 = arith.mulf %get3A_1583, %get3A_1194 : vector<16xf32>
      %add3A_1594 = arith.addf %mul3A_1592, %mul3A_1593 : vector<16xf32>
      %mul3A_1595 = arith.mulf %get3A_1587, %get3A_1198 : vector<16xf32>
      %add3A_1596 = arith.addf %add3A_1594, %mul3A_1595 : vector<16xf32>
      %mul3A_1597 = arith.mulf %get3A_1591, %get3A_1202 : vector<16xf32>
      %add3A_1598 = arith.addf %add3A_1596, %mul3A_1597 : vector<16xf32>
      %gather3A_1599 = vector.shape_cast %broadcast_in_dim3A_135 : vector<16x1xi32> to vector<16xi32>
      %gather3A_1600 = tpu.dynamic_gather %add3A_1598[%gather3A_1599] in [0] : vector<16xf32>, vector<16xi32> -> vector<16xf32>
      %add3A_1601 = arith.addf %add3A_1598, %gather3A_1600 : vector<16xf32>
      %gather3A_1602 = vector.shape_cast %broadcast_in_dim3A_139 : vector<16x1xi32> to vector<16xi32>
      %gather3A_1603 = tpu.dynamic_gather %add3A_1601[%gather3A_1602] in [0] : vector<16xf32>, vector<16xi32> -> vector<16xf32>
      %add3A_1604 = arith.addf %add3A_1601, %gather3A_1603 : vector<16xf32>
      %gather3A_1605 = vector.shape_cast %broadcast_in_dim3A_143 : vector<16x1xi32> to vector<16xi32>
      %gather3A_1606 = tpu.dynamic_gather %add3A_1604[%gather3A_1605] in [0] : vector<16xf32>, vector<16xi32> -> vector<16xf32>
      %add3A_1607 = arith.addf %add3A_1604, %gather3A_1606 : vector<16xf32>
      %gather3A_1608 = vector.shape_cast %broadcast_in_dim3A_147 : vector<16x1xi32> to vector<16xi32>
      %gather3A_1609 = tpu.dynamic_gather %add3A_1607[%gather3A_1608] in [0] : vector<16xf32>, vector<16xi32> -> vector<16xf32>
      %add3A_1610 = arith.addf %add3A_1607, %gather3A_1609 : vector<16xf32>
      %broadcast_in_dim3A_1611 = arith.constant 9 : i32
      %broadcast_in_dim3A_1612 = vector.broadcast %broadcast_in_dim3A_1611 : i32 to vector<16xi32>
      tpu.vector_store_idx %arg16[%broadcast_in_dim3A_1612], %add3A_1610 masked %eq3A_4 : memref<24xf32, #tpu.memory_space<vmem>>[vector<16xi32>], vector<16xf32>, vector<16xi1>
      %get3A_1613 = arith.constant 11 : i32
      %get3A_1614 = arith.index_cast %get3A_1613 : i32 to index
      %get3A_1615 = arith.constant 0 : index
      %get3A_1616 = tpu.vector_load %arg12[%get3A_1614, %get3A_1615] {strides = array<i32>} : memref<37x64xf32, #tpu.memory_space<vmem>>, vector<16xf32>,
      %get3A_1617 = arith.constant 11 : i32
      %get3A_1618 = arith.index_cast %get3A_1617 : i32 to index
      %get3A_1619 = arith.constant 16 : index
      %get3A_1620 = tpu.vector_load %arg12[%get3A_1618, %get3A_1619] {strides = array<i32>} : memref<37x64xf32, #tpu.memory_space<vmem>>, vector<16xf32>,
      %get3A_1621 = arith.constant 11 : i32
      %get3A_1622 = arith.index_cast %get3A_1621 : i32 to index
      %get3A_1623 = arith.constant 32 : index
      %get3A_1624 = tpu.vector_load %arg12[%get3A_1622, %get3A_1623] {strides = array<i32>} : memref<37x64xf32, #tpu.memory_space<vmem>>, vector<16xf32>,
      %get3A_1625 = arith.constant 11 : i32
      %get3A_1626 = arith.index_cast %get3A_1625 : i32 to index
      %get3A_1627 = arith.constant 48 : index
      %get3A_1628 = tpu.vector_load %arg12[%get3A_1626, %get3A_1627] {strides = array<i32>} : memref<37x64xf32, #tpu.memory_space<vmem>>, vector<16xf32>,
      %mul3A_1629 = arith.mulf %get3A_1616, %get3A_1190 : vector<16xf32>
      %mul3A_1630 = arith.mulf %get3A_1620, %get3A_1194 : vector<16xf32>
      %add3A_1631 = arith.addf %mul3A_1629, %mul3A_1630 : vector<16xf32>
      %mul3A_1632 = arith.mulf %get3A_1624, %get3A_1198 : vector<16xf32>
      %add3A_1633 = arith.addf %add3A_1631, %mul3A_1632 : vector<16xf32>
      %mul3A_1634 = arith.mulf %get3A_1628, %get3A_1202 : vector<16xf32>
      %add3A_1635 = arith.addf %add3A_1633, %mul3A_1634 : vector<16xf32>
      %gather3A_1636 = vector.shape_cast %broadcast_in_dim3A_135 : vector<16x1xi32> to vector<16xi32>
      %gather3A_1637 = tpu.dynamic_gather %add3A_1635[%gather3A_1636] in [0] : vector<16xf32>, vector<16xi32> -> vector<16xf32>
      %add3A_1638 = arith.addf %add3A_1635, %gather3A_1637 : vector<16xf32>
      %gather3A_1639 = vector.shape_cast %broadcast_in_dim3A_139 : vector<16x1xi32> to vector<16xi32>
      %gather3A_1640 = tpu.dynamic_gather %add3A_1638[%gather3A_1639] in [0] : vector<16xf32>, vector<16xi32> -> vector<16xf32>
      %add3A_1641 = arith.addf %add3A_1638, %gather3A_1640 : vector<16xf32>
      %gather3A_1642 = vector.shape_cast %broadcast_in_dim3A_143 : vector<16x1xi32> to vector<16xi32>
      %gather3A_1643 = tpu.dynamic_gather %add3A_1641[%gather3A_1642] in [0] : vector<16xf32>, vector<16xi32> -> vector<16xf32>
      %add3A_1644 = arith.addf %add3A_1641, %gather3A_1643 : vector<16xf32>
      %gather3A_1645 = vector.shape_cast %broadcast_in_dim3A_147 : vector<16x1xi32> to vector<16xi32>
      %gather3A_1646 = tpu.dynamic_gather %add3A_1644[%gather3A_1645] in [0] : vector<16xf32>, vector<16xi32> -> vector<16xf32>
      %add3A_1647 = arith.addf %add3A_1644, %gather3A_1646 : vector<16xf32>
      %broadcast_in_dim3A_1648 = arith.constant 10 : i32
      %broadcast_in_dim3A_1649 = vector.broadcast %broadcast_in_dim3A_1648 : i32 to vector<16xi32>
      tpu.vector_store_idx %arg16[%broadcast_in_dim3A_1649], %add3A_1647 masked %eq3A_4 : memref<24xf32, #tpu.memory_space<vmem>>[vector<16xi32>], vector<16xf32>, vector<16xi1>
      %get3A_1650 = arith.constant 12 : i32
      %get3A_1651 = arith.index_cast %get3A_1650 : i32 to index
      %get3A_1652 = arith.constant 0 : index
      %get3A_1653 = tpu.vector_load %arg12[%get3A_1651, %get3A_1652] {strides = array<i32>} : memref<37x64xf32, #tpu.memory_space<vmem>>, vector<16xf32>,
      %get3A_1654 = arith.constant 12 : i32
      %get3A_1655 = arith.index_cast %get3A_1654 : i32 to index
      %get3A_1656 = arith.constant 16 : index
      %get3A_1657 = tpu.vector_load %arg12[%get3A_1655, %get3A_1656] {strides = array<i32>} : memref<37x64xf32, #tpu.memory_space<vmem>>, vector<16xf32>,
      %get3A_1658 = arith.constant 12 : i32
      %get3A_1659 = arith.index_cast %get3A_1658 : i32 to index
      %get3A_1660 = arith.constant 32 : index
      %get3A_1661 = tpu.vector_load %arg12[%get3A_1659, %get3A_1660] {strides = array<i32>} : memref<37x64xf32, #tpu.memory_space<vmem>>, vector<16xf32>,
      %get3A_1662 = arith.constant 12 : i32
      %get3A_1663 = arith.index_cast %get3A_1662 : i32 to index
      %get3A_1664 = arith.constant 48 : index
      %get3A_1665 = tpu.vector_load %arg12[%get3A_1663, %get3A_1664] {strides = array<i32>} : memref<37x64xf32, #tpu.memory_space<vmem>>, vector<16xf32>,
      %mul3A_1666 = arith.mulf %get3A_1653, %get3A_1190 : vector<16xf32>
      %mul3A_1667 = arith.mulf %get3A_1657, %get3A_1194 : vector<16xf32>
      %add3A_1668 = arith.addf %mul3A_1666, %mul3A_1667 : vector<16xf32>
      %mul3A_1669 = arith.mulf %get3A_1661, %get3A_1198 : vector<16xf32>
      %add3A_1670 = arith.addf %add3A_1668, %mul3A_1669 : vector<16xf32>
      %mul3A_1671 = arith.mulf %get3A_1665, %get3A_1202 : vector<16xf32>
      %add3A_1672 = arith.addf %add3A_1670, %mul3A_1671 : vector<16xf32>
      %gather3A_1673 = vector.shape_cast %broadcast_in_dim3A_135 : vector<16x1xi32> to vector<16xi32>
      %gather3A_1674 = tpu.dynamic_gather %add3A_1672[%gather3A_1673] in [0] : vector<16xf32>, vector<16xi32> -> vector<16xf32>
      %add3A_1675 = arith.addf %add3A_1672, %gather3A_1674 : vector<16xf32>
      %gather3A_1676 = vector.shape_cast %broadcast_in_dim3A_139 : vector<16x1xi32> to vector<16xi32>
      %gather3A_1677 = tpu.dynamic_gather %add3A_1675[%gather3A_1676] in [0] : vector<16xf32>, vector<16xi32> -> vector<16xf32>
      %add3A_1678 = arith.addf %add3A_1675, %gather3A_1677 : vector<16xf32>
      %gather3A_1679 = vector.shape_cast %broadcast_in_dim3A_143 : vector<16x1xi32> to vector<16xi32>
      %gather3A_1680 = tpu.dynamic_gather %add3A_1678[%gather3A_1679] in [0] : vector<16xf32>, vector<16xi32> -> vector<16xf32>
      %add3A_1681 = arith.addf %add3A_1678, %gather3A_1680 : vector<16xf32>
      %gather3A_1682 = vector.shape_cast %broadcast_in_dim3A_147 : vector<16x1xi32> to vector<16xi32>
      %gather3A_1683 = tpu.dynamic_gather %add3A_1681[%gather3A_1682] in [0] : vector<16xf32>, vector<16xi32> -> vector<16xf32>
      %add3A_1684 = arith.addf %add3A_1681, %gather3A_1683 : vector<16xf32>
      %broadcast_in_dim3A_1685 = arith.constant 11 : i32
      %broadcast_in_dim3A_1686 = vector.broadcast %broadcast_in_dim3A_1685 : i32 to vector<16xi32>
      tpu.vector_store_idx %arg16[%broadcast_in_dim3A_1686], %add3A_1684 masked %eq3A_4 : memref<24xf32, #tpu.memory_space<vmem>>[vector<16xi32>], vector<16xf32>, vector<16xi1>
      %get3A_1687 = arith.constant 13 : i32
      %get3A_1688 = arith.index_cast %get3A_1687 : i32 to index
      %get3A_1689 = arith.constant 0 : index
      %get3A_1690 = tpu.vector_load %arg12[%get3A_1688, %get3A_1689] {strides = array<i32>} : memref<37x64xf32, #tpu.memory_space<vmem>>, vector<16xf32>,
      %get3A_1691 = arith.constant 13 : i32
      %get3A_1692 = arith.index_cast %get3A_1691 : i32 to index
      %get3A_1693 = arith.constant 16 : index
      %get3A_1694 = tpu.vector_load %arg12[%get3A_1692, %get3A_1693] {strides = array<i32>} : memref<37x64xf32, #tpu.memory_space<vmem>>, vector<16xf32>,
      %get3A_1695 = arith.constant 13 : i32
      %get3A_1696 = arith.index_cast %get3A_1695 : i32 to index
      %get3A_1697 = arith.constant 32 : index
      %get3A_1698 = tpu.vector_load %arg12[%get3A_1696, %get3A_1697] {strides = array<i32>} : memref<37x64xf32, #tpu.memory_space<vmem>>, vector<16xf32>,
      %get3A_1699 = arith.constant 13 : i32
      %get3A_1700 = arith.index_cast %get3A_1699 : i32 to index
      %get3A_1701 = arith.constant 48 : index
      %get3A_1702 = tpu.vector_load %arg12[%get3A_1700, %get3A_1701] {strides = array<i32>} : memref<37x64xf32, #tpu.memory_space<vmem>>, vector<16xf32>,
      %mul3A_1703 = arith.mulf %get3A_1690, %get3A_1190 : vector<16xf32>
      %mul3A_1704 = arith.mulf %get3A_1694, %get3A_1194 : vector<16xf32>
      %add3A_1705 = arith.addf %mul3A_1703, %mul3A_1704 : vector<16xf32>
      %mul3A_1706 = arith.mulf %get3A_1698, %get3A_1198 : vector<16xf32>
      %add3A_1707 = arith.addf %add3A_1705, %mul3A_1706 : vector<16xf32>
      %mul3A_1708 = arith.mulf %get3A_1702, %get3A_1202 : vector<16xf32>
      %add3A_1709 = arith.addf %add3A_1707, %mul3A_1708 : vector<16xf32>
      %gather3A_1710 = vector.shape_cast %broadcast_in_dim3A_135 : vector<16x1xi32> to vector<16xi32>
      %gather3A_1711 = tpu.dynamic_gather %add3A_1709[%gather3A_1710] in [0] : vector<16xf32>, vector<16xi32> -> vector<16xf32>
      %add3A_1712 = arith.addf %add3A_1709, %gather3A_1711 : vector<16xf32>
      %gather3A_1713 = vector.shape_cast %broadcast_in_dim3A_139 : vector<16x1xi32> to vector<16xi32>
      %gather3A_1714 = tpu.dynamic_gather %add3A_1712[%gather3A_1713] in [0] : vector<16xf32>, vector<16xi32> -> vector<16xf32>
      %add3A_1715 = arith.addf %add3A_1712, %gather3A_1714 : vector<16xf32>
      %gather3A_1716 = vector.shape_cast %broadcast_in_dim3A_143 : vector<16x1xi32> to vector<16xi32>
      %gather3A_1717 = tpu.dynamic_gather %add3A_1715[%gather3A_1716] in [0] : vector<16xf32>, vector<16xi32> -> vector<16xf32>
      %add3A_1718 = arith.addf %add3A_1715, %gather3A_1717 : vector<16xf32>
      %gather3A_1719 = vector.shape_cast %broadcast_in_dim3A_147 : vector<16x1xi32> to vector<16xi32>
      %gather3A_1720 = tpu.dynamic_gather %add3A_1718[%gather3A_1719] in [0] : vector<16xf32>, vector<16xi32> -> vector<16xf32>
      %add3A_1721 = arith.addf %add3A_1718, %gather3A_1720 : vector<16xf32>
      %broadcast_in_dim3A_1722 = arith.constant 12 : i32
      %broadcast_in_dim3A_1723 = vector.broadcast %broadcast_in_dim3A_1722 : i32 to vector<16xi32>
      tpu.vector_store_idx %arg16[%broadcast_in_dim3A_1723], %add3A_1721 masked %eq3A_4 : memref<24xf32, #tpu.memory_space<vmem>>[vector<16xi32>], vector<16xf32>, vector<16xi1>
      %get3A_1724 = arith.constant 14 : i32
      %get3A_1725 = arith.index_cast %get3A_1724 : i32 to index
      %get3A_1726 = arith.constant 0 : index
      %get3A_1727 = tpu.vector_load %arg12[%get3A_1725, %get3A_1726] {strides = array<i32>} : memref<37x64xf32, #tpu.memory_space<vmem>>, vector<16xf32>,
      %get3A_1728 = arith.constant 14 : i32
      %get3A_1729 = arith.index_cast %get3A_1728 : i32 to index
      %get3A_1730 = arith.constant 16 : index
      %get3A_1731 = tpu.vector_load %arg12[%get3A_1729, %get3A_1730] {strides = array<i32>} : memref<37x64xf32, #tpu.memory_space<vmem>>, vector<16xf32>,
      %get3A_1732 = arith.constant 14 : i32
      %get3A_1733 = arith.index_cast %get3A_1732 : i32 to index
      %get3A_1734 = arith.constant 32 : index
      %get3A_1735 = tpu.vector_load %arg12[%get3A_1733, %get3A_1734] {strides = array<i32>} : memref<37x64xf32, #tpu.memory_space<vmem>>, vector<16xf32>,
      %get3A_1736 = arith.constant 14 : i32
      %get3A_1737 = arith.index_cast %get3A_1736 : i32 to index
      %get3A_1738 = arith.constant 48 : index
      %get3A_1739 = tpu.vector_load %arg12[%get3A_1737, %get3A_1738] {strides = array<i32>} : memref<37x64xf32, #tpu.memory_space<vmem>>, vector<16xf32>,
      %mul3A_1740 = arith.mulf %get3A_1727, %get3A_1190 : vector<16xf32>
      %mul3A_1741 = arith.mulf %get3A_1731, %get3A_1194 : vector<16xf32>
      %add3A_1742 = arith.addf %mul3A_1740, %mul3A_1741 : vector<16xf32>
      %mul3A_1743 = arith.mulf %get3A_1735, %get3A_1198 : vector<16xf32>
      %add3A_1744 = arith.addf %add3A_1742, %mul3A_1743 : vector<16xf32>
      %mul3A_1745 = arith.mulf %get3A_1739, %get3A_1202 : vector<16xf32>
      %add3A_1746 = arith.addf %add3A_1744, %mul3A_1745 : vector<16xf32>
      %gather3A_1747 = vector.shape_cast %broadcast_in_dim3A_135 : vector<16x1xi32> to vector<16xi32>
      %gather3A_1748 = tpu.dynamic_gather %add3A_1746[%gather3A_1747] in [0] : vector<16xf32>, vector<16xi32> -> vector<16xf32>
      %add3A_1749 = arith.addf %add3A_1746, %gather3A_1748 : vector<16xf32>
      %gather3A_1750 = vector.shape_cast %broadcast_in_dim3A_139 : vector<16x1xi32> to vector<16xi32>
      %gather3A_1751 = tpu.dynamic_gather %add3A_1749[%gather3A_1750] in [0] : vector<16xf32>, vector<16xi32> -> vector<16xf32>
      %add3A_1752 = arith.addf %add3A_1749, %gather3A_1751 : vector<16xf32>
      %gather3A_1753 = vector.shape_cast %broadcast_in_dim3A_143 : vector<16x1xi32> to vector<16xi32>
      %gather3A_1754 = tpu.dynamic_gather %add3A_1752[%gather3A_1753] in [0] : vector<16xf32>, vector<16xi32> -> vector<16xf32>
      %add3A_1755 = arith.addf %add3A_1752, %gather3A_1754 : vector<16xf32>
      %gather3A_1756 = vector.shape_cast %broadcast_in_dim3A_147 : vector<16x1xi32> to vector<16xi32>
      %gather3A_1757 = tpu.dynamic_gather %add3A_1755[%gather3A_1756] in [0] : vector<16xf32>, vector<16xi32> -> vector<16xf32>
      %add3A_1758 = arith.addf %add3A_1755, %gather3A_1757 : vector<16xf32>
      %broadcast_in_dim3A_1759 = arith.constant 13 : i32
      %broadcast_in_dim3A_1760 = vector.broadcast %broadcast_in_dim3A_1759 : i32 to vector<16xi32>
      tpu.vector_store_idx %arg16[%broadcast_in_dim3A_1760], %add3A_1758 masked %eq3A_4 : memref<24xf32, #tpu.memory_space<vmem>>[vector<16xi32>], vector<16xf32>, vector<16xi1>
      %get3A_1761 = arith.constant 15 : i32
      %get3A_1762 = arith.index_cast %get3A_1761 : i32 to index
      %get3A_1763 = arith.constant 0 : index
      %get3A_1764 = tpu.vector_load %arg12[%get3A_1762, %get3A_1763] {strides = array<i32>} : memref<37x64xf32, #tpu.memory_space<vmem>>, vector<16xf32>,
      %get3A_1765 = arith.constant 15 : i32
      %get3A_1766 = arith.index_cast %get3A_1765 : i32 to index
      %get3A_1767 = arith.constant 16 : index
      %get3A_1768 = tpu.vector_load %arg12[%get3A_1766, %get3A_1767] {strides = array<i32>} : memref<37x64xf32, #tpu.memory_space<vmem>>, vector<16xf32>,
      %get3A_1769 = arith.constant 15 : i32
      %get3A_1770 = arith.index_cast %get3A_1769 : i32 to index
      %get3A_1771 = arith.constant 32 : index
      %get3A_1772 = tpu.vector_load %arg12[%get3A_1770, %get3A_1771] {strides = array<i32>} : memref<37x64xf32, #tpu.memory_space<vmem>>, vector<16xf32>,
      %get3A_1773 = arith.constant 15 : i32
      %get3A_1774 = arith.index_cast %get3A_1773 : i32 to index
      %get3A_1775 = arith.constant 48 : index
      %get3A_1776 = tpu.vector_load %arg12[%get3A_1774, %get3A_1775] {strides = array<i32>} : memref<37x64xf32, #tpu.memory_space<vmem>>, vector<16xf32>,
      %mul3A_1777 = arith.mulf %get3A_1764, %get3A_1190 : vector<16xf32>
      %mul3A_1778 = arith.mulf %get3A_1768, %get3A_1194 : vector<16xf32>
      %add3A_1779 = arith.addf %mul3A_1777, %mul3A_1778 : vector<16xf32>
      %mul3A_1780 = arith.mulf %get3A_1772, %get3A_1198 : vector<16xf32>
      %add3A_1781 = arith.addf %add3A_1779, %mul3A_1780 : vector<16xf32>
      %mul3A_1782 = arith.mulf %get3A_1776, %get3A_1202 : vector<16xf32>
      %add3A_1783 = arith.addf %add3A_1781, %mul3A_1782 : vector<16xf32>
      %gather3A_1784 = vector.shape_cast %broadcast_in_dim3A_135 : vector<16x1xi32> to vector<16xi32>
      %gather3A_1785 = tpu.dynamic_gather %add3A_1783[%gather3A_1784] in [0] : vector<16xf32>, vector<16xi32> -> vector<16xf32>
      %add3A_1786 = arith.addf %add3A_1783, %gather3A_1785 : vector<16xf32>
      %gather3A_1787 = vector.shape_cast %broadcast_in_dim3A_139 : vector<16x1xi32> to vector<16xi32>
      %gather3A_1788 = tpu.dynamic_gather %add3A_1786[%gather3A_1787] in [0] : vector<16xf32>, vector<16xi32> -> vector<16xf32>
      %add3A_1789 = arith.addf %add3A_1786, %gather3A_1788 : vector<16xf32>
      %gather3A_1790 = vector.shape_cast %broadcast_in_dim3A_143 : vector<16x1xi32> to vector<16xi32>
      %gather3A_1791 = tpu.dynamic_gather %add3A_1789[%gather3A_1790] in [0] : vector<16xf32>, vector<16xi32> -> vector<16xf32>
      %add3A_1792 = arith.addf %add3A_1789, %gather3A_1791 : vector<16xf32>
      %gather3A_1793 = vector.shape_cast %broadcast_in_dim3A_147 : vector<16x1xi32> to vector<16xi32>
      %gather3A_1794 = tpu.dynamic_gather %add3A_1792[%gather3A_1793] in [0] : vector<16xf32>, vector<16xi32> -> vector<16xf32>
      %add3A_1795 = arith.addf %add3A_1792, %gather3A_1794 : vector<16xf32>
      %broadcast_in_dim3A_1796 = arith.constant 14 : i32
      %broadcast_in_dim3A_1797 = vector.broadcast %broadcast_in_dim3A_1796 : i32 to vector<16xi32>
      tpu.vector_store_idx %arg16[%broadcast_in_dim3A_1797], %add3A_1795 masked %eq3A_4 : memref<24xf32, #tpu.memory_space<vmem>>[vector<16xi32>], vector<16xf32>, vector<16xi1>
      %get3A_1798 = arith.constant 16 : i32
      %get3A_1799 = arith.index_cast %get3A_1798 : i32 to index
      %get3A_1800 = arith.constant 0 : index
      %get3A_1801 = tpu.vector_load %arg12[%get3A_1799, %get3A_1800] {strides = array<i32>} : memref<37x64xf32, #tpu.memory_space<vmem>>, vector<16xf32>,
      %get3A_1802 = arith.constant 16 : i32
      %get3A_1803 = arith.index_cast %get3A_1802 : i32 to index
      %get3A_1804 = arith.constant 16 : index
      %get3A_1805 = tpu.vector_load %arg12[%get3A_1803, %get3A_1804] {strides = array<i32>} : memref<37x64xf32, #tpu.memory_space<vmem>>, vector<16xf32>,
      %get3A_1806 = arith.constant 16 : i32
      %get3A_1807 = arith.index_cast %get3A_1806 : i32 to index
      %get3A_1808 = arith.constant 32 : index
      %get3A_1809 = tpu.vector_load %arg12[%get3A_1807, %get3A_1808] {strides = array<i32>} : memref<37x64xf32, #tpu.memory_space<vmem>>, vector<16xf32>,
      %get3A_1810 = arith.constant 16 : i32
      %get3A_1811 = arith.index_cast %get3A_1810 : i32 to index
      %get3A_1812 = arith.constant 48 : index
      %get3A_1813 = tpu.vector_load %arg12[%get3A_1811, %get3A_1812] {strides = array<i32>} : memref<37x64xf32, #tpu.memory_space<vmem>>, vector<16xf32>,
      %mul3A_1814 = arith.mulf %get3A_1801, %get3A_1190 : vector<16xf32>
      %mul3A_1815 = arith.mulf %get3A_1805, %get3A_1194 : vector<16xf32>
      %add3A_1816 = arith.addf %mul3A_1814, %mul3A_1815 : vector<16xf32>
      %mul3A_1817 = arith.mulf %get3A_1809, %get3A_1198 : vector<16xf32>
      %add3A_1818 = arith.addf %add3A_1816, %mul3A_1817 : vector<16xf32>
      %mul3A_1819 = arith.mulf %get3A_1813, %get3A_1202 : vector<16xf32>
      %add3A_1820 = arith.addf %add3A_1818, %mul3A_1819 : vector<16xf32>
      %gather3A_1821 = vector.shape_cast %broadcast_in_dim3A_135 : vector<16x1xi32> to vector<16xi32>
      %gather3A_1822 = tpu.dynamic_gather %add3A_1820[%gather3A_1821] in [0] : vector<16xf32>, vector<16xi32> -> vector<16xf32>
      %add3A_1823 = arith.addf %add3A_1820, %gather3A_1822 : vector<16xf32>
      %gather3A_1824 = vector.shape_cast %broadcast_in_dim3A_139 : vector<16x1xi32> to vector<16xi32>
      %gather3A_1825 = tpu.dynamic_gather %add3A_1823[%gather3A_1824] in [0] : vector<16xf32>, vector<16xi32> -> vector<16xf32>
      %add3A_1826 = arith.addf %add3A_1823, %gather3A_1825 : vector<16xf32>
      %gather3A_1827 = vector.shape_cast %broadcast_in_dim3A_143 : vector<16x1xi32> to vector<16xi32>
      %gather3A_1828 = tpu.dynamic_gather %add3A_1826[%gather3A_1827] in [0] : vector<16xf32>, vector<16xi32> -> vector<16xf32>
      %add3A_1829 = arith.addf %add3A_1826, %gather3A_1828 : vector<16xf32>
      %gather3A_1830 = vector.shape_cast %broadcast_in_dim3A_147 : vector<16x1xi32> to vector<16xi32>
      %gather3A_1831 = tpu.dynamic_gather %add3A_1829[%gather3A_1830] in [0] : vector<16xf32>, vector<16xi32> -> vector<16xf32>
      %add3A_1832 = arith.addf %add3A_1829, %gather3A_1831 : vector<16xf32>
      %broadcast_in_dim3A_1833 = arith.constant 15 : i32
      %broadcast_in_dim3A_1834 = vector.broadcast %broadcast_in_dim3A_1833 : i32 to vector<16xi32>
      tpu.vector_store_idx %arg16[%broadcast_in_dim3A_1834], %add3A_1832 masked %eq3A_4 : memref<24xf32, #tpu.memory_space<vmem>>[vector<16xi32>], vector<16xf32>, vector<16xi1>
      %broadcast_in_dim3A_1835 = arith.constant 0.000000e+00 : f32
      %broadcast_in_dim3A_1836 = vector.broadcast %broadcast_in_dim3A_1835 : f32 to vector<16xf32>
      %broadcast_in_dim3A_1837 = arith.constant 0.000000e+00 : f32
      %broadcast_in_dim3A_1838 = vector.broadcast %broadcast_in_dim3A_1837 : f32 to vector<16xf32>
      %broadcast_in_dim3A_1839 = arith.constant 0.000000e+00 : f32
      %broadcast_in_dim3A_1840 = vector.broadcast %broadcast_in_dim3A_1839 : f32 to vector<16xf32>
      %broadcast_in_dim3A_1841 = arith.constant 0.000000e+00 : f32
      %broadcast_in_dim3A_1842 = vector.broadcast %broadcast_in_dim3A_1841 : f32 to vector<16xf32>
      %broadcast_in_dim3A_1843 = arith.constant 384 : i32
      %broadcast_in_dim3A_1844 = vector.broadcast %broadcast_in_dim3A_1843 : i32 to vector<16xi32>
      %gather3A_1845 = tpu.vector_load_idx %arg8[%broadcast_in_dim3A_1844] : memref<400xi32, #tpu.memory_space<vmem>>[vector<16xi32>], vector<16xi32>,
      %bitcast3A_1846 = vector.bitcast %gather3A_1845 : vector<16xi32> to vector<16xf32>
      %get3A_1847 = arith.constant 1 : i32
      %get3A_1848 = arith.index_cast %get3A_1847 : i32 to index
      %get3A_1849 = arith.constant 0 : index
      %get3A_1850 = tpu.vector_load %arg10[%get3A_1848, %get3A_1849] {strides = array<i32>} : memref<9x64xf32, #tpu.memory_space<vmem>>, vector<16xf32>,
      %get3A_1851 = arith.constant 1 : i32
      %get3A_1852 = arith.index_cast %get3A_1851 : i32 to index
      %get3A_1853 = arith.constant 16 : index
      %get3A_1854 = tpu.vector_load %arg10[%get3A_1852, %get3A_1853] {strides = array<i32>} : memref<9x64xf32, #tpu.memory_space<vmem>>, vector<16xf32>,
      %get3A_1855 = arith.constant 1 : i32
      %get3A_1856 = arith.index_cast %get3A_1855 : i32 to index
      %get3A_1857 = arith.constant 32 : index
      %get3A_1858 = tpu.vector_load %arg10[%get3A_1856, %get3A_1857] {strides = array<i32>} : memref<9x64xf32, #tpu.memory_space<vmem>>, vector<16xf32>,
      %get3A_1859 = arith.constant 1 : i32
      %get3A_1860 = arith.index_cast %get3A_1859 : i32 to index
      %get3A_1861 = arith.constant 48 : index
      %get3A_1862 = tpu.vector_load %arg10[%get3A_1860, %get3A_1861] {strides = array<i32>} : memref<9x64xf32, #tpu.memory_space<vmem>>, vector<16xf32>,
      %mul3A_1863 = arith.mulf %bitcast3A_1846, %get3A_1850 : vector<16xf32>
      %add3A_1864 = arith.addf %broadcast_in_dim3A_1836, %mul3A_1863 : vector<16xf32>
      %mul3A_1865 = arith.mulf %bitcast3A_1846, %get3A_1854 : vector<16xf32>
      %add3A_1866 = arith.addf %broadcast_in_dim3A_1838, %mul3A_1865 : vector<16xf32>
      %mul3A_1867 = arith.mulf %bitcast3A_1846, %get3A_1858 : vector<16xf32>
      %add3A_1868 = arith.addf %broadcast_in_dim3A_1840, %mul3A_1867 : vector<16xf32>
      %mul3A_1869 = arith.mulf %bitcast3A_1846, %get3A_1862 : vector<16xf32>
      %add3A_1870 = arith.addf %broadcast_in_dim3A_1842, %mul3A_1869 : vector<16xf32>
      %broadcast_in_dim3A_1871 = arith.constant 385 : i32
      %broadcast_in_dim3A_1872 = vector.broadcast %broadcast_in_dim3A_1871 : i32 to vector<16xi32>
      %gather3A_1873 = tpu.vector_load_idx %arg8[%broadcast_in_dim3A_1872] : memref<400xi32, #tpu.memory_space<vmem>>[vector<16xi32>], vector<16xi32>,
      %bitcast3A_1874 = vector.bitcast %gather3A_1873 : vector<16xi32> to vector<16xf32>
      %get3A_1875 = arith.constant 2 : i32
      %get3A_1876 = arith.index_cast %get3A_1875 : i32 to index
      %get3A_1877 = arith.constant 0 : index
      %get3A_1878 = tpu.vector_load %arg10[%get3A_1876, %get3A_1877] {strides = array<i32>} : memref<9x64xf32, #tpu.memory_space<vmem>>, vector<16xf32>,
      %get3A_1879 = arith.constant 2 : i32
      %get3A_1880 = arith.index_cast %get3A_1879 : i32 to index
      %get3A_1881 = arith.constant 16 : index
      %get3A_1882 = tpu.vector_load %arg10[%get3A_1880, %get3A_1881] {strides = array<i32>} : memref<9x64xf32, #tpu.memory_space<vmem>>, vector<16xf32>,
      %get3A_1883 = arith.constant 2 : i32
      %get3A_1884 = arith.index_cast %get3A_1883 : i32 to index
      %get3A_1885 = arith.constant 32 : index
      %get3A_1886 = tpu.vector_load %arg10[%get3A_1884, %get3A_1885] {strides = array<i32>} : memref<9x64xf32, #tpu.memory_space<vmem>>, vector<16xf32>,
      %get3A_1887 = arith.constant 2 : i32
      %get3A_1888 = arith.index_cast %get3A_1887 : i32 to index
      %get3A_1889 = arith.constant 48 : index
      %get3A_1890 = tpu.vector_load %arg10[%get3A_1888, %get3A_1889] {strides = array<i32>} : memref<9x64xf32, #tpu.memory_space<vmem>>, vector<16xf32>,
      %mul3A_1891 = arith.mulf %bitcast3A_1874, %get3A_1878 : vector<16xf32>
      %add3A_1892 = arith.addf %add3A_1864, %mul3A_1891 : vector<16xf32>
      %mul3A_1893 = arith.mulf %bitcast3A_1874, %get3A_1882 : vector<16xf32>
      %add3A_1894 = arith.addf %add3A_1866, %mul3A_1893 : vector<16xf32>
      %mul3A_1895 = arith.mulf %bitcast3A_1874, %get3A_1886 : vector<16xf32>
      %add3A_1896 = arith.addf %add3A_1868, %mul3A_1895 : vector<16xf32>
      %mul3A_1897 = arith.mulf %bitcast3A_1874, %get3A_1890 : vector<16xf32>
      %add3A_1898 = arith.addf %add3A_1870, %mul3A_1897 : vector<16xf32>
      %broadcast_in_dim3A_1899 = arith.constant 386 : i32
      %broadcast_in_dim3A_1900 = vector.broadcast %broadcast_in_dim3A_1899 : i32 to vector<16xi32>
      %gather3A_1901 = tpu.vector_load_idx %arg8[%broadcast_in_dim3A_1900] : memref<400xi32, #tpu.memory_space<vmem>>[vector<16xi32>], vector<16xi32>,
      %bitcast3A_1902 = vector.bitcast %gather3A_1901 : vector<16xi32> to vector<16xf32>
      %get3A_1903 = arith.constant 3 : i32
      %get3A_1904 = arith.index_cast %get3A_1903 : i32 to index
      %get3A_1905 = arith.constant 0 : index
      %get3A_1906 = tpu.vector_load %arg10[%get3A_1904, %get3A_1905] {strides = array<i32>} : memref<9x64xf32, #tpu.memory_space<vmem>>, vector<16xf32>,
      %get3A_1907 = arith.constant 3 : i32
      %get3A_1908 = arith.index_cast %get3A_1907 : i32 to index
      %get3A_1909 = arith.constant 16 : index
      %get3A_1910 = tpu.vector_load %arg10[%get3A_1908, %get3A_1909] {strides = array<i32>} : memref<9x64xf32, #tpu.memory_space<vmem>>, vector<16xf32>,
      %get3A_1911 = arith.constant 3 : i32
      %get3A_1912 = arith.index_cast %get3A_1911 : i32 to index
      %get3A_1913 = arith.constant 32 : index
      %get3A_1914 = tpu.vector_load %arg10[%get3A_1912, %get3A_1913] {strides = array<i32>} : memref<9x64xf32, #tpu.memory_space<vmem>>, vector<16xf32>,
      %get3A_1915 = arith.constant 3 : i32
      %get3A_1916 = arith.index_cast %get3A_1915 : i32 to index
      %get3A_1917 = arith.constant 48 : index
      %get3A_1918 = tpu.vector_load %arg10[%get3A_1916, %get3A_1917] {strides = array<i32>} : memref<9x64xf32, #tpu.memory_space<vmem>>, vector<16xf32>,
      %mul3A_1919 = arith.mulf %bitcast3A_1902, %get3A_1906 : vector<16xf32>
      %add3A_1920 = arith.addf %add3A_1892, %mul3A_1919 : vector<16xf32>
      %mul3A_1921 = arith.mulf %bitcast3A_1902, %get3A_1910 : vector<16xf32>
      %add3A_1922 = arith.addf %add3A_1894, %mul3A_1921 : vector<16xf32>
      %mul3A_1923 = arith.mulf %bitcast3A_1902, %get3A_1914 : vector<16xf32>
      %add3A_1924 = arith.addf %add3A_1896, %mul3A_1923 : vector<16xf32>
      %mul3A_1925 = arith.mulf %bitcast3A_1902, %get3A_1918 : vector<16xf32>
      %add3A_1926 = arith.addf %add3A_1898, %mul3A_1925 : vector<16xf32>
      %broadcast_in_dim3A_1927 = arith.constant 387 : i32
      %broadcast_in_dim3A_1928 = vector.broadcast %broadcast_in_dim3A_1927 : i32 to vector<16xi32>
      %gather3A_1929 = tpu.vector_load_idx %arg8[%broadcast_in_dim3A_1928] : memref<400xi32, #tpu.memory_space<vmem>>[vector<16xi32>], vector<16xi32>,
      %bitcast3A_1930 = vector.bitcast %gather3A_1929 : vector<16xi32> to vector<16xf32>
      %get3A_1931 = arith.constant 4 : i32
      %get3A_1932 = arith.index_cast %get3A_1931 : i32 to index
      %get3A_1933 = arith.constant 0 : index
      %get3A_1934 = tpu.vector_load %arg10[%get3A_1932, %get3A_1933] {strides = array<i32>} : memref<9x64xf32, #tpu.memory_space<vmem>>, vector<16xf32>,
      %get3A_1935 = arith.constant 4 : i32
      %get3A_1936 = arith.index_cast %get3A_1935 : i32 to index
      %get3A_1937 = arith.constant 16 : index
      %get3A_1938 = tpu.vector_load %arg10[%get3A_1936, %get3A_1937] {strides = array<i32>} : memref<9x64xf32, #tpu.memory_space<vmem>>, vector<16xf32>,
      %get3A_1939 = arith.constant 4 : i32
      %get3A_1940 = arith.index_cast %get3A_1939 : i32 to index
      %get3A_1941 = arith.constant 32 : index
      %get3A_1942 = tpu.vector_load %arg10[%get3A_1940, %get3A_1941] {strides = array<i32>} : memref<9x64xf32, #tpu.memory_space<vmem>>, vector<16xf32>,
      %get3A_1943 = arith.constant 4 : i32
      %get3A_1944 = arith.index_cast %get3A_1943 : i32 to index
      %get3A_1945 = arith.constant 48 : index
      %get3A_1946 = tpu.vector_load %arg10[%get3A_1944, %get3A_1945] {strides = array<i32>} : memref<9x64xf32, #tpu.memory_space<vmem>>, vector<16xf32>,
      %mul3A_1947 = arith.mulf %bitcast3A_1930, %get3A_1934 : vector<16xf32>
      %add3A_1948 = arith.addf %add3A_1920, %mul3A_1947 : vector<16xf32>
      %mul3A_1949 = arith.mulf %bitcast3A_1930, %get3A_1938 : vector<16xf32>
      %add3A_1950 = arith.addf %add3A_1922, %mul3A_1949 : vector<16xf32>
      %mul3A_1951 = arith.mulf %bitcast3A_1930, %get3A_1942 : vector<16xf32>
      %add3A_1952 = arith.addf %add3A_1924, %mul3A_1951 : vector<16xf32>
      %mul3A_1953 = arith.mulf %bitcast3A_1930, %get3A_1946 : vector<16xf32>
      %add3A_1954 = arith.addf %add3A_1926, %mul3A_1953 : vector<16xf32>
      %broadcast_in_dim3A_1955 = arith.constant 388 : i32
      %broadcast_in_dim3A_1956 = vector.broadcast %broadcast_in_dim3A_1955 : i32 to vector<16xi32>
      %gather3A_1957 = tpu.vector_load_idx %arg8[%broadcast_in_dim3A_1956] : memref<400xi32, #tpu.memory_space<vmem>>[vector<16xi32>], vector<16xi32>,
      %bitcast3A_1958 = vector.bitcast %gather3A_1957 : vector<16xi32> to vector<16xf32>
      %get3A_1959 = arith.constant 5 : i32
      %get3A_1960 = arith.index_cast %get3A_1959 : i32 to index
      %get3A_1961 = arith.constant 0 : index
      %get3A_1962 = tpu.vector_load %arg10[%get3A_1960, %get3A_1961] {strides = array<i32>} : memref<9x64xf32, #tpu.memory_space<vmem>>, vector<16xf32>,
      %get3A_1963 = arith.constant 5 : i32
      %get3A_1964 = arith.index_cast %get3A_1963 : i32 to index
      %get3A_1965 = arith.constant 16 : index
      %get3A_1966 = tpu.vector_load %arg10[%get3A_1964, %get3A_1965] {strides = array<i32>} : memref<9x64xf32, #tpu.memory_space<vmem>>, vector<16xf32>,
      %get3A_1967 = arith.constant 5 : i32
      %get3A_1968 = arith.index_cast %get3A_1967 : i32 to index
      %get3A_1969 = arith.constant 32 : index
      %get3A_1970 = tpu.vector_load %arg10[%get3A_1968, %get3A_1969] {strides = array<i32>} : memref<9x64xf32, #tpu.memory_space<vmem>>, vector<16xf32>,
      %get3A_1971 = arith.constant 5 : i32
      %get3A_1972 = arith.index_cast %get3A_1971 : i32 to index
      %get3A_1973 = arith.constant 48 : index
      %get3A_1974 = tpu.vector_load %arg10[%get3A_1972, %get3A_1973] {strides = array<i32>} : memref<9x64xf32, #tpu.memory_space<vmem>>, vector<16xf32>,
      %mul3A_1975 = arith.mulf %bitcast3A_1958, %get3A_1962 : vector<16xf32>
      %add3A_1976 = arith.addf %add3A_1948, %mul3A_1975 : vector<16xf32>
      %mul3A_1977 = arith.mulf %bitcast3A_1958, %get3A_1966 : vector<16xf32>
      %add3A_1978 = arith.addf %add3A_1950, %mul3A_1977 : vector<16xf32>
      %mul3A_1979 = arith.mulf %bitcast3A_1958, %get3A_1970 : vector<16xf32>
      %add3A_1980 = arith.addf %add3A_1952, %mul3A_1979 : vector<16xf32>
      %mul3A_1981 = arith.mulf %bitcast3A_1958, %get3A_1974 : vector<16xf32>
      %add3A_1982 = arith.addf %add3A_1954, %mul3A_1981 : vector<16xf32>
      %broadcast_in_dim3A_1983 = arith.constant 389 : i32
      %broadcast_in_dim3A_1984 = vector.broadcast %broadcast_in_dim3A_1983 : i32 to vector<16xi32>
      %gather3A_1985 = tpu.vector_load_idx %arg8[%broadcast_in_dim3A_1984] : memref<400xi32, #tpu.memory_space<vmem>>[vector<16xi32>], vector<16xi32>,
      %bitcast3A_1986 = vector.bitcast %gather3A_1985 : vector<16xi32> to vector<16xf32>
      %get3A_1987 = arith.constant 6 : i32
      %get3A_1988 = arith.index_cast %get3A_1987 : i32 to index
      %get3A_1989 = arith.constant 0 : index
      %get3A_1990 = tpu.vector_load %arg10[%get3A_1988, %get3A_1989] {strides = array<i32>} : memref<9x64xf32, #tpu.memory_space<vmem>>, vector<16xf32>,
      %get3A_1991 = arith.constant 6 : i32
      %get3A_1992 = arith.index_cast %get3A_1991 : i32 to index
      %get3A_1993 = arith.constant 16 : index
      %get3A_1994 = tpu.vector_load %arg10[%get3A_1992, %get3A_1993] {strides = array<i32>} : memref<9x64xf32, #tpu.memory_space<vmem>>, vector<16xf32>,
      %get3A_1995 = arith.constant 6 : i32
      %get3A_1996 = arith.index_cast %get3A_1995 : i32 to index
      %get3A_1997 = arith.constant 32 : index
      %get3A_1998 = tpu.vector_load %arg10[%get3A_1996, %get3A_1997] {strides = array<i32>} : memref<9x64xf32, #tpu.memory_space<vmem>>, vector<16xf32>,
      %get3A_1999 = arith.constant 6 : i32
      %get3A_2000 = arith.index_cast %get3A_1999 : i32 to index
      %get3A_2001 = arith.constant 48 : index
      %get3A_2002 = tpu.vector_load %arg10[%get3A_2000, %get3A_2001] {strides = array<i32>} : memref<9x64xf32, #tpu.memory_space<vmem>>, vector<16xf32>,
      %mul3A_2003 = arith.mulf %bitcast3A_1986, %get3A_1990 : vector<16xf32>
      %add3A_2004 = arith.addf %add3A_1976, %mul3A_2003 : vector<16xf32>
      %mul3A_2005 = arith.mulf %bitcast3A_1986, %get3A_1994 : vector<16xf32>
      %add3A_2006 = arith.addf %add3A_1978, %mul3A_2005 : vector<16xf32>
      %mul3A_2007 = arith.mulf %bitcast3A_1986, %get3A_1998 : vector<16xf32>
      %add3A_2008 = arith.addf %add3A_1980, %mul3A_2007 : vector<16xf32>
      %mul3A_2009 = arith.mulf %bitcast3A_1986, %get3A_2002 : vector<16xf32>
      %add3A_2010 = arith.addf %add3A_1982, %mul3A_2009 : vector<16xf32>
      %broadcast_in_dim3A_2011 = arith.constant 390 : i32
      %broadcast_in_dim3A_2012 = vector.broadcast %broadcast_in_dim3A_2011 : i32 to vector<16xi32>
      %gather3A_2013 = tpu.vector_load_idx %arg8[%broadcast_in_dim3A_2012] : memref<400xi32, #tpu.memory_space<vmem>>[vector<16xi32>], vector<16xi32>,
      %bitcast3A_2014 = vector.bitcast %gather3A_2013 : vector<16xi32> to vector<16xf32>
      %get3A_2015 = arith.constant 7 : i32
      %get3A_2016 = arith.index_cast %get3A_2015 : i32 to index
      %get3A_2017 = arith.constant 0 : index
      %get3A_2018 = tpu.vector_load %arg10[%get3A_2016, %get3A_2017] {strides = array<i32>} : memref<9x64xf32, #tpu.memory_space<vmem>>, vector<16xf32>,
      %get3A_2019 = arith.constant 7 : i32
      %get3A_2020 = arith.index_cast %get3A_2019 : i32 to index
      %get3A_2021 = arith.constant 16 : index
      %get3A_2022 = tpu.vector_load %arg10[%get3A_2020, %get3A_2021] {strides = array<i32>} : memref<9x64xf32, #tpu.memory_space<vmem>>, vector<16xf32>,
      %get3A_2023 = arith.constant 7 : i32
      %get3A_2024 = arith.index_cast %get3A_2023 : i32 to index
      %get3A_2025 = arith.constant 32 : index
      %get3A_2026 = tpu.vector_load %arg10[%get3A_2024, %get3A_2025] {strides = array<i32>} : memref<9x64xf32, #tpu.memory_space<vmem>>, vector<16xf32>,
      %get3A_2027 = arith.constant 7 : i32
      %get3A_2028 = arith.index_cast %get3A_2027 : i32 to index
      %get3A_2029 = arith.constant 48 : index
      %get3A_2030 = tpu.vector_load %arg10[%get3A_2028, %get3A_2029] {strides = array<i32>} : memref<9x64xf32, #tpu.memory_space<vmem>>, vector<16xf32>,
      %mul3A_2031 = arith.mulf %bitcast3A_2014, %get3A_2018 : vector<16xf32>
      %add3A_2032 = arith.addf %add3A_2004, %mul3A_2031 : vector<16xf32>
      %mul3A_2033 = arith.mulf %bitcast3A_2014, %get3A_2022 : vector<16xf32>
      %add3A_2034 = arith.addf %add3A_2006, %mul3A_2033 : vector<16xf32>
      %mul3A_2035 = arith.mulf %bitcast3A_2014, %get3A_2026 : vector<16xf32>
      %add3A_2036 = arith.addf %add3A_2008, %mul3A_2035 : vector<16xf32>
      %mul3A_2037 = arith.mulf %bitcast3A_2014, %get3A_2030 : vector<16xf32>
      %add3A_2038 = arith.addf %add3A_2010, %mul3A_2037 : vector<16xf32>
      %broadcast_in_dim3A_2039 = arith.constant 391 : i32
      %broadcast_in_dim3A_2040 = vector.broadcast %broadcast_in_dim3A_2039 : i32 to vector<16xi32>
      %gather3A_2041 = tpu.vector_load_idx %arg8[%broadcast_in_dim3A_2040] : memref<400xi32, #tpu.memory_space<vmem>>[vector<16xi32>], vector<16xi32>,
      %bitcast3A_2042 = vector.bitcast %gather3A_2041 : vector<16xi32> to vector<16xf32>
      %get3A_2043 = arith.constant 8 : i32
      %get3A_2044 = arith.index_cast %get3A_2043 : i32 to index
      %get3A_2045 = arith.constant 0 : index
      %get3A_2046 = tpu.vector_load %arg10[%get3A_2044, %get3A_2045] {strides = array<i32>} : memref<9x64xf32, #tpu.memory_space<vmem>>, vector<16xf32>,
      %get3A_2047 = arith.constant 8 : i32
      %get3A_2048 = arith.index_cast %get3A_2047 : i32 to index
      %get3A_2049 = arith.constant 16 : index
      %get3A_2050 = tpu.vector_load %arg10[%get3A_2048, %get3A_2049] {strides = array<i32>} : memref<9x64xf32, #tpu.memory_space<vmem>>, vector<16xf32>,
      %get3A_2051 = arith.constant 8 : i32
      %get3A_2052 = arith.index_cast %get3A_2051 : i32 to index
      %get3A_2053 = arith.constant 32 : index
      %get3A_2054 = tpu.vector_load %arg10[%get3A_2052, %get3A_2053] {strides = array<i32>} : memref<9x64xf32, #tpu.memory_space<vmem>>, vector<16xf32>,
      %get3A_2055 = arith.constant 8 : i32
      %get3A_2056 = arith.index_cast %get3A_2055 : i32 to index
      %get3A_2057 = arith.constant 48 : index
      %get3A_2058 = tpu.vector_load %arg10[%get3A_2056, %get3A_2057] {strides = array<i32>} : memref<9x64xf32, #tpu.memory_space<vmem>>, vector<16xf32>,
      %mul3A_2059 = arith.mulf %bitcast3A_2042, %get3A_2046 : vector<16xf32>
      %add3A_2060 = arith.addf %add3A_2032, %mul3A_2059 : vector<16xf32>
      %mul3A_2061 = arith.mulf %bitcast3A_2042, %get3A_2050 : vector<16xf32>
      %add3A_2062 = arith.addf %add3A_2034, %mul3A_2061 : vector<16xf32>
      %mul3A_2063 = arith.mulf %bitcast3A_2042, %get3A_2054 : vector<16xf32>
      %add3A_2064 = arith.addf %add3A_2036, %mul3A_2063 : vector<16xf32>
      %mul3A_2065 = arith.mulf %bitcast3A_2042, %get3A_2058 : vector<16xf32>
      %add3A_2066 = arith.addf %add3A_2038, %mul3A_2065 : vector<16xf32>
      %scan3A_2067 = arith.constant 0 : i32
      %scan3A_2068 = arith.constant 20 : i32
      %scan3A_2069 = arith.addi %scan3A_2067, %scan3A_2068 : i32
      %scan3A_2070 = arith.constant 1 : i32
      scf.for %scan3A_2089 = %scan3A_2067 to %scan3A_2069 step %scan3A_2070  : i32 {
        %mul3A_2090 = arith.constant 1 : i32
        %mul3A_2091 = arith.muli %scan3A_2089, %mul3A_2090 : i32
        %add3A_2092 = arith.constant 0 : i32
        %add3A_2093 = arith.addi %add3A_2092, %mul3A_2091 : i32
        %add3A_2094 = arith.constant 33 : i32
        %add3A_2095 = arith.addi %add3A_2094, %add3A_2093 : i32
        %broadcast_in_dim3A_2096 = vector.broadcast %add3A_2095 : i32 to vector<16xi32>
        %gather3A_2097 = tpu.vector_load_idx %arg8[%broadcast_in_dim3A_2096] : memref<400xi32, #tpu.memory_space<vmem>>[vector<16xi32>], vector<16xi32>,
        %ne3A = arith.constant 0 : i32
        %ne3A_2098 = vector.broadcast %ne3A : i32 to vector<16xi32>
        %ne3A_2099 = arith.cmpi ne, %gather3A_2097, %ne3A_2098 : vector<16xi32>
        %convert_element_type3A_2100 = arith.extui %ne3A_2099 : vector<16xi1> to vector<16xi32>
        %convert_element_type3A_2101 = arith.sitofp %convert_element_type3A_2100 : vector<16xi32> to vector<16xf32>
        %sub3A = arith.constant 1.000000e+00 : f32
        %sub3A_2102 = vector.broadcast %sub3A : f32 to vector<16xf32>
        %sub3A_2103 = arith.subf %convert_element_type3A_2101, %sub3A_2102 : vector<16xf32>
        %mul3A_2104 = arith.constant 1.000000e+02 : f32
        %mul3A_2105 = vector.broadcast %mul3A_2104 : f32 to vector<16xf32>
        %mul3A_2106 = arith.mulf %sub3A_2103, %mul3A_2105 : vector<16xf32>
        %mul3A_2107 = arith.constant 24 : i32
        %mul3A_2108 = arith.muli %add3A_2093, %mul3A_2107 : i32
        %add3A_2109 = arith.constant 16 : i32
        %add3A_2110 = arith.addi %mul3A_2108, %add3A_2109 : i32
        %add3A_2111 = arith.constant 17 : i32
        %add3A_2112 = arith.addi %add3A_2111, %add3A_2093 : i32
        %get3A_2113 = arith.index_cast %add3A_2112 : i32 to index
        %get3A_2114 = arith.constant 0 : index
        %get3A_2115 = tpu.vector_load %arg12[%get3A_2113, %get3A_2114] {strides = array<i32>} : memref<37x64xf32, #tpu.memory_space<vmem>>, vector<16xf32>,
        %get3A_2116 = arith.index_cast %add3A_2112 : i32 to index
        %get3A_2117 = arith.constant 16 : index
        %get3A_2118 = tpu.vector_load %arg12[%get3A_2116, %get3A_2117] {strides = array<i32>} : memref<37x64xf32, #tpu.memory_space<vmem>>, vector<16xf32>,
        %get3A_2119 = arith.index_cast %add3A_2112 : i32 to index
        %get3A_2120 = arith.constant 32 : index
        %get3A_2121 = tpu.vector_load %arg12[%get3A_2119, %get3A_2120] {strides = array<i32>} : memref<37x64xf32, #tpu.memory_space<vmem>>, vector<16xf32>,
        %get3A_2122 = arith.index_cast %add3A_2112 : i32 to index
        %get3A_2123 = arith.constant 48 : index
        %get3A_2124 = tpu.vector_load %arg12[%get3A_2122, %get3A_2123] {strides = array<i32>} : memref<37x64xf32, #tpu.memory_space<vmem>>, vector<16xf32>,
        %mul3A_2125 = arith.mulf %get3A_2115, %add3A_2060 : vector<16xf32>
        %mul3A_2126 = arith.mulf %get3A_2118, %add3A_2062 : vector<16xf32>
        %add3A_2127 = arith.addf %mul3A_2125, %mul3A_2126 : vector<16xf32>
        %mul3A_2128 = arith.mulf %get3A_2121, %add3A_2064 : vector<16xf32>
        %add3A_2129 = arith.addf %add3A_2127, %mul3A_2128 : vector<16xf32>
        %mul3A_2130 = arith.mulf %get3A_2124, %add3A_2066 : vector<16xf32>
        %add3A_2131 = arith.addf %add3A_2129, %mul3A_2130 : vector<16xf32>
        %gather3A_2132 = vector.shape_cast %broadcast_in_dim3A_135 : vector<16x1xi32> to vector<16xi32>
        %gather3A_2133 = tpu.dynamic_gather %add3A_2131[%gather3A_2132] in [0] : vector<16xf32>, vector<16xi32> -> vector<16xf32>
        %add3A_2134 = arith.addf %add3A_2131, %gather3A_2133 : vector<16xf32>
        %gather3A_2135 = vector.shape_cast %broadcast_in_dim3A_139 : vector<16x1xi32> to vector<16xi32>
        %gather3A_2136 = tpu.dynamic_gather %add3A_2134[%gather3A_2135] in [0] : vector<16xf32>, vector<16xi32> -> vector<16xf32>
        %add3A_2137 = arith.addf %add3A_2134, %gather3A_2136 : vector<16xf32>
        %gather3A_2138 = vector.shape_cast %broadcast_in_dim3A_143 : vector<16x1xi32> to vector<16xi32>
        %gather3A_2139 = tpu.dynamic_gather %add3A_2137[%gather3A_2138] in [0] : vector<16xf32>, vector<16xi32> -> vector<16xf32>
        %add3A_2140 = arith.addf %add3A_2137, %gather3A_2139 : vector<16xf32>
        %gather3A_2141 = vector.shape_cast %broadcast_in_dim3A_147 : vector<16x1xi32> to vector<16xi32>
        %gather3A_2142 = tpu.dynamic_gather %add3A_2140[%gather3A_2141] in [0] : vector<16xf32>, vector<16xi32> -> vector<16xf32>
        %add3A_2143 = arith.addf %add3A_2140, %gather3A_2142 : vector<16xf32>
        %neg3A_2144 = arith.constant 0.000000e+00 : f32
        %neg3A_2145 = vector.broadcast %neg3A_2144 : f32 to vector<16xf32>
        %neg3A_2146 = arith.subf %neg3A_2145, %add3A_2143 : vector<16xf32>
        %mul3A_2147 = arith.mulf %neg3A_2146, %convert_element_type3A_2101 : vector<16xf32>
        %add3A_2148 = arith.addf %mul3A_2147, %mul3A_2106 : vector<16xf32>
        %broadcast_in_dim3A_2149 = vector.broadcast %add3A_2110 : i32 to vector<16xi32>
        tpu.vector_store_idx %arg18[%broadcast_in_dim3A_2149], %add3A_2148 masked %eq3A_4 : memref<480xf32, #tpu.memory_space<vmem>>[vector<16xi32>], vector<16xf32>, vector<16xi1>
        %mul3A_2150 = arith.constant 24 : i32
        %mul3A_2151 = arith.muli %add3A_2093, %mul3A_2150 : i32
        %add3A_2152 = arith.constant 0 : i32
        %add3A_2153 = arith.addi %mul3A_2151, %add3A_2152 : i32
        %mul3A_2154 = arith.constant 16 : i32
        %mul3A_2155 = arith.muli %add3A_2093, %mul3A_2154 : i32
        %add3A_2156 = arith.constant 0 : i32
        %add3A_2157 = arith.addi %mul3A_2155, %add3A_2156 : i32
        %get3A_2158 = arith.index_cast %add3A_2157 : i32 to index
        %get3A_2159 = arith.constant 0 : index
        %get3A_2160 = tpu.vector_load %arg14[%get3A_2158, %get3A_2159] {strides = array<i32>} : memref<320x64xf32, #tpu.memory_space<vmem>>, vector<16xf32>,
        %get3A_2161 = arith.index_cast %add3A_2157 : i32 to index
        %get3A_2162 = arith.constant 16 : index
        %get3A_2163 = tpu.vector_load %arg14[%get3A_2161, %get3A_2162] {strides = array<i32>} : memref<320x64xf32, #tpu.memory_space<vmem>>, vector<16xf32>,
        %get3A_2164 = arith.index_cast %add3A_2157 : i32 to index
        %get3A_2165 = arith.constant 32 : index
        %get3A_2166 = tpu.vector_load %arg14[%get3A_2164, %get3A_2165] {strides = array<i32>} : memref<320x64xf32, #tpu.memory_space<vmem>>, vector<16xf32>,
        %get3A_2167 = arith.index_cast %add3A_2157 : i32 to index
        %get3A_2168 = arith.constant 48 : index
        %get3A_2169 = tpu.vector_load %arg14[%get3A_2167, %get3A_2168] {strides = array<i32>} : memref<320x64xf32, #tpu.memory_space<vmem>>, vector<16xf32>,
        %mul3A_2170 = arith.mulf %get3A_2160, %add3A_2060 : vector<16xf32>
        %mul3A_2171 = arith.mulf %get3A_2163, %add3A_2062 : vector<16xf32>
        %add3A_2172 = arith.addf %mul3A_2170, %mul3A_2171 : vector<16xf32>
        %mul3A_2173 = arith.mulf %get3A_2166, %add3A_2064 : vector<16xf32>
        %add3A_2174 = arith.addf %add3A_2172, %mul3A_2173 : vector<16xf32>
        %mul3A_2175 = arith.mulf %get3A_2169, %add3A_2066 : vector<16xf32>
        %add3A_2176 = arith.addf %add3A_2174, %mul3A_2175 : vector<16xf32>
        %gather3A_2177 = vector.shape_cast %broadcast_in_dim3A_135 : vector<16x1xi32> to vector<16xi32>
        %gather3A_2178 = tpu.dynamic_gather %add3A_2176[%gather3A_2177] in [0] : vector<16xf32>, vector<16xi32> -> vector<16xf32>
        %add3A_2179 = arith.addf %add3A_2176, %gather3A_2178 : vector<16xf32>
        %gather3A_2180 = vector.shape_cast %broadcast_in_dim3A_139 : vector<16x1xi32> to vector<16xi32>
        %gather3A_2181 = tpu.dynamic_gather %add3A_2179[%gather3A_2180] in [0] : vector<16xf32>, vector<16xi32> -> vector<16xf32>
        %add3A_2182 = arith.addf %add3A_2179, %gather3A_2181 : vector<16xf32>
        %gather3A_2183 = vector.shape_cast %broadcast_in_dim3A_143 : vector<16x1xi32> to vector<16xi32>
        %gather3A_2184 = tpu.dynamic_gather %add3A_2182[%gather3A_2183] in [0] : vector<16xf32>, vector<16xi32> -> vector<16xf32>
        %add3A_2185 = arith.addf %add3A_2182, %gather3A_2184 : vector<16xf32>
        %gather3A_2186 = vector.shape_cast %broadcast_in_dim3A_147 : vector<16x1xi32> to vector<16xi32>
        %gather3A_2187 = tpu.dynamic_gather %add3A_2185[%gather3A_2186] in [0] : vector<16xf32>, vector<16xi32> -> vector<16xf32>
        %add3A_2188 = arith.addf %add3A_2185, %gather3A_2187 : vector<16xf32>
        %mul3A_2189 = arith.mulf %add3A_2188, %convert_element_type3A_2101 : vector<16xf32>
        %add3A_2190 = arith.addf %mul3A_2189, %mul3A_2106 : vector<16xf32>
        %broadcast_in_dim3A_2191 = vector.broadcast %add3A_2153 : i32 to vector<16xi32>
        tpu.vector_store_idx %arg18[%broadcast_in_dim3A_2191], %add3A_2190 masked %eq3A_4 : memref<480xf32, #tpu.memory_space<vmem>>[vector<16xi32>], vector<16xf32>, vector<16xi1>
        %mul3A_2192 = arith.constant 24 : i32
        %mul3A_2193 = arith.muli %add3A_2093, %mul3A_2192 : i32
        %add3A_2194 = arith.constant 1 : i32
        %add3A_2195 = arith.addi %mul3A_2193, %add3A_2194 : i32
        %mul3A_2196 = arith.constant 16 : i32
        %mul3A_2197 = arith.muli %add3A_2093, %mul3A_2196 : i32
        %add3A_2198 = arith.constant 1 : i32
        %add3A_2199 = arith.addi %mul3A_2197, %add3A_2198 : i32
        %get3A_2200 = arith.index_cast %add3A_2199 : i32 to index
        %get3A_2201 = arith.constant 0 : index
        %get3A_2202 = tpu.vector_load %arg14[%get3A_2200, %get3A_2201] {strides = array<i32>} : memref<320x64xf32, #tpu.memory_space<vmem>>, vector<16xf32>,
        %get3A_2203 = arith.index_cast %add3A_2199 : i32 to index
        %get3A_2204 = arith.constant 16 : index
        %get3A_2205 = tpu.vector_load %arg14[%get3A_2203, %get3A_2204] {strides = array<i32>} : memref<320x64xf32, #tpu.memory_space<vmem>>, vector<16xf32>,
        %get3A_2206 = arith.index_cast %add3A_2199 : i32 to index
        %get3A_2207 = arith.constant 32 : index
        %get3A_2208 = tpu.vector_load %arg14[%get3A_2206, %get3A_2207] {strides = array<i32>} : memref<320x64xf32, #tpu.memory_space<vmem>>, vector<16xf32>,
        %get3A_2209 = arith.index_cast %add3A_2199 : i32 to index
        %get3A_2210 = arith.constant 48 : index
        %get3A_2211 = tpu.vector_load %arg14[%get3A_2209, %get3A_2210] {strides = array<i32>} : memref<320x64xf32, #tpu.memory_space<vmem>>, vector<16xf32>,
        %mul3A_2212 = arith.mulf %get3A_2202, %add3A_2060 : vector<16xf32>
        %mul3A_2213 = arith.mulf %get3A_2205, %add3A_2062 : vector<16xf32>
        %add3A_2214 = arith.addf %mul3A_2212, %mul3A_2213 : vector<16xf32>
        %mul3A_2215 = arith.mulf %get3A_2208, %add3A_2064 : vector<16xf32>
        %add3A_2216 = arith.addf %add3A_2214, %mul3A_2215 : vector<16xf32>
        %mul3A_2217 = arith.mulf %get3A_2211, %add3A_2066 : vector<16xf32>
        %add3A_2218 = arith.addf %add3A_2216, %mul3A_2217 : vector<16xf32>
        %gather3A_2219 = vector.shape_cast %broadcast_in_dim3A_135 : vector<16x1xi32> to vector<16xi32>
        %gather3A_2220 = tpu.dynamic_gather %add3A_2218[%gather3A_2219] in [0] : vector<16xf32>, vector<16xi32> -> vector<16xf32>
        %add3A_2221 = arith.addf %add3A_2218, %gather3A_2220 : vector<16xf32>
        %gather3A_2222 = vector.shape_cast %broadcast_in_dim3A_139 : vector<16x1xi32> to vector<16xi32>
        %gather3A_2223 = tpu.dynamic_gather %add3A_2221[%gather3A_2222] in [0] : vector<16xf32>, vector<16xi32> -> vector<16xf32>
        %add3A_2224 = arith.addf %add3A_2221, %gather3A_2223 : vector<16xf32>
        %gather3A_2225 = vector.shape_cast %broadcast_in_dim3A_143 : vector<16x1xi32> to vector<16xi32>
        %gather3A_2226 = tpu.dynamic_gather %add3A_2224[%gather3A_2225] in [0] : vector<16xf32>, vector<16xi32> -> vector<16xf32>
        %add3A_2227 = arith.addf %add3A_2224, %gather3A_2226 : vector<16xf32>
        %gather3A_2228 = vector.shape_cast %broadcast_in_dim3A_147 : vector<16x1xi32> to vector<16xi32>
        %gather3A_2229 = tpu.dynamic_gather %add3A_2227[%gather3A_2228] in [0] : vector<16xf32>, vector<16xi32> -> vector<16xf32>
        %add3A_2230 = arith.addf %add3A_2227, %gather3A_2229 : vector<16xf32>
        %mul3A_2231 = arith.mulf %add3A_2230, %convert_element_type3A_2101 : vector<16xf32>
        %add3A_2232 = arith.addf %mul3A_2231, %mul3A_2106 : vector<16xf32>
        %broadcast_in_dim3A_2233 = vector.broadcast %add3A_2195 : i32 to vector<16xi32>
        tpu.vector_store_idx %arg18[%broadcast_in_dim3A_2233], %add3A_2232 masked %eq3A_4 : memref<480xf32, #tpu.memory_space<vmem>>[vector<16xi32>], vector<16xf32>, vector<16xi1>
        %mul3A_2234 = arith.constant 24 : i32
        %mul3A_2235 = arith.muli %add3A_2093, %mul3A_2234 : i32
        %add3A_2236 = arith.constant 2 : i32
        %add3A_2237 = arith.addi %mul3A_2235, %add3A_2236 : i32
        %mul3A_2238 = arith.constant 16 : i32
        %mul3A_2239 = arith.muli %add3A_2093, %mul3A_2238 : i32
        %add3A_2240 = arith.constant 2 : i32
        %add3A_2241 = arith.addi %mul3A_2239, %add3A_2240 : i32
        %get3A_2242 = arith.index_cast %add3A_2241 : i32 to index
        %get3A_2243 = arith.constant 0 : index
        %get3A_2244 = tpu.vector_load %arg14[%get3A_2242, %get3A_2243] {strides = array<i32>} : memref<320x64xf32, #tpu.memory_space<vmem>>, vector<16xf32>,
        %get3A_2245 = arith.index_cast %add3A_2241 : i32 to index
        %get3A_2246 = arith.constant 16 : index
        %get3A_2247 = tpu.vector_load %arg14[%get3A_2245, %get3A_2246] {strides = array<i32>} : memref<320x64xf32, #tpu.memory_space<vmem>>, vector<16xf32>,
        %get3A_2248 = arith.index_cast %add3A_2241 : i32 to index
        %get3A_2249 = arith.constant 32 : index
        %get3A_2250 = tpu.vector_load %arg14[%get3A_2248, %get3A_2249] {strides = array<i32>} : memref<320x64xf32, #tpu.memory_space<vmem>>, vector<16xf32>,
        %get3A_2251 = arith.index_cast %add3A_2241 : i32 to index
        %get3A_2252 = arith.constant 48 : index
        %get3A_2253 = tpu.vector_load %arg14[%get3A_2251, %get3A_2252] {strides = array<i32>} : memref<320x64xf32, #tpu.memory_space<vmem>>, vector<16xf32>,
        %mul3A_2254 = arith.mulf %get3A_2244, %add3A_2060 : vector<16xf32>
        %mul3A_2255 = arith.mulf %get3A_2247, %add3A_2062 : vector<16xf32>
        %add3A_2256 = arith.addf %mul3A_2254, %mul3A_2255 : vector<16xf32>
        %mul3A_2257 = arith.mulf %get3A_2250, %add3A_2064 : vector<16xf32>
        %add3A_2258 = arith.addf %add3A_2256, %mul3A_2257 : vector<16xf32>
        %mul3A_2259 = arith.mulf %get3A_2253, %add3A_2066 : vector<16xf32>
        %add3A_2260 = arith.addf %add3A_2258, %mul3A_2259 : vector<16xf32>
        %gather3A_2261 = vector.shape_cast %broadcast_in_dim3A_135 : vector<16x1xi32> to vector<16xi32>
        %gather3A_2262 = tpu.dynamic_gather %add3A_2260[%gather3A_2261] in [0] : vector<16xf32>, vector<16xi32> -> vector<16xf32>
        %add3A_2263 = arith.addf %add3A_2260, %gather3A_2262 : vector<16xf32>
        %gather3A_2264 = vector.shape_cast %broadcast_in_dim3A_139 : vector<16x1xi32> to vector<16xi32>
        %gather3A_2265 = tpu.dynamic_gather %add3A_2263[%gather3A_2264] in [0] : vector<16xf32>, vector<16xi32> -> vector<16xf32>
        %add3A_2266 = arith.addf %add3A_2263, %gather3A_2265 : vector<16xf32>
        %gather3A_2267 = vector.shape_cast %broadcast_in_dim3A_143 : vector<16x1xi32> to vector<16xi32>
        %gather3A_2268 = tpu.dynamic_gather %add3A_2266[%gather3A_2267] in [0] : vector<16xf32>, vector<16xi32> -> vector<16xf32>
        %add3A_2269 = arith.addf %add3A_2266, %gather3A_2268 : vector<16xf32>
        %gather3A_2270 = vector.shape_cast %broadcast_in_dim3A_147 : vector<16x1xi32> to vector<16xi32>
        %gather3A_2271 = tpu.dynamic_gather %add3A_2269[%gather3A_2270] in [0] : vector<16xf32>, vector<16xi32> -> vector<16xf32>
        %add3A_2272 = arith.addf %add3A_2269, %gather3A_2271 : vector<16xf32>
        %mul3A_2273 = arith.mulf %add3A_2272, %convert_element_type3A_2101 : vector<16xf32>
        %add3A_2274 = arith.addf %mul3A_2273, %mul3A_2106 : vector<16xf32>
        %broadcast_in_dim3A_2275 = vector.broadcast %add3A_2237 : i32 to vector<16xi32>
        tpu.vector_store_idx %arg18[%broadcast_in_dim3A_2275], %add3A_2274 masked %eq3A_4 : memref<480xf32, #tpu.memory_space<vmem>>[vector<16xi32>], vector<16xf32>, vector<16xi1>
        %mul3A_2276 = arith.constant 24 : i32
        %mul3A_2277 = arith.muli %add3A_2093, %mul3A_2276 : i32
        %add3A_2278 = arith.constant 3 : i32
        %add3A_2279 = arith.addi %mul3A_2277, %add3A_2278 : i32
        %mul3A_2280 = arith.constant 16 : i32
        %mul3A_2281 = arith.muli %add3A_2093, %mul3A_2280 : i32
        %add3A_2282 = arith.constant 3 : i32
        %add3A_2283 = arith.addi %mul3A_2281, %add3A_2282 : i32
        %get3A_2284 = arith.index_cast %add3A_2283 : i32 to index
        %get3A_2285 = arith.constant 0 : index
        %get3A_2286 = tpu.vector_load %arg14[%get3A_2284, %get3A_2285] {strides = array<i32>} : memref<320x64xf32, #tpu.memory_space<vmem>>, vector<16xf32>,
        %get3A_2287 = arith.index_cast %add3A_2283 : i32 to index
        %get3A_2288 = arith.constant 16 : index
        %get3A_2289 = tpu.vector_load %arg14[%get3A_2287, %get3A_2288] {strides = array<i32>} : memref<320x64xf32, #tpu.memory_space<vmem>>, vector<16xf32>,
        %get3A_2290 = arith.index_cast %add3A_2283 : i32 to index
        %get3A_2291 = arith.constant 32 : index
        %get3A_2292 = tpu.vector_load %arg14[%get3A_2290, %get3A_2291] {strides = array<i32>} : memref<320x64xf32, #tpu.memory_space<vmem>>, vector<16xf32>,
        %get3A_2293 = arith.index_cast %add3A_2283 : i32 to index
        %get3A_2294 = arith.constant 48 : index
        %get3A_2295 = tpu.vector_load %arg14[%get3A_2293, %get3A_2294] {strides = array<i32>} : memref<320x64xf32, #tpu.memory_space<vmem>>, vector<16xf32>,
        %mul3A_2296 = arith.mulf %get3A_2286, %add3A_2060 : vector<16xf32>
        %mul3A_2297 = arith.mulf %get3A_2289, %add3A_2062 : vector<16xf32>
        %add3A_2298 = arith.addf %mul3A_2296, %mul3A_2297 : vector<16xf32>
        %mul3A_2299 = arith.mulf %get3A_2292, %add3A_2064 : vector<16xf32>
        %add3A_2300 = arith.addf %add3A_2298, %mul3A_2299 : vector<16xf32>
        %mul3A_2301 = arith.mulf %get3A_2295, %add3A_2066 : vector<16xf32>
        %add3A_2302 = arith.addf %add3A_2300, %mul3A_2301 : vector<16xf32>
        %gather3A_2303 = vector.shape_cast %broadcast_in_dim3A_135 : vector<16x1xi32> to vector<16xi32>
        %gather3A_2304 = tpu.dynamic_gather %add3A_2302[%gather3A_2303] in [0] : vector<16xf32>, vector<16xi32> -> vector<16xf32>
        %add3A_2305 = arith.addf %add3A_2302, %gather3A_2304 : vector<16xf32>
        %gather3A_2306 = vector.shape_cast %broadcast_in_dim3A_139 : vector<16x1xi32> to vector<16xi32>
        %gather3A_2307 = tpu.dynamic_gather %add3A_2305[%gather3A_2306] in [0] : vector<16xf32>, vector<16xi32> -> vector<16xf32>
        %add3A_2308 = arith.addf %add3A_2305, %gather3A_2307 : vector<16xf32>
        %gather3A_2309 = vector.shape_cast %broadcast_in_dim3A_143 : vector<16x1xi32> to vector<16xi32>
        %gather3A_2310 = tpu.dynamic_gather %add3A_2308[%gather3A_2309] in [0] : vector<16xf32>, vector<16xi32> -> vector<16xf32>
        %add3A_2311 = arith.addf %add3A_2308, %gather3A_2310 : vector<16xf32>
        %gather3A_2312 = vector.shape_cast %broadcast_in_dim3A_147 : vector<16x1xi32> to vector<16xi32>
        %gather3A_2313 = tpu.dynamic_gather %add3A_2311[%gather3A_2312] in [0] : vector<16xf32>, vector<16xi32> -> vector<16xf32>
        %add3A_2314 = arith.addf %add3A_2311, %gather3A_2313 : vector<16xf32>
        %mul3A_2315 = arith.mulf %add3A_2314, %convert_element_type3A_2101 : vector<16xf32>
        %add3A_2316 = arith.addf %mul3A_2315, %mul3A_2106 : vector<16xf32>
        %broadcast_in_dim3A_2317 = vector.broadcast %add3A_2279 : i32 to vector<16xi32>
        tpu.vector_store_idx %arg18[%broadcast_in_dim3A_2317], %add3A_2316 masked %eq3A_4 : memref<480xf32, #tpu.memory_space<vmem>>[vector<16xi32>], vector<16xf32>, vector<16xi1>
        %mul3A_2318 = arith.constant 24 : i32
        %mul3A_2319 = arith.muli %add3A_2093, %mul3A_2318 : i32
        %add3A_2320 = arith.constant 4 : i32
        %add3A_2321 = arith.addi %mul3A_2319, %add3A_2320 : i32
        %mul3A_2322 = arith.constant 16 : i32
        %mul3A_2323 = arith.muli %add3A_2093, %mul3A_2322 : i32
        %add3A_2324 = arith.constant 4 : i32
        %add3A_2325 = arith.addi %mul3A_2323, %add3A_2324 : i32
        %get3A_2326 = arith.index_cast %add3A_2325 : i32 to index
        %get3A_2327 = arith.constant 0 : index
        %get3A_2328 = tpu.vector_load %arg14[%get3A_2326, %get3A_2327] {strides = array<i32>} : memref<320x64xf32, #tpu.memory_space<vmem>>, vector<16xf32>,
        %get3A_2329 = arith.index_cast %add3A_2325 : i32 to index
        %get3A_2330 = arith.constant 16 : index
        %get3A_2331 = tpu.vector_load %arg14[%get3A_2329, %get3A_2330] {strides = array<i32>} : memref<320x64xf32, #tpu.memory_space<vmem>>, vector<16xf32>,
        %get3A_2332 = arith.index_cast %add3A_2325 : i32 to index
        %get3A_2333 = arith.constant 32 : index
        %get3A_2334 = tpu.vector_load %arg14[%get3A_2332, %get3A_2333] {strides = array<i32>} : memref<320x64xf32, #tpu.memory_space<vmem>>, vector<16xf32>,
        %get3A_2335 = arith.index_cast %add3A_2325 : i32 to index
        %get3A_2336 = arith.constant 48 : index
        %get3A_2337 = tpu.vector_load %arg14[%get3A_2335, %get3A_2336] {strides = array<i32>} : memref<320x64xf32, #tpu.memory_space<vmem>>, vector<16xf32>,
        %mul3A_2338 = arith.mulf %get3A_2328, %add3A_2060 : vector<16xf32>
        %mul3A_2339 = arith.mulf %get3A_2331, %add3A_2062 : vector<16xf32>
        %add3A_2340 = arith.addf %mul3A_2338, %mul3A_2339 : vector<16xf32>
        %mul3A_2341 = arith.mulf %get3A_2334, %add3A_2064 : vector<16xf32>
        %add3A_2342 = arith.addf %add3A_2340, %mul3A_2341 : vector<16xf32>
        %mul3A_2343 = arith.mulf %get3A_2337, %add3A_2066 : vector<16xf32>
        %add3A_2344 = arith.addf %add3A_2342, %mul3A_2343 : vector<16xf32>
        %gather3A_2345 = vector.shape_cast %broadcast_in_dim3A_135 : vector<16x1xi32> to vector<16xi32>
        %gather3A_2346 = tpu.dynamic_gather %add3A_2344[%gather3A_2345] in [0] : vector<16xf32>, vector<16xi32> -> vector<16xf32>
        %add3A_2347 = arith.addf %add3A_2344, %gather3A_2346 : vector<16xf32>
        %gather3A_2348 = vector.shape_cast %broadcast_in_dim3A_139 : vector<16x1xi32> to vector<16xi32>
        %gather3A_2349 = tpu.dynamic_gather %add3A_2347[%gather3A_2348] in [0] : vector<16xf32>, vector<16xi32> -> vector<16xf32>
        %add3A_2350 = arith.addf %add3A_2347, %gather3A_2349 : vector<16xf32>
        %gather3A_2351 = vector.shape_cast %broadcast_in_dim3A_143 : vector<16x1xi32> to vector<16xi32>
        %gather3A_2352 = tpu.dynamic_gather %add3A_2350[%gather3A_2351] in [0] : vector<16xf32>, vector<16xi32> -> vector<16xf32>
        %add3A_2353 = arith.addf %add3A_2350, %gather3A_2352 : vector<16xf32>
        %gather3A_2354 = vector.shape_cast %broadcast_in_dim3A_147 : vector<16x1xi32> to vector<16xi32>
        %gather3A_2355 = tpu.dynamic_gather %add3A_2353[%gather3A_2354] in [0] : vector<16xf32>, vector<16xi32> -> vector<16xf32>
        %add3A_2356 = arith.addf %add3A_2353, %gather3A_2355 : vector<16xf32>
        %mul3A_2357 = arith.mulf %add3A_2356, %convert_element_type3A_2101 : vector<16xf32>
        %add3A_2358 = arith.addf %mul3A_2357, %mul3A_2106 : vector<16xf32>
        %broadcast_in_dim3A_2359 = vector.broadcast %add3A_2321 : i32 to vector<16xi32>
        tpu.vector_store_idx %arg18[%broadcast_in_dim3A_2359], %add3A_2358 masked %eq3A_4 : memref<480xf32, #tpu.memory_space<vmem>>[vector<16xi32>], vector<16xf32>, vector<16xi1>
        %mul3A_2360 = arith.constant 24 : i32
        %mul3A_2361 = arith.muli %add3A_2093, %mul3A_2360 : i32
        %add3A_2362 = arith.constant 5 : i32
        %add3A_2363 = arith.addi %mul3A_2361, %add3A_2362 : i32
        %mul3A_2364 = arith.constant 16 : i32
        %mul3A_2365 = arith.muli %add3A_2093, %mul3A_2364 : i32
        %add3A_2366 = arith.constant 5 : i32
        %add3A_2367 = arith.addi %mul3A_2365, %add3A_2366 : i32
        %get3A_2368 = arith.index_cast %add3A_2367 : i32 to index
        %get3A_2369 = arith.constant 0 : index
        %get3A_2370 = tpu.vector_load %arg14[%get3A_2368, %get3A_2369] {strides = array<i32>} : memref<320x64xf32, #tpu.memory_space<vmem>>, vector<16xf32>,
        %get3A_2371 = arith.index_cast %add3A_2367 : i32 to index
        %get3A_2372 = arith.constant 16 : index
        %get3A_2373 = tpu.vector_load %arg14[%get3A_2371, %get3A_2372] {strides = array<i32>} : memref<320x64xf32, #tpu.memory_space<vmem>>, vector<16xf32>,
        %get3A_2374 = arith.index_cast %add3A_2367 : i32 to index
        %get3A_2375 = arith.constant 32 : index
        %get3A_2376 = tpu.vector_load %arg14[%get3A_2374, %get3A_2375] {strides = array<i32>} : memref<320x64xf32, #tpu.memory_space<vmem>>, vector<16xf32>,
        %get3A_2377 = arith.index_cast %add3A_2367 : i32 to index
        %get3A_2378 = arith.constant 48 : index
        %get3A_2379 = tpu.vector_load %arg14[%get3A_2377, %get3A_2378] {strides = array<i32>} : memref<320x64xf32, #tpu.memory_space<vmem>>, vector<16xf32>,
        %mul3A_2380 = arith.mulf %get3A_2370, %add3A_2060 : vector<16xf32>
        %mul3A_2381 = arith.mulf %get3A_2373, %add3A_2062 : vector<16xf32>
        %add3A_2382 = arith.addf %mul3A_2380, %mul3A_2381 : vector<16xf32>
        %mul3A_2383 = arith.mulf %get3A_2376, %add3A_2064 : vector<16xf32>
        %add3A_2384 = arith.addf %add3A_2382, %mul3A_2383 : vector<16xf32>
        %mul3A_2385 = arith.mulf %get3A_2379, %add3A_2066 : vector<16xf32>
        %add3A_2386 = arith.addf %add3A_2384, %mul3A_2385 : vector<16xf32>
        %gather3A_2387 = vector.shape_cast %broadcast_in_dim3A_135 : vector<16x1xi32> to vector<16xi32>
        %gather3A_2388 = tpu.dynamic_gather %add3A_2386[%gather3A_2387] in [0] : vector<16xf32>, vector<16xi32> -> vector<16xf32>
        %add3A_2389 = arith.addf %add3A_2386, %gather3A_2388 : vector<16xf32>
        %gather3A_2390 = vector.shape_cast %broadcast_in_dim3A_139 : vector<16x1xi32> to vector<16xi32>
        %gather3A_2391 = tpu.dynamic_gather %add3A_2389[%gather3A_2390] in [0] : vector<16xf32>, vector<16xi32> -> vector<16xf32>
        %add3A_2392 = arith.addf %add3A_2389, %gather3A_2391 : vector<16xf32>
        %gather3A_2393 = vector.shape_cast %broadcast_in_dim3A_143 : vector<16x1xi32> to vector<16xi32>
        %gather3A_2394 = tpu.dynamic_gather %add3A_2392[%gather3A_2393] in [0] : vector<16xf32>, vector<16xi32> -> vector<16xf32>
        %add3A_2395 = arith.addf %add3A_2392, %gather3A_2394 : vector<16xf32>
        %gather3A_2396 = vector.shape_cast %broadcast_in_dim3A_147 : vector<16x1xi32> to vector<16xi32>
        %gather3A_2397 = tpu.dynamic_gather %add3A_2395[%gather3A_2396] in [0] : vector<16xf32>, vector<16xi32> -> vector<16xf32>
        %add3A_2398 = arith.addf %add3A_2395, %gather3A_2397 : vector<16xf32>
        %mul3A_2399 = arith.mulf %add3A_2398, %convert_element_type3A_2101 : vector<16xf32>
        %add3A_2400 = arith.addf %mul3A_2399, %mul3A_2106 : vector<16xf32>
        %broadcast_in_dim3A_2401 = vector.broadcast %add3A_2363 : i32 to vector<16xi32>
        tpu.vector_store_idx %arg18[%broadcast_in_dim3A_2401], %add3A_2400 masked %eq3A_4 : memref<480xf32, #tpu.memory_space<vmem>>[vector<16xi32>], vector<16xf32>, vector<16xi1>
        %mul3A_2402 = arith.constant 24 : i32
        %mul3A_2403 = arith.muli %add3A_2093, %mul3A_2402 : i32
        %add3A_2404 = arith.constant 6 : i32
        %add3A_2405 = arith.addi %mul3A_2403, %add3A_2404 : i32
        %mul3A_2406 = arith.constant 16 : i32
        %mul3A_2407 = arith.muli %add3A_2093, %mul3A_2406 : i32
        %add3A_2408 = arith.constant 6 : i32
        %add3A_2409 = arith.addi %mul3A_2407, %add3A_2408 : i32
        %get3A_2410 = arith.index_cast %add3A_2409 : i32 to index
        %get3A_2411 = arith.constant 0 : index
        %get3A_2412 = tpu.vector_load %arg14[%get3A_2410, %get3A_2411] {strides = array<i32>} : memref<320x64xf32, #tpu.memory_space<vmem>>, vector<16xf32>,
        %get3A_2413 = arith.index_cast %add3A_2409 : i32 to index
        %get3A_2414 = arith.constant 16 : index
        %get3A_2415 = tpu.vector_load %arg14[%get3A_2413, %get3A_2414] {strides = array<i32>} : memref<320x64xf32, #tpu.memory_space<vmem>>, vector<16xf32>,
        %get3A_2416 = arith.index_cast %add3A_2409 : i32 to index
        %get3A_2417 = arith.constant 32 : index
        %get3A_2418 = tpu.vector_load %arg14[%get3A_2416, %get3A_2417] {strides = array<i32>} : memref<320x64xf32, #tpu.memory_space<vmem>>, vector<16xf32>,
        %get3A_2419 = arith.index_cast %add3A_2409 : i32 to index
        %get3A_2420 = arith.constant 48 : index
        %get3A_2421 = tpu.vector_load %arg14[%get3A_2419, %get3A_2420] {strides = array<i32>} : memref<320x64xf32, #tpu.memory_space<vmem>>, vector<16xf32>,
        %mul3A_2422 = arith.mulf %get3A_2412, %add3A_2060 : vector<16xf32>
        %mul3A_2423 = arith.mulf %get3A_2415, %add3A_2062 : vector<16xf32>
        %add3A_2424 = arith.addf %mul3A_2422, %mul3A_2423 : vector<16xf32>
        %mul3A_2425 = arith.mulf %get3A_2418, %add3A_2064 : vector<16xf32>
        %add3A_2426 = arith.addf %add3A_2424, %mul3A_2425 : vector<16xf32>
        %mul3A_2427 = arith.mulf %get3A_2421, %add3A_2066 : vector<16xf32>
        %add3A_2428 = arith.addf %add3A_2426, %mul3A_2427 : vector<16xf32>
        %gather3A_2429 = vector.shape_cast %broadcast_in_dim3A_135 : vector<16x1xi32> to vector<16xi32>
        %gather3A_2430 = tpu.dynamic_gather %add3A_2428[%gather3A_2429] in [0] : vector<16xf32>, vector<16xi32> -> vector<16xf32>
        %add3A_2431 = arith.addf %add3A_2428, %gather3A_2430 : vector<16xf32>
        %gather3A_2432 = vector.shape_cast %broadcast_in_dim3A_139 : vector<16x1xi32> to vector<16xi32>
        %gather3A_2433 = tpu.dynamic_gather %add3A_2431[%gather3A_2432] in [0] : vector<16xf32>, vector<16xi32> -> vector<16xf32>
        %add3A_2434 = arith.addf %add3A_2431, %gather3A_2433 : vector<16xf32>
        %gather3A_2435 = vector.shape_cast %broadcast_in_dim3A_143 : vector<16x1xi32> to vector<16xi32>
        %gather3A_2436 = tpu.dynamic_gather %add3A_2434[%gather3A_2435] in [0] : vector<16xf32>, vector<16xi32> -> vector<16xf32>
        %add3A_2437 = arith.addf %add3A_2434, %gather3A_2436 : vector<16xf32>
        %gather3A_2438 = vector.shape_cast %broadcast_in_dim3A_147 : vector<16x1xi32> to vector<16xi32>
        %gather3A_2439 = tpu.dynamic_gather %add3A_2437[%gather3A_2438] in [0] : vector<16xf32>, vector<16xi32> -> vector<16xf32>
        %add3A_2440 = arith.addf %add3A_2437, %gather3A_2439 : vector<16xf32>
        %mul3A_2441 = arith.mulf %add3A_2440, %convert_element_type3A_2101 : vector<16xf32>
        %add3A_2442 = arith.addf %mul3A_2441, %mul3A_2106 : vector<16xf32>
        %broadcast_in_dim3A_2443 = vector.broadcast %add3A_2405 : i32 to vector<16xi32>
        tpu.vector_store_idx %arg18[%broadcast_in_dim3A_2443], %add3A_2442 masked %eq3A_4 : memref<480xf32, #tpu.memory_space<vmem>>[vector<16xi32>], vector<16xf32>, vector<16xi1>
        %mul3A_2444 = arith.constant 24 : i32
        %mul3A_2445 = arith.muli %add3A_2093, %mul3A_2444 : i32
        %add3A_2446 = arith.constant 7 : i32
        %add3A_2447 = arith.addi %mul3A_2445, %add3A_2446 : i32
        %mul3A_2448 = arith.constant 16 : i32
        %mul3A_2449 = arith.muli %add3A_2093, %mul3A_2448 : i32
        %add3A_2450 = arith.constant 7 : i32
        %add3A_2451 = arith.addi %mul3A_2449, %add3A_2450 : i32
        %get3A_2452 = arith.index_cast %add3A_2451 : i32 to index
        %get3A_2453 = arith.constant 0 : index
        %get3A_2454 = tpu.vector_load %arg14[%get3A_2452, %get3A_2453] {strides = array<i32>} : memref<320x64xf32, #tpu.memory_space<vmem>>, vector<16xf32>,
        %get3A_2455 = arith.index_cast %add3A_2451 : i32 to index
        %get3A_2456 = arith.constant 16 : index
        %get3A_2457 = tpu.vector_load %arg14[%get3A_2455, %get3A_2456] {strides = array<i32>} : memref<320x64xf32, #tpu.memory_space<vmem>>, vector<16xf32>,
        %get3A_2458 = arith.index_cast %add3A_2451 : i32 to index
        %get3A_2459 = arith.constant 32 : index
        %get3A_2460 = tpu.vector_load %arg14[%get3A_2458, %get3A_2459] {strides = array<i32>} : memref<320x64xf32, #tpu.memory_space<vmem>>, vector<16xf32>,
        %get3A_2461 = arith.index_cast %add3A_2451 : i32 to index
        %get3A_2462 = arith.constant 48 : index
        %get3A_2463 = tpu.vector_load %arg14[%get3A_2461, %get3A_2462] {strides = array<i32>} : memref<320x64xf32, #tpu.memory_space<vmem>>, vector<16xf32>,
        %mul3A_2464 = arith.mulf %get3A_2454, %add3A_2060 : vector<16xf32>
        %mul3A_2465 = arith.mulf %get3A_2457, %add3A_2062 : vector<16xf32>
        %add3A_2466 = arith.addf %mul3A_2464, %mul3A_2465 : vector<16xf32>
        %mul3A_2467 = arith.mulf %get3A_2460, %add3A_2064 : vector<16xf32>
        %add3A_2468 = arith.addf %add3A_2466, %mul3A_2467 : vector<16xf32>
        %mul3A_2469 = arith.mulf %get3A_2463, %add3A_2066 : vector<16xf32>
        %add3A_2470 = arith.addf %add3A_2468, %mul3A_2469 : vector<16xf32>
        %gather3A_2471 = vector.shape_cast %broadcast_in_dim3A_135 : vector<16x1xi32> to vector<16xi32>
        %gather3A_2472 = tpu.dynamic_gather %add3A_2470[%gather3A_2471] in [0] : vector<16xf32>, vector<16xi32> -> vector<16xf32>
        %add3A_2473 = arith.addf %add3A_2470, %gather3A_2472 : vector<16xf32>
        %gather3A_2474 = vector.shape_cast %broadcast_in_dim3A_139 : vector<16x1xi32> to vector<16xi32>
        %gather3A_2475 = tpu.dynamic_gather %add3A_2473[%gather3A_2474] in [0] : vector<16xf32>, vector<16xi32> -> vector<16xf32>
        %add3A_2476 = arith.addf %add3A_2473, %gather3A_2475 : vector<16xf32>
        %gather3A_2477 = vector.shape_cast %broadcast_in_dim3A_143 : vector<16x1xi32> to vector<16xi32>
        %gather3A_2478 = tpu.dynamic_gather %add3A_2476[%gather3A_2477] in [0] : vector<16xf32>, vector<16xi32> -> vector<16xf32>
        %add3A_2479 = arith.addf %add3A_2476, %gather3A_2478 : vector<16xf32>
        %gather3A_2480 = vector.shape_cast %broadcast_in_dim3A_147 : vector<16x1xi32> to vector<16xi32>
        %gather3A_2481 = tpu.dynamic_gather %add3A_2479[%gather3A_2480] in [0] : vector<16xf32>, vector<16xi32> -> vector<16xf32>
        %add3A_2482 = arith.addf %add3A_2479, %gather3A_2481 : vector<16xf32>
        %mul3A_2483 = arith.mulf %add3A_2482, %convert_element_type3A_2101 : vector<16xf32>
        %add3A_2484 = arith.addf %mul3A_2483, %mul3A_2106 : vector<16xf32>
        %broadcast_in_dim3A_2485 = vector.broadcast %add3A_2447 : i32 to vector<16xi32>
        tpu.vector_store_idx %arg18[%broadcast_in_dim3A_2485], %add3A_2484 masked %eq3A_4 : memref<480xf32, #tpu.memory_space<vmem>>[vector<16xi32>], vector<16xf32>, vector<16xi1>
        %mul3A_2486 = arith.constant 24 : i32
        %mul3A_2487 = arith.muli %add3A_2093, %mul3A_2486 : i32
        %add3A_2488 = arith.constant 8 : i32
        %add3A_2489 = arith.addi %mul3A_2487, %add3A_2488 : i32
        %mul3A_2490 = arith.constant 16 : i32
        %mul3A_2491 = arith.muli %add3A_2093, %mul3A_2490 : i32
        %add3A_2492 = arith.constant 8 : i32
        %add3A_2493 = arith.addi %mul3A_2491, %add3A_2492 : i32
        %get3A_2494 = arith.index_cast %add3A_2493 : i32 to index
        %get3A_2495 = arith.constant 0 : index
        %get3A_2496 = tpu.vector_load %arg14[%get3A_2494, %get3A_2495] {strides = array<i32>} : memref<320x64xf32, #tpu.memory_space<vmem>>, vector<16xf32>,
        %get3A_2497 = arith.index_cast %add3A_2493 : i32 to index
        %get3A_2498 = arith.constant 16 : index
        %get3A_2499 = tpu.vector_load %arg14[%get3A_2497, %get3A_2498] {strides = array<i32>} : memref<320x64xf32, #tpu.memory_space<vmem>>, vector<16xf32>,
        %get3A_2500 = arith.index_cast %add3A_2493 : i32 to index
        %get3A_2501 = arith.constant 32 : index
        %get3A_2502 = tpu.vector_load %arg14[%get3A_2500, %get3A_2501] {strides = array<i32>} : memref<320x64xf32, #tpu.memory_space<vmem>>, vector<16xf32>,
        %get3A_2503 = arith.index_cast %add3A_2493 : i32 to index
        %get3A_2504 = arith.constant 48 : index
        %get3A_2505 = tpu.vector_load %arg14[%get3A_2503, %get3A_2504] {strides = array<i32>} : memref<320x64xf32, #tpu.memory_space<vmem>>, vector<16xf32>,
        %mul3A_2506 = arith.mulf %get3A_2496, %add3A_2060 : vector<16xf32>
        %mul3A_2507 = arith.mulf %get3A_2499, %add3A_2062 : vector<16xf32>
        %add3A_2508 = arith.addf %mul3A_2506, %mul3A_2507 : vector<16xf32>
        %mul3A_2509 = arith.mulf %get3A_2502, %add3A_2064 : vector<16xf32>
        %add3A_2510 = arith.addf %add3A_2508, %mul3A_2509 : vector<16xf32>
        %mul3A_2511 = arith.mulf %get3A_2505, %add3A_2066 : vector<16xf32>
        %add3A_2512 = arith.addf %add3A_2510, %mul3A_2511 : vector<16xf32>
        %gather3A_2513 = vector.shape_cast %broadcast_in_dim3A_135 : vector<16x1xi32> to vector<16xi32>
        %gather3A_2514 = tpu.dynamic_gather %add3A_2512[%gather3A_2513] in [0] : vector<16xf32>, vector<16xi32> -> vector<16xf32>
        %add3A_2515 = arith.addf %add3A_2512, %gather3A_2514 : vector<16xf32>
        %gather3A_2516 = vector.shape_cast %broadcast_in_dim3A_139 : vector<16x1xi32> to vector<16xi32>
        %gather3A_2517 = tpu.dynamic_gather %add3A_2515[%gather3A_2516] in [0] : vector<16xf32>, vector<16xi32> -> vector<16xf32>
        %add3A_2518 = arith.addf %add3A_2515, %gather3A_2517 : vector<16xf32>
        %gather3A_2519 = vector.shape_cast %broadcast_in_dim3A_143 : vector<16x1xi32> to vector<16xi32>
        %gather3A_2520 = tpu.dynamic_gather %add3A_2518[%gather3A_2519] in [0] : vector<16xf32>, vector<16xi32> -> vector<16xf32>
        %add3A_2521 = arith.addf %add3A_2518, %gather3A_2520 : vector<16xf32>
        %gather3A_2522 = vector.shape_cast %broadcast_in_dim3A_147 : vector<16x1xi32> to vector<16xi32>
        %gather3A_2523 = tpu.dynamic_gather %add3A_2521[%gather3A_2522] in [0] : vector<16xf32>, vector<16xi32> -> vector<16xf32>
        %add3A_2524 = arith.addf %add3A_2521, %gather3A_2523 : vector<16xf32>
        %mul3A_2525 = arith.mulf %add3A_2524, %convert_element_type3A_2101 : vector<16xf32>
        %add3A_2526 = arith.addf %mul3A_2525, %mul3A_2106 : vector<16xf32>
        %broadcast_in_dim3A_2527 = vector.broadcast %add3A_2489 : i32 to vector<16xi32>
        tpu.vector_store_idx %arg18[%broadcast_in_dim3A_2527], %add3A_2526 masked %eq3A_4 : memref<480xf32, #tpu.memory_space<vmem>>[vector<16xi32>], vector<16xf32>, vector<16xi1>
        %mul3A_2528 = arith.constant 24 : i32
        %mul3A_2529 = arith.muli %add3A_2093, %mul3A_2528 : i32
        %add3A_2530 = arith.constant 9 : i32
        %add3A_2531 = arith.addi %mul3A_2529, %add3A_2530 : i32
        %mul3A_2532 = arith.constant 16 : i32
        %mul3A_2533 = arith.muli %add3A_2093, %mul3A_2532 : i32
        %add3A_2534 = arith.constant 9 : i32
        %add3A_2535 = arith.addi %mul3A_2533, %add3A_2534 : i32
        %get3A_2536 = arith.index_cast %add3A_2535 : i32 to index
        %get3A_2537 = arith.constant 0 : index
        %get3A_2538 = tpu.vector_load %arg14[%get3A_2536, %get3A_2537] {strides = array<i32>} : memref<320x64xf32, #tpu.memory_space<vmem>>, vector<16xf32>,
        %get3A_2539 = arith.index_cast %add3A_2535 : i32 to index
        %get3A_2540 = arith.constant 16 : index
        %get3A_2541 = tpu.vector_load %arg14[%get3A_2539, %get3A_2540] {strides = array<i32>} : memref<320x64xf32, #tpu.memory_space<vmem>>, vector<16xf32>,
        %get3A_2542 = arith.index_cast %add3A_2535 : i32 to index
        %get3A_2543 = arith.constant 32 : index
        %get3A_2544 = tpu.vector_load %arg14[%get3A_2542, %get3A_2543] {strides = array<i32>} : memref<320x64xf32, #tpu.memory_space<vmem>>, vector<16xf32>,
        %get3A_2545 = arith.index_cast %add3A_2535 : i32 to index
        %get3A_2546 = arith.constant 48 : index
        %get3A_2547 = tpu.vector_load %arg14[%get3A_2545, %get3A_2546] {strides = array<i32>} : memref<320x64xf32, #tpu.memory_space<vmem>>, vector<16xf32>,
        %mul3A_2548 = arith.mulf %get3A_2538, %add3A_2060 : vector<16xf32>
        %mul3A_2549 = arith.mulf %get3A_2541, %add3A_2062 : vector<16xf32>
        %add3A_2550 = arith.addf %mul3A_2548, %mul3A_2549 : vector<16xf32>
        %mul3A_2551 = arith.mulf %get3A_2544, %add3A_2064 : vector<16xf32>
        %add3A_2552 = arith.addf %add3A_2550, %mul3A_2551 : vector<16xf32>
        %mul3A_2553 = arith.mulf %get3A_2547, %add3A_2066 : vector<16xf32>
        %add3A_2554 = arith.addf %add3A_2552, %mul3A_2553 : vector<16xf32>
        %gather3A_2555 = vector.shape_cast %broadcast_in_dim3A_135 : vector<16x1xi32> to vector<16xi32>
        %gather3A_2556 = tpu.dynamic_gather %add3A_2554[%gather3A_2555] in [0] : vector<16xf32>, vector<16xi32> -> vector<16xf32>
        %add3A_2557 = arith.addf %add3A_2554, %gather3A_2556 : vector<16xf32>
        %gather3A_2558 = vector.shape_cast %broadcast_in_dim3A_139 : vector<16x1xi32> to vector<16xi32>
        %gather3A_2559 = tpu.dynamic_gather %add3A_2557[%gather3A_2558] in [0] : vector<16xf32>, vector<16xi32> -> vector<16xf32>
        %add3A_2560 = arith.addf %add3A_2557, %gather3A_2559 : vector<16xf32>
        %gather3A_2561 = vector.shape_cast %broadcast_in_dim3A_143 : vector<16x1xi32> to vector<16xi32>
        %gather3A_2562 = tpu.dynamic_gather %add3A_2560[%gather3A_2561] in [0] : vector<16xf32>, vector<16xi32> -> vector<16xf32>
        %add3A_2563 = arith.addf %add3A_2560, %gather3A_2562 : vector<16xf32>
        %gather3A_2564 = vector.shape_cast %broadcast_in_dim3A_147 : vector<16x1xi32> to vector<16xi32>
        %gather3A_2565 = tpu.dynamic_gather %add3A_2563[%gather3A_2564] in [0] : vector<16xf32>, vector<16xi32> -> vector<16xf32>
        %add3A_2566 = arith.addf %add3A_2563, %gather3A_2565 : vector<16xf32>
        %mul3A_2567 = arith.mulf %add3A_2566, %convert_element_type3A_2101 : vector<16xf32>
        %add3A_2568 = arith.addf %mul3A_2567, %mul3A_2106 : vector<16xf32>
        %broadcast_in_dim3A_2569 = vector.broadcast %add3A_2531 : i32 to vector<16xi32>
        tpu.vector_store_idx %arg18[%broadcast_in_dim3A_2569], %add3A_2568 masked %eq3A_4 : memref<480xf32, #tpu.memory_space<vmem>>[vector<16xi32>], vector<16xf32>, vector<16xi1>
        %mul3A_2570 = arith.constant 24 : i32
        %mul3A_2571 = arith.muli %add3A_2093, %mul3A_2570 : i32
        %add3A_2572 = arith.constant 10 : i32
        %add3A_2573 = arith.addi %mul3A_2571, %add3A_2572 : i32
        %mul3A_2574 = arith.constant 16 : i32
        %mul3A_2575 = arith.muli %add3A_2093, %mul3A_2574 : i32
        %add3A_2576 = arith.constant 10 : i32
        %add3A_2577 = arith.addi %mul3A_2575, %add3A_2576 : i32
        %get3A_2578 = arith.index_cast %add3A_2577 : i32 to index
        %get3A_2579 = arith.constant 0 : index
        %get3A_2580 = tpu.vector_load %arg14[%get3A_2578, %get3A_2579] {strides = array<i32>} : memref<320x64xf32, #tpu.memory_space<vmem>>, vector<16xf32>,
        %get3A_2581 = arith.index_cast %add3A_2577 : i32 to index
        %get3A_2582 = arith.constant 16 : index
        %get3A_2583 = tpu.vector_load %arg14[%get3A_2581, %get3A_2582] {strides = array<i32>} : memref<320x64xf32, #tpu.memory_space<vmem>>, vector<16xf32>,
        %get3A_2584 = arith.index_cast %add3A_2577 : i32 to index
        %get3A_2585 = arith.constant 32 : index
        %get3A_2586 = tpu.vector_load %arg14[%get3A_2584, %get3A_2585] {strides = array<i32>} : memref<320x64xf32, #tpu.memory_space<vmem>>, vector<16xf32>,
        %get3A_2587 = arith.index_cast %add3A_2577 : i32 to index
        %get3A_2588 = arith.constant 48 : index
        %get3A_2589 = tpu.vector_load %arg14[%get3A_2587, %get3A_2588] {strides = array<i32>} : memref<320x64xf32, #tpu.memory_space<vmem>>, vector<16xf32>,
        %mul3A_2590 = arith.mulf %get3A_2580, %add3A_2060 : vector<16xf32>
        %mul3A_2591 = arith.mulf %get3A_2583, %add3A_2062 : vector<16xf32>
        %add3A_2592 = arith.addf %mul3A_2590, %mul3A_2591 : vector<16xf32>
        %mul3A_2593 = arith.mulf %get3A_2586, %add3A_2064 : vector<16xf32>
        %add3A_2594 = arith.addf %add3A_2592, %mul3A_2593 : vector<16xf32>
        %mul3A_2595 = arith.mulf %get3A_2589, %add3A_2066 : vector<16xf32>
        %add3A_2596 = arith.addf %add3A_2594, %mul3A_2595 : vector<16xf32>
        %gather3A_2597 = vector.shape_cast %broadcast_in_dim3A_135 : vector<16x1xi32> to vector<16xi32>
        %gather3A_2598 = tpu.dynamic_gather %add3A_2596[%gather3A_2597] in [0] : vector<16xf32>, vector<16xi32> -> vector<16xf32>
        %add3A_2599 = arith.addf %add3A_2596, %gather3A_2598 : vector<16xf32>
        %gather3A_2600 = vector.shape_cast %broadcast_in_dim3A_139 : vector<16x1xi32> to vector<16xi32>
        %gather3A_2601 = tpu.dynamic_gather %add3A_2599[%gather3A_2600] in [0] : vector<16xf32>, vector<16xi32> -> vector<16xf32>
        %add3A_2602 = arith.addf %add3A_2599, %gather3A_2601 : vector<16xf32>
        %gather3A_2603 = vector.shape_cast %broadcast_in_dim3A_143 : vector<16x1xi32> to vector<16xi32>
        %gather3A_2604 = tpu.dynamic_gather %add3A_2602[%gather3A_2603] in [0] : vector<16xf32>, vector<16xi32> -> vector<16xf32>
        %add3A_2605 = arith.addf %add3A_2602, %gather3A_2604 : vector<16xf32>
        %gather3A_2606 = vector.shape_cast %broadcast_in_dim3A_147 : vector<16x1xi32> to vector<16xi32>
        %gather3A_2607 = tpu.dynamic_gather %add3A_2605[%gather3A_2606] in [0] : vector<16xf32>, vector<16xi32> -> vector<16xf32>
        %add3A_2608 = arith.addf %add3A_2605, %gather3A_2607 : vector<16xf32>
        %mul3A_2609 = arith.mulf %add3A_2608, %convert_element_type3A_2101 : vector<16xf32>
        %add3A_2610 = arith.addf %mul3A_2609, %mul3A_2106 : vector<16xf32>
        %broadcast_in_dim3A_2611 = vector.broadcast %add3A_2573 : i32 to vector<16xi32>
        tpu.vector_store_idx %arg18[%broadcast_in_dim3A_2611], %add3A_2610 masked %eq3A_4 : memref<480xf32, #tpu.memory_space<vmem>>[vector<16xi32>], vector<16xf32>, vector<16xi1>
        %mul3A_2612 = arith.constant 24 : i32
        %mul3A_2613 = arith.muli %add3A_2093, %mul3A_2612 : i32
        %add3A_2614 = arith.constant 11 : i32
        %add3A_2615 = arith.addi %mul3A_2613, %add3A_2614 : i32
        %mul3A_2616 = arith.constant 16 : i32
        %mul3A_2617 = arith.muli %add3A_2093, %mul3A_2616 : i32
        %add3A_2618 = arith.constant 11 : i32
        %add3A_2619 = arith.addi %mul3A_2617, %add3A_2618 : i32
        %get3A_2620 = arith.index_cast %add3A_2619 : i32 to index
        %get3A_2621 = arith.constant 0 : index
        %get3A_2622 = tpu.vector_load %arg14[%get3A_2620, %get3A_2621] {strides = array<i32>} : memref<320x64xf32, #tpu.memory_space<vmem>>, vector<16xf32>,
        %get3A_2623 = arith.index_cast %add3A_2619 : i32 to index
        %get3A_2624 = arith.constant 16 : index
        %get3A_2625 = tpu.vector_load %arg14[%get3A_2623, %get3A_2624] {strides = array<i32>} : memref<320x64xf32, #tpu.memory_space<vmem>>, vector<16xf32>,
        %get3A_2626 = arith.index_cast %add3A_2619 : i32 to index
        %get3A_2627 = arith.constant 32 : index
        %get3A_2628 = tpu.vector_load %arg14[%get3A_2626, %get3A_2627] {strides = array<i32>} : memref<320x64xf32, #tpu.memory_space<vmem>>, vector<16xf32>,
        %get3A_2629 = arith.index_cast %add3A_2619 : i32 to index
        %get3A_2630 = arith.constant 48 : index
        %get3A_2631 = tpu.vector_load %arg14[%get3A_2629, %get3A_2630] {strides = array<i32>} : memref<320x64xf32, #tpu.memory_space<vmem>>, vector<16xf32>,
        %mul3A_2632 = arith.mulf %get3A_2622, %add3A_2060 : vector<16xf32>
        %mul3A_2633 = arith.mulf %get3A_2625, %add3A_2062 : vector<16xf32>
        %add3A_2634 = arith.addf %mul3A_2632, %mul3A_2633 : vector<16xf32>
        %mul3A_2635 = arith.mulf %get3A_2628, %add3A_2064 : vector<16xf32>
        %add3A_2636 = arith.addf %add3A_2634, %mul3A_2635 : vector<16xf32>
        %mul3A_2637 = arith.mulf %get3A_2631, %add3A_2066 : vector<16xf32>
        %add3A_2638 = arith.addf %add3A_2636, %mul3A_2637 : vector<16xf32>
        %gather3A_2639 = vector.shape_cast %broadcast_in_dim3A_135 : vector<16x1xi32> to vector<16xi32>
        %gather3A_2640 = tpu.dynamic_gather %add3A_2638[%gather3A_2639] in [0] : vector<16xf32>, vector<16xi32> -> vector<16xf32>
        %add3A_2641 = arith.addf %add3A_2638, %gather3A_2640 : vector<16xf32>
        %gather3A_2642 = vector.shape_cast %broadcast_in_dim3A_139 : vector<16x1xi32> to vector<16xi32>
        %gather3A_2643 = tpu.dynamic_gather %add3A_2641[%gather3A_2642] in [0] : vector<16xf32>, vector<16xi32> -> vector<16xf32>
        %add3A_2644 = arith.addf %add3A_2641, %gather3A_2643 : vector<16xf32>
        %gather3A_2645 = vector.shape_cast %broadcast_in_dim3A_143 : vector<16x1xi32> to vector<16xi32>
        %gather3A_2646 = tpu.dynamic_gather %add3A_2644[%gather3A_2645] in [0] : vector<16xf32>, vector<16xi32> -> vector<16xf32>
        %add3A_2647 = arith.addf %add3A_2644, %gather3A_2646 : vector<16xf32>
        %gather3A_2648 = vector.shape_cast %broadcast_in_dim3A_147 : vector<16x1xi32> to vector<16xi32>
        %gather3A_2649 = tpu.dynamic_gather %add3A_2647[%gather3A_2648] in [0] : vector<16xf32>, vector<16xi32> -> vector<16xf32>
        %add3A_2650 = arith.addf %add3A_2647, %gather3A_2649 : vector<16xf32>
        %mul3A_2651 = arith.mulf %add3A_2650, %convert_element_type3A_2101 : vector<16xf32>
        %add3A_2652 = arith.addf %mul3A_2651, %mul3A_2106 : vector<16xf32>
        %broadcast_in_dim3A_2653 = vector.broadcast %add3A_2615 : i32 to vector<16xi32>
        tpu.vector_store_idx %arg18[%broadcast_in_dim3A_2653], %add3A_2652 masked %eq3A_4 : memref<480xf32, #tpu.memory_space<vmem>>[vector<16xi32>], vector<16xf32>, vector<16xi1>
        %mul3A_2654 = arith.constant 24 : i32
        %mul3A_2655 = arith.muli %add3A_2093, %mul3A_2654 : i32
        %add3A_2656 = arith.constant 12 : i32
        %add3A_2657 = arith.addi %mul3A_2655, %add3A_2656 : i32
        %mul3A_2658 = arith.constant 16 : i32
        %mul3A_2659 = arith.muli %add3A_2093, %mul3A_2658 : i32
        %add3A_2660 = arith.constant 12 : i32
        %add3A_2661 = arith.addi %mul3A_2659, %add3A_2660 : i32
        %get3A_2662 = arith.index_cast %add3A_2661 : i32 to index
        %get3A_2663 = arith.constant 0 : index
        %get3A_2664 = tpu.vector_load %arg14[%get3A_2662, %get3A_2663] {strides = array<i32>} : memref<320x64xf32, #tpu.memory_space<vmem>>, vector<16xf32>,
        %get3A_2665 = arith.index_cast %add3A_2661 : i32 to index
        %get3A_2666 = arith.constant 16 : index
        %get3A_2667 = tpu.vector_load %arg14[%get3A_2665, %get3A_2666] {strides = array<i32>} : memref<320x64xf32, #tpu.memory_space<vmem>>, vector<16xf32>,
        %get3A_2668 = arith.index_cast %add3A_2661 : i32 to index
        %get3A_2669 = arith.constant 32 : index
        %get3A_2670 = tpu.vector_load %arg14[%get3A_2668, %get3A_2669] {strides = array<i32>} : memref<320x64xf32, #tpu.memory_space<vmem>>, vector<16xf32>,
        %get3A_2671 = arith.index_cast %add3A_2661 : i32 to index
        %get3A_2672 = arith.constant 48 : index
        %get3A_2673 = tpu.vector_load %arg14[%get3A_2671, %get3A_2672] {strides = array<i32>} : memref<320x64xf32, #tpu.memory_space<vmem>>, vector<16xf32>,
        %mul3A_2674 = arith.mulf %get3A_2664, %add3A_2060 : vector<16xf32>
        %mul3A_2675 = arith.mulf %get3A_2667, %add3A_2062 : vector<16xf32>
        %add3A_2676 = arith.addf %mul3A_2674, %mul3A_2675 : vector<16xf32>
        %mul3A_2677 = arith.mulf %get3A_2670, %add3A_2064 : vector<16xf32>
        %add3A_2678 = arith.addf %add3A_2676, %mul3A_2677 : vector<16xf32>
        %mul3A_2679 = arith.mulf %get3A_2673, %add3A_2066 : vector<16xf32>
        %add3A_2680 = arith.addf %add3A_2678, %mul3A_2679 : vector<16xf32>
        %gather3A_2681 = vector.shape_cast %broadcast_in_dim3A_135 : vector<16x1xi32> to vector<16xi32>
        %gather3A_2682 = tpu.dynamic_gather %add3A_2680[%gather3A_2681] in [0] : vector<16xf32>, vector<16xi32> -> vector<16xf32>
        %add3A_2683 = arith.addf %add3A_2680, %gather3A_2682 : vector<16xf32>
        %gather3A_2684 = vector.shape_cast %broadcast_in_dim3A_139 : vector<16x1xi32> to vector<16xi32>
        %gather3A_2685 = tpu.dynamic_gather %add3A_2683[%gather3A_2684] in [0] : vector<16xf32>, vector<16xi32> -> vector<16xf32>
        %add3A_2686 = arith.addf %add3A_2683, %gather3A_2685 : vector<16xf32>
        %gather3A_2687 = vector.shape_cast %broadcast_in_dim3A_143 : vector<16x1xi32> to vector<16xi32>
        %gather3A_2688 = tpu.dynamic_gather %add3A_2686[%gather3A_2687] in [0] : vector<16xf32>, vector<16xi32> -> vector<16xf32>
        %add3A_2689 = arith.addf %add3A_2686, %gather3A_2688 : vector<16xf32>
        %gather3A_2690 = vector.shape_cast %broadcast_in_dim3A_147 : vector<16x1xi32> to vector<16xi32>
        %gather3A_2691 = tpu.dynamic_gather %add3A_2689[%gather3A_2690] in [0] : vector<16xf32>, vector<16xi32> -> vector<16xf32>
        %add3A_2692 = arith.addf %add3A_2689, %gather3A_2691 : vector<16xf32>
        %mul3A_2693 = arith.mulf %add3A_2692, %convert_element_type3A_2101 : vector<16xf32>
        %add3A_2694 = arith.addf %mul3A_2693, %mul3A_2106 : vector<16xf32>
        %broadcast_in_dim3A_2695 = vector.broadcast %add3A_2657 : i32 to vector<16xi32>
        tpu.vector_store_idx %arg18[%broadcast_in_dim3A_2695], %add3A_2694 masked %eq3A_4 : memref<480xf32, #tpu.memory_space<vmem>>[vector<16xi32>], vector<16xf32>, vector<16xi1>
        %mul3A_2696 = arith.constant 24 : i32
        %mul3A_2697 = arith.muli %add3A_2093, %mul3A_2696 : i32
        %add3A_2698 = arith.constant 13 : i32
        %add3A_2699 = arith.addi %mul3A_2697, %add3A_2698 : i32
        %mul3A_2700 = arith.constant 16 : i32
        %mul3A_2701 = arith.muli %add3A_2093, %mul3A_2700 : i32
        %add3A_2702 = arith.constant 13 : i32
        %add3A_2703 = arith.addi %mul3A_2701, %add3A_2702 : i32
        %get3A_2704 = arith.index_cast %add3A_2703 : i32 to index
        %get3A_2705 = arith.constant 0 : index
        %get3A_2706 = tpu.vector_load %arg14[%get3A_2704, %get3A_2705] {strides = array<i32>} : memref<320x64xf32, #tpu.memory_space<vmem>>, vector<16xf32>,
        %get3A_2707 = arith.index_cast %add3A_2703 : i32 to index
        %get3A_2708 = arith.constant 16 : index
        %get3A_2709 = tpu.vector_load %arg14[%get3A_2707, %get3A_2708] {strides = array<i32>} : memref<320x64xf32, #tpu.memory_space<vmem>>, vector<16xf32>,
        %get3A_2710 = arith.index_cast %add3A_2703 : i32 to index
        %get3A_2711 = arith.constant 32 : index
        %get3A_2712 = tpu.vector_load %arg14[%get3A_2710, %get3A_2711] {strides = array<i32>} : memref<320x64xf32, #tpu.memory_space<vmem>>, vector<16xf32>,
        %get3A_2713 = arith.index_cast %add3A_2703 : i32 to index
        %get3A_2714 = arith.constant 48 : index
        %get3A_2715 = tpu.vector_load %arg14[%get3A_2713, %get3A_2714] {strides = array<i32>} : memref<320x64xf32, #tpu.memory_space<vmem>>, vector<16xf32>,
        %mul3A_2716 = arith.mulf %get3A_2706, %add3A_2060 : vector<16xf32>
        %mul3A_2717 = arith.mulf %get3A_2709, %add3A_2062 : vector<16xf32>
        %add3A_2718 = arith.addf %mul3A_2716, %mul3A_2717 : vector<16xf32>
        %mul3A_2719 = arith.mulf %get3A_2712, %add3A_2064 : vector<16xf32>
        %add3A_2720 = arith.addf %add3A_2718, %mul3A_2719 : vector<16xf32>
        %mul3A_2721 = arith.mulf %get3A_2715, %add3A_2066 : vector<16xf32>
        %add3A_2722 = arith.addf %add3A_2720, %mul3A_2721 : vector<16xf32>
        %gather3A_2723 = vector.shape_cast %broadcast_in_dim3A_135 : vector<16x1xi32> to vector<16xi32>
        %gather3A_2724 = tpu.dynamic_gather %add3A_2722[%gather3A_2723] in [0] : vector<16xf32>, vector<16xi32> -> vector<16xf32>
        %add3A_2725 = arith.addf %add3A_2722, %gather3A_2724 : vector<16xf32>
        %gather3A_2726 = vector.shape_cast %broadcast_in_dim3A_139 : vector<16x1xi32> to vector<16xi32>
        %gather3A_2727 = tpu.dynamic_gather %add3A_2725[%gather3A_2726] in [0] : vector<16xf32>, vector<16xi32> -> vector<16xf32>
        %add3A_2728 = arith.addf %add3A_2725, %gather3A_2727 : vector<16xf32>
        %gather3A_2729 = vector.shape_cast %broadcast_in_dim3A_143 : vector<16x1xi32> to vector<16xi32>
        %gather3A_2730 = tpu.dynamic_gather %add3A_2728[%gather3A_2729] in [0] : vector<16xf32>, vector<16xi32> -> vector<16xf32>
        %add3A_2731 = arith.addf %add3A_2728, %gather3A_2730 : vector<16xf32>
        %gather3A_2732 = vector.shape_cast %broadcast_in_dim3A_147 : vector<16x1xi32> to vector<16xi32>
        %gather3A_2733 = tpu.dynamic_gather %add3A_2731[%gather3A_2732] in [0] : vector<16xf32>, vector<16xi32> -> vector<16xf32>
        %add3A_2734 = arith.addf %add3A_2731, %gather3A_2733 : vector<16xf32>
        %mul3A_2735 = arith.mulf %add3A_2734, %convert_element_type3A_2101 : vector<16xf32>
        %add3A_2736 = arith.addf %mul3A_2735, %mul3A_2106 : vector<16xf32>
        %broadcast_in_dim3A_2737 = vector.broadcast %add3A_2699 : i32 to vector<16xi32>
        tpu.vector_store_idx %arg18[%broadcast_in_dim3A_2737], %add3A_2736 masked %eq3A_4 : memref<480xf32, #tpu.memory_space<vmem>>[vector<16xi32>], vector<16xf32>, vector<16xi1>
        %mul3A_2738 = arith.constant 24 : i32
        %mul3A_2739 = arith.muli %add3A_2093, %mul3A_2738 : i32
        %add3A_2740 = arith.constant 14 : i32
        %add3A_2741 = arith.addi %mul3A_2739, %add3A_2740 : i32
        %mul3A_2742 = arith.constant 16 : i32
        %mul3A_2743 = arith.muli %add3A_2093, %mul3A_2742 : i32
        %add3A_2744 = arith.constant 14 : i32
        %add3A_2745 = arith.addi %mul3A_2743, %add3A_2744 : i32
        %get3A_2746 = arith.index_cast %add3A_2745 : i32 to index
        %get3A_2747 = arith.constant 0 : index
        %get3A_2748 = tpu.vector_load %arg14[%get3A_2746, %get3A_2747] {strides = array<i32>} : memref<320x64xf32, #tpu.memory_space<vmem>>, vector<16xf32>,
        %get3A_2749 = arith.index_cast %add3A_2745 : i32 to index
        %get3A_2750 = arith.constant 16 : index
        %get3A_2751 = tpu.vector_load %arg14[%get3A_2749, %get3A_2750] {strides = array<i32>} : memref<320x64xf32, #tpu.memory_space<vmem>>, vector<16xf32>,
        %get3A_2752 = arith.index_cast %add3A_2745 : i32 to index
        %get3A_2753 = arith.constant 32 : index
        %get3A_2754 = tpu.vector_load %arg14[%get3A_2752, %get3A_2753] {strides = array<i32>} : memref<320x64xf32, #tpu.memory_space<vmem>>, vector<16xf32>,
        %get3A_2755 = arith.index_cast %add3A_2745 : i32 to index
        %get3A_2756 = arith.constant 48 : index
        %get3A_2757 = tpu.vector_load %arg14[%get3A_2755, %get3A_2756] {strides = array<i32>} : memref<320x64xf32, #tpu.memory_space<vmem>>, vector<16xf32>,
        %mul3A_2758 = arith.mulf %get3A_2748, %add3A_2060 : vector<16xf32>
        %mul3A_2759 = arith.mulf %get3A_2751, %add3A_2062 : vector<16xf32>
        %add3A_2760 = arith.addf %mul3A_2758, %mul3A_2759 : vector<16xf32>
        %mul3A_2761 = arith.mulf %get3A_2754, %add3A_2064 : vector<16xf32>
        %add3A_2762 = arith.addf %add3A_2760, %mul3A_2761 : vector<16xf32>
        %mul3A_2763 = arith.mulf %get3A_2757, %add3A_2066 : vector<16xf32>
        %add3A_2764 = arith.addf %add3A_2762, %mul3A_2763 : vector<16xf32>
        %gather3A_2765 = vector.shape_cast %broadcast_in_dim3A_135 : vector<16x1xi32> to vector<16xi32>
        %gather3A_2766 = tpu.dynamic_gather %add3A_2764[%gather3A_2765] in [0] : vector<16xf32>, vector<16xi32> -> vector<16xf32>
        %add3A_2767 = arith.addf %add3A_2764, %gather3A_2766 : vector<16xf32>
        %gather3A_2768 = vector.shape_cast %broadcast_in_dim3A_139 : vector<16x1xi32> to vector<16xi32>
        %gather3A_2769 = tpu.dynamic_gather %add3A_2767[%gather3A_2768] in [0] : vector<16xf32>, vector<16xi32> -> vector<16xf32>
        %add3A_2770 = arith.addf %add3A_2767, %gather3A_2769 : vector<16xf32>
        %gather3A_2771 = vector.shape_cast %broadcast_in_dim3A_143 : vector<16x1xi32> to vector<16xi32>
        %gather3A_2772 = tpu.dynamic_gather %add3A_2770[%gather3A_2771] in [0] : vector<16xf32>, vector<16xi32> -> vector<16xf32>
        %add3A_2773 = arith.addf %add3A_2770, %gather3A_2772 : vector<16xf32>
        %gather3A_2774 = vector.shape_cast %broadcast_in_dim3A_147 : vector<16x1xi32> to vector<16xi32>
        %gather3A_2775 = tpu.dynamic_gather %add3A_2773[%gather3A_2774] in [0] : vector<16xf32>, vector<16xi32> -> vector<16xf32>
        %add3A_2776 = arith.addf %add3A_2773, %gather3A_2775 : vector<16xf32>
        %mul3A_2777 = arith.mulf %add3A_2776, %convert_element_type3A_2101 : vector<16xf32>
        %add3A_2778 = arith.addf %mul3A_2777, %mul3A_2106 : vector<16xf32>
        %broadcast_in_dim3A_2779 = vector.broadcast %add3A_2741 : i32 to vector<16xi32>
        tpu.vector_store_idx %arg18[%broadcast_in_dim3A_2779], %add3A_2778 masked %eq3A_4 : memref<480xf32, #tpu.memory_space<vmem>>[vector<16xi32>], vector<16xf32>, vector<16xi1>
        %mul3A_2780 = arith.constant 24 : i32
        %mul3A_2781 = arith.muli %add3A_2093, %mul3A_2780 : i32
        %add3A_2782 = arith.constant 15 : i32
        %add3A_2783 = arith.addi %mul3A_2781, %add3A_2782 : i32
        %mul3A_2784 = arith.constant 16 : i32
        %mul3A_2785 = arith.muli %add3A_2093, %mul3A_2784 : i32
        %add3A_2786 = arith.constant 15 : i32
        %add3A_2787 = arith.addi %mul3A_2785, %add3A_2786 : i32
        %get3A_2788 = arith.index_cast %add3A_2787 : i32 to index
        %get3A_2789 = arith.constant 0 : index
        %get3A_2790 = tpu.vector_load %arg14[%get3A_2788, %get3A_2789] {strides = array<i32>} : memref<320x64xf32, #tpu.memory_space<vmem>>, vector<16xf32>,
        %get3A_2791 = arith.index_cast %add3A_2787 : i32 to index
        %get3A_2792 = arith.constant 16 : index
        %get3A_2793 = tpu.vector_load %arg14[%get3A_2791, %get3A_2792] {strides = array<i32>} : memref<320x64xf32, #tpu.memory_space<vmem>>, vector<16xf32>,
        %get3A_2794 = arith.index_cast %add3A_2787 : i32 to index
        %get3A_2795 = arith.constant 32 : index
        %get3A_2796 = tpu.vector_load %arg14[%get3A_2794, %get3A_2795] {strides = array<i32>} : memref<320x64xf32, #tpu.memory_space<vmem>>, vector<16xf32>,
        %get3A_2797 = arith.index_cast %add3A_2787 : i32 to index
        %get3A_2798 = arith.constant 48 : index
        %get3A_2799 = tpu.vector_load %arg14[%get3A_2797, %get3A_2798] {strides = array<i32>} : memref<320x64xf32, #tpu.memory_space<vmem>>, vector<16xf32>,
        %mul3A_2800 = arith.mulf %get3A_2790, %add3A_2060 : vector<16xf32>
        %mul3A_2801 = arith.mulf %get3A_2793, %add3A_2062 : vector<16xf32>
        %add3A_2802 = arith.addf %mul3A_2800, %mul3A_2801 : vector<16xf32>
        %mul3A_2803 = arith.mulf %get3A_2796, %add3A_2064 : vector<16xf32>
        %add3A_2804 = arith.addf %add3A_2802, %mul3A_2803 : vector<16xf32>
        %mul3A_2805 = arith.mulf %get3A_2799, %add3A_2066 : vector<16xf32>
        %add3A_2806 = arith.addf %add3A_2804, %mul3A_2805 : vector<16xf32>
        %gather3A_2807 = vector.shape_cast %broadcast_in_dim3A_135 : vector<16x1xi32> to vector<16xi32>
        %gather3A_2808 = tpu.dynamic_gather %add3A_2806[%gather3A_2807] in [0] : vector<16xf32>, vector<16xi32> -> vector<16xf32>
        %add3A_2809 = arith.addf %add3A_2806, %gather3A_2808 : vector<16xf32>
        %gather3A_2810 = vector.shape_cast %broadcast_in_dim3A_139 : vector<16x1xi32> to vector<16xi32>
        %gather3A_2811 = tpu.dynamic_gather %add3A_2809[%gather3A_2810] in [0] : vector<16xf32>, vector<16xi32> -> vector<16xf32>
        %add3A_2812 = arith.addf %add3A_2809, %gather3A_2811 : vector<16xf32>
        %gather3A_2813 = vector.shape_cast %broadcast_in_dim3A_143 : vector<16x1xi32> to vector<16xi32>
        %gather3A_2814 = tpu.dynamic_gather %add3A_2812[%gather3A_2813] in [0] : vector<16xf32>, vector<16xi32> -> vector<16xf32>
        %add3A_2815 = arith.addf %add3A_2812, %gather3A_2814 : vector<16xf32>
        %gather3A_2816 = vector.shape_cast %broadcast_in_dim3A_147 : vector<16x1xi32> to vector<16xi32>
        %gather3A_2817 = tpu.dynamic_gather %add3A_2815[%gather3A_2816] in [0] : vector<16xf32>, vector<16xi32> -> vector<16xf32>
        %add3A_2818 = arith.addf %add3A_2815, %gather3A_2817 : vector<16xf32>
        %mul3A_2819 = arith.mulf %add3A_2818, %convert_element_type3A_2101 : vector<16xf32>
        %add3A_2820 = arith.addf %mul3A_2819, %mul3A_2106 : vector<16xf32>
        %broadcast_in_dim3A_2821 = vector.broadcast %add3A_2783 : i32 to vector<16xi32>
        tpu.vector_store_idx %arg18[%broadcast_in_dim3A_2821], %add3A_2820 masked %eq3A_4 : memref<480xf32, #tpu.memory_space<vmem>>[vector<16xi32>], vector<16xf32>, vector<16xi1>
      }
      %scan3A_2071 = arith.constant 20 : i32
      %mul3A_2072 = arith.constant 24 : i32
      %mul3A_2073 = arith.muli %add3A_1148, %mul3A_2072 : i32
      %dma_start3A_2074 = tpu.memref_slice %arg5[%mul3A_2073] : memref<98304xf32, #tpu.memory_space<hbm>> -> memref<24xf32, #tpu.memory_space<hbm>>
      %dma_start3A_2075 = tpu.memref_slice %arg5[%mul3A_2073] : memref<98304xf32, #tpu.memory_space<hbm>> -> memref<24xf32, #tpu.memory_space<hbm>>
      tpu.enqueue_dma source(%arg16 : memref<24xf32, #tpu.memory_space<vmem>>) target(%dma_start3A_2075 : memref<24xf32, #tpu.memory_space<hbm>>) target_semaphore(%arg24 : memref<!tpu.dma_semaphore, #tpu.memory_space<semaphore_mem>>)
      %mul3A_2076 = arith.constant 20 : i32
      %mul3A_2077 = arith.muli %add3A_1148, %mul3A_2076 : i32
      %mul3A_2078 = arith.constant 24 : i32
      %mul3A_2079 = arith.muli %mul3A_2077, %mul3A_2078 : i32
      %dma_start3A_2080 = tpu.memref_slice %arg6[%mul3A_2079] : memref<1966080xf32, #tpu.memory_space<hbm>> -> memref<480xf32, #tpu.memory_space<hbm>>
      %dma_start3A_2081 = tpu.memref_slice %arg6[%mul3A_2079] : memref<1966080xf32, #tpu.memory_space<hbm>> -> memref<480xf32, #tpu.memory_space<hbm>>
      tpu.enqueue_dma source(%arg18 : memref<480xf32, #tpu.memory_space<vmem>>) target(%dma_start3A_2081 : memref<480xf32, #tpu.memory_space<hbm>>) target_semaphore(%arg24 : memref<!tpu.dma_semaphore, #tpu.memory_space<semaphore_mem>>)
      %add3A_2082 = arith.constant 2 : i32
      %add3A_2083 = arith.addi %add3A_1147, %add3A_2082 : i32
      %lt3A_2084 = arith.constant 128 : i32
      %lt3A_2085 = arith.cmpi slt, %add3A_2083, %lt3A_2084 : i32
      %convert_element_type3A_2086 = arith.extui %lt3A_2085 : i1 to i32
      %cond3A_2087 = arith.constant 0 : i32
      %cond3A_2088 = arith.cmpi ne, %convert_element_type3A_2086, %cond3A_2087 : i32
      scf.if %cond3A_2088 {
        %add3A_2089 = arith.constant 2 : i32
        %add3A_2090 = arith.addi %add3A_1148, %add3A_2089 : i32
        %mul3A_2091 = arith.constant 400 : i32
        %mul3A_2092 = arith.muli %add3A_2090, %mul3A_2091 : i32
        %dma_start3A_2093 = tpu.memref_slice %arg4[%mul3A_2092] : memref<1638400xi32, #tpu.memory_space<hbm>> -> memref<400xi32, #tpu.memory_space<hbm>>
        %dma_start3A_2094 = tpu.memref_slice %arg4[%mul3A_2092] : memref<1638400xi32, #tpu.memory_space<hbm>> -> memref<400xi32, #tpu.memory_space<hbm>>
        tpu.enqueue_dma source(%dma_start3A_2094 : memref<400xi32, #tpu.memory_space<hbm>>) target(%arg8 : memref<400xi32, #tpu.memory_space<vmem>>) target_semaphore(%arg20 : memref<!tpu.dma_semaphore, #tpu.memory_space<semaphore_mem>>)
      } else {
      }
    }
    %scan3A_189 = arith.constant 64 : i32
    %dma_wait3A_190 = arith.constant 0 : i32
    %dma_wait3A_191 = tpu.memref_slice %arg5[%dma_wait3A_190] : memref<98304xf32, #tpu.memory_space<hbm>> -> memref<24xf32, #tpu.memory_space<hbm>>
    %dma_wait3A_192 = arith.constant 0 : i32
    %dma_wait3A_193 = tpu.memref_slice %arg5[%dma_wait3A_192] : memref<98304xf32, #tpu.memory_space<hbm>> -> memref<24xf32, #tpu.memory_space<hbm>>
    tpu.wait_dma2 semaphore(%arg23 : memref<!tpu.dma_semaphore, #tpu.memory_space<semaphore_mem>>) src(%arg15 : memref<24xf32, #tpu.memory_space<vmem>>) dst(%dma_wait3A_193 : memref<24xf32, #tpu.memory_space<hbm>>)
    %dma_wait3A_194 = arith.constant 0 : i32
    %dma_wait3A_195 = tpu.memref_slice %arg6[%dma_wait3A_194] : memref<1966080xf32, #tpu.memory_space<hbm>> -> memref<480xf32, #tpu.memory_space<hbm>>
    %dma_wait3A_196 = arith.constant 0 : i32
    %dma_wait3A_197 = tpu.memref_slice %arg6[%dma_wait3A_196] : memref<1966080xf32, #tpu.memory_space<hbm>> -> memref<480xf32, #tpu.memory_space<hbm>>
    tpu.wait_dma2 semaphore(%arg23 : memref<!tpu.dma_semaphore, #tpu.memory_space<semaphore_mem>>) src(%arg17 : memref<480xf32, #tpu.memory_space<vmem>>) dst(%dma_wait3A_197 : memref<480xf32, #tpu.memory_space<hbm>>)
    %dma_wait3A_198 = arith.constant 0 : i32
    %dma_wait3A_199 = tpu.memref_slice %arg5[%dma_wait3A_198] : memref<98304xf32, #tpu.memory_space<hbm>> -> memref<24xf32, #tpu.memory_space<hbm>>
    %dma_wait3A_200 = arith.constant 0 : i32
    %dma_wait3A_201 = tpu.memref_slice %arg5[%dma_wait3A_200] : memref<98304xf32, #tpu.memory_space<hbm>> -> memref<24xf32, #tpu.memory_space<hbm>>
    tpu.wait_dma2 semaphore(%arg24 : memref<!tpu.dma_semaphore, #tpu.memory_space<semaphore_mem>>) src(%arg16 : memref<24xf32, #tpu.memory_space<vmem>>) dst(%dma_wait3A_201 : memref<24xf32, #tpu.memory_space<hbm>>)
    %dma_wait3A_202 = arith.constant 0 : i32
    %dma_wait3A_203 = tpu.memref_slice %arg6[%dma_wait3A_202] : memref<1966080xf32, #tpu.memory_space<hbm>> -> memref<480xf32, #tpu.memory_space<hbm>>
    %dma_wait3A_204 = arith.constant 0 : i32
    %dma_wait3A_205 = tpu.memref_slice %arg6[%dma_wait3A_204] : memref<1966080xf32, #tpu.memory_space<hbm>> -> memref<480xf32, #tpu.memory_space<hbm>>
    tpu.wait_dma2 semaphore(%arg24 : memref<!tpu.dma_semaphore, #tpu.memory_space<semaphore_mem>>) src(%arg18 : memref<480xf32, #tpu.memory_space<vmem>>) dst(%dma_wait3A_205 : memref<480xf32, #tpu.memory_space<hbm>>)
    return
  }
}

module attributes {stable_mosaic.version = 14 : i64} {
  func.func @body(%arg0: i32, %arg1: memref<48x128xf32, #tpu.memory_space<vmem>>, %arg2: memref<960x128xf32, #tpu.memory_space<vmem>>, %arg3: memref<40x128xf32, #tpu.memory_space<vmem>>, %arg4: memref<1x1xf32, #tpu.memory_space<vmem>>, %arg5: memref<3xf32, #tpu.memory_space<smem>>) attributes {dimension_semantics = [#tpu.dimension_semantics<arbitrary>], iteration_bounds = array<i64: 16>, scalar_prefetch = 0 : i64, scratch_operands = 1 : i64, tpu.core_type = #tpu.core_type<tc>, window_params = [{transform_indices = @transform_0, window_bounds = array<i64: 48, 128>}, {transform_indices = @transform_1, window_bounds = array<i64: 960, 128>}, {transform_indices = @transform_2, window_bounds = array<i64: 40, 128>}, {pipeline_mode = #tpu.pipeline_mode<synchronous>, transform_indices = @transform_3, window_bounds = array<i64: 1, 1>}]} {
    %eq3A = arith.constant 0 : i32
    %eq3A_0 = arith.cmpi eq, %arg0, %eq3A : i32
    %convert_element_type3A = arith.extui %eq3A_0 : i1 to i32
    %cond3A = arith.constant 0 : i32
    %cond3A_1 = arith.cmpi ne, %convert_element_type3A, %cond3A : i32
    scf.if %cond3A_1 {
      %swap3A_57 = arith.constant 0.000000e+00 : f32
      %swap3A_58 = arith.constant 0 : index
      %swap3A_59 = memref.load %arg5[%swap3A_58] : memref<3xf32, #tpu.memory_space<smem>>
      memref.store %swap3A_57, %arg5[%swap3A_58] : memref<3xf32, #tpu.memory_space<smem>>
      %swap3A_60 = arith.constant 0.000000e+00 : f32
      %swap3A_61 = arith.constant 1 : index
      %swap3A_62 = memref.load %arg5[%swap3A_61] : memref<3xf32, #tpu.memory_space<smem>>
      memref.store %swap3A_60, %arg5[%swap3A_61] : memref<3xf32, #tpu.memory_space<smem>>
      %swap3A_63 = arith.constant 0.000000e+00 : f32
      %swap3A_64 = arith.constant 2 : index
      %swap3A_65 = memref.load %arg5[%swap3A_64] : memref<3xf32, #tpu.memory_space<smem>>
      memref.store %swap3A_63, %arg5[%swap3A_64] : memref<3xf32, #tpu.memory_space<smem>>
    } else {
    }
    %get3A = arith.constant 0 : index
    %get3A_2 = memref.load %arg5[%get3A] : memref<3xf32, #tpu.memory_space<smem>>
    %get3A_3 = arith.constant 0 : index
    %get3A_4 = arith.constant 0 : index
    %get3A_5 = vector.load %arg1[%get3A_3, %get3A_4] : memref<48x128xf32, #tpu.memory_space<vmem>>, vector<48x128xf32>
    %max3A = arith.constant 0.000000e+00 : f32
    %max3A_6 = vector.broadcast %max3A : f32 to vector<48x128xf32>
    %max3A_7 = arith.maximumf %get3A_5, %max3A_6 : vector<48x128xf32>
    %abs3A = math.absf %get3A_5 : vector<48x128xf32>
    %neg3A = arith.constant 0.000000e+00 : f32
    %neg3A_8 = vector.broadcast %neg3A : f32 to vector<48x128xf32>
    %neg3A_9 = arith.subf %neg3A_8, %abs3A : vector<48x128xf32>
    %exp3A = math.exp %neg3A_9 : vector<48x128xf32>
    %log1p3A = math.log1p %exp3A : vector<48x128xf32>
    %add3A = arith.addf %max3A_7, %log1p3A : vector<48x128xf32>
    %reduce_sum3A = vector.shape_cast %add3A : vector<48x128xf32> to vector<1x48x128xf32>
    %reduce_sum3A_10 = arith.constant dense<0.000000e+00> : vector<1xf32>
    %reduce_sum3A_11 = vector.multi_reduction <add>, %reduce_sum3A, %reduce_sum3A_10 [1, 2] : vector<1x48x128xf32> to vector<1xf32>
    %reduce_sum3A_12 = vector.shape_cast %reduce_sum3A_11 : vector<1xf32> to vector<1x1x1xf32>
    %reduce_sum3A_13 = vector.extract %reduce_sum3A_12[0, 0, 0] : f32 from vector<1x1x1xf32>
    %add3A_14 = arith.addf %get3A_2, %reduce_sum3A_13 : f32
    %swap3A = arith.constant 0 : index
    %swap3A_15 = memref.load %arg5[%swap3A] : memref<3xf32, #tpu.memory_space<smem>>
    memref.store %add3A_14, %arg5[%swap3A] : memref<3xf32, #tpu.memory_space<smem>>
    %get3A_16 = arith.constant 1 : index
    %get3A_17 = memref.load %arg5[%get3A_16] : memref<3xf32, #tpu.memory_space<smem>>
    %get3A_18 = arith.constant 0 : index
    %get3A_19 = arith.constant 0 : index
    %get3A_20 = vector.load %arg2[%get3A_18, %get3A_19] : memref<960x128xf32, #tpu.memory_space<vmem>>, vector<960x128xf32>
    %max3A_21 = arith.constant 0.000000e+00 : f32
    %max3A_22 = vector.broadcast %max3A_21 : f32 to vector<960x128xf32>
    %max3A_23 = arith.maximumf %get3A_20, %max3A_22 : vector<960x128xf32>
    %abs3A_24 = math.absf %get3A_20 : vector<960x128xf32>
    %neg3A_25 = arith.constant 0.000000e+00 : f32
    %neg3A_26 = vector.broadcast %neg3A_25 : f32 to vector<960x128xf32>
    %neg3A_27 = arith.subf %neg3A_26, %abs3A_24 : vector<960x128xf32>
    %exp3A_28 = math.exp %neg3A_27 : vector<960x128xf32>
    %log1p3A_29 = math.log1p %exp3A_28 : vector<960x128xf32>
    %add3A_30 = arith.addf %max3A_23, %log1p3A_29 : vector<960x128xf32>
    %reduce_sum3A_31 = vector.shape_cast %add3A_30 : vector<960x128xf32> to vector<1x960x128xf32>
    %reduce_sum3A_32 = arith.constant dense<0.000000e+00> : vector<1xf32>
    %reduce_sum3A_33 = vector.multi_reduction <add>, %reduce_sum3A_31, %reduce_sum3A_32 [1, 2] : vector<1x960x128xf32> to vector<1xf32>
    %reduce_sum3A_34 = vector.shape_cast %reduce_sum3A_33 : vector<1xf32> to vector<1x1x1xf32>
    %reduce_sum3A_35 = vector.extract %reduce_sum3A_34[0, 0, 0] : f32 from vector<1x1x1xf32>
    %add3A_36 = arith.addf %get3A_17, %reduce_sum3A_35 : f32
    %swap3A_37 = arith.constant 1 : index
    %swap3A_38 = memref.load %arg5[%swap3A_37] : memref<3xf32, #tpu.memory_space<smem>>
    memref.store %add3A_36, %arg5[%swap3A_37] : memref<3xf32, #tpu.memory_space<smem>>
    %get3A_39 = arith.constant 2 : index
    %get3A_40 = memref.load %arg5[%get3A_39] : memref<3xf32, #tpu.memory_space<smem>>
    %get3A_41 = arith.constant 0 : index
    %get3A_42 = arith.constant 0 : index
    %get3A_43 = vector.load %arg3[%get3A_41, %get3A_42] : memref<40x128xf32, #tpu.memory_space<vmem>>, vector<40x128xf32>
    %reduce_sum3A_44 = vector.shape_cast %get3A_43 : vector<40x128xf32> to vector<1x40x128xf32>
    %reduce_sum3A_45 = arith.constant dense<0.000000e+00> : vector<1xf32>
    %reduce_sum3A_46 = vector.multi_reduction <add>, %reduce_sum3A_44, %reduce_sum3A_45 [1, 2] : vector<1x40x128xf32> to vector<1xf32>
    %reduce_sum3A_47 = vector.shape_cast %reduce_sum3A_46 : vector<1xf32> to vector<1x1x1xf32>
    %reduce_sum3A_48 = vector.extract %reduce_sum3A_47[0, 0, 0] : f32 from vector<1x1x1xf32>
    %add3A_49 = arith.addf %get3A_40, %reduce_sum3A_48 : f32
    %swap3A_50 = arith.constant 2 : index
    %swap3A_51 = memref.load %arg5[%swap3A_50] : memref<3xf32, #tpu.memory_space<smem>>
    memref.store %add3A_49, %arg5[%swap3A_50] : memref<3xf32, #tpu.memory_space<smem>>
    %eq3A_52 = arith.constant 15 : i32
    %eq3A_53 = arith.cmpi eq, %arg0, %eq3A_52 : i32
    %convert_element_type3A_54 = arith.extui %eq3A_53 : i1 to i32
    %cond3A_55 = arith.constant 0 : i32
    %cond3A_56 = arith.cmpi ne, %convert_element_type3A_54, %cond3A_55 : i32
    scf.if %cond3A_56 {
      %get3A_57 = arith.constant 0 : index
      %get3A_58 = memref.load %arg5[%get3A_57] : memref<3xf32, #tpu.memory_space<smem>>
      %div3A = arith.constant 4.096000e+03 : f32
      %div3A_59 = arith.divf %get3A_58, %div3A : f32
      %get3A_60 = arith.constant 1 : index
      %get3A_61 = memref.load %arg5[%get3A_60] : memref<3xf32, #tpu.memory_space<smem>>
      %get3A_62 = arith.constant 2 : index
      %get3A_63 = memref.load %arg5[%get3A_62] : memref<3xf32, #tpu.memory_space<smem>>
      %max3A_64 = arith.constant 1.000000e+00 : f32
      %max3A_65 = arith.maximumf %get3A_63, %max3A_64 : f32
      %div3A_66 = arith.divf %get3A_61, %max3A_65 : f32
      %mul3A = arith.constant 2.500000e+01 : f32
      %mul3A_67 = arith.mulf %mul3A, %div3A_66 : f32
      %add3A_68 = arith.addf %div3A_59, %mul3A_67 : f32
      %broadcast_in_dim3A = vector.broadcast %add3A_68 : f32 to vector<1x1xf32>
      %swap3A_69 = arith.constant 0 : index
      %swap3A_70 = arith.constant 0 : index
      %swap3A_71 = vector.load %arg4[%swap3A_69, %swap3A_70] : memref<1x1xf32, #tpu.memory_space<vmem>>, vector<1x1xf32>
      tpu.vector_store %arg4[%swap3A_69, %swap3A_70], %broadcast_in_dim3A {strides = array<i32>} : memref<1x1xf32, #tpu.memory_space<vmem>>, vector<1x1xf32>,
    } else {
    }
    return
  }
  func.func @transform_0(%arg0: i32) -> (i32, i32) {
    %c0_i32 = arith.constant 0 : i32
    %c0_i32_0 = arith.constant 0 : i32
    return %arg0, %c0_i32 : i32, i32
  }
  func.func @transform_1(%arg0: i32) -> (i32, i32) {
    %c0_i32 = arith.constant 0 : i32
    %c0_i32_0 = arith.constant 0 : i32
    return %arg0, %c0_i32 : i32, i32
  }
  func.func @transform_2(%arg0: i32) -> (i32, i32) {
    %c0_i32 = arith.constant 0 : i32
    %c0_i32_0 = arith.constant 0 : i32
    return %arg0, %c0_i32 : i32, i32
  }
  func.func @transform_3(%arg0: i32) -> (i32, i32) {
    %c0_i32 = arith.constant 0 : i32
    %c0_i32_0 = arith.constant 0 : i32
    %c0_i32_1 = arith.constant 0 : i32
    return %c0_i32, %c0_i32_0 : i32, i32
  }
}

</mosaic_0001>

<sc_bundles>
// kernel: kernel.4.cloned.1.call-start
scs
__scs_entry_jumppad:
0x0: {  	(pc) =	sbr.rel $0x88, $3  }
0x1: {  	(tag) =	ssettag $0x0;
	lr =	simm.s32 $0x1  }
0x2: {  	[smem:$0x3F98] =	sst lr;
	_ =	strace $0xD0000000  }
0x3: {  	_ = 	snop  }
0x4: {  	_ = 	snop  }
0x5: {  	_ = 	snop  }
0x6: {  	_ = 	snop  }
0x7: {  	_ = 	snop  }
__scs_overlays_trampoline_lowered:
0x8: {  	[smem:$0x3FA7] =	sst s0  }
0x9: {  	[smem:$0x3FA8] =	sst s1  }
0xa: {  	[smem:$0x3FA9] =	sst s2  }
0xb: {  	[smem:$0x3FAA] =	sst s3  }
0xc: {  	[smem:$0x3FAB] =	sst s4  }
0xd: {  	[smem:$0x3FAC] =	sst s5  }
0xe: {  	[smem:$0x3FAD] =	sst s6  }
0xf: {  	[smem:$0x3FAE] =	sst s7  }
0x10: {  	[smem:$0x3FAF] =	sst s8  }
0x11: {  	[smem:$0x3FB0] =	sst s9;
	s0 =	simm.s32 @!p0 $0x0  }
0x12: {  	s1 =	sld [smem:$0x3F96];
	s0 =	simm.s32 @p0 $0x1  }
0x13: {  	[smem:$0x3FB1] =	sst s0;
	s0 =	simm.s32 @!p1 $0x0  }
0x14: {  	s2 =	sld [smem:$0x3F95];
	s0 =	simm.s32 @p1 $0x1  }
0x15: {  	[smem:$0x3FB2] =	sst s0;
	s0 =	simm.s32 @!p2 $0x0  }
0x16: {  	s3 =	sld [smem:$0x3FDB];
	s0 =	simm.s32 @p2 $0x1  }
0x17: {  	s4 =	simm.s32 $0x1BF5;
	[smem:$0x3FB4] =	sst s0  }
0x18: {  	s0 =	sld [smem:$0x3F97];
	_ =	swait.ge [sflag:s4], $0x0  }
0x19: {  	s7 =	sld [smem:$0x3F98]  }
0x1a: {  	s8 =	sadd.s32 $0xFFFFE003, lr  }
0x1b: {  	s9 =	sadd.s32 $0xFFFFFEF7, lr;
	s5 =	simm.s32 $0xFFFFFFFF;
	p2 =	slt.u32 s8, $0xFFFFF086  }
0x1c: {  	p1 =	slt.u32 s9, $0xF7A;
	s5 =	simm.s32 @!p2 $0x0  }
0x1d: {  	s5 =	simm.s32 @p1 $0x1;
	p0 =	seq.s32 s7, s2  }
0x1e: {  	s7 =	smul.u32 @!p0 $0xF7A, s2;
	p2 =	seq.s32 @!p0 s5, $0x0  }
0x1f: {  	s9 =	smul.u32 $0xF7A, s1;
	s8 =	simm.s32 @!p0 $0x1BF5;
	p2 =	por !p2, p0  }
0x20: {  	[sflag:s8] =	ssyncset.s32 @!p0 $0xFFFFF086;
	s6 =	sadd.s32 @!p0 s3, s7;
	s7 =	simm.s32 @!p0 $0x108  }
0x21: {  	s3 =	sadd.s32 s3, s9;
	s6 =	sadd.s32 @!p0 $0x88, s6;
	s7 =	simm.s32 @p2 $0x1082  }
0x22: {  	[simem:s7], [sflag:s8] =	dma.local @!p0 [hbm:s6], $0xF7A  }
0x23: {  	s9 =	sor.u32 $0xD0000000, s2;
	s6 =	simm.s32 $0x108;
	_ =	swait.ge @!p0 [sflag:s8], $0x0  }
0x24: {  	s3 =	sadd.s32 $0x88, s3;
	s6 =	simm.s32 @!p1 $0x1082;
	[sflag:s4] =	ssyncset.s32 $0xFFFFF086  }
0x25: {  	[simem:s6], [sflag:s4] =	dma.local [hbm:s3], $0xF7A  }
0x26: {  	[smem:$0x3F98] =	sst s1;
	(tag) =	ssettag s2;
	_ =	strace s9  }
0x27: {  	s1 =	sld [smem:$0x3FA8]  }
0x28: {  	s2 =	sld [smem:$0x3FA9]  }
0x29: {  	s4 =	sld [smem:$0x3FAB]  }
0x2a: {  	p0 =	seq.s32 s5, $0x0;
	s5 =	sld [smem:$0x3FAC]  }
0x2b: {  	s6 =	sld [smem:$0x3FAD]  }
0x2c: {  	s7 =	sld [smem:$0x3FAE]  }
0x2d: {  	s3 =	simm.s32 $0x108;
	s8 =	sld [smem:$0x3FAF]  }
0x2e: {  	s3 =	simm.s32 @!p0 $0x1082;
	s9 =	sld [smem:$0x3FB0]  }
0x2f: {  	lr =	sadd.s32 s0, s3;
	s0 =	sld [smem:$0x3FA7]  }
0x30: {  	s3 =	sld [smem:$0x3FAA]  }
0x31: {  	[smem:$0x3FB3] =	sst s10  }
0x32: {  	s10 =	sld [smem:$0x3FB1];
	_ =	sdelay $0x3  }
0x33: {  	p0 =	seq.s32 s10, $0x1;
	s10 =	sld [smem:$0x3FB3];
	_ =	sdelay $0x3  }
0x34: {  	[smem:$0x3FB3] =	sst s10  }
0x35: {  	s10 =	sld [smem:$0x3FB2];
	_ =	sdelay $0x3  }
0x36: {  	p1 =	seq.s32 s10, $0x1;
	s10 =	sld [smem:$0x3FB3];
	_ =	sdelay $0x3  }
0x37: {  	[smem:$0x3FB3] =	sst s10  }
0x38: {  	s10 =	sld [smem:$0x3FB4]  }
0x39: {  	_ = 	snop;
	(pc) =	sbr.ind lr, $3  }
0x3a: {  	_ = 	snop  }
0x3b: {  	_ = 	snop  }
0x3c: {  	p2 =	seq.s32 s10, $0x1;
	s10 =	sld [smem:$0x3FB3]  }
0x3d: {  	_ =	shalt  }
0x3e: {  	_ =	shalt  }
0x3f: {  	_ =	shalt  }
0x40: {  	_ =	shalt  }
0x41: {  	_ =	shalt  }
0x42: {  	_ =	shalt  }
0x43: {  	_ =	shalt  }
0x44: {  	_ =	shalt  }
0x45: {  	_ =	shalt  }
0x46: {  	_ =	shalt  }
0x47: {  	_ =	shalt  }
0x48: {  	_ =	shalt  }
0x49: {  	_ =	shalt  }
0x4a: {  	_ =	shalt  }
0x4b: {  	_ =	shalt  }
0x4c: {  	_ =	shalt  }
0x4d: {  	_ =	shalt  }
0x4e: {  	_ =	shalt  }
0x4f: {  	_ =	shalt  }
0x50: {  	_ =	shalt  }
0x51: {  	_ =	shalt  }
0x52: {  	_ =	shalt  }
0x53: {  	_ =	shalt  }
0x54: {  	_ =	shalt  }
0x55: {  	_ =	shalt  }
0x56: {  	_ =	shalt  }
0x57: {  	_ =	shalt  }
0x58: {  	_ =	shalt  }
0x59: {  	_ =	shalt  }
0x5a: {  	_ =	shalt  }
0x5b: {  	_ =	shalt  }
0x5c: {  	_ =	shalt  }
0x5d: {  	_ =	shalt  }
0x5e: {  	_ =	shalt  }
0x5f: {  	_ =	shalt  }
0x60: {  	_ =	shalt  }
0x61: {  	_ =	shalt  }
0x62: {  	_ =	shalt  }
0x63: {  	_ =	shalt  }
0x64: {  	_ =	shalt  }
0x65: {  	_ =	shalt  }
0x66: {  	_ =	shalt  }
0x67: {  	_ =	shalt  }
0x68: {  	_ =	shalt  }
0x69: {  	_ =	shalt  }
0x6a: {  	_ =	shalt  }
0x6b: {  	_ =	shalt  }
0x6c: {  	_ =	shalt  }
0x6d: {  	_ =	shalt  }
0x6e: {  	_ =	shalt  }
0x6f: {  	_ =	shalt  }
0x70: {  	_ =	shalt  }
0x71: {  	_ =	shalt  }
0x72: {  	_ =	shalt  }
0x73: {  	_ =	shalt  }
0x74: {  	_ =	shalt  }
0x75: {  	_ =	shalt  }
0x76: {  	_ =	shalt  }
0x77: {  	_ =	shalt  }
0x78: {  	_ =	shalt  }
0x79: {  	_ =	shalt  }
0x7a: {  	_ =	shalt  }
0x7b: {  	_ =	shalt  }
0x7c: {  	_ =	shalt  }
0x7d: {  	_ =	shalt  }
0x7e: {  	_ =	shalt  }
0x7f: {  	_ =	shalt  }
0x80: {  	_ =	shalt  }
0x81: {  	_ =	shalt  }
0x82: {  	_ =	shalt  }
0x83: {  	_ =	shalt  }
0x84: {  	_ =	shalt  }
0x85: {  	_ =	shalt  }
0x86: {  	_ =	shalt  }
0x87: {  	_ =	shalt  }
.Lfunc_end0:
.L_simem_size_0:
called_computation_lowered:
.L_overlay_start_0:
0x88: {  	s2 =	sld [smem:$0x3FD9]  }
0x89: {  	s3 =	sld [smem:$0x3FFE];
	_ =	sdelay $0x1  }
0x8a: {  	s1 =	srdreg.scid  }
0x8b: {  	s0 =	sand.u32 $0x1, s1  }
0x8c: {  	s16 =	sshll.u32 s0, $0xA;
	s2 =	sadd.s32 s3, s2  }
0x8d: {  	s2 =	sadd.s32 s2, s16  }
0x8e: {  	[smem:$0x3FBF] =	sst s2  }
0x8f: {  	_ = 	snop  }
0x90: {  	(tm) =	ssettm $0x1  }
0x91: {  	s17 =	sld [smem:$0x3FFB];
	_ =	sdelay $0x3  }
0x92: {  	_ =	strace s17  }
0x93: {  	s2 =	sld [smem:$0x3FFC];
	_ =	sdelay $0x3  }
0x94: {  	_ =	strace s2  }
0x95: {  	s2 =	sld [smem:$0x3FFD];
	_ =	sdelay $0x3  }
0x96: {  	_ =	strace s2  }
0x97: {  	_ =	strace $0x8FFFFFFF  }
0x98: {  	s18 =	sld [smem:$0x3FDB];
	_ =	sdelay $0x1  }
0x99: {  	s19 =	simm.s32 $_scs_section_size  }
0x9a: {  	s4 =	simm.s32 $_size__tile_overlayer_lowered;
	s5 =	simm.s32 $_tile_overlayer_lowered  }
0x9b: {  	s22 =	simm.s32 $0x1BFF;
	s21 =	sshll.u32 s5, $0x1;
	s2 =	sadd.s32 s19, s18  }
0x9c: {  	s6 =	simm.s32 $0x0;
	s20 =	sshll.u32 s4, $0x1;
	s4 =	sadd.s32 s21, s2  }
0x9d: {  	[timem:s6], [sflag:s22] =	dma.local [hbm:s4], s20  }
0x9e: {  	_ =	swait.ge [sflag:s22], s20  }
0x9f: {  	s3 =	ssub.s32 $0x0, s20;
	[sflag:s22] =	ssyncset.done $0x0  }
0xa0: {  	[sflag:s22] =	ssyncadd.s32 s3;
	_ =	sdelay $0x1  }
0xa1: {  	s23 =	simm.s32 $0x1B8B  }
0xa2: {  	_ =	swait.ge [sflag:s23], $0x1  }
0xa3: {  	[sflag:s23] =	ssyncset.done $0x0  }
0xa4: {  	s25 =	simm.s32 $0x1B8E;
	s24 =	sld [smem:$0x3FFE];
	[sflag:s23] =	ssyncadd.s32 $0xFFFFFFFF  }
0xa5: {  	s26 =	simm.s32 $execute0_lowered;
	[smem:$0x3FD2] =	sst s25  }
0xa6: {  	s4 =	sshll.u32 s26, $0x1;
	_ =	strace $0x80000046;
	[dreg:$0x1] =	wrdreg $0xFFFFFFFF  }
0xa7: {  	s28 =	simm.s32 $_size_execute0_lowered;
	s2 =	sadd.s32 s2, s4;
	[dreg:$0x0] =	wrdreg $0x0  }
0xa8: {  	s4 =	sshll.u32 s28, $0x1;
	[dreg:$0x2] =	wrdreg s2  }
0xa9: {  	[dreg:$0x3] =	wrdreg s4  }
0xaa: {  	[dreg:$0x4] =	wrdreg $0xC0  }
0xab: {  	_ =	task [dreg:s6], $0x5FFFF  }
0xac: {  	[dreg:$0x1] =	wrdreg $0xFFFFFFFF  }
0xad: {  	[dreg:$0x0] =	wrdreg $0x60  }
0xae: {  	[dreg:$0x2] =	wrdreg s24  }
0xaf: {  	[dreg:$0x3] =	wrdreg $0x9  }
0xb0: {  	_ =	task.clear_ibuf [dreg:s6], $0x4FFFF;
	_ =	strace $0x90000046  }
0xb1: {  	s29 =	simm.s32 $0x9;
	_ =	strace $0x80000048  }
0xb2: {  	_ =	swait.ge [sflag:s29], $0x1  }
0xb3: {  	[sflag:s29] =	ssyncadd.s32 $0xFFFFFFFF  }
0xb4: {  	_ =	strace $0x90000048  }
0xb5: {  	_ =	sfence  }
0xb6: {  	s30 =	sld [smem:$0x0];
	_ =	sdelay $0x2  }
0xb7: {  	s31 =	sshll.u32 s1, $0xD;
	s1 =	sshrl.u32 s1, $0x2  }
0xb8: {  	s3 =	sand.u32 $0x4000, s31;
	s1 =	sadd.s32 s1, s30  }
0xb9: {  	s0 =	sor.u32 s3, s0;
	s1 =	sshll.u32 s1, $0x11  }
0xba: {  	s0 =	sor.u32 s1, s0  }
0xbb: {  	s0 =	sadd.s32 $0x8F2B, s0  }
0xbc: {  	[sflag:s0] =	ssyncadd.remote.s32 $0x1  }
0xbd: {  	_ =	sfence.sel $0xFFFF  }
0xbe: {  	[dreg:$0x0] =	wrdreg $0xFFFFFFFF;
	(pc) =	sbr.abs _section_cstart, $3  }
0xbf: {  	[dreg:$0x1] =	wrdreg $0xFFFFFFFF  }
0xc0: {  	_ =	task.clear_ibuf [dreg:s6], $0x2FFFF;
	_ =	strace $0x9FFFFFFF  }
0xc1: {  	(tm) =	ssettm $0x7FFFFFFF  }
tec
execute0_lowered:
.L_overlay_start_1:
0x0: {  	(tag) =	ssettag $0x1  }
0x1: {  	v0 =	vimm.s32 $0xFEDCBA98;
	v1 =	vimm.s32 $0x76543210;
	v2 =	vimm.s32 $0xBA98FEDC  }
0x2: {  	v3 =	vimm.s32 $0x32107654;
	v4 =	vimm.s32 $0xDCFE98BA;
	v5 =	vimm.s32 $0x54761032  }
0x3: {  	v6 =	vimm.s32 $0xEFCDAB89;
	v7 =	vimm.s32 $0x67452301;
	vm0 =	vcmask $0x3F3C  }
0x4: {  	v8 =	vimm.s32 $0x2;
	v9 =	vimm.s32 $0x3;
	v10 =	vimm.s32 $0x4  }
0x5: {  	v11 =	vimm.s32 $0x5;
	v12 =	vimm.s32 $0x6;
	v13 =	vimm.s32 $0x7  }
0x6: {  	s0 =	rddreg [dreg:$0x0];
	s2 =	simm.s32 $0x0;
	v14 =	vimm.s32 $0x8;
	v15 =	vimm.s32 $0x9;
	v16 =	vimm.s32 $0xA  }
0x7: {  	s1 =	srdreg.scid;
	s3 =	stileid.u32;
	s13 =	simm.s32 $0x190;
	v17 =	vimm.s32 $0xB;
	v18 =	vimm.s32 $0xC;
	v19 =	vimm.s32 $0xD  }
0x8: {  	s15 =	simm.s32 $0x9;
	s17 =	simm.s32 $0x25;
	s20 =	simm.s32 $0xA0;
	v20 =	vimm.s32 $0xE;
	v21 =	vimm.s32 $0xF;
	v22 =	vimm.s32 $0x180  }
0x9: {  	s25 =	simm.s32 $0x2;
	s29 =	simm.s32 $0x10E0;
	s30 =	simm.s32 $0x1D0;
	v23 =	vimm.s32 $0x181;
	v24 =	vimm.s32 $0x182;
	v25 =	vimm.s32 $0x183  }
0xa: {  	s31 =	simm.s32 $0x6A20;
	s16 =	simm.s32 $0x3;
	s18 =	simm.s32 $0xBA20;
	v26 =	vimm.s32 $0x184;
	v27 =	vimm.s32 $0x185;
	v28 =	vimm.s32 $0x186  }
0xb: {  	s19 =	simm.s32 $0xBA50;
	s21 =	simm.s32 $0x4;
	s22 =	simm.s32 $0xBA38;
	v29 =	vimm.s32 $0x187;
	vm1 =	vcmask $0x300;
	v0 =	vunpack.c.l.s4.s8 v0  }
0xc: {  	s23 =	simm.s32 $0xBC30;
	s12 =	simm.s32 $0x0;
	v1 =	vunpack.c.l.s4.s8 v1;
	v2 =	vunpack.c.l.s4.s8 v2;
	v3 =	vunpack.c.l.s4.s8 v3;
	[smem:$0x7FF] =	sst s2  }
0xd: {  	v4 =	vunpack.c.l.s4.s8 v4;
	s1 =	sand.u32 $0x1, s1;
	s4 =	sshll.u32 s3, $0x1;
	v5 =	vunpack.c.l.s4.s8 v5;
	v6 =	vunpack.c.l.s4.s8 v6;
	s3 =	sadd.s32 $0x16E5200, s0  }
0xe: {  	v7 =	vunpack.c.l.s4.s8 v7;
	s5 =	sadd.s32 $0x1C00, s0;
	s6 =	sadd.s32 $0x6FC00, s0;
	s8 =	sor.u32 s1, s4;
	v0 =	vunpack.c.0.s8.s32 v0;
	v2 =	vunpack.c.0.s8.s32 v2  }
0xf: {  	s7 =	sadd.s32 $0x33C00, s0;
	s1 =	ssub.s32 $0x2, s1;
	v3 =	vunpack.c.0.s8.s32 v3;
	v4 =	vunpack.c.0.s8.s32 v4;
	s9 =	smul.u32 $0x1900, s8;
	v5 =	vunpack.c.0.s8.s32 v5  }
.Ltmp0:
0x10: {  	_ =	strace $0x80000047;
	v6 =	vunpack.c.0.s8.s32 v6;
	v7 =	vunpack.c.0.s8.s32 v7;
	s10 =	sshrl.u32 s1, $0x1;
	v1 =	vunpack.c.0.s8.s32 v1;
	(pc) =	sbr.rel .LBB2_1-.Ltmp0, $4  }
0x11: {  	s4 =	sadd.s32 $0xF44000, s0;
	s26 =	ssub.s32 s1, s10;
	v2 =	vcombine.low v3, v2;
	s28 =	sadd.s32 s5, s9;
	v3 =	vand.u32 $0xF, v0;
	v4 =	vcombine.low v5, v4  }
0x12: {  	s11 =	sshllo.u32 s8, $0x7;
	v5 =	vcombine.low v7, v6;
	v0 =	vimm.f32 $-1.000000000e+02;
	s0 =	smax.u32 s26, $0x1;
	v6 =	vimm.s32 $0x0;
	[dreg:$0x2] =	wrdreg s28  }
0x13: {  	s9 =	sshll.u32 s8, $0x7;
	v7 =	vimm.s32 $0x1;
	s1 =	sadd.s32 $0x32, s28;
	v1 =	vcombine.low v3, v1;
	[dreg:$0x4] =	wrdreg s0;
	v2 =	vand.u32 $0xF, v2  }
0x14: {  	s0 =	simm.s32 $0x270;
	[dreg:$0x3] =	wrdreg s1;
	v3 =	vand.u32 $0xF, v4;
	v4 =	vand.u32 $0xF, v5;
	v5 =	vimm.s32 $0x10;
	s1 =	simm.s32 $0x9220  }
.LBB2_8:
0x15: {  	s8 =	simm.s32 $0x5  }
0x16: {  	_ =	swait.ge [sflag:s8], $0x18  }
0x17: {  	[sflag:s8] =	ssyncset.done $0x0  }
0x18: {  	[sflag:s8] =	ssyncadd.s32 $0xFFFFFFE8  }
0x19: {  	_ =	swait.ge [sflag:s8], $0x1E0  }
0x1a: {  	[sflag:s8] =	ssyncset.done $0x0  }
0x1b: {  	s10 =	simm.s32 $0x6;
	[sflag:s8] =	ssyncadd.s32 $0xFFFFFE20  }
0x1c: {  	_ =	swait.ge [sflag:s10], $0x18  }
0x1d: {  	[sflag:s10] =	ssyncset.done $0x0  }
0x1e: {  	[sflag:s10] =	ssyncadd.s32 $0xFFFFFFE8  }
0x1f: {  	_ =	swait.ge [sflag:s10], $0x1E0  }
0x20: {  	s12 =	rddreg [dreg:$0x5]  }
0x21: {  	s28 =	rddreg [dreg:$0x4];
	s12 =	sadd.s32 $0x1, s12  }
0x22: {  	p0 =	sne.s32 s12, s28  }
.Ltmp1:
0x23: {  	_ = 	snop;
	(pc) =	sbr.rel @!p0 .LBB2_9-.Ltmp1, $3  }
0x24: {  	_ =	sdelay $0x1  }
0x25: {  	[sflag:s10] =	ssyncset.done $0x0  }
0x26: {  	[sflag:s10] =	ssyncadd.s32 $0xFFFFFE20  }
.LBB2_1:
0x27: {  	[tilespmem:$0xBA20] =	vst v0  }
0x28: {  	[tilespmem:$0xBA50] =	vst v0  }
0x29: {  	[tilespmem:$0xBA60] =	vst v0  }
0x2a: {  	[tilespmem:$0xBA70] =	vst v0  }
0x2b: {  	[tilespmem:$0xBA80] =	vst v0  }
0x2c: {  	[tilespmem:$0xBA90] =	vst v0  }
0x2d: {  	[tilespmem:$0xBAA0] =	vst v0  }
0x2e: {  	[tilespmem:$0xBAB0] =	vst v0  }
0x2f: {  	[tilespmem:$0xBAC0] =	vst v0  }
0x30: {  	[tilespmem:$0xBAD0] =	vst v0  }
0x31: {  	[tilespmem:$0xBAE0] =	vst v0  }
0x32: {  	[tilespmem:$0xBAF0] =	vst v0  }
0x33: {  	[tilespmem:$0xBB00] =	vst v0  }
0x34: {  	[tilespmem:$0xBB10] =	vst v0  }
0x35: {  	[tilespmem:$0xBB20] =	vst v0  }
0x36: {  	[tilespmem:$0xBB30] =	vst v0  }
0x37: {  	[tilespmem:$0xBB40] =	vst v0  }
0x38: {  	[tilespmem:$0xBB50] =	vst v0  }
0x39: {  	[tilespmem:$0xBB60] =	vst v0  }
0x3a: {  	[tilespmem:$0xBB70] =	vst v0  }
0x3b: {  	[tilespmem:$0xBB80] =	vst v0  }
0x3c: {  	[tilespmem:$0xBB90] =	vst v0  }
0x3d: {  	[tilespmem:$0xBBA0] =	vst v0  }
0x3e: {  	[tilespmem:$0xBBB0] =	vst v0  }
0x3f: {  	[tilespmem:$0xBBC0] =	vst v0  }
0x40: {  	[tilespmem:$0xBBD0] =	vst v0  }
0x41: {  	[tilespmem:$0xBBE0] =	vst v0  }
0x42: {  	[tilespmem:$0xBBF0] =	vst v0  }
0x43: {  	[tilespmem:$0xBC00] =	vst v0  }
0x44: {  	[tilespmem:$0xBC10] =	vst v0  }
0x45: {  	[tilespmem:$0xBC20] =	vst v0  }
0x46: {  	[tilespmem:$0xBA38] =	vst v0  }
0x47: {  	[tilespmem:$0xBC30] =	vst v0  }
0x48: {  	[tilespmem:$0xBC40] =	vst v0  }
0x49: {  	[tilespmem:$0xBC50] =	vst v0  }
0x4a: {  	[tilespmem:$0xBC60] =	vst v0  }
0x4b: {  	[tilespmem:$0xBC70] =	vst v0  }
0x4c: {  	[tilespmem:$0xBC80] =	vst v0  }
0x4d: {  	[tilespmem:$0xBC90] =	vst v0  }
0x4e: {  	[tilespmem:$0xBCA0] =	vst v0  }
0x4f: {  	[tilespmem:$0xBCB0] =	vst v0  }
0x50: {  	[tilespmem:$0xBCC0] =	vst v0  }
0x51: {  	[tilespmem:$0xBCD0] =	vst v0  }
0x52: {  	[tilespmem:$0xBCE0] =	vst v0  }
0x53: {  	[tilespmem:$0xBCF0] =	vst v0  }
0x54: {  	[tilespmem:$0xBD00] =	vst v0  }
0x55: {  	[tilespmem:$0xBD10] =	vst v0  }
0x56: {  	[tilespmem:$0xBD20] =	vst v0  }
0x57: {  	[tilespmem:$0xBD30] =	vst v0  }
0x58: {  	[tilespmem:$0xBD40] =	vst v0  }
0x59: {  	[tilespmem:$0xBD50] =	vst v0  }
0x5a: {  	[tilespmem:$0xBD60] =	vst v0  }
0x5b: {  	[tilespmem:$0xBD70] =	vst v0  }
0x5c: {  	[tilespmem:$0xBD80] =	vst v0  }
0x5d: {  	[tilespmem:$0xBD90] =	vst v0  }
0x5e: {  	[tilespmem:$0xBDA0] =	vst v0  }
0x5f: {  	[tilespmem:$0xBDB0] =	vst v0  }
0x60: {  	[tilespmem:$0xBDC0] =	vst v0  }
0x61: {  	[tilespmem:$0xBDD0] =	vst v0  }
0x62: {  	[tilespmem:$0xBDE0] =	vst v0  }
0x63: {  	[tilespmem:$0xBDF0] =	vst v0  }
0x64: {  	[tilespmem:$0xBE00] =	vst v0  }
0x65: {  	[dreg:$0x5] =	wrdreg s12;
	[tilespmem:$0xBA28] =	vst v0  }
0x66: {  	s8 =	rddreg [dreg:$0x2];
	[tilespmem:$0xBA40] =	vst v0  }
0x67: {  	[tilespmem:s2], [sflag:$0x1] =	stream.linear.gather [hbm4b:s8+s2], $0x190, $0x38;
	[tilespmem:$0xBE10] =	vst v63  }
0x68: {  	s26 =	rddreg [dreg:$0x3];
	s28 =	simm.s32 $0x1  }
0x69: {  	[tilespmem:s13], [sflag:$0x2] =	stream.linear.gather [hbm4b:s26+s2], $0x190, $0x38;
	[tilespmem:$0xBE10] =	vst v63  }
0x6a: {  	_ =	swait.ge [sflag:s28], $0x190  }
0x6b: {  	[sflag:s28] =	ssyncset.done $0x0  }
0x6c: {  	s10 =	simm.s32 $0x320;
	[sflag:s28] =	ssyncadd.s32 $0xFFFFFE70  }
0x6d: {  	[tilespmem:s10], [sflag:$0x3] =	stream.indirect.gather [hbm4b:s3+s15], $0x40, s2, s15, $0xb8;
	[tilespmem:$0xBE10] =	vst v63  }
0x6e: {  	s12 =	simm.s32 $0x10;
	s10 =	simm.s32 $0x7A0  }
0x6f: {  	[tilespmem:s10], [sflag:$0x3] =	stream.indirect.gather [hbm4b:s4+s17], $0x40, s12, s17, $0xb8;
	[tilespmem:$0xBE10] =	vst v63  }
0x70: {  	s14 =	simm.s32 $0x40;
	s24 =	simm.s32 $0x1A20  }
0x71: {  	[tilespmem:s24], [sflag:$0x3] =	stream.indirect.gather [hbm4b:s4+s20], $0x40, s14, s20, $0xb8;
	[tilespmem:$0xBE10] =	vst v63  }
0x72: {  	s8 =	simm.s32 $0x0;
	s26 =	simm.s32 $0xE0;
	s28 =	simm.s32 $0x4220  }
0x73: {  	[tilespmem:s28], [sflag:$0x3] =	stream.indirect.gather [hbm4b:s4+s20], $0x40, s26, s20, $0xb8;
	[tilespmem:$0xBE10] =	vst v63  }
.LBB2_2:
0x74: {  	_ =	swait.ge [sflag:s25], $0x190  }
0x75: {  	[sflag:s25] =	ssyncset.done $0x0  }
0x76: {  	s10 =	simm.s32 $0x560;
	[sflag:s25] =	ssyncadd.s32 $0xFFFFFE70  }
0x77: {  	[tilespmem:s10], [sflag:$0x4] =	stream.indirect.gather [hbm4b:s3+s15], $0x40, s13, s15, $0xb8;
	[tilespmem:$0xBE10] =	vst v63  }
0x78: {  	s26 =	simm.s32 $0x1A0  }
0x79: {  	[tilespmem:s29], [sflag:$0x4] =	stream.indirect.gather [hbm4b:s4+s17], $0x40, s26, s17, $0xb8;
	[tilespmem:$0xBE10] =	vst v63  }
0x7a: {  	_ = 	snop  }
0x7b: {  	[tilespmem:s31], [sflag:$0x4] =	stream.indirect.gather [hbm4b:s4+s20], $0x40, s30, s20, $0xb8;
	[tilespmem:$0xBE10] =	vst v63  }
0x7c: {  	_ = 	snop  }
0x7d: {  	[tilespmem:s1], [sflag:$0x4] =	stream.indirect.gather [hbm4b:s4+s20], $0x40, s0, s20, $0xb8;
	[tilespmem:$0xBE10] =	vst v63  }
0x7e: {  	_ =	swait.ge [sflag:s16], $0x240  }
0x7f: {  	[sflag:s16] =	ssyncset.done $0x0  }
0x80: {  	[sflag:s16] =	ssyncadd.s32 $0xFFFFFDC0  }
0x81: {  	_ =	swait.ge [sflag:s16], $0x940  }
0x82: {  	[sflag:s16] =	ssyncset.done $0x0  }
0x83: {  	[sflag:s16] =	ssyncadd.s32 $0xFFFFF6C0  }
0x84: {  	_ =	swait.ge [sflag:s16], $0x2800  }
0x85: {  	[sflag:s16] =	ssyncset.done $0x0  }
0x86: {  	[sflag:s16] =	ssyncadd.s32 $0xFFFFD800  }
0x87: {  	_ =	swait.ge [sflag:s16], $0x2800  }
0x88: {  	p0 =	seq.s32 s8, $0x0;
	[sflag:s16] =	ssyncset.done $0x0  }
0x89: {  	s10 =	simm.s32 @!p0 $0x5;
	[sflag:s16] =	ssyncadd.s32 $0xFFFFD800  }
0x8a: {  	_ =	swait.ge @!p0 [sflag:s10], $0x18  }
0x8b: {  	[sflag:s10] =	ssyncset.done @!p0 $0x0  }
0x8c: {  	[sflag:s10] =	ssyncadd.s32 @!p0 $0xFFFFFFE8  }
0x8d: {  	_ =	swait.ge @!p0 [sflag:s10], $0x1E0  }
0x8e: {  	[sflag:s10] =	ssyncset.done @!p0 $0x0  }
0x8f: {  	[sflag:s10] =	ssyncadd.s32 @!p0 $0xFFFFFE20  }
0x90: {  	v30 =	vld [tilespmem:$0x320]  }
0x91: {  	v31 =	vld [tilespmem:$0x330]  }
0x92: {  	v34 =	vld [tilespmem:$0x7A0]  }
0x93: {  	v35 =	vld [tilespmem:$0x7B0]  }
0x94: {  	v32 =	vld [tilespmem:$0x340]  }
0x95: {  	v36 =	vld [tilespmem:$0x7C0]  }
0x96: {  	v33 =	vld [tilespmem:$0x350]  }
0x97: {  	v37 =	vld [tilespmem:$0x7D0]  }
0x98: {  	v34 =	vmul.f32 v34, v30;
	v35 =	vmul.f32 v35, v31;
	_ =	sdelay $0x1  }
0x99: {  	v54 =	vmul.f32 v36, v32;
	v34 =	vadd.f32 v35, v34;
	_ =	sdelay $0x1  }
0x9a: {  	v55 =	vmul.f32 v37, v33;
	v34 =	vadd.f32 v54, v34;
	_ =	sdelay $0x1  }
0x9b: {  	v34 =	vadd.f32 v55, v34;
	_ =	sdelay $0x1  }
0x9c: {  	v35 =	vperm.xlane v34, v1;
	_ =	sdelay $0x1  }
0x9d: {  	v34 =	vadd.f32 v34, v35;
	_ =	sdelay $0x1  }
0x9e: {  	v35 =	vperm.xlane v34, v2;
	_ =	sdelay $0x1  }
0x9f: {  	v34 =	vadd.f32 v34, v35;
	_ =	sdelay $0x1  }
0xa0: {  	v35 =	vperm.xlane v34, v3;
	_ =	sdelay $0x1  }
0xa1: {  	v34 =	vadd.f32 v34, v35;
	_ =	sdelay $0x1  }
0xa2: {  	v35 =	vperm.xlane v34, v4;
	_ =	sdelay $0x1  }
0xa3: {  	v34 =	vadd.f32 v34, v35;
	_ =	sdelay $0x1  }
0xa4: {  	v34 =	vsub.f32 $0.0e+00, v34;
	_ =	sdelay $0x1  }
0xa5: {  	[tilespmem:v5+s18+$0x0] =	vst.idx.msk vm0, v34  }
0xa6: {  	v34 =	vld [tilespmem:$0x7E0]  }
0xa7: {  	v56 =	vld [tilespmem:$0x7F0];
	_ =	sdelay $0x1  }
0xa8: {  	v57 =	vld [tilespmem:$0x800];
	_ =	sdelay $0x1  }
0xa9: {  	v58 =	vld [tilespmem:$0x810]  }
0xaa: {  	v34 =	vmul.f32 v34, v30;
	v35 =	vmul.f32 v56, v31;
	_ =	sdelay $0x1  }
0xab: {  	v59 =	vmul.f32 v57, v32;
	v34 =	vadd.f32 v35, v34;
	_ =	sdelay $0x1  }
0xac: {  	v60 =	vmul.f32 v58, v33;
	v34 =	vadd.f32 v59, v34;
	_ =	sdelay $0x1  }
0xad: {  	v34 =	vadd.f32 v60, v34;
	_ =	sdelay $0x1  }
0xae: {  	v35 =	vperm.xlane v34, v1;
	_ =	sdelay $0x1  }
0xaf: {  	v34 =	vadd.f32 v34, v35;
	_ =	sdelay $0x1  }
0xb0: {  	v35 =	vperm.xlane v34, v2;
	_ =	sdelay $0x1  }
0xb1: {  	v34 =	vadd.f32 v34, v35;
	_ =	sdelay $0x1  }
0xb2: {  	v35 =	vperm.xlane v34, v3;
	_ =	sdelay $0x1  }
0xb3: {  	v34 =	vadd.f32 v34, v35;
	_ =	sdelay $0x1  }
0xb4: {  	v35 =	vperm.xlane v34, v4;
	_ =	sdelay $0x1  }
0xb5: {  	v34 =	vadd.f32 v34, v35;
	_ =	sdelay $0x1  }
0xb6: {  	[tilespmem:v6+s18+$0x0] =	vst.idx.msk vm0, v34  }
0xb7: {  	v34 =	vld [tilespmem:$0x820]  }
0xb8: {  	v61 =	vld [tilespmem:$0x830];
	_ =	sdelay $0x1  }
0xb9: {  	v62 =	vld [tilespmem:$0x840];
	_ =	sdelay $0x1  }
0xba: {  	v63 =	vld [tilespmem:$0x850]  }
0xbb: {  	v34 =	vmul.f32 v34, v30;
	v35 =	vmul.f32 v61, v31;
	_ =	sdelay $0x1  }
0xbc: {  	v39 =	vmul.f32 v62, v32;
	v34 =	vadd.f32 v35, v34;
	_ =	sdelay $0x1  }
0xbd: {  	v40 =	vmul.f32 v63, v33;
	v34 =	vadd.f32 v39, v34;
	_ =	sdelay $0x1  }
0xbe: {  	v34 =	vadd.f32 v40, v34;
	_ =	sdelay $0x1  }
0xbf: {  	v35 =	vperm.xlane v34, v1;
	_ =	sdelay $0x1  }
0xc0: {  	v34 =	vadd.f32 v34, v35;
	_ =	sdelay $0x1  }
0xc1: {  	v35 =	vperm.xlane v34, v2;
	_ =	sdelay $0x1  }
0xc2: {  	v34 =	vadd.f32 v34, v35;
	_ =	sdelay $0x1  }
0xc3: {  	v35 =	vperm.xlane v34, v3;
	_ =	sdelay $0x1  }
0xc4: {  	v34 =	vadd.f32 v34, v35;
	_ =	sdelay $0x1  }
0xc5: {  	v35 =	vperm.xlane v34, v4;
	_ =	sdelay $0x1  }
0xc6: {  	v34 =	vadd.f32 v34, v35;
	_ =	sdelay $0x1  }
0xc7: {  	[tilespmem:v7+s18+$0x0] =	vst.idx.msk vm0, v34  }
0xc8: {  	v34 =	vld [tilespmem:$0x860]  }
0xc9: {  	v41 =	vld [tilespmem:$0x870];
	_ =	sdelay $0x1  }
0xca: {  	v42 =	vld [tilespmem:$0x880];
	_ =	sdelay $0x1  }
0xcb: {  	v43 =	vld [tilespmem:$0x890]  }
0xcc: {  	v34 =	vmul.f32 v34, v30;
	v35 =	vmul.f32 v41, v31;
	_ =	sdelay $0x1  }
0xcd: {  	v44 =	vmul.f32 v42, v32;
	v34 =	vadd.f32 v35, v34;
	_ =	sdelay $0x1  }
0xce: {  	v45 =	vmul.f32 v43, v33;
	v34 =	vadd.f32 v44, v34;
	_ =	sdelay $0x1  }
0xcf: {  	v34 =	vadd.f32 v45, v34;
	_ =	sdelay $0x1  }
0xd0: {  	v35 =	vperm.xlane v34, v1;
	_ =	sdelay $0x1  }
0xd1: {  	v34 =	vadd.f32 v34, v35;
	_ =	sdelay $0x1  }
0xd2: {  	v35 =	vperm.xlane v34, v2;
	_ =	sdelay $0x1  }
0xd3: {  	v34 =	vadd.f32 v34, v35;
	_ =	sdelay $0x1  }
0xd4: {  	v35 =	vperm.xlane v34, v3;
	_ =	sdelay $0x1  }
0xd5: {  	v34 =	vadd.f32 v34, v35;
	_ =	sdelay $0x1  }
0xd6: {  	v35 =	vperm.xlane v34, v4;
	_ =	sdelay $0x1  }
0xd7: {  	v34 =	vadd.f32 v34, v35;
	_ =	sdelay $0x1  }
0xd8: {  	[tilespmem:v8+s18+$0x0] =	vst.idx.msk vm0, v34  }
0xd9: {  	v34 =	vld [tilespmem:$0x8A0]  }
0xda: {  	v46 =	vld [tilespmem:$0x8B0];
	_ =	sdelay $0x1  }
0xdb: {  	v47 =	vld [tilespmem:$0x8C0];
	_ =	sdelay $0x1  }
0xdc: {  	v48 =	vld [tilespmem:$0x8D0]  }
0xdd: {  	v34 =	vmul.f32 v34, v30;
	v35 =	vmul.f32 v46, v31;
	_ =	sdelay $0x1  }
0xde: {  	v49 =	vmul.f32 v47, v32;
	v34 =	vadd.f32 v35, v34;
	_ =	sdelay $0x1  }
0xdf: {  	v50 =	vmul.f32 v48, v33;
	v34 =	vadd.f32 v49, v34;
	_ =	sdelay $0x1  }
0xe0: {  	v34 =	vadd.f32 v50, v34;
	_ =	sdelay $0x1  }
0xe1: {  	v35 =	vperm.xlane v34, v1;
	_ =	sdelay $0x1  }
0xe2: {  	v34 =	vadd.f32 v34, v35;
	_ =	sdelay $0x1  }
0xe3: {  	v35 =	vperm.xlane v34, v2;
	_ =	sdelay $0x1  }
0xe4: {  	v34 =	vadd.f32 v34, v35;
	_ =	sdelay $0x1  }
0xe5: {  	v35 =	vperm.xlane v34, v3;
	_ =	sdelay $0x1  }
0xe6: {  	v34 =	vadd.f32 v34, v35;
	_ =	sdelay $0x1  }
0xe7: {  	v35 =	vperm.xlane v34, v4;
	_ =	sdelay $0x1  }
0xe8: {  	v34 =	vadd.f32 v34, v35;
	_ =	sdelay $0x1  }
0xe9: {  	[tilespmem:v9+s18+$0x0] =	vst.idx.msk vm0, v34  }
0xea: {  	v34 =	vld [tilespmem:$0x8E0]  }
0xeb: {  	v51 =	vld [tilespmem:$0x8F0];
	_ =	sdelay $0x1  }
0xec: {  	v52 =	vld [tilespmem:$0x900];
	_ =	sdelay $0x1  }
0xed: {  	v53 =	vld [tilespmem:$0x910]  }
0xee: {  	v34 =	vmul.f32 v34, v30;
	v35 =	vmul.f32 v51, v31;
	_ =	sdelay $0x1  }
0xef: {  	v54 =	vmul.f32 v52, v32;
	v34 =	vadd.f32 v35, v34;
	_ =	sdelay $0x1  }
0xf0: {  	v55 =	vmul.f32 v53, v33;
	v34 =	vadd.f32 v54, v34;
	_ =	sdelay $0x1  }
0xf1: {  	v34 =	vadd.f32 v55, v34;
	_ =	sdelay $0x1  }
0xf2: {  	v35 =	vperm.xlane v34, v1;
	_ =	sdelay $0x1  }
0xf3: {  	v34 =	vadd.f32 v34, v35;
	_ =	sdelay $0x1  }
0xf4: {  	v35 =	vperm.xlane v34, v2;
	_ =	sdelay $0x1  }
0xf5: {  	v34 =	vadd.f32 v34, v35;
	_ =	sdelay $0x1  }
0xf6: {  	v35 =	vperm.xlane v34, v3;
	_ =	sdelay $0x1  }
0xf7: {  	v34 =	vadd.f32 v34, v35;
	_ =	sdelay $0x1  }
0xf8: {  	v35 =	vperm.xlane v34, v4;
	_ =	sdelay $0x1  }
0xf9: {  	v34 =	vadd.f32 v34, v35;
	_ =	sdelay $0x1  }
0xfa: {  	[tilespmem:v10+s18+$0x0] =	vst.idx.msk vm0, v34  }
0xfb: {  	v34 =	vld [tilespmem:$0x920]  }
0xfc: {  	v56 =	vld [tilespmem:$0x930];
	_ =	sdelay $0x1  }
0xfd: {  	v57 =	vld [tilespmem:$0x940];
	_ =	sdelay $0x1  }
0xfe: {  	v58 =	vld [tilespmem:$0x950]  }
0xff: {  	v34 =	vmul.f32 v34, v30;
	v35 =	vmul.f32 v56, v31;
	_ =	sdelay $0x1  }
0x100: {  	v59 =	vmul.f32 v57, v32;
	v34 =	vadd.f32 v35, v34;
	_ =	sdelay $0x1  }
0x101: {  	v60 =	vmul.f32 v58, v33;
	v34 =	vadd.f32 v59, v34;
	_ =	sdelay $0x1  }
0x102: {  	v34 =	vadd.f32 v60, v34;
	_ =	sdelay $0x1  }
0x103: {  	v35 =	vperm.xlane v34, v1;
	_ =	sdelay $0x1  }
0x104: {  	v34 =	vadd.f32 v34, v35;
	_ =	sdelay $0x1  }
0x105: {  	v35 =	vperm.xlane v34, v2;
	_ =	sdelay $0x1  }
0x106: {  	v34 =	vadd.f32 v34, v35;
	_ =	sdelay $0x1  }
0x107: {  	v35 =	vperm.xlane v34, v3;
	_ =	sdelay $0x1  }
0x108: {  	v34 =	vadd.f32 v34, v35;
	_ =	sdelay $0x1  }
0x109: {  	v35 =	vperm.xlane v34, v4;
	_ =	sdelay $0x1  }
0x10a: {  	v34 =	vadd.f32 v34, v35;
	_ =	sdelay $0x1  }
0x10b: {  	[tilespmem:v11+s18+$0x0] =	vst.idx.msk vm0, v34  }
0x10c: {  	v34 =	vld [tilespmem:$0x960]  }
0x10d: {  	v61 =	vld [tilespmem:$0x970];
	_ =	sdelay $0x1  }
0x10e: {  	v62 =	vld [tilespmem:$0x980];
	_ =	sdelay $0x1  }
0x10f: {  	v63 =	vld [tilespmem:$0x990]  }
0x110: {  	v34 =	vmul.f32 v34, v30;
	v35 =	vmul.f32 v61, v31;
	_ =	sdelay $0x1  }
0x111: {  	v39 =	vmul.f32 v62, v32;
	v34 =	vadd.f32 v35, v34;
	_ =	sdelay $0x1  }
0x112: {  	v40 =	vmul.f32 v63, v33;
	v34 =	vadd.f32 v39, v34;
	_ =	sdelay $0x1  }
0x113: {  	v34 =	vadd.f32 v40, v34;
	_ =	sdelay $0x1  }
0x114: {  	v35 =	vperm.xlane v34, v1;
	_ =	sdelay $0x1  }
0x115: {  	v34 =	vadd.f32 v34, v35;
	_ =	sdelay $0x1  }
0x116: {  	v35 =	vperm.xlane v34, v2;
	_ =	sdelay $0x1  }
0x117: {  	v34 =	vadd.f32 v34, v35;
	_ =	sdelay $0x1  }
0x118: {  	v35 =	vperm.xlane v34, v3;
	_ =	sdelay $0x1  }
0x119: {  	v34 =	vadd.f32 v34, v35;
	_ =	sdelay $0x1  }
0x11a: {  	v35 =	vperm.xlane v34, v4;
	_ =	sdelay $0x1  }
0x11b: {  	v34 =	vadd.f32 v34, v35;
	_ =	sdelay $0x1  }
0x11c: {  	[tilespmem:v12+s18+$0x0] =	vst.idx.msk vm0, v34  }
0x11d: {  	v34 =	vld [tilespmem:$0x9A0]  }
0x11e: {  	v41 =	vld [tilespmem:$0x9B0];
	_ =	sdelay $0x1  }
0x11f: {  	v42 =	vld [tilespmem:$0x9C0];
	_ =	sdelay $0x1  }
0x120: {  	v43 =	vld [tilespmem:$0x9D0]  }
0x121: {  	v34 =	vmul.f32 v34, v30;
	v35 =	vmul.f32 v41, v31;
	_ =	sdelay $0x1  }
0x122: {  	v44 =	vmul.f32 v42, v32;
	v34 =	vadd.f32 v35, v34;
	_ =	sdelay $0x1  }
0x123: {  	v45 =	vmul.f32 v43, v33;
	v34 =	vadd.f32 v44, v34;
	_ =	sdelay $0x1  }
0x124: {  	v34 =	vadd.f32 v45, v34;
	_ =	sdelay $0x1  }
0x125: {  	v35 =	vperm.xlane v34, v1;
	_ =	sdelay $0x1  }
0x126: {  	v34 =	vadd.f32 v34, v35;
	_ =	sdelay $0x1  }
0x127: {  	v35 =	vperm.xlane v34, v2;
	_ =	sdelay $0x1  }
0x128: {  	v34 =	vadd.f32 v34, v35;
	_ =	sdelay $0x1  }
0x129: {  	v35 =	vperm.xlane v34, v3;
	_ =	sdelay $0x1  }
0x12a: {  	v34 =	vadd.f32 v34, v35;
	_ =	sdelay $0x1  }
0x12b: {  	v35 =	vperm.xlane v34, v4;
	_ =	sdelay $0x1  }
0x12c: {  	v34 =	vadd.f32 v34, v35;
	_ =	sdelay $0x1  }
0x12d: {  	[tilespmem:v13+s18+$0x0] =	vst.idx.msk vm0, v34  }
0x12e: {  	v34 =	vld [tilespmem:$0x9E0]  }
0x12f: {  	v46 =	vld [tilespmem:$0x9F0];
	_ =	sdelay $0x1  }
0x130: {  	v47 =	vld [tilespmem:$0xA00];
	_ =	sdelay $0x1  }
0x131: {  	v48 =	vld [tilespmem:$0xA10]  }
0x132: {  	v34 =	vmul.f32 v34, v30;
	v35 =	vmul.f32 v46, v31;
	_ =	sdelay $0x1  }
0x133: {  	v49 =	vmul.f32 v47, v32;
	v34 =	vadd.f32 v35, v34;
	_ =	sdelay $0x1  }
0x134: {  	v50 =	vmul.f32 v48, v33;
	v34 =	vadd.f32 v49, v34;
	_ =	sdelay $0x1  }
0x135: {  	v34 =	vadd.f32 v50, v34;
	_ =	sdelay $0x1  }
0x136: {  	v35 =	vperm.xlane v34, v1;
	_ =	sdelay $0x1  }
0x137: {  	v34 =	vadd.f32 v34, v35;
	_ =	sdelay $0x1  }
0x138: {  	v35 =	vperm.xlane v34, v2;
	_ =	sdelay $0x1  }
0x139: {  	v34 =	vadd.f32 v34, v35;
	_ =	sdelay $0x1  }
0x13a: {  	v35 =	vperm.xlane v34, v3;
	_ =	sdelay $0x1  }
0x13b: {  	v34 =	vadd.f32 v34, v35;
	_ =	sdelay $0x1  }
0x13c: {  	v35 =	vperm.xlane v34, v4;
	_ =	sdelay $0x1  }
0x13d: {  	v34 =	vadd.f32 v34, v35;
	_ =	sdelay $0x1  }
0x13e: {  	[tilespmem:v14+s18+$0x0] =	vst.idx.msk vm0, v34  }
0x13f: {  	v34 =	vld [tilespmem:$0xA20]  }
0x140: {  	v51 =	vld [tilespmem:$0xA30];
	_ =	sdelay $0x1  }
0x141: {  	v52 =	vld [tilespmem:$0xA40];
	_ =	sdelay $0x1  }
0x142: {  	v53 =	vld [tilespmem:$0xA50]  }
0x143: {  	v34 =	vmul.f32 v34, v30;
	v35 =	vmul.f32 v51, v31;
	_ =	sdelay $0x1  }
0x144: {  	v54 =	vmul.f32 v52, v32;
	v34 =	vadd.f32 v35, v34;
	_ =	sdelay $0x1  }
0x145: {  	v55 =	vmul.f32 v53, v33;
	v34 =	vadd.f32 v54, v34;
	_ =	sdelay $0x1  }
0x146: {  	v34 =	vadd.f32 v55, v34;
	_ =	sdelay $0x1  }
0x147: {  	v35 =	vperm.xlane v34, v1;
	_ =	sdelay $0x1  }
0x148: {  	v34 =	vadd.f32 v34, v35;
	_ =	sdelay $0x1  }
0x149: {  	v35 =	vperm.xlane v34, v2;
	_ =	sdelay $0x1  }
0x14a: {  	v34 =	vadd.f32 v34, v35;
	_ =	sdelay $0x1  }
0x14b: {  	v35 =	vperm.xlane v34, v3;
	_ =	sdelay $0x1  }
0x14c: {  	v34 =	vadd.f32 v34, v35;
	_ =	sdelay $0x1  }
0x14d: {  	v35 =	vperm.xlane v34, v4;
	_ =	sdelay $0x1  }
0x14e: {  	v34 =	vadd.f32 v34, v35;
	_ =	sdelay $0x1  }
0x14f: {  	[tilespmem:v15+s18+$0x0] =	vst.idx.msk vm0, v34  }
0x150: {  	v34 =	vld [tilespmem:$0xA60]  }
0x151: {  	v56 =	vld [tilespmem:$0xA70];
	_ =	sdelay $0x1  }
0x152: {  	v57 =	vld [tilespmem:$0xA80];
	_ =	sdelay $0x1  }
0x153: {  	v58 =	vld [tilespmem:$0xA90]  }
0x154: {  	v34 =	vmul.f32 v34, v30;
	v35 =	vmul.f32 v56, v31;
	_ =	sdelay $0x1  }
0x155: {  	v59 =	vmul.f32 v57, v32;
	v34 =	vadd.f32 v35, v34;
	_ =	sdelay $0x1  }
0x156: {  	v60 =	vmul.f32 v58, v33;
	v34 =	vadd.f32 v59, v34;
	_ =	sdelay $0x1  }
0x157: {  	v34 =	vadd.f32 v60, v34;
	_ =	sdelay $0x1  }
0x158: {  	v35 =	vperm.xlane v34, v1;
	_ =	sdelay $0x1  }
0x159: {  	v34 =	vadd.f32 v34, v35;
	_ =	sdelay $0x1  }
0x15a: {  	v35 =	vperm.xlane v34, v2;
	_ =	sdelay $0x1  }
0x15b: {  	v34 =	vadd.f32 v34, v35;
	_ =	sdelay $0x1  }
0x15c: {  	v35 =	vperm.xlane v34, v3;
	_ =	sdelay $0x1  }
0x15d: {  	v34 =	vadd.f32 v34, v35;
	_ =	sdelay $0x1  }
0x15e: {  	v35 =	vperm.xlane v34, v4;
	_ =	sdelay $0x1  }
0x15f: {  	v34 =	vadd.f32 v34, v35;
	_ =	sdelay $0x1  }
0x160: {  	[tilespmem:v16+s18+$0x0] =	vst.idx.msk vm0, v34  }
0x161: {  	v34 =	vld [tilespmem:$0xAA0]  }
0x162: {  	v61 =	vld [tilespmem:$0xAB0];
	_ =	sdelay $0x1  }
0x163: {  	v62 =	vld [tilespmem:$0xAC0];
	_ =	sdelay $0x1  }
0x164: {  	v63 =	vld [tilespmem:$0xAD0]  }
0x165: {  	v34 =	vmul.f32 v34, v30;
	v35 =	vmul.f32 v61, v31;
	_ =	sdelay $0x1  }
0x166: {  	v38 =	vmul.f32 v62, v32;
	v34 =	vadd.f32 v35, v34;
	_ =	sdelay $0x1  }
0x167: {  	v39 =	vmul.f32 v63, v33;
	v34 =	vadd.f32 v38, v34;
	_ =	sdelay $0x1  }
0x168: {  	v34 =	vadd.f32 v39, v34;
	_ =	sdelay $0x1  }
0x169: {  	v35 =	vperm.xlane v34, v1;
	_ =	sdelay $0x1  }
0x16a: {  	v34 =	vadd.f32 v34, v35;
	_ =	sdelay $0x1  }
0x16b: {  	v35 =	vperm.xlane v34, v2;
	_ =	sdelay $0x1  }
0x16c: {  	v34 =	vadd.f32 v34, v35;
	_ =	sdelay $0x1  }
0x16d: {  	v35 =	vperm.xlane v34, v3;
	_ =	sdelay $0x1  }
0x16e: {  	v34 =	vadd.f32 v34, v35;
	_ =	sdelay $0x1  }
0x16f: {  	v35 =	vperm.xlane v34, v4;
	_ =	sdelay $0x1  }
0x170: {  	v34 =	vadd.f32 v34, v35;
	_ =	sdelay $0x1  }
0x171: {  	[tilespmem:v17+s18+$0x0] =	vst.idx.msk vm0, v34  }
0x172: {  	v34 =	vld [tilespmem:$0xAE0]  }
0x173: {  	v40 =	vld [tilespmem:$0xAF0];
	_ =	sdelay $0x1  }
0x174: {  	v41 =	vld [tilespmem:$0xB00];
	_ =	sdelay $0x1  }
0x175: {  	v42 =	vld [tilespmem:$0xB10]  }
0x176: {  	v34 =	vmul.f32 v34, v30;
	v35 =	vmul.f32 v40, v31;
	_ =	sdelay $0x1  }
0x177: {  	v43 =	vmul.f32 v41, v32;
	v34 =	vadd.f32 v35, v34;
	_ =	sdelay $0x1  }
0x178: {  	v44 =	vmul.f32 v42, v33;
	v34 =	vadd.f32 v43, v34;
	_ =	sdelay $0x1  }
0x179: {  	v34 =	vadd.f32 v44, v34;
	_ =	sdelay $0x1  }
0x17a: {  	v35 =	vperm.xlane v34, v1;
	_ =	sdelay $0x1  }
0x17b: {  	v34 =	vadd.f32 v34, v35;
	_ =	sdelay $0x1  }
0x17c: {  	v35 =	vperm.xlane v34, v2;
	_ =	sdelay $0x1  }
0x17d: {  	v34 =	vadd.f32 v34, v35;
	_ =	sdelay $0x1  }
0x17e: {  	v35 =	vperm.xlane v34, v3;
	_ =	sdelay $0x1  }
0x17f: {  	v34 =	vadd.f32 v34, v35;
	_ =	sdelay $0x1  }
0x180: {  	v35 =	vperm.xlane v34, v4;
	_ =	sdelay $0x1  }
0x181: {  	v34 =	vadd.f32 v34, v35;
	_ =	sdelay $0x1  }
0x182: {  	[tilespmem:v18+s18+$0x0] =	vst.idx.msk vm0, v34  }
0x183: {  	v34 =	vld [tilespmem:$0xB20]  }
0x184: {  	v45 =	vld [tilespmem:$0xB30];
	_ =	sdelay $0x1  }
0x185: {  	v46 =	vld [tilespmem:$0xB40];
	_ =	sdelay $0x1  }
0x186: {  	v47 =	vld [tilespmem:$0xB50]  }
0x187: {  	v34 =	vmul.f32 v34, v30;
	v35 =	vmul.f32 v45, v31;
	_ =	sdelay $0x1  }
0x188: {  	v48 =	vmul.f32 v46, v32;
	v34 =	vadd.f32 v35, v34;
	_ =	sdelay $0x1  }
0x189: {  	v49 =	vmul.f32 v47, v33;
	v34 =	vadd.f32 v48, v34;
	_ =	sdelay $0x1  }
0x18a: {  	v34 =	vadd.f32 v49, v34;
	_ =	sdelay $0x1  }
0x18b: {  	v35 =	vperm.xlane v34, v1;
	_ =	sdelay $0x1  }
0x18c: {  	v34 =	vadd.f32 v34, v35;
	_ =	sdelay $0x1  }
0x18d: {  	v35 =	vperm.xlane v34, v2;
	_ =	sdelay $0x1  }
0x18e: {  	v34 =	vadd.f32 v34, v35;
	_ =	sdelay $0x1  }
0x18f: {  	v35 =	vperm.xlane v34, v3;
	_ =	sdelay $0x1  }
0x190: {  	v34 =	vadd.f32 v34, v35;
	_ =	sdelay $0x1  }
0x191: {  	v35 =	vperm.xlane v34, v4;
	_ =	sdelay $0x1  }
0x192: {  	v34 =	vadd.f32 v34, v35;
	_ =	sdelay $0x1  }
0x193: {  	[tilespmem:v19+s18+$0x0] =	vst.idx.msk vm0, v34  }
0x194: {  	v34 =	vld [tilespmem:$0xB60]  }
0x195: {  	v50 =	vld [tilespmem:$0xB70];
	_ =	sdelay $0x1  }
0x196: {  	v51 =	vld [tilespmem:$0xB80];
	_ =	sdelay $0x1  }
0x197: {  	v52 =	vld [tilespmem:$0xB90]  }
0x198: {  	v34 =	vmul.f32 v34, v30;
	v35 =	vmul.f32 v50, v31;
	_ =	sdelay $0x1  }
0x199: {  	v53 =	vmul.f32 v51, v32;
	v34 =	vadd.f32 v35, v34;
	_ =	sdelay $0x1  }
0x19a: {  	v54 =	vmul.f32 v52, v33;
	v34 =	vadd.f32 v53, v34;
	_ =	sdelay $0x1  }
0x19b: {  	v34 =	vadd.f32 v54, v34;
	_ =	sdelay $0x1  }
0x19c: {  	v35 =	vperm.xlane v34, v1;
	_ =	sdelay $0x1  }
0x19d: {  	v34 =	vadd.f32 v34, v35;
	_ =	sdelay $0x1  }
0x19e: {  	v35 =	vperm.xlane v34, v2;
	_ =	sdelay $0x1  }
0x19f: {  	v34 =	vadd.f32 v34, v35;
	_ =	sdelay $0x1  }
0x1a0: {  	v35 =	vperm.xlane v34, v3;
	_ =	sdelay $0x1  }
0x1a1: {  	v34 =	vadd.f32 v34, v35;
	_ =	sdelay $0x1  }
0x1a2: {  	v35 =	vperm.xlane v34, v4;
	_ =	sdelay $0x1  }
0x1a3: {  	v34 =	vadd.f32 v34, v35;
	_ =	sdelay $0x1  }
0x1a4: {  	[tilespmem:v20+s18+$0x0] =	vst.idx.msk vm0, v34  }
0x1a5: {  	v34 =	vld [tilespmem:$0xBA0]  }
0x1a6: {  	v55 =	vld [tilespmem:$0xBB0];
	_ =	sdelay $0x1  }
0x1a7: {  	v56 =	vld [tilespmem:$0xBC0];
	_ =	sdelay $0x1  }
0x1a8: {  	v57 =	vld [tilespmem:$0xBD0]  }
0x1a9: {  	v30 =	vmul.f32 v34, v30;
	v31 =	vmul.f32 v55, v31;
	_ =	sdelay $0x1  }
0x1aa: {  	v30 =	vadd.f32 v31, v30;
	v31 =	vmul.f32 v56, v32;
	_ =	sdelay $0x1  }
0x1ab: {  	v30 =	vadd.f32 v31, v30;
	v31 =	vmul.f32 v57, v33;
	_ =	sdelay $0x1  }
0x1ac: {  	v30 =	vadd.f32 v31, v30;
	_ =	sdelay $0x1  }
0x1ad: {  	v31 =	vperm.xlane v30, v1;
	_ =	sdelay $0x1  }
0x1ae: {  	v30 =	vadd.f32 v30, v31;
	_ =	sdelay $0x1  }
0x1af: {  	v31 =	vperm.xlane v30, v2;
	_ =	sdelay $0x1  }
0x1b0: {  	v30 =	vadd.f32 v30, v31;
	_ =	sdelay $0x1  }
0x1b1: {  	v31 =	vperm.xlane v30, v3;
	_ =	sdelay $0x1  }
0x1b2: {  	v30 =	vadd.f32 v30, v31;
	_ =	sdelay $0x1  }
0x1b3: {  	v31 =	vperm.xlane v30, v4;
	_ =	sdelay $0x1  }
0x1b4: {  	v30 =	vadd.f32 v30, v31;
	_ =	sdelay $0x1  }
0x1b5: {  	s24 =	simm.s32 $0x0;
	[tilespmem:v21+s18+$0x0] =	vst.idx.msk vm0, v30  }
0x1b6: {  	v30 =	vld.idx.msk [tilespmem:v22+s24+$0x0], $0xffff  }
0x1b7: {  	v31 =	vld [tilespmem:$0x360]  }
0x1b8: {  	v58 =	vld [tilespmem:$0x370]  }
0x1b9: {  	v61 =	vld [tilespmem:$0x380]  }
0x1ba: {  	v62 =	vld [tilespmem:$0x390]  }
0x1bb: {  	v63 =	vld.idx.msk [tilespmem:v23+s24+$0x0], $0xffff  }
0x1bc: {  	v59 =	vld [tilespmem:$0x3A0]  }
0x1bd: {  	v60 =	vld [tilespmem:$0x3B0]  }
0x1be: {  	v38 =	vld [tilespmem:$0x3C0]  }
0x1bf: {  	v39 =	vld [tilespmem:$0x3D0]  }
0x1c0: {  	v40 =	vld.idx.msk [tilespmem:v24+s24+$0x0], $0xffff  }
0x1c1: {  	v41 =	vld [tilespmem:$0x3E0]  }
0x1c2: {  	v42 =	vld [tilespmem:$0x3F0]  }
0x1c3: {  	v43 =	vld [tilespmem:$0x400]  }
0x1c4: {  	v44 =	vld [tilespmem:$0x410]  }
0x1c5: {  	v45 =	vld.idx.msk [tilespmem:v25+s24+$0x0], $0xffff  }
0x1c6: {  	v46 =	vld [tilespmem:$0x420]  }
0x1c7: {  	v47 =	vld [tilespmem:$0x430]  }
0x1c8: {  	v48 =	vld [tilespmem:$0x440]  }
0x1c9: {  	v49 =	vld [tilespmem:$0x450]  }
0x1ca: {  	v50 =	vld.idx.msk [tilespmem:v26+s24+$0x0], $0xffff  }
0x1cb: {  	v51 =	vld [tilespmem:$0x460]  }
0x1cc: {  	v52 =	vld [tilespmem:$0x470]  }
0x1cd: {  	v53 =	vld [tilespmem:$0x480];
	v31 =	vmul.f32 v30, v31;
	v32 =	vmul.f32 v30, v58  }
0x1ce: {  	v54 =	vld [tilespmem:$0x490];
	v33 =	vmul.f32 v30, v61;
	v30 =	vmul.f32 v30, v62  }
0x1cf: {  	v55 =	vld.idx.msk [tilespmem:v27+s24+$0x0], $0xffff;
	v36 =	vmul.f32 v63, v59;
	v37 =	vmul.f32 v63, v60  }
0x1d0: {  	v34 =	vld [tilespmem:$0x4A0];
	v38 =	vmul.f32 v63, v38;
	v35 =	vmul.f32 v63, v39  }
0x1d1: {  	v56 =	vld [tilespmem:$0x4B0];
	v61 =	vmul.f32 v40, v41;
	v62 =	vmul.f32 v40, v42  }
0x1d2: {  	v39 =	vld [tilespmem:$0x4C0];
	v63 =	vmul.f32 v40, v43;
	v40 =	vmul.f32 v40, v44  }
0x1d3: {  	v41 =	vld [tilespmem:$0x4E0];
	v46 =	vmul.f32 v45, v46;
	v57 =	vmul.f32 v45, v47;
	v31 =	vadd.f32 $0.0e+00, v31  }
0x1d4: {  	v43 =	vld [tilespmem:$0x4F0];
	v58 =	vmul.f32 v45, v48;
	v32 =	vadd.f32 $0.0e+00, v32;
	v30 =	vadd.f32 $0.0e+00, v30  }
0x1d5: {  	v59 =	vmul.f32 v45, v49;
	v60 =	vld [tilespmem:$0x510];
	v33 =	vadd.f32 $0.0e+00, v33;
	v31 =	vadd.f32 v36, v31  }
0x1d6: {  	v48 =	vmul.f32 v50, v53;
	v32 =	vadd.f32 v37, v32;
	v37 =	vld [tilespmem:$0x4D0];
	v30 =	vadd.f32 v35, v30  }
0x1d7: {  	v49 =	vmul.f32 v50, v54;
	v34 =	vmul.f32 v55, v34;
	v33 =	vadd.f32 v38, v33;
	v38 =	vld.idx.msk [tilespmem:v28+s24+$0x0], $0xffff  }
0x1d8: {  	v54 =	vmul.f32 v55, v39;
	v31 =	vadd.f32 v61, v31;
	v30 =	vadd.f32 v40, v30;
	v40 =	vld [tilespmem:$0x500]  }
0x1d9: {  	v32 =	vadd.f32 v62, v32;
	v33 =	vadd.f32 v63, v33;
	v61 =	vmul.f32 v50, v51;
	v63 =	vld.idx.msk [tilespmem:v29+s24+$0x0], $0xffff  }
0x1da: {  	v62 =	vmul.f32 v50, v52;
	v50 =	vld [tilespmem:$0x520];
	v52 =	vmul.f32 v55, v56;
	v31 =	vadd.f32 v46, v31  }
0x1db: {  	v51 =	vld [tilespmem:$0x530];
	v32 =	vadd.f32 v57, v32;
	v33 =	vadd.f32 v58, v33;
	v37 =	vmul.f32 v55, v37  }
0x1dc: {  	v53 =	vld [tilespmem:$0x540];
	v30 =	vadd.f32 v59, v30;
	v57 =	vmul.f32 v38, v41;
	v58 =	vmul.f32 v38, v43  }
0x1dd: {  	v56 =	vld [tilespmem:$0x550];
	v60 =	vmul.f32 v38, v60;
	v31 =	vadd.f32 v61, v31;
	v32 =	vadd.f32 v62, v32  }
0x1de: {  	v33 =	vadd.f32 v48, v33;
	v30 =	vadd.f32 v49, v30;
	v59 =	vmul.f32 v38, v40  }
0x1df: {  	v61 =	vmul.f32 v63, v50;
	v31 =	vadd.f32 v34, v31;
	v32 =	vadd.f32 v52, v32  }
0x1e0: {  	v36 =	vmul.f32 v63, v51;
	v33 =	vadd.f32 v54, v33;
	v30 =	vadd.f32 v37, v30  }
0x1e1: {  	v62 =	vmul.f32 v63, v53;
	v31 =	vadd.f32 v57, v31;
	v32 =	vadd.f32 v58, v32  }
0x1e2: {  	v63 =	vmul.f32 v63, v56;
	v33 =	vadd.f32 v59, v33;
	v30 =	vadd.f32 v60, v30  }
0x1e3: {  	s28 =	sshll.u32 s8, $0x1;
	s12 =	simm.s32 $0x1C20;
	v31 =	vadd.f32 v61, v31;
	v32 =	vadd.f32 v36, v32  }
0x1e4: {  	s14 =	sor.u32 s9, s28;
	s26 =	simm.s32 $0xC10;
	s10 =	simm.s32 $0x21;
	v33 =	vadd.f32 v62, v33;
	v34 =	vadd.f32 v63, v30  }
.LBB2_3:
0x1e5: {  	v30 =	vld [tilespmem:s26+$0xFFFFFFD0]  }
0x1e6: {  	v35 =	vld [tilespmem:s26+$0xFFFFFFE0];
	_ =	sdelay $0x1  }
0x1e7: {  	v36 =	vld [tilespmem:s26+$0xFFFFFFF0];
	_ =	sdelay $0x1  }
0x1e8: {  	v37 =	vld [tilespmem:s26+$0x0]  }
0x1e9: {  	v30 =	vmul.f32 v30, v31;
	v35 =	vmul.f32 v35, v32;
	_ =	sdelay $0x1  }
0x1ea: {  	v50 =	vmul.f32 v36, v33;
	v30 =	vadd.f32 v35, v30;
	_ =	sdelay $0x1  }
0x1eb: {  	v51 =	vmul.f32 v37, v34;
	v30 =	vadd.f32 v50, v30;
	_ =	sdelay $0x1  }
0x1ec: {  	v30 =	vadd.f32 v51, v30;
	_ =	sdelay $0x1  }
0x1ed: {  	v35 =	vperm.xlane v30, v1;
	_ =	sdelay $0x1  }
0x1ee: {  	v30 =	vadd.f32 v30, v35;
	_ =	sdelay $0x1  }
0x1ef: {  	v52 =	vmov s10;
	v53 =	vperm.xlane v30, v2;
	_ =	sdelay $0x1  }
0x1f0: {  	v30 =	vadd.f32 v30, v53;
	_ =	sdelay $0x1  }
0x1f1: {  	v36 =	vperm.xlane v30, v3  }
0x1f2: {  	v35 =	vld.idx.msk [tilespmem:v52+s2+$0x0], $0xffff  }
0x1f3: {  	v30 =	vadd.f32 v30, v36  }
0x1f4: {  	s28 =	sadd.s32 $0x10, s24  }
0x1f5: {  	v54 =	vmov s28;
	v36 =	vperm.xlane v30, v4  }
0x1f6: {  	v55 =	vshrl.u32 v54, $0x3  }
0x1f7: {  	vm2 =	vne.s32 v35, $0x0;
	v36 =	vadd.f32 v30, v36;
	v30 =	vsel vm1, $0x3, v6  }
0x1f8: {  	v35 =	vsel vm2, $0x3F800000, v6;
	v37 =	vshll.u32 v55, v30  }
0x1f9: {  	v38 =	vadd.f32 $-1.000000000e+00, v35;
	v39 =	vsub.f32 $0.0e+00, v36;
	v37 =	vbroadcast v37, $0x0;
	_ =	sdelay $0x1  }
0x1fa: {  	v36 =	vmul.f32 $1.000000000e+02, v38;
	v56 =	vmul.f32 v35, v39;
	_ =	sdelay $0x1  }
0x1fb: {  	v38 =	vadd.f32 v56, v36;
	_ =	sdelay $0x1  }
0x1fc: {  	[tilespmem:v37+s19+$0x0] =	vst.idx.msk vm0, v38  }
0x1fd: {  	v37 =	vld [tilespmem:s12+$0xFFFFFE00]  }
0x1fe: {  	v38 =	vld [tilespmem:s12+$0xFFFFFE10];
	_ =	sdelay $0x1  }
0x1ff: {  	v57 =	vld [tilespmem:s12+$0xFFFFFE20];
	_ =	sdelay $0x1  }
0x200: {  	v40 =	vld [tilespmem:s12+$0xFFFFFE30]  }
0x201: {  	v37 =	vmul.f32 v37, v31;
	v38 =	vmul.f32 v38, v32;
	_ =	sdelay $0x1  }
0x202: {  	v58 =	vmul.f32 v57, v33;
	v37 =	vadd.f32 v38, v37;
	_ =	sdelay $0x1  }
0x203: {  	v59 =	vmul.f32 v40, v34;
	v37 =	vadd.f32 v58, v37;
	_ =	sdelay $0x1  }
0x204: {  	v37 =	vadd.f32 v59, v37;
	_ =	sdelay $0x1  }
0x205: {  	v38 =	vperm.xlane v37, v1;
	_ =	sdelay $0x1  }
0x206: {  	v37 =	vadd.f32 v37, v38;
	_ =	sdelay $0x1  }
0x207: {  	v38 =	vperm.xlane v37, v2;
	_ =	sdelay $0x1  }
0x208: {  	v37 =	vadd.f32 v37, v38;
	_ =	sdelay $0x1  }
0x209: {  	v38 =	vperm.xlane v37, v3;
	_ =	sdelay $0x1  }
0x20a: {  	v38 =	vadd.f32 v37, v38  }
0x20b: {  	v60 =	vmov s24  }
0x20c: {  	v37 =	vshrl.u32 v60, $0x3;
	v61 =	vperm.xlane v38, v4  }
0x20d: {  	v37 =	vshll.u32 v37, v30  }
0x20e: {  	v62 =	vbroadcast v37, $0x0;
	v38 =	vadd.f32 v38, v61;
	_ =	sdelay $0x1  }
0x20f: {  	v38 =	vmul.f32 v35, v38;
	_ =	sdelay $0x1  }
0x210: {  	v38 =	vadd.f32 v38, v36;
	_ =	sdelay $0x1  }
0x211: {  	[tilespmem:v62+s19+$0x0] =	vst.idx.msk vm0, v38  }
0x212: {  	v38 =	vld [tilespmem:s12+$0xFFFFFE40]  }
0x213: {  	v39 =	vld [tilespmem:s12+$0xFFFFFE50];
	_ =	sdelay $0x1  }
0x214: {  	v63 =	vld [tilespmem:s12+$0xFFFFFE60];
	_ =	sdelay $0x1  }
0x215: {  	v41 =	vld [tilespmem:s12+$0xFFFFFE70]  }
0x216: {  	v38 =	vmul.f32 v38, v31;
	v39 =	vmul.f32 v39, v32;
	_ =	sdelay $0x1  }
0x217: {  	v43 =	vmul.f32 v63, v33;
	v38 =	vadd.f32 v39, v38;
	_ =	sdelay $0x1  }
0x218: {  	v44 =	vmul.f32 v41, v34;
	v38 =	vadd.f32 v43, v38;
	_ =	sdelay $0x1  }
0x219: {  	v38 =	vadd.f32 v44, v38;
	_ =	sdelay $0x1  }
0x21a: {  	v39 =	vperm.xlane v38, v1;
	_ =	sdelay $0x1  }
0x21b: {  	v38 =	vadd.f32 v38, v39;
	_ =	sdelay $0x1  }
0x21c: {  	v39 =	vperm.xlane v38, v2;
	_ =	sdelay $0x1  }
0x21d: {  	v38 =	vadd.f32 v38, v39;
	_ =	sdelay $0x1  }
0x21e: {  	v39 =	vperm.xlane v38, v3;
	_ =	sdelay $0x1  }
0x21f: {  	v38 =	vadd.f32 v38, v39;
	_ =	sdelay $0x1  }
0x220: {  	v39 =	vperm.xlane v38, v4  }
0x221: {  	v45 =	vadd.s32 $0x1, v37  }
0x222: {  	v46 =	vbroadcast v45, $0x0;
	v38 =	vadd.f32 v38, v39;
	_ =	sdelay $0x1  }
0x223: {  	v38 =	vmul.f32 v35, v38;
	_ =	sdelay $0x1  }
0x224: {  	v38 =	vadd.f32 v38, v36;
	_ =	sdelay $0x1  }
0x225: {  	[tilespmem:v46+s19+$0x0] =	vst.idx.msk vm0, v38  }
0x226: {  	v38 =	vld [tilespmem:s12+$0xFFFFFE80]  }
0x227: {  	v39 =	vld [tilespmem:s12+$0xFFFFFE90];
	_ =	sdelay $0x1  }
0x228: {  	v47 =	vld [tilespmem:s12+$0xFFFFFEA0];
	_ =	sdelay $0x1  }
0x229: {  	v48 =	vld [tilespmem:s12+$0xFFFFFEB0]  }
0x22a: {  	v38 =	vmul.f32 v38, v31;
	v39 =	vmul.f32 v39, v32;
	_ =	sdelay $0x1  }
0x22b: {  	v49 =	vmul.f32 v47, v33;
	v38 =	vadd.f32 v39, v38;
	_ =	sdelay $0x1  }
0x22c: {  	v50 =	vmul.f32 v48, v34;
	v38 =	vadd.f32 v49, v38;
	_ =	sdelay $0x1  }
0x22d: {  	v38 =	vadd.f32 v50, v38;
	_ =	sdelay $0x1  }
0x22e: {  	v39 =	vperm.xlane v38, v1;
	_ =	sdelay $0x1  }
0x22f: {  	v38 =	vadd.f32 v38, v39;
	_ =	sdelay $0x1  }
0x230: {  	v39 =	vperm.xlane v38, v2;
	_ =	sdelay $0x1  }
0x231: {  	v38 =	vadd.f32 v38, v39;
	_ =	sdelay $0x1  }
0x232: {  	v39 =	vperm.xlane v38, v3;
	_ =	sdelay $0x1  }
0x233: {  	v38 =	vadd.f32 v38, v39;
	_ =	sdelay $0x1  }
0x234: {  	v39 =	vperm.xlane v38, v4  }
0x235: {  	v51 =	vadd.s32 $0x2, v37  }
0x236: {  	v52 =	vbroadcast v51, $0x0;
	v38 =	vadd.f32 v38, v39;
	_ =	sdelay $0x1  }
0x237: {  	v38 =	vmul.f32 v35, v38;
	_ =	sdelay $0x1  }
0x238: {  	v38 =	vadd.f32 v38, v36;
	_ =	sdelay $0x1  }
0x239: {  	[tilespmem:v52+s19+$0x0] =	vst.idx.msk vm0, v38  }
0x23a: {  	v38 =	vld [tilespmem:s12+$0xFFFFFEC0]  }
0x23b: {  	v39 =	vld [tilespmem:s12+$0xFFFFFED0];
	_ =	sdelay $0x1  }
0x23c: {  	v53 =	vld [tilespmem:s12+$0xFFFFFEE0];
	_ =	sdelay $0x1  }
0x23d: {  	v54 =	vld [tilespmem:s12+$0xFFFFFEF0]  }
0x23e: {  	v38 =	vmul.f32 v38, v31;
	v39 =	vmul.f32 v39, v32;
	_ =	sdelay $0x1  }
0x23f: {  	v55 =	vmul.f32 v53, v33;
	v38 =	vadd.f32 v39, v38;
	_ =	sdelay $0x1  }
0x240: {  	v56 =	vmul.f32 v54, v34;
	v38 =	vadd.f32 v55, v38;
	_ =	sdelay $0x1  }
0x241: {  	v38 =	vadd.f32 v56, v38;
	_ =	sdelay $0x1  }
0x242: {  	v39 =	vperm.xlane v38, v1;
	_ =	sdelay $0x1  }
0x243: {  	v38 =	vadd.f32 v38, v39;
	_ =	sdelay $0x1  }
0x244: {  	v39 =	vperm.xlane v38, v2;
	_ =	sdelay $0x1  }
0x245: {  	v38 =	vadd.f32 v38, v39;
	_ =	sdelay $0x1  }
0x246: {  	v39 =	vperm.xlane v38, v3;
	_ =	sdelay $0x1  }
0x247: {  	v38 =	vadd.f32 v38, v39;
	_ =	sdelay $0x1  }
0x248: {  	v39 =	vperm.xlane v38, v4  }
0x249: {  	v57 =	vadd.s32 $0x3, v37  }
0x24a: {  	v58 =	vbroadcast v57, $0x0;
	v38 =	vadd.f32 v38, v39;
	_ =	sdelay $0x1  }
0x24b: {  	v38 =	vmul.f32 v35, v38;
	_ =	sdelay $0x1  }
0x24c: {  	v38 =	vadd.f32 v38, v36;
	_ =	sdelay $0x1  }
0x24d: {  	[tilespmem:v58+s19+$0x0] =	vst.idx.msk vm0, v38  }
0x24e: {  	v38 =	vld [tilespmem:s12+$0xFFFFFF00]  }
0x24f: {  	v39 =	vld [tilespmem:s12+$0xFFFFFF10];
	_ =	sdelay $0x1  }
0x250: {  	v59 =	vld [tilespmem:s12+$0xFFFFFF20];
	_ =	sdelay $0x1  }
0x251: {  	v60 =	vld [tilespmem:s12+$0xFFFFFF30]  }
0x252: {  	v38 =	vmul.f32 v38, v31;
	v39 =	vmul.f32 v39, v32;
	_ =	sdelay $0x1  }
0x253: {  	v61 =	vmul.f32 v59, v33;
	v38 =	vadd.f32 v39, v38;
	_ =	sdelay $0x1  }
0x254: {  	v62 =	vmul.f32 v60, v34;
	v38 =	vadd.f32 v61, v38;
	_ =	sdelay $0x1  }
0x255: {  	v38 =	vadd.f32 v62, v38;
	_ =	sdelay $0x1  }
0x256: {  	v39 =	vperm.xlane v38, v1;
	_ =	sdelay $0x1  }
0x257: {  	v38 =	vadd.f32 v38, v39;
	_ =	sdelay $0x1  }
0x258: {  	v39 =	vperm.xlane v38, v2;
	_ =	sdelay $0x1  }
0x259: {  	v38 =	vadd.f32 v38, v39;
	_ =	sdelay $0x1  }
0x25a: {  	v39 =	vperm.xlane v38, v3;
	_ =	sdelay $0x1  }
0x25b: {  	v38 =	vadd.f32 v38, v39;
	_ =	sdelay $0x1  }
0x25c: {  	v39 =	vperm.xlane v38, v4  }
0x25d: {  	v63 =	vadd.s32 $0x4, v37  }
0x25e: {  	v44 =	vbroadcast v63, $0x0;
	v38 =	vadd.f32 v38, v39;
	_ =	sdelay $0x1  }
0x25f: {  	v38 =	vmul.f32 v35, v38;
	_ =	sdelay $0x1  }
0x260: {  	v38 =	vadd.f32 v38, v36;
	_ =	sdelay $0x1  }
0x261: {  	[tilespmem:v44+s19+$0x0] =	vst.idx.msk vm0, v38  }
0x262: {  	v38 =	vld [tilespmem:s12+$0xFFFFFF40]  }
0x263: {  	v39 =	vld [tilespmem:s12+$0xFFFFFF50];
	_ =	sdelay $0x1  }
0x264: {  	v45 =	vld [tilespmem:s12+$0xFFFFFF60];
	_ =	sdelay $0x1  }
0x265: {  	v46 =	vld [tilespmem:s12+$0xFFFFFF70]  }
0x266: {  	v38 =	vmul.f32 v38, v31;
	v39 =	vmul.f32 v39, v32;
	_ =	sdelay $0x1  }
0x267: {  	v47 =	vmul.f32 v45, v33;
	v38 =	vadd.f32 v39, v38;
	_ =	sdelay $0x1  }
0x268: {  	v48 =	vmul.f32 v46, v34;
	v38 =	vadd.f32 v47, v38;
	_ =	sdelay $0x1  }
0x269: {  	v38 =	vadd.f32 v48, v38;
	_ =	sdelay $0x1  }
0x26a: {  	v39 =	vperm.xlane v38, v1;
	_ =	sdelay $0x1  }
0x26b: {  	v38 =	vadd.f32 v38, v39;
	_ =	sdelay $0x1  }
0x26c: {  	v39 =	vperm.xlane v38, v2;
	_ =	sdelay $0x1  }
0x26d: {  	v38 =	vadd.f32 v38, v39;
	_ =	sdelay $0x1  }
0x26e: {  	v39 =	vperm.xlane v38, v3;
	_ =	sdelay $0x1  }
0x26f: {  	v38 =	vadd.f32 v38, v39;
	_ =	sdelay $0x1  }
0x270: {  	v39 =	vperm.xlane v38, v4  }
0x271: {  	v49 =	vadd.s32 $0x5, v37  }
0x272: {  	v50 =	vbroadcast v49, $0x0;
	v38 =	vadd.f32 v38, v39;
	_ =	sdelay $0x1  }
0x273: {  	v38 =	vmul.f32 v35, v38;
	_ =	sdelay $0x1  }
0x274: {  	v38 =	vadd.f32 v38, v36;
	_ =	sdelay $0x1  }
0x275: {  	[tilespmem:v50+s19+$0x0] =	vst.idx.msk vm0, v38  }
0x276: {  	v38 =	vld [tilespmem:s12+$0xFFFFFF80]  }
0x277: {  	v39 =	vld [tilespmem:s12+$0xFFFFFF90];
	_ =	sdelay $0x1  }
0x278: {  	v51 =	vld [tilespmem:s12+$0xFFFFFFA0];
	_ =	sdelay $0x1  }
0x279: {  	v52 =	vld [tilespmem:s12+$0xFFFFFFB0]  }
0x27a: {  	v38 =	vmul.f32 v38, v31;
	v39 =	vmul.f32 v39, v32;
	_ =	sdelay $0x1  }
0x27b: {  	v53 =	vmul.f32 v51, v33;
	v38 =	vadd.f32 v39, v38;
	_ =	sdelay $0x1  }
0x27c: {  	v54 =	vmul.f32 v52, v34;
	v38 =	vadd.f32 v53, v38;
	_ =	sdelay $0x1  }
0x27d: {  	v38 =	vadd.f32 v54, v38;
	_ =	sdelay $0x1  }
0x27e: {  	v39 =	vperm.xlane v38, v1;
	_ =	sdelay $0x1  }
0x27f: {  	v38 =	vadd.f32 v38, v39;
	_ =	sdelay $0x1  }
0x280: {  	v39 =	vperm.xlane v38, v2;
	_ =	sdelay $0x1  }
0x281: {  	v38 =	vadd.f32 v38, v39;
	_ =	sdelay $0x1  }
0x282: {  	v39 =	vperm.xlane v38, v3;
	_ =	sdelay $0x1  }
0x283: {  	v38 =	vadd.f32 v38, v39;
	_ =	sdelay $0x1  }
0x284: {  	v39 =	vperm.xlane v38, v4  }
0x285: {  	v55 =	vadd.s32 $0x6, v37  }
0x286: {  	v56 =	vbroadcast v55, $0x0;
	v38 =	vadd.f32 v38, v39;
	_ =	sdelay $0x1  }
0x287: {  	v38 =	vmul.f32 v35, v38;
	_ =	sdelay $0x1  }
0x288: {  	v38 =	vadd.f32 v38, v36;
	_ =	sdelay $0x1  }
0x289: {  	[tilespmem:v56+s19+$0x0] =	vst.idx.msk vm0, v38  }
0x28a: {  	v38 =	vld [tilespmem:s12+$0xFFFFFFC0]  }
0x28b: {  	v39 =	vld [tilespmem:s12+$0xFFFFFFD0];
	_ =	sdelay $0x1  }
0x28c: {  	v57 =	vld [tilespmem:s12+$0xFFFFFFE0];
	_ =	sdelay $0x1  }
0x28d: {  	v58 =	vld [tilespmem:s12+$0xFFFFFFF0]  }
0x28e: {  	v38 =	vmul.f32 v38, v31;
	v39 =	vmul.f32 v39, v32;
	_ =	sdelay $0x1  }
0x28f: {  	v59 =	vmul.f32 v57, v33;
	v38 =	vadd.f32 v39, v38;
	_ =	sdelay $0x1  }
0x290: {  	v60 =	vmul.f32 v58, v34;
	v38 =	vadd.f32 v59, v38;
	_ =	sdelay $0x1  }
0x291: {  	v38 =	vadd.f32 v60, v38;
	_ =	sdelay $0x1  }
0x292: {  	v39 =	vperm.xlane v38, v1;
	_ =	sdelay $0x1  }
0x293: {  	v38 =	vadd.f32 v38, v39;
	_ =	sdelay $0x1  }
0x294: {  	v39 =	vperm.xlane v38, v2;
	_ =	sdelay $0x1  }
0x295: {  	v38 =	vadd.f32 v38, v39;
	_ =	sdelay $0x1  }
0x296: {  	v39 =	vperm.xlane v38, v3;
	_ =	sdelay $0x1  }
0x297: {  	v38 =	vadd.f32 v38, v39;
	_ =	sdelay $0x1  }
0x298: {  	v39 =	vperm.xlane v38, v4  }
0x299: {  	v37 =	vadd.s32 $0x7, v37  }
0x29a: {  	v37 =	vbroadcast v37, $0x0;
	v38 =	vadd.f32 v38, v39;
	_ =	sdelay $0x1  }
0x29b: {  	v38 =	vmul.f32 v35, v38;
	_ =	sdelay $0x1  }
0x29c: {  	v38 =	vadd.f32 v38, v36;
	_ =	sdelay $0x1  }
0x29d: {  	[tilespmem:v37+s19+$0x0] =	vst.idx.msk vm0, v38  }
0x29e: {  	v37 =	vld [tilespmem:s12+$0x0]  }
0x29f: {  	v38 =	vld [tilespmem:s12+$0x10];
	_ =	sdelay $0x1  }
0x2a0: {  	v61 =	vld [tilespmem:s12+$0x20];
	_ =	sdelay $0x1  }
0x2a1: {  	v62 =	vld [tilespmem:s12+$0x30]  }
0x2a2: {  	v37 =	vmul.f32 v37, v31;
	v38 =	vmul.f32 v38, v32;
	_ =	sdelay $0x1  }
0x2a3: {  	v63 =	vmul.f32 v61, v33;
	v37 =	vadd.f32 v38, v37;
	_ =	sdelay $0x1  }
0x2a4: {  	v41 =	vmul.f32 v62, v34;
	v37 =	vadd.f32 v63, v37;
	_ =	sdelay $0x1  }
0x2a5: {  	v37 =	vadd.f32 v41, v37;
	_ =	sdelay $0x1  }
0x2a6: {  	v38 =	vperm.xlane v37, v1;
	_ =	sdelay $0x1  }
0x2a7: {  	v37 =	vadd.f32 v37, v38;
	_ =	sdelay $0x1  }
0x2a8: {  	v38 =	vperm.xlane v37, v2;
	_ =	sdelay $0x1  }
0x2a9: {  	v37 =	vadd.f32 v37, v38;
	_ =	sdelay $0x1  }
0x2aa: {  	v38 =	vperm.xlane v37, v3;
	_ =	sdelay $0x1  }
0x2ab: {  	s28 =	sadd.s32 $0x8, s24;
	v37 =	vadd.f32 v37, v38  }
0x2ac: {  	v42 =	vmov s28  }
0x2ad: {  	v38 =	vshrl.u32 v42, $0x3;
	v43 =	vperm.xlane v37, v4  }
0x2ae: {  	v38 =	vshll.u32 v38, v30  }
0x2af: {  	v38 =	vbroadcast v38, $0x0;
	v37 =	vadd.f32 v37, v43;
	_ =	sdelay $0x1  }
0x2b0: {  	v37 =	vmul.f32 v35, v37;
	_ =	sdelay $0x1  }
0x2b1: {  	v37 =	vadd.f32 v37, v36;
	_ =	sdelay $0x1  }
0x2b2: {  	[tilespmem:v38+s19+$0x0] =	vst.idx.msk vm0, v37  }
0x2b3: {  	v37 =	vld [tilespmem:s12+$0x40]  }
0x2b4: {  	v38 =	vld [tilespmem:s12+$0x50];
	_ =	sdelay $0x1  }
0x2b5: {  	v44 =	vld [tilespmem:s12+$0x60];
	_ =	sdelay $0x1  }
0x2b6: {  	v45 =	vld [tilespmem:s12+$0x70]  }
0x2b7: {  	v37 =	vmul.f32 v37, v31;
	v38 =	vmul.f32 v38, v32;
	_ =	sdelay $0x1  }
0x2b8: {  	v46 =	vmul.f32 v44, v33;
	v37 =	vadd.f32 v38, v37;
	_ =	sdelay $0x1  }
0x2b9: {  	v47 =	vmul.f32 v45, v34;
	v37 =	vadd.f32 v46, v37;
	_ =	sdelay $0x1  }
0x2ba: {  	v37 =	vadd.f32 v47, v37;
	_ =	sdelay $0x1  }
0x2bb: {  	v38 =	vperm.xlane v37, v1;
	_ =	sdelay $0x1  }
0x2bc: {  	v37 =	vadd.f32 v37, v38;
	_ =	sdelay $0x1  }
0x2bd: {  	v38 =	vperm.xlane v37, v2;
	_ =	sdelay $0x1  }
0x2be: {  	v37 =	vadd.f32 v37, v38;
	_ =	sdelay $0x1  }
0x2bf: {  	v38 =	vperm.xlane v37, v3  }
0x2c0: {  	s28 =	sadd.s32 $0x9, s24  }
0x2c1: {  	v48 =	vmov s28;
	v37 =	vadd.f32 v37, v38  }
0x2c2: {  	v38 =	vshrl.u32 v48, $0x3  }
0x2c3: {  	v38 =	vshll.u32 v38, v30;
	v49 =	vperm.xlane v37, v4  }
0x2c4: {  	v38 =	vadd.s32 $0x1, v38  }
0x2c5: {  	v38 =	vbroadcast v38, $0x0;
	v37 =	vadd.f32 v37, v49;
	_ =	sdelay $0x1  }
0x2c6: {  	v37 =	vmul.f32 v35, v37;
	_ =	sdelay $0x1  }
0x2c7: {  	v37 =	vadd.f32 v37, v36;
	_ =	sdelay $0x1  }
0x2c8: {  	[tilespmem:v38+s19+$0x0] =	vst.idx.msk vm0, v37  }
0x2c9: {  	v37 =	vld [tilespmem:s12+$0x80]  }
0x2ca: {  	v38 =	vld [tilespmem:s12+$0x90];
	_ =	sdelay $0x1  }
0x2cb: {  	v50 =	vld [tilespmem:s12+$0xA0];
	_ =	sdelay $0x1  }
0x2cc: {  	v51 =	vld [tilespmem:s12+$0xB0]  }
0x2cd: {  	v37 =	vmul.f32 v37, v31;
	v38 =	vmul.f32 v38, v32;
	_ =	sdelay $0x1  }
0x2ce: {  	v52 =	vmul.f32 v50, v33;
	v37 =	vadd.f32 v38, v37;
	_ =	sdelay $0x1  }
0x2cf: {  	v53 =	vmul.f32 v51, v34;
	v37 =	vadd.f32 v52, v37;
	_ =	sdelay $0x1  }
0x2d0: {  	v37 =	vadd.f32 v53, v37;
	_ =	sdelay $0x1  }
0x2d1: {  	v38 =	vperm.xlane v37, v1;
	_ =	sdelay $0x1  }
0x2d2: {  	v37 =	vadd.f32 v37, v38;
	_ =	sdelay $0x1  }
0x2d3: {  	v38 =	vperm.xlane v37, v2;
	_ =	sdelay $0x1  }
0x2d4: {  	v37 =	vadd.f32 v37, v38;
	_ =	sdelay $0x1  }
0x2d5: {  	v38 =	vperm.xlane v37, v3  }
0x2d6: {  	s28 =	sadd.s32 $0xA, s24  }
0x2d7: {  	v54 =	vmov s28;
	v37 =	vadd.f32 v37, v38  }
0x2d8: {  	v38 =	vshrl.u32 v54, $0x3  }
0x2d9: {  	v38 =	vshll.u32 v38, v30;
	v55 =	vperm.xlane v37, v4  }
0x2da: {  	v38 =	vadd.s32 $0x2, v38  }
0x2db: {  	v38 =	vbroadcast v38, $0x0;
	v37 =	vadd.f32 v37, v55;
	_ =	sdelay $0x1  }
0x2dc: {  	v37 =	vmul.f32 v35, v37;
	_ =	sdelay $0x1  }
0x2dd: {  	v37 =	vadd.f32 v37, v36;
	_ =	sdelay $0x1  }
0x2de: {  	[tilespmem:v38+s19+$0x0] =	vst.idx.msk vm0, v37  }
0x2df: {  	v37 =	vld [tilespmem:s12+$0xC0]  }
0x2e0: {  	v38 =	vld [tilespmem:s12+$0xD0];
	_ =	sdelay $0x1  }
0x2e1: {  	v56 =	vld [tilespmem:s12+$0xE0];
	_ =	sdelay $0x1  }
0x2e2: {  	v57 =	vld [tilespmem:s12+$0xF0]  }
0x2e3: {  	v37 =	vmul.f32 v37, v31;
	v38 =	vmul.f32 v38, v32;
	_ =	sdelay $0x1  }
0x2e4: {  	v58 =	vmul.f32 v56, v33;
	v37 =	vadd.f32 v38, v37;
	_ =	sdelay $0x1  }
0x2e5: {  	v59 =	vmul.f32 v57, v34;
	v37 =	vadd.f32 v58, v37;
	_ =	sdelay $0x1  }
0x2e6: {  	v37 =	vadd.f32 v59, v37;
	_ =	sdelay $0x1  }
0x2e7: {  	v38 =	vperm.xlane v37, v1;
	_ =	sdelay $0x1  }
0x2e8: {  	v37 =	vadd.f32 v37, v38;
	_ =	sdelay $0x1  }
0x2e9: {  	v38 =	vperm.xlane v37, v2;
	_ =	sdelay $0x1  }
0x2ea: {  	v37 =	vadd.f32 v37, v38;
	_ =	sdelay $0x1  }
0x2eb: {  	v38 =	vperm.xlane v37, v3  }
0x2ec: {  	s28 =	sadd.s32 $0xB, s24  }
0x2ed: {  	v60 =	vmov s28;
	v37 =	vadd.f32 v37, v38  }
0x2ee: {  	v38 =	vshrl.u32 v60, $0x3  }
0x2ef: {  	v38 =	vshll.u32 v38, v30;
	v61 =	vperm.xlane v37, v4  }
0x2f0: {  	v38 =	vadd.s32 $0x3, v38  }
0x2f1: {  	v38 =	vbroadcast v38, $0x0;
	v37 =	vadd.f32 v37, v61;
	_ =	sdelay $0x1  }
0x2f2: {  	v37 =	vmul.f32 v35, v37;
	_ =	sdelay $0x1  }
0x2f3: {  	v37 =	vadd.f32 v37, v36;
	_ =	sdelay $0x1  }
0x2f4: {  	[tilespmem:v38+s19+$0x0] =	vst.idx.msk vm0, v37  }
0x2f5: {  	v37 =	vld [tilespmem:s12+$0x100]  }
0x2f6: {  	v38 =	vld [tilespmem:s12+$0x110];
	_ =	sdelay $0x1  }
0x2f7: {  	v62 =	vld [tilespmem:s12+$0x120];
	_ =	sdelay $0x1  }
0x2f8: {  	v63 =	vld [tilespmem:s12+$0x130]  }
0x2f9: {  	v37 =	vmul.f32 v37, v31;
	v38 =	vmul.f32 v38, v32;
	_ =	sdelay $0x1  }
0x2fa: {  	v42 =	vmul.f32 v62, v33;
	v37 =	vadd.f32 v38, v37;
	_ =	sdelay $0x1  }
0x2fb: {  	v43 =	vmul.f32 v63, v34;
	v37 =	vadd.f32 v42, v37;
	_ =	sdelay $0x1  }
0x2fc: {  	v37 =	vadd.f32 v43, v37;
	_ =	sdelay $0x1  }
0x2fd: {  	v38 =	vperm.xlane v37, v1;
	_ =	sdelay $0x1  }
0x2fe: {  	v37 =	vadd.f32 v37, v38;
	_ =	sdelay $0x1  }
0x2ff: {  	v38 =	vperm.xlane v37, v2;
	_ =	sdelay $0x1  }
0x300: {  	v37 =	vadd.f32 v37, v38;
	_ =	sdelay $0x1  }
0x301: {  	v38 =	vperm.xlane v37, v3  }
0x302: {  	s28 =	sadd.s32 $0xC, s24  }
0x303: {  	v44 =	vmov s28;
	v37 =	vadd.f32 v37, v38  }
0x304: {  	v38 =	vshrl.u32 v44, $0x3  }
0x305: {  	v38 =	vshll.u32 v38, v30;
	v45 =	vperm.xlane v37, v4  }
0x306: {  	v38 =	vadd.s32 $0x4, v38  }
0x307: {  	v38 =	vbroadcast v38, $0x0;
	v37 =	vadd.f32 v37, v45;
	_ =	sdelay $0x1  }
0x308: {  	v37 =	vmul.f32 v35, v37;
	_ =	sdelay $0x1  }
0x309: {  	v37 =	vadd.f32 v37, v36;
	_ =	sdelay $0x1  }
0x30a: {  	[tilespmem:v38+s19+$0x0] =	vst.idx.msk vm0, v37  }
0x30b: {  	v37 =	vld [tilespmem:s12+$0x140]  }
0x30c: {  	v38 =	vld [tilespmem:s12+$0x150];
	_ =	sdelay $0x1  }
0x30d: {  	v46 =	vld [tilespmem:s12+$0x160];
	_ =	sdelay $0x1  }
0x30e: {  	v47 =	vld [tilespmem:s12+$0x170]  }
0x30f: {  	v37 =	vmul.f32 v37, v31;
	v38 =	vmul.f32 v38, v32;
	_ =	sdelay $0x1  }
0x310: {  	v48 =	vmul.f32 v46, v33;
	v37 =	vadd.f32 v38, v37;
	_ =	sdelay $0x1  }
0x311: {  	v49 =	vmul.f32 v47, v34;
	v37 =	vadd.f32 v48, v37;
	_ =	sdelay $0x1  }
0x312: {  	v37 =	vadd.f32 v49, v37;
	_ =	sdelay $0x1  }
0x313: {  	v38 =	vperm.xlane v37, v1;
	_ =	sdelay $0x1  }
0x314: {  	v37 =	vadd.f32 v37, v38;
	_ =	sdelay $0x1  }
0x315: {  	v38 =	vperm.xlane v37, v2;
	_ =	sdelay $0x1  }
0x316: {  	v37 =	vadd.f32 v37, v38;
	_ =	sdelay $0x1  }
0x317: {  	v38 =	vperm.xlane v37, v3  }
0x318: {  	s28 =	sadd.s32 $0xD, s24  }
0x319: {  	v50 =	vmov s28;
	v37 =	vadd.f32 v37, v38  }
0x31a: {  	v38 =	vshrl.u32 v50, $0x3  }
0x31b: {  	v38 =	vshll.u32 v38, v30;
	v51 =	vperm.xlane v37, v4  }
0x31c: {  	v38 =	vadd.s32 $0x5, v38  }
0x31d: {  	v38 =	vbroadcast v38, $0x0;
	v37 =	vadd.f32 v37, v51;
	_ =	sdelay $0x1  }
0x31e: {  	v37 =	vmul.f32 v35, v37;
	_ =	sdelay $0x1  }
0x31f: {  	v37 =	vadd.f32 v37, v36;
	_ =	sdelay $0x1  }
0x320: {  	[tilespmem:v38+s19+$0x0] =	vst.idx.msk vm0, v37  }
0x321: {  	v37 =	vld [tilespmem:s12+$0x180]  }
0x322: {  	v38 =	vld [tilespmem:s12+$0x190];
	_ =	sdelay $0x1  }
0x323: {  	v52 =	vld [tilespmem:s12+$0x1A0];
	_ =	sdelay $0x1  }
0x324: {  	v53 =	vld [tilespmem:s12+$0x1B0]  }
0x325: {  	v37 =	vmul.f32 v37, v31;
	v38 =	vmul.f32 v38, v32;
	_ =	sdelay $0x1  }
0x326: {  	v54 =	vmul.f32 v52, v33;
	v37 =	vadd.f32 v38, v37;
	_ =	sdelay $0x1  }
0x327: {  	v55 =	vmul.f32 v53, v34;
	v37 =	vadd.f32 v54, v37;
	_ =	sdelay $0x1  }
0x328: {  	v37 =	vadd.f32 v55, v37;
	_ =	sdelay $0x1  }
0x329: {  	v38 =	vperm.xlane v37, v1;
	_ =	sdelay $0x1  }
0x32a: {  	v37 =	vadd.f32 v37, v38;
	_ =	sdelay $0x1  }
0x32b: {  	v38 =	vperm.xlane v37, v2;
	_ =	sdelay $0x1  }
0x32c: {  	v37 =	vadd.f32 v37, v38;
	_ =	sdelay $0x1  }
0x32d: {  	v38 =	vperm.xlane v37, v3  }
0x32e: {  	s28 =	sadd.s32 $0xE, s24  }
0x32f: {  	v56 =	vmov s28;
	v37 =	vadd.f32 v37, v38  }
0x330: {  	v38 =	vshrl.u32 v56, $0x3  }
0x331: {  	v38 =	vshll.u32 v38, v30;
	v57 =	vperm.xlane v37, v4  }
0x332: {  	v38 =	vadd.s32 $0x6, v38  }
0x333: {  	v38 =	vbroadcast v38, $0x0;
	v37 =	vadd.f32 v37, v57;
	_ =	sdelay $0x1  }
0x334: {  	v37 =	vmul.f32 v35, v37;
	_ =	sdelay $0x1  }
0x335: {  	v37 =	vadd.f32 v37, v36;
	_ =	sdelay $0x1  }
0x336: {  	[tilespmem:v38+s19+$0x0] =	vst.idx.msk vm0, v37  }
0x337: {  	v37 =	vld [tilespmem:s12+$0x1C0]  }
0x338: {  	v38 =	vld [tilespmem:s12+$0x1D0];
	_ =	sdelay $0x1  }
0x339: {  	v58 =	vld [tilespmem:s12+$0x1E0];
	_ =	sdelay $0x1  }
0x33a: {  	v59 =	vld [tilespmem:s12+$0x1F0]  }
0x33b: {  	v37 =	vmul.f32 v37, v31;
	v38 =	vmul.f32 v38, v32;
	_ =	sdelay $0x1  }
0x33c: {  	v60 =	vmul.f32 v58, v33;
	v37 =	vadd.f32 v38, v37;
	_ =	sdelay $0x1  }
0x33d: {  	v61 =	vmul.f32 v59, v34;
	v37 =	vadd.f32 v60, v37;
	_ =	sdelay $0x1  }
0x33e: {  	v37 =	vadd.f32 v61, v37;
	_ =	sdelay $0x1  }
0x33f: {  	v38 =	vperm.xlane v37, v1;
	_ =	sdelay $0x1  }
0x340: {  	v37 =	vadd.f32 v37, v38;
	_ =	sdelay $0x1  }
0x341: {  	v38 =	vperm.xlane v37, v2;
	_ =	sdelay $0x1  }
0x342: {  	v37 =	vadd.f32 v37, v38;
	_ =	sdelay $0x1  }
0x343: {  	v38 =	vperm.xlane v37, v3  }
0x344: {  	s28 =	sadd.s32 $0xF, s24  }
0x345: {  	v62 =	vmov s28;
	v37 =	vadd.f32 v37, v38  }
0x346: {  	v38 =	vshrl.u32 v62, $0x3  }
0x347: {  	v38 =	vshll.u32 v38, v30;
	v63 =	vperm.xlane v37, v4  }
0x348: {  	v38 =	vadd.s32 $0x7, v38  }
0x349: {  	v38 =	vbroadcast v38, $0x0;
	v37 =	vadd.f32 v37, v63  }
0x34a: {  	p1 =	sne.s32 s24, $0x1C8  }
.Ltmp2:
0x34b: {  	v35 =	vmul.f32 v35, v37;
	(pc) =	sbr.rel @p1 .LBB2_3-.Ltmp2, $4  }
0x34c: {  	_ = 	snop  }
0x34d: {  	v35 =	vadd.f32 v35, v36  }
0x34e: {  	s10 =	sadd.s32 $0x1, s10  }
0x34f: {  	s26 =	sadd.s32 $0x40, s26;
	s24 =	sadd.s32 $0x18, s24;
	s12 =	sadd.s32 $0x400, s12;
	[tilespmem:v38+s19+$0x0] =	vst.idx.msk vm0, v35  }
0x350: {  	s10 =	smul.u32 $0x3, s14;
	_ =	sdelay $0x1  }
0x351: {  	s28 =	smul.u32 $0x3C, s14;
	p1 =	seq.s32 s8, $0x3F;
	s10 =	sadd.s32 s6, s10  }
0x352: {  	[hbm4b:s10+s2] =	stream.linear.scatter [tilespmem:s18], [sflag:$0x5], $0x18, $0x38;
	[tilespmem:$0xBE10] =	vst v63  }
0x353: {  	s12 =	smul.u32 @!p1 $0x190, s14;
	s10 =	sadd.s32 s7, s28  }
0x354: {  	[hbm4b:s10+s2] =	stream.linear.scatter [tilespmem:s19], [sflag:$0x5], $0x1E0, $0x38;
	[tilespmem:$0xBE10] =	vst v63  }
0x355: {  	s10 =	sshrl.u32 @!p1 s12, $0x3  }
0x356: {  	s10 =	sadd.s32 @!p1 s5, s10  }
0x357: {  	s12 =	simm.s32 @!p1 $0x0;
	s10 =	sadd.s32 @!p1 $0x64, s10  }
0x358: {  	[tilespmem:s12], [sflag:$0x1] =	stream.linear.gather @!p1 [hbm4b:s10+s12], $0x190, $0x38;
	[tilespmem:$0xBE10] =	vst v63  }
0x359: {  	s10 =	simm.s32 @!p1 $0x1  }
0x35a: {  	_ =	swait.ge @!p1 [sflag:s10], $0x190  }
0x35b: {  	[sflag:s10] =	ssyncset.done @!p1 $0x0  }
0x35c: {  	s24 =	simm.s32 @!p1 $0x320;
	[sflag:s10] =	ssyncadd.s32 @!p1 $0xFFFFFE70;
	s10 =	simm.s32 @!p1 $0x9  }
0x35d: {  	[tilespmem:s24], [sflag:$0x3] =	stream.indirect.gather @!p1 [hbm4b:s3+s10], $0x40, s12, s10, $0xb8;
	[tilespmem:$0xBE10] =	vst v63  }
0x35e: {  	s10 =	simm.s32 @!p1 $0x25;
	s12 =	simm.s32 @!p1 $0x10;
	s24 =	simm.s32 @!p1 $0x7A0  }
0x35f: {  	[tilespmem:s24], [sflag:$0x3] =	stream.indirect.gather @!p1 [hbm4b:s4+s10], $0x40, s12, s10, $0xb8;
	[tilespmem:$0xBE10] =	vst v63  }
0x360: {  	s10 =	simm.s32 @!p1 $0xA0;
	s12 =	simm.s32 @!p1 $0x40;
	s24 =	simm.s32 @!p1 $0x1A20  }
0x361: {  	[tilespmem:s24], [sflag:$0x3] =	stream.indirect.gather @!p1 [hbm4b:s4+s10], $0x40, s12, s10, $0xb8;
	[tilespmem:$0xBE10] =	vst v63  }
0x362: {  	s12 =	simm.s32 @!p1 $0xE0;
	s24 =	simm.s32 @!p1 $0x4220  }
0x363: {  	[tilespmem:s24], [sflag:$0x3] =	stream.indirect.gather @!p1 [hbm4b:s4+s10], $0x40, s12, s10, $0xb8;
	[tilespmem:$0xBE10] =	vst v63  }
0x364: {  	_ =	swait.ge [sflag:s21], $0x240  }
0x365: {  	[sflag:s21] =	ssyncset.done $0x0  }
0x366: {  	[sflag:s21] =	ssyncadd.s32 $0xFFFFFDC0  }
0x367: {  	_ =	swait.ge [sflag:s21], $0x940  }
0x368: {  	[sflag:s21] =	ssyncset.done $0x0  }
0x369: {  	[sflag:s21] =	ssyncadd.s32 $0xFFFFF6C0  }
0x36a: {  	_ =	swait.ge [sflag:s21], $0x2800  }
0x36b: {  	[sflag:s21] =	ssyncset.done $0x0  }
0x36c: {  	[sflag:s21] =	ssyncadd.s32 $0xFFFFD800  }
0x36d: {  	_ =	swait.ge [sflag:s21], $0x2800  }
0x36e: {  	[sflag:s21] =	ssyncset.done $0x0  }
0x36f: {  	s10 =	simm.s32 @!p0 $0x6;
	[sflag:s21] =	ssyncadd.s32 $0xFFFFD800  }
0x370: {  	_ =	swait.ge @!p0 [sflag:s10], $0x18  }
0x371: {  	[sflag:s10] =	ssyncset.done @!p0 $0x0  }
0x372: {  	[sflag:s10] =	ssyncadd.s32 @!p0 $0xFFFFFFE8  }
0x373: {  	_ =	swait.ge @!p0 [sflag:s10], $0x1E0  }
0x374: {  	[sflag:s10] =	ssyncset.done @!p0 $0x0  }
0x375: {  	[sflag:s10] =	ssyncadd.s32 @!p0 $0xFFFFFE20  }
0x376: {  	v31 =	vld [tilespmem:$0x560]  }
0x377: {  	v32 =	vld [tilespmem:$0x570]  }
0x378: {  	v35 =	vld [tilespmem:$0x10E0]  }
0x379: {  	v36 =	vld [tilespmem:$0x10F0]  }
0x37a: {  	v33 =	vld [tilespmem:$0x580]  }
0x37b: {  	v37 =	vld [tilespmem:$0x1100]  }
0x37c: {  	v34 =	vld [tilespmem:$0x590]  }
0x37d: {  	v38 =	vld [tilespmem:$0x1110]  }
0x37e: {  	v35 =	vmul.f32 v35, v31;
	v36 =	vmul.f32 v36, v32;
	_ =	sdelay $0x1  }
0x37f: {  	v47 =	vmul.f32 v37, v33;
	v35 =	vadd.f32 v36, v35;
	_ =	sdelay $0x1  }
0x380: {  	v48 =	vmul.f32 v38, v34;
	v35 =	vadd.f32 v47, v35;
	_ =	sdelay $0x1  }
0x381: {  	v35 =	vadd.f32 v48, v35;
	_ =	sdelay $0x1  }
0x382: {  	v36 =	vperm.xlane v35, v1;
	_ =	sdelay $0x1  }
0x383: {  	v35 =	vadd.f32 v35, v36;
	_ =	sdelay $0x1  }
0x384: {  	v36 =	vperm.xlane v35, v2;
	_ =	sdelay $0x1  }
0x385: {  	v35 =	vadd.f32 v35, v36;
	_ =	sdelay $0x1  }
0x386: {  	v36 =	vperm.xlane v35, v3;
	_ =	sdelay $0x1  }
0x387: {  	v35 =	vadd.f32 v35, v36;
	_ =	sdelay $0x1  }
0x388: {  	v36 =	vperm.xlane v35, v4;
	_ =	sdelay $0x1  }
0x389: {  	v35 =	vadd.f32 v35, v36;
	_ =	sdelay $0x1  }
0x38a: {  	v35 =	vsub.f32 $0.0e+00, v35;
	_ =	sdelay $0x1  }
0x38b: {  	[tilespmem:v5+s22+$0x0] =	vst.idx.msk vm0, v35  }
0x38c: {  	v35 =	vld [tilespmem:$0x1120]  }
0x38d: {  	v49 =	vld [tilespmem:$0x1130];
	_ =	sdelay $0x1  }
0x38e: {  	v50 =	vld [tilespmem:$0x1140];
	_ =	sdelay $0x1  }
0x38f: {  	v51 =	vld [tilespmem:$0x1150]  }
0x390: {  	v35 =	vmul.f32 v35, v31;
	v36 =	vmul.f32 v49, v32;
	_ =	sdelay $0x1  }
0x391: {  	v52 =	vmul.f32 v50, v33;
	v35 =	vadd.f32 v36, v35;
	_ =	sdelay $0x1  }
0x392: {  	v53 =	vmul.f32 v51, v34;
	v35 =	vadd.f32 v52, v35;
	_ =	sdelay $0x1  }
0x393: {  	v35 =	vadd.f32 v53, v35;
	_ =	sdelay $0x1  }
0x394: {  	v36 =	vperm.xlane v35, v1;
	_ =	sdelay $0x1  }
0x395: {  	v35 =	vadd.f32 v35, v36;
	_ =	sdelay $0x1  }
0x396: {  	v36 =	vperm.xlane v35, v2;
	_ =	sdelay $0x1  }
0x397: {  	v35 =	vadd.f32 v35, v36;
	_ =	sdelay $0x1  }
0x398: {  	v36 =	vperm.xlane v35, v3;
	_ =	sdelay $0x1  }
0x399: {  	v35 =	vadd.f32 v35, v36;
	_ =	sdelay $0x1  }
0x39a: {  	v36 =	vperm.xlane v35, v4;
	_ =	sdelay $0x1  }
0x39b: {  	v35 =	vadd.f32 v35, v36;
	_ =	sdelay $0x1  }
0x39c: {  	[tilespmem:v6+s22+$0x0] =	vst.idx.msk vm0, v35  }
0x39d: {  	v35 =	vld [tilespmem:$0x1160]  }
0x39e: {  	v54 =	vld [tilespmem:$0x1170];
	_ =	sdelay $0x1  }
0x39f: {  	v55 =	vld [tilespmem:$0x1180];
	_ =	sdelay $0x1  }
0x3a0: {  	v56 =	vld [tilespmem:$0x1190]  }
0x3a1: {  	v35 =	vmul.f32 v35, v31;
	v36 =	vmul.f32 v54, v32;
	_ =	sdelay $0x1  }
0x3a2: {  	v57 =	vmul.f32 v55, v33;
	v35 =	vadd.f32 v36, v35;
	_ =	sdelay $0x1  }
0x3a3: {  	v58 =	vmul.f32 v56, v34;
	v35 =	vadd.f32 v57, v35;
	_ =	sdelay $0x1  }
0x3a4: {  	v35 =	vadd.f32 v58, v35;
	_ =	sdelay $0x1  }
0x3a5: {  	v36 =	vperm.xlane v35, v1;
	_ =	sdelay $0x1  }
0x3a6: {  	v35 =	vadd.f32 v35, v36;
	_ =	sdelay $0x1  }
0x3a7: {  	v36 =	vperm.xlane v35, v2;
	_ =	sdelay $0x1  }
0x3a8: {  	v35 =	vadd.f32 v35, v36;
	_ =	sdelay $0x1  }
0x3a9: {  	v36 =	vperm.xlane v35, v3;
	_ =	sdelay $0x1  }
0x3aa: {  	v35 =	vadd.f32 v35, v36;
	_ =	sdelay $0x1  }
0x3ab: {  	v36 =	vperm.xlane v35, v4;
	_ =	sdelay $0x1  }
0x3ac: {  	v35 =	vadd.f32 v35, v36;
	_ =	sdelay $0x1  }
0x3ad: {  	[tilespmem:v7+s22+$0x0] =	vst.idx.msk vm0, v35  }
0x3ae: {  	v35 =	vld [tilespmem:$0x11A0]  }
0x3af: {  	v59 =	vld [tilespmem:$0x11B0];
	_ =	sdelay $0x1  }
0x3b0: {  	v60 =	vld [tilespmem:$0x11C0];
	_ =	sdelay $0x1  }
0x3b1: {  	v61 =	vld [tilespmem:$0x11D0]  }
0x3b2: {  	v35 =	vmul.f32 v35, v31;
	v36 =	vmul.f32 v59, v32;
	_ =	sdelay $0x1  }
0x3b3: {  	v62 =	vmul.f32 v60, v33;
	v35 =	vadd.f32 v36, v35;
	_ =	sdelay $0x1  }
0x3b4: {  	v63 =	vmul.f32 v61, v34;
	v35 =	vadd.f32 v62, v35;
	_ =	sdelay $0x1  }
0x3b5: {  	v35 =	vadd.f32 v63, v35;
	_ =	sdelay $0x1  }
0x3b6: {  	v36 =	vperm.xlane v35, v1;
	_ =	sdelay $0x1  }
0x3b7: {  	v35 =	vadd.f32 v35, v36;
	_ =	sdelay $0x1  }
0x3b8: {  	v36 =	vperm.xlane v35, v2;
	_ =	sdelay $0x1  }
0x3b9: {  	v35 =	vadd.f32 v35, v36;
	_ =	sdelay $0x1  }
0x3ba: {  	v36 =	vperm.xlane v35, v3;
	_ =	sdelay $0x1  }
0x3bb: {  	v35 =	vadd.f32 v35, v36;
	_ =	sdelay $0x1  }
0x3bc: {  	v36 =	vperm.xlane v35, v4;
	_ =	sdelay $0x1  }
0x3bd: {  	v35 =	vadd.f32 v35, v36;
	_ =	sdelay $0x1  }
0x3be: {  	[tilespmem:v8+s22+$0x0] =	vst.idx.msk vm0, v35  }
0x3bf: {  	v35 =	vld [tilespmem:$0x11E0]  }
0x3c0: {  	v40 =	vld [tilespmem:$0x11F0];
	_ =	sdelay $0x1  }
0x3c1: {  	v41 =	vld [tilespmem:$0x1200];
	_ =	sdelay $0x1  }
0x3c2: {  	v42 =	vld [tilespmem:$0x1210]  }
0x3c3: {  	v35 =	vmul.f32 v35, v31;
	v36 =	vmul.f32 v40, v32;
	_ =	sdelay $0x1  }
0x3c4: {  	v43 =	vmul.f32 v41, v33;
	v35 =	vadd.f32 v36, v35;
	_ =	sdelay $0x1  }
0x3c5: {  	v44 =	vmul.f32 v42, v34;
	v35 =	vadd.f32 v43, v35;
	_ =	sdelay $0x1  }
0x3c6: {  	v35 =	vadd.f32 v44, v35;
	_ =	sdelay $0x1  }
0x3c7: {  	v36 =	vperm.xlane v35, v1;
	_ =	sdelay $0x1  }
0x3c8: {  	v35 =	vadd.f32 v35, v36;
	_ =	sdelay $0x1  }
0x3c9: {  	v36 =	vperm.xlane v35, v2;
	_ =	sdelay $0x1  }
0x3ca: {  	v35 =	vadd.f32 v35, v36;
	_ =	sdelay $0x1  }
0x3cb: {  	v36 =	vperm.xlane v35, v3;
	_ =	sdelay $0x1  }
0x3cc: {  	v35 =	vadd.f32 v35, v36;
	_ =	sdelay $0x1  }
0x3cd: {  	v36 =	vperm.xlane v35, v4;
	_ =	sdelay $0x1  }
0x3ce: {  	v35 =	vadd.f32 v35, v36;
	_ =	sdelay $0x1  }
0x3cf: {  	[tilespmem:v9+s22+$0x0] =	vst.idx.msk vm0, v35  }
0x3d0: {  	v35 =	vld [tilespmem:$0x1220]  }
0x3d1: {  	v45 =	vld [tilespmem:$0x1230];
	_ =	sdelay $0x1  }
0x3d2: {  	v46 =	vld [tilespmem:$0x1240];
	_ =	sdelay $0x1  }
0x3d3: {  	v47 =	vld [tilespmem:$0x1250]  }
0x3d4: {  	v35 =	vmul.f32 v35, v31;
	v36 =	vmul.f32 v45, v32;
	_ =	sdelay $0x1  }
0x3d5: {  	v48 =	vmul.f32 v46, v33;
	v35 =	vadd.f32 v36, v35;
	_ =	sdelay $0x1  }
0x3d6: {  	v49 =	vmul.f32 v47, v34;
	v35 =	vadd.f32 v48, v35;
	_ =	sdelay $0x1  }
0x3d7: {  	v35 =	vadd.f32 v49, v35;
	_ =	sdelay $0x1  }
0x3d8: {  	v36 =	vperm.xlane v35, v1;
	_ =	sdelay $0x1  }
0x3d9: {  	v35 =	vadd.f32 v35, v36;
	_ =	sdelay $0x1  }
0x3da: {  	v36 =	vperm.xlane v35, v2;
	_ =	sdelay $0x1  }
0x3db: {  	v35 =	vadd.f32 v35, v36;
	_ =	sdelay $0x1  }
0x3dc: {  	v36 =	vperm.xlane v35, v3;
	_ =	sdelay $0x1  }
0x3dd: {  	v35 =	vadd.f32 v35, v36;
	_ =	sdelay $0x1  }
0x3de: {  	v36 =	vperm.xlane v35, v4;
	_ =	sdelay $0x1  }
0x3df: {  	v35 =	vadd.f32 v35, v36;
	_ =	sdelay $0x1  }
0x3e0: {  	[tilespmem:v10+s22+$0x0] =	vst.idx.msk vm0, v35  }
0x3e1: {  	v35 =	vld [tilespmem:$0x1260]  }
0x3e2: {  	v50 =	vld [tilespmem:$0x1270];
	_ =	sdelay $0x1  }
0x3e3: {  	v51 =	vld [tilespmem:$0x1280];
	_ =	sdelay $0x1  }
0x3e4: {  	v52 =	vld [tilespmem:$0x1290]  }
0x3e5: {  	v35 =	vmul.f32 v35, v31;
	v36 =	vmul.f32 v50, v32;
	_ =	sdelay $0x1  }
0x3e6: {  	v53 =	vmul.f32 v51, v33;
	v35 =	vadd.f32 v36, v35;
	_ =	sdelay $0x1  }
0x3e7: {  	v54 =	vmul.f32 v52, v34;
	v35 =	vadd.f32 v53, v35;
	_ =	sdelay $0x1  }
0x3e8: {  	v35 =	vadd.f32 v54, v35;
	_ =	sdelay $0x1  }
0x3e9: {  	v36 =	vperm.xlane v35, v1;
	_ =	sdelay $0x1  }
0x3ea: {  	v35 =	vadd.f32 v35, v36;
	_ =	sdelay $0x1  }
0x3eb: {  	v36 =	vperm.xlane v35, v2;
	_ =	sdelay $0x1  }
0x3ec: {  	v35 =	vadd.f32 v35, v36;
	_ =	sdelay $0x1  }
0x3ed: {  	v36 =	vperm.xlane v35, v3;
	_ =	sdelay $0x1  }
0x3ee: {  	v35 =	vadd.f32 v35, v36;
	_ =	sdelay $0x1  }
0x3ef: {  	v36 =	vperm.xlane v35, v4;
	_ =	sdelay $0x1  }
0x3f0: {  	v35 =	vadd.f32 v35, v36;
	_ =	sdelay $0x1  }
0x3f1: {  	[tilespmem:v11+s22+$0x0] =	vst.idx.msk vm0, v35  }
0x3f2: {  	v35 =	vld [tilespmem:$0x12A0]  }
0x3f3: {  	v55 =	vld [tilespmem:$0x12B0];
	_ =	sdelay $0x1  }
0x3f4: {  	v56 =	vld [tilespmem:$0x12C0];
	_ =	sdelay $0x1  }
0x3f5: {  	v57 =	vld [tilespmem:$0x12D0]  }
0x3f6: {  	v35 =	vmul.f32 v35, v31;
	v36 =	vmul.f32 v55, v32;
	_ =	sdelay $0x1  }
0x3f7: {  	v58 =	vmul.f32 v56, v33;
	v35 =	vadd.f32 v36, v35;
	_ =	sdelay $0x1  }
0x3f8: {  	v59 =	vmul.f32 v57, v34;
	v35 =	vadd.f32 v58, v35;
	_ =	sdelay $0x1  }
0x3f9: {  	v35 =	vadd.f32 v59, v35;
	_ =	sdelay $0x1  }
0x3fa: {  	v36 =	vperm.xlane v35, v1;
	_ =	sdelay $0x1  }
0x3fb: {  	v35 =	vadd.f32 v35, v36;
	_ =	sdelay $0x1  }
0x3fc: {  	v36 =	vperm.xlane v35, v2;
	_ =	sdelay $0x1  }
0x3fd: {  	v35 =	vadd.f32 v35, v36;
	_ =	sdelay $0x1  }
0x3fe: {  	v36 =	vperm.xlane v35, v3;
	_ =	sdelay $0x1  }
0x3ff: {  	v35 =	vadd.f32 v35, v36;
	_ =	sdelay $0x1  }
0x400: {  	v36 =	vperm.xlane v35, v4;
	_ =	sdelay $0x1  }
0x401: {  	v35 =	vadd.f32 v35, v36;
	_ =	sdelay $0x1  }
0x402: {  	[tilespmem:v12+s22+$0x0] =	vst.idx.msk vm0, v35  }
0x403: {  	v35 =	vld [tilespmem:$0x12E0]  }
0x404: {  	v60 =	vld [tilespmem:$0x12F0];
	_ =	sdelay $0x1  }
0x405: {  	v61 =	vld [tilespmem:$0x1300];
	_ =	sdelay $0x1  }
0x406: {  	v62 =	vld [tilespmem:$0x1310]  }
0x407: {  	v35 =	vmul.f32 v35, v31;
	v36 =	vmul.f32 v60, v32;
	_ =	sdelay $0x1  }
0x408: {  	v63 =	vmul.f32 v61, v33;
	v35 =	vadd.f32 v36, v35;
	_ =	sdelay $0x1  }
0x409: {  	v40 =	vmul.f32 v62, v34;
	v35 =	vadd.f32 v63, v35;
	_ =	sdelay $0x1  }
0x40a: {  	v35 =	vadd.f32 v40, v35;
	_ =	sdelay $0x1  }
0x40b: {  	v36 =	vperm.xlane v35, v1;
	_ =	sdelay $0x1  }
0x40c: {  	v35 =	vadd.f32 v35, v36;
	_ =	sdelay $0x1  }
0x40d: {  	v36 =	vperm.xlane v35, v2;
	_ =	sdelay $0x1  }
0x40e: {  	v35 =	vadd.f32 v35, v36;
	_ =	sdelay $0x1  }
0x40f: {  	v36 =	vperm.xlane v35, v3;
	_ =	sdelay $0x1  }
0x410: {  	v35 =	vadd.f32 v35, v36;
	_ =	sdelay $0x1  }
0x411: {  	v36 =	vperm.xlane v35, v4;
	_ =	sdelay $0x1  }
0x412: {  	v35 =	vadd.f32 v35, v36;
	_ =	sdelay $0x1  }
0x413: {  	[tilespmem:v13+s22+$0x0] =	vst.idx.msk vm0, v35  }
0x414: {  	v35 =	vld [tilespmem:$0x1320]  }
0x415: {  	v41 =	vld [tilespmem:$0x1330];
	_ =	sdelay $0x1  }
0x416: {  	v42 =	vld [tilespmem:$0x1340];
	_ =	sdelay $0x1  }
0x417: {  	v43 =	vld [tilespmem:$0x1350]  }
0x418: {  	v35 =	vmul.f32 v35, v31;
	v36 =	vmul.f32 v41, v32;
	_ =	sdelay $0x1  }
0x419: {  	v44 =	vmul.f32 v42, v33;
	v35 =	vadd.f32 v36, v35;
	_ =	sdelay $0x1  }
0x41a: {  	v45 =	vmul.f32 v43, v34;
	v35 =	vadd.f32 v44, v35;
	_ =	sdelay $0x1  }
0x41b: {  	v35 =	vadd.f32 v45, v35;
	_ =	sdelay $0x1  }
0x41c: {  	v36 =	vperm.xlane v35, v1;
	_ =	sdelay $0x1  }
0x41d: {  	v35 =	vadd.f32 v35, v36;
	_ =	sdelay $0x1  }
0x41e: {  	v36 =	vperm.xlane v35, v2;
	_ =	sdelay $0x1  }
0x41f: {  	v35 =	vadd.f32 v35, v36;
	_ =	sdelay $0x1  }
0x420: {  	v36 =	vperm.xlane v35, v3;
	_ =	sdelay $0x1  }
0x421: {  	v35 =	vadd.f32 v35, v36;
	_ =	sdelay $0x1  }
0x422: {  	v36 =	vperm.xlane v35, v4;
	_ =	sdelay $0x1  }
0x423: {  	v35 =	vadd.f32 v35, v36;
	_ =	sdelay $0x1  }
0x424: {  	[tilespmem:v14+s22+$0x0] =	vst.idx.msk vm0, v35  }
0x425: {  	v35 =	vld [tilespmem:$0x1360]  }
0x426: {  	v46 =	vld [tilespmem:$0x1370];
	_ =	sdelay $0x1  }
0x427: {  	v47 =	vld [tilespmem:$0x1380];
	_ =	sdelay $0x1  }
0x428: {  	v48 =	vld [tilespmem:$0x1390]  }
0x429: {  	v35 =	vmul.f32 v35, v31;
	v36 =	vmul.f32 v46, v32;
	_ =	sdelay $0x1  }
0x42a: {  	v49 =	vmul.f32 v47, v33;
	v35 =	vadd.f32 v36, v35;
	_ =	sdelay $0x1  }
0x42b: {  	v50 =	vmul.f32 v48, v34;
	v35 =	vadd.f32 v49, v35;
	_ =	sdelay $0x1  }
0x42c: {  	v35 =	vadd.f32 v50, v35;
	_ =	sdelay $0x1  }
0x42d: {  	v36 =	vperm.xlane v35, v1;
	_ =	sdelay $0x1  }
0x42e: {  	v35 =	vadd.f32 v35, v36;
	_ =	sdelay $0x1  }
0x42f: {  	v36 =	vperm.xlane v35, v2;
	_ =	sdelay $0x1  }
0x430: {  	v35 =	vadd.f32 v35, v36;
	_ =	sdelay $0x1  }
0x431: {  	v36 =	vperm.xlane v35, v3;
	_ =	sdelay $0x1  }
0x432: {  	v35 =	vadd.f32 v35, v36;
	_ =	sdelay $0x1  }
0x433: {  	v36 =	vperm.xlane v35, v4;
	_ =	sdelay $0x1  }
0x434: {  	v35 =	vadd.f32 v35, v36;
	_ =	sdelay $0x1  }
0x435: {  	[tilespmem:v15+s22+$0x0] =	vst.idx.msk vm0, v35  }
0x436: {  	v35 =	vld [tilespmem:$0x13A0]  }
0x437: {  	v51 =	vld [tilespmem:$0x13B0];
	_ =	sdelay $0x1  }
0x438: {  	v52 =	vld [tilespmem:$0x13C0];
	_ =	sdelay $0x1  }
0x439: {  	v53 =	vld [tilespmem:$0x13D0]  }
0x43a: {  	v35 =	vmul.f32 v35, v31;
	v36 =	vmul.f32 v51, v32;
	_ =	sdelay $0x1  }
0x43b: {  	v54 =	vmul.f32 v52, v33;
	v35 =	vadd.f32 v36, v35;
	_ =	sdelay $0x1  }
0x43c: {  	v55 =	vmul.f32 v53, v34;
	v35 =	vadd.f32 v54, v35;
	_ =	sdelay $0x1  }
0x43d: {  	v35 =	vadd.f32 v55, v35;
	_ =	sdelay $0x1  }
0x43e: {  	v36 =	vperm.xlane v35, v1;
	_ =	sdelay $0x1  }
0x43f: {  	v35 =	vadd.f32 v35, v36;
	_ =	sdelay $0x1  }
0x440: {  	v36 =	vperm.xlane v35, v2;
	_ =	sdelay $0x1  }
0x441: {  	v35 =	vadd.f32 v35, v36;
	_ =	sdelay $0x1  }
0x442: {  	v36 =	vperm.xlane v35, v3;
	_ =	sdelay $0x1  }
0x443: {  	v35 =	vadd.f32 v35, v36;
	_ =	sdelay $0x1  }
0x444: {  	v36 =	vperm.xlane v35, v4;
	_ =	sdelay $0x1  }
0x445: {  	v35 =	vadd.f32 v35, v36;
	_ =	sdelay $0x1  }
0x446: {  	[tilespmem:v16+s22+$0x0] =	vst.idx.msk vm0, v35  }
0x447: {  	v35 =	vld [tilespmem:$0x13E0]  }
0x448: {  	v56 =	vld [tilespmem:$0x13F0];
	_ =	sdelay $0x1  }
0x449: {  	v57 =	vld [tilespmem:$0x1400];
	_ =	sdelay $0x1  }
0x44a: {  	v58 =	vld [tilespmem:$0x1410]  }
0x44b: {  	v35 =	vmul.f32 v35, v31;
	v36 =	vmul.f32 v56, v32;
	_ =	sdelay $0x1  }
0x44c: {  	v59 =	vmul.f32 v57, v33;
	v35 =	vadd.f32 v36, v35;
	_ =	sdelay $0x1  }
0x44d: {  	v60 =	vmul.f32 v58, v34;
	v35 =	vadd.f32 v59, v35;
	_ =	sdelay $0x1  }
0x44e: {  	v35 =	vadd.f32 v60, v35;
	_ =	sdelay $0x1  }
0x44f: {  	v36 =	vperm.xlane v35, v1;
	_ =	sdelay $0x1  }
0x450: {  	v35 =	vadd.f32 v35, v36;
	_ =	sdelay $0x1  }
0x451: {  	v36 =	vperm.xlane v35, v2;
	_ =	sdelay $0x1  }
0x452: {  	v35 =	vadd.f32 v35, v36;
	_ =	sdelay $0x1  }
0x453: {  	v36 =	vperm.xlane v35, v3;
	_ =	sdelay $0x1  }
0x454: {  	v35 =	vadd.f32 v35, v36;
	_ =	sdelay $0x1  }
0x455: {  	v36 =	vperm.xlane v35, v4;
	_ =	sdelay $0x1  }
0x456: {  	v35 =	vadd.f32 v35, v36;
	_ =	sdelay $0x1  }
0x457: {  	[tilespmem:v17+s22+$0x0] =	vst.idx.msk vm0, v35  }
0x458: {  	v35 =	vld [tilespmem:$0x1420]  }
0x459: {  	v61 =	vld [tilespmem:$0x1430];
	_ =	sdelay $0x1  }
0x45a: {  	v62 =	vld [tilespmem:$0x1440];
	_ =	sdelay $0x1  }
0x45b: {  	v63 =	vld [tilespmem:$0x1450]  }
0x45c: {  	v35 =	vmul.f32 v35, v31;
	v36 =	vmul.f32 v61, v32;
	_ =	sdelay $0x1  }
0x45d: {  	v40 =	vmul.f32 v62, v33;
	v35 =	vadd.f32 v36, v35;
	_ =	sdelay $0x1  }
0x45e: {  	v41 =	vmul.f32 v63, v34;
	v35 =	vadd.f32 v40, v35;
	_ =	sdelay $0x1  }
0x45f: {  	v35 =	vadd.f32 v41, v35;
	_ =	sdelay $0x1  }
0x460: {  	v36 =	vperm.xlane v35, v1;
	_ =	sdelay $0x1  }
0x461: {  	v35 =	vadd.f32 v35, v36;
	_ =	sdelay $0x1  }
0x462: {  	v36 =	vperm.xlane v35, v2;
	_ =	sdelay $0x1  }
0x463: {  	v35 =	vadd.f32 v35, v36;
	_ =	sdelay $0x1  }
0x464: {  	v36 =	vperm.xlane v35, v3;
	_ =	sdelay $0x1  }
0x465: {  	v35 =	vadd.f32 v35, v36;
	_ =	sdelay $0x1  }
0x466: {  	v36 =	vperm.xlane v35, v4;
	_ =	sdelay $0x1  }
0x467: {  	v35 =	vadd.f32 v35, v36;
	_ =	sdelay $0x1  }
0x468: {  	[tilespmem:v18+s22+$0x0] =	vst.idx.msk vm0, v35  }
0x469: {  	v35 =	vld [tilespmem:$0x1460]  }
0x46a: {  	v42 =	vld [tilespmem:$0x1470];
	_ =	sdelay $0x1  }
0x46b: {  	v43 =	vld [tilespmem:$0x1480];
	_ =	sdelay $0x1  }
0x46c: {  	v44 =	vld [tilespmem:$0x1490]  }
0x46d: {  	v35 =	vmul.f32 v35, v31;
	v36 =	vmul.f32 v42, v32;
	_ =	sdelay $0x1  }
0x46e: {  	v45 =	vmul.f32 v43, v33;
	v35 =	vadd.f32 v36, v35;
	_ =	sdelay $0x1  }
0x46f: {  	v46 =	vmul.f32 v44, v34;
	v35 =	vadd.f32 v45, v35;
	_ =	sdelay $0x1  }
0x470: {  	v35 =	vadd.f32 v46, v35;
	_ =	sdelay $0x1  }
0x471: {  	v36 =	vperm.xlane v35, v1;
	_ =	sdelay $0x1  }
0x472: {  	v35 =	vadd.f32 v35, v36;
	_ =	sdelay $0x1  }
0x473: {  	v36 =	vperm.xlane v35, v2;
	_ =	sdelay $0x1  }
0x474: {  	v35 =	vadd.f32 v35, v36;
	_ =	sdelay $0x1  }
0x475: {  	v36 =	vperm.xlane v35, v3;
	_ =	sdelay $0x1  }
0x476: {  	v35 =	vadd.f32 v35, v36;
	_ =	sdelay $0x1  }
0x477: {  	v36 =	vperm.xlane v35, v4;
	_ =	sdelay $0x1  }
0x478: {  	v35 =	vadd.f32 v35, v36;
	_ =	sdelay $0x1  }
0x479: {  	[tilespmem:v19+s22+$0x0] =	vst.idx.msk vm0, v35  }
0x47a: {  	v35 =	vld [tilespmem:$0x14A0]  }
0x47b: {  	v47 =	vld [tilespmem:$0x14B0];
	_ =	sdelay $0x1  }
0x47c: {  	v48 =	vld [tilespmem:$0x14C0];
	_ =	sdelay $0x1  }
0x47d: {  	v49 =	vld [tilespmem:$0x14D0]  }
0x47e: {  	v35 =	vmul.f32 v35, v31;
	v36 =	vmul.f32 v47, v32;
	_ =	sdelay $0x1  }
0x47f: {  	v50 =	vmul.f32 v48, v33;
	v35 =	vadd.f32 v36, v35;
	_ =	sdelay $0x1  }
0x480: {  	v51 =	vmul.f32 v49, v34;
	v35 =	vadd.f32 v50, v35;
	_ =	sdelay $0x1  }
0x481: {  	v35 =	vadd.f32 v51, v35;
	_ =	sdelay $0x1  }
0x482: {  	v36 =	vperm.xlane v35, v1;
	_ =	sdelay $0x1  }
0x483: {  	v35 =	vadd.f32 v35, v36;
	_ =	sdelay $0x1  }
0x484: {  	v36 =	vperm.xlane v35, v2;
	_ =	sdelay $0x1  }
0x485: {  	v35 =	vadd.f32 v35, v36;
	_ =	sdelay $0x1  }
0x486: {  	v36 =	vperm.xlane v35, v3;
	_ =	sdelay $0x1  }
0x487: {  	v35 =	vadd.f32 v35, v36;
	_ =	sdelay $0x1  }
0x488: {  	v36 =	vperm.xlane v35, v4;
	_ =	sdelay $0x1  }
0x489: {  	v35 =	vadd.f32 v35, v36;
	_ =	sdelay $0x1  }
0x48a: {  	[tilespmem:v20+s22+$0x0] =	vst.idx.msk vm0, v35  }
0x48b: {  	v35 =	vld [tilespmem:$0x14E0]  }
0x48c: {  	v52 =	vld [tilespmem:$0x14F0];
	_ =	sdelay $0x1  }
0x48d: {  	v53 =	vld [tilespmem:$0x1500];
	_ =	sdelay $0x1  }
0x48e: {  	v54 =	vld [tilespmem:$0x1510]  }
0x48f: {  	v31 =	vmul.f32 v35, v31;
	v32 =	vmul.f32 v52, v32;
	_ =	sdelay $0x1  }
0x490: {  	v55 =	vmul.f32 v53, v33;
	v31 =	vadd.f32 v32, v31;
	_ =	sdelay $0x1  }
0x491: {  	v56 =	vmul.f32 v54, v34;
	v31 =	vadd.f32 v55, v31;
	_ =	sdelay $0x1  }
0x492: {  	v31 =	vadd.f32 v56, v31;
	_ =	sdelay $0x1  }
0x493: {  	v32 =	vperm.xlane v31, v1;
	_ =	sdelay $0x1  }
0x494: {  	v31 =	vadd.f32 v31, v32;
	_ =	sdelay $0x1  }
0x495: {  	v32 =	vperm.xlane v31, v2;
	_ =	sdelay $0x1  }
0x496: {  	v31 =	vadd.f32 v31, v32;
	_ =	sdelay $0x1  }
0x497: {  	v32 =	vperm.xlane v31, v3;
	_ =	sdelay $0x1  }
0x498: {  	v31 =	vadd.f32 v31, v32;
	_ =	sdelay $0x1  }
0x499: {  	v32 =	vperm.xlane v31, v4;
	_ =	sdelay $0x1  }
0x49a: {  	v31 =	vadd.f32 v31, v32;
	_ =	sdelay $0x1  }
0x49b: {  	[tilespmem:v21+s22+$0x0] =	vst.idx.msk vm0, v31  }
0x49c: {  	v31 =	vld.idx.msk [tilespmem:v22+s13+$0x0], $0xffff  }
0x49d: {  	v57 =	vld [tilespmem:$0x5A0]  }
0x49e: {  	v58 =	vld [tilespmem:$0x5B0]  }
0x49f: {  	v59 =	vld [tilespmem:$0x5C0]  }
0x4a0: {  	v60 =	vld [tilespmem:$0x5D0]  }
0x4a1: {  	v61 =	vld.idx.msk [tilespmem:v23+s13+$0x0], $0xffff  }
0x4a2: {  	v62 =	vld [tilespmem:$0x5E0]  }
0x4a3: {  	v63 =	vld [tilespmem:$0x5F0]  }
0x4a4: {  	v39 =	vld [tilespmem:$0x600]  }
0x4a5: {  	v40 =	vld [tilespmem:$0x610]  }
0x4a6: {  	v41 =	vld.idx.msk [tilespmem:v24+s13+$0x0], $0xffff  }
0x4a7: {  	v42 =	vld [tilespmem:$0x620]  }
0x4a8: {  	v43 =	vld [tilespmem:$0x630]  }
0x4a9: {  	v44 =	vld [tilespmem:$0x640]  }
0x4aa: {  	v45 =	vld [tilespmem:$0x650]  }
0x4ab: {  	v46 =	vld.idx.msk [tilespmem:v25+s13+$0x0], $0xffff  }
0x4ac: {  	v47 =	vld [tilespmem:$0x660]  }
0x4ad: {  	v48 =	vld [tilespmem:$0x670]  }
0x4ae: {  	v49 =	vld [tilespmem:$0x680]  }
0x4af: {  	v50 =	vld [tilespmem:$0x690]  }
0x4b0: {  	v51 =	vld.idx.msk [tilespmem:v26+s13+$0x0], $0xffff  }
0x4b1: {  	v52 =	vld [tilespmem:$0x6A0]  }
0x4b2: {  	v53 =	vld [tilespmem:$0x6B0]  }
0x4b3: {  	v54 =	vld [tilespmem:$0x6C0];
	v32 =	vmul.f32 v31, v57;
	v33 =	vmul.f32 v31, v58  }
0x4b4: {  	v55 =	vld [tilespmem:$0x6D0];
	v34 =	vmul.f32 v31, v59;
	v31 =	vmul.f32 v31, v60  }
0x4b5: {  	v56 =	vld.idx.msk [tilespmem:v27+s13+$0x0], $0xffff;
	v37 =	vmul.f32 v61, v62;
	v38 =	vmul.f32 v61, v63  }
0x4b6: {  	v35 =	vld [tilespmem:$0x6E0];
	v39 =	vmul.f32 v61, v39;
	v36 =	vmul.f32 v61, v40  }
0x4b7: {  	v57 =	vld [tilespmem:$0x6F0];
	v63 =	vmul.f32 v46, v47;
	v48 =	vmul.f32 v46, v48  }
0x4b8: {  	v49 =	vmul.f32 v46, v49;
	v58 =	vmul.f32 v46, v50;
	v46 =	vld.idx.msk [tilespmem:v29+s13+$0x0], $0xffff  }
0x4b9: {  	v60 =	vmul.f32 v41, v42;
	v59 =	vmul.f32 v51, v52;
	v52 =	vld [tilespmem:$0x770];
	v32 =	vadd.f32 $0.0e+00, v32  }
0x4ba: {  	v40 =	vld [tilespmem:$0x700];
	v61 =	vmul.f32 v41, v43;
	v33 =	vadd.f32 $0.0e+00, v33;
	v34 =	vadd.f32 $0.0e+00, v34  }
0x4bb: {  	v62 =	vmul.f32 v41, v44;
	v42 =	vld [tilespmem:$0x720];
	v31 =	vadd.f32 $0.0e+00, v31;
	v32 =	vadd.f32 v37, v32  }
0x4bc: {  	v41 =	vmul.f32 v41, v45;
	v33 =	vadd.f32 v38, v33;
	v38 =	vld [tilespmem:$0x710];
	v34 =	vadd.f32 v39, v34  }
0x4bd: {  	v35 =	vmul.f32 v56, v35;
	v31 =	vadd.f32 v36, v31;
	v39 =	vld.idx.msk [tilespmem:v28+s13+$0x0], $0xffff;
	v32 =	vadd.f32 v60, v32  }
0x4be: {  	v44 =	vld [tilespmem:$0x730];
	v37 =	vmul.f32 v46, v52;
	v33 =	vadd.f32 v61, v33;
	v34 =	vadd.f32 v62, v34  }
0x4bf: {  	v43 =	vld [tilespmem:$0x750];
	v31 =	vadd.f32 v41, v31;
	v60 =	vmul.f32 v51, v53;
	v61 =	vmul.f32 v51, v54  }
0x4c0: {  	v41 =	vld [tilespmem:$0x740];
	v62 =	vmul.f32 v51, v55;
	v53 =	vmul.f32 v56, v57;
	v32 =	vadd.f32 v63, v32  }
0x4c1: {  	v54 =	vld [tilespmem:$0x780];
	v55 =	vmul.f32 v56, v40;
	v33 =	vadd.f32 v48, v33;
	v34 =	vadd.f32 v49, v34  }
0x4c2: {  	v31 =	vadd.f32 v58, v31;
	v63 =	vld [tilespmem:$0x760];
	v38 =	vmul.f32 v56, v38;
	v57 =	vmul.f32 v39, v42  }
0x4c3: {  	v56 =	vld [tilespmem:$0x790];
	v58 =	vmul.f32 v39, v44;
	v32 =	vadd.f32 v59, v32;
	v33 =	vadd.f32 v60, v33  }
0x4c4: {  	v34 =	vadd.f32 v61, v34;
	v31 =	vadd.f32 v62, v31;
	v60 =	vmul.f32 v39, v43  }
0x4c5: {  	v59 =	vmul.f32 v39, v41;
	v32 =	vadd.f32 v35, v32;
	v33 =	vadd.f32 v53, v33  }
0x4c6: {  	v62 =	vmul.f32 v46, v54;
	v34 =	vadd.f32 v55, v34;
	v31 =	vadd.f32 v38, v31  }
0x4c7: {  	v61 =	vmul.f32 v46, v63;
	v32 =	vadd.f32 v57, v32;
	v33 =	vadd.f32 v58, v33  }
0x4c8: {  	s14 =	sor.u32 @!p1 $0x1, s14;
	v34 =	vadd.f32 v59, v34;
	v36 =	vadd.f32 v60, v31;
	v63 =	vmul.f32 v46, v56  }
0x4c9: {  	s26 =	simm.s32 $0x1550;
	s14 =	smov.u32 @p1 s11;
	v31 =	vadd.f32 v61, v32;
	v32 =	vadd.f32 v37, v33  }
0x4ca: {  	s24 =	simm.s32 $0x0;
	s12 =	simm.s32 $0x6C20;
	s10 =	simm.s32 $0x21;
	v33 =	vadd.f32 v62, v34;
	v34 =	vadd.f32 v63, v36  }
.LBB2_5:
0x4cb: {  	v35 =	vld [tilespmem:s26+$0xFFFFFFD0]  }
0x4cc: {  	v36 =	vld [tilespmem:s26+$0xFFFFFFE0];
	_ =	sdelay $0x1  }
0x4cd: {  	v37 =	vld [tilespmem:s26+$0xFFFFFFF0];
	_ =	sdelay $0x1  }
0x4ce: {  	v38 =	vld [tilespmem:s26+$0x0]  }
0x4cf: {  	v35 =	vmul.f32 v35, v31;
	v36 =	vmul.f32 v36, v32;
	_ =	sdelay $0x1  }
0x4d0: {  	v48 =	vmul.f32 v37, v33;
	v35 =	vadd.f32 v36, v35;
	_ =	sdelay $0x1  }
0x4d1: {  	v49 =	vmul.f32 v38, v34;
	v35 =	vadd.f32 v48, v35;
	_ =	sdelay $0x1  }
0x4d2: {  	v35 =	vadd.f32 v49, v35;
	_ =	sdelay $0x1  }
0x4d3: {  	v36 =	vperm.xlane v35, v1;
	_ =	sdelay $0x1  }
0x4d4: {  	v35 =	vadd.f32 v35, v36;
	_ =	sdelay $0x1  }
0x4d5: {  	v50 =	vmov s10;
	v51 =	vperm.xlane v35, v2;
	_ =	sdelay $0x1  }
0x4d6: {  	v35 =	vadd.f32 v35, v51;
	_ =	sdelay $0x1  }
0x4d7: {  	v37 =	vperm.xlane v35, v3  }
0x4d8: {  	v36 =	vld.idx.msk [tilespmem:v50+s13+$0x0], $0xffff  }
0x4d9: {  	v35 =	vadd.f32 v35, v37;
	_ =	sdelay $0x1  }
0x4da: {  	s28 =	sadd.s32 $0x10, s24;
	v37 =	vperm.xlane v35, v4  }
0x4db: {  	v52 =	vmov s28  }
0x4dc: {  	v54 =	vshrl.u32 v52, $0x3;
	vm2 =	vne.s32 v36, $0x0;
	v53 =	vadd.f32 v35, v37  }
0x4dd: {  	v35 =	vsel vm2, $0x3F800000, v6;
	v37 =	vshll.u32 v54, v30  }
0x4de: {  	v55 =	vadd.f32 $-1.000000000e+00, v35;
	v37 =	vbroadcast v37, $0x0;
	v39 =	vsub.f32 $0.0e+00, v53;
	_ =	sdelay $0x1  }
0x4df: {  	v36 =	vmul.f32 $1.000000000e+02, v55;
	v56 =	vmul.f32 v35, v39;
	_ =	sdelay $0x1  }
0x4e0: {  	v38 =	vadd.f32 v56, v36;
	_ =	sdelay $0x1  }
0x4e1: {  	[tilespmem:v37+s23+$0x0] =	vst.idx.msk vm0, v38  }
0x4e2: {  	v37 =	vld [tilespmem:s12+$0xFFFFFE00]  }
0x4e3: {  	v38 =	vld [tilespmem:s12+$0xFFFFFE10];
	_ =	sdelay $0x1  }
0x4e4: {  	v57 =	vld [tilespmem:s12+$0xFFFFFE20];
	_ =	sdelay $0x1  }
0x4e5: {  	v40 =	vld [tilespmem:s12+$0xFFFFFE30]  }
0x4e6: {  	v37 =	vmul.f32 v37, v31;
	v38 =	vmul.f32 v38, v32;
	_ =	sdelay $0x1  }
0x4e7: {  	v58 =	vmul.f32 v57, v33;
	v37 =	vadd.f32 v38, v37;
	_ =	sdelay $0x1  }
0x4e8: {  	v59 =	vmul.f32 v40, v34;
	v37 =	vadd.f32 v58, v37;
	_ =	sdelay $0x1  }
0x4e9: {  	v37 =	vadd.f32 v59, v37;
	_ =	sdelay $0x1  }
0x4ea: {  	v38 =	vperm.xlane v37, v1;
	_ =	sdelay $0x1  }
0x4eb: {  	v37 =	vadd.f32 v37, v38;
	_ =	sdelay $0x1  }
0x4ec: {  	v38 =	vperm.xlane v37, v2;
	_ =	sdelay $0x1  }
0x4ed: {  	v37 =	vadd.f32 v37, v38;
	_ =	sdelay $0x1  }
0x4ee: {  	v38 =	vperm.xlane v37, v3;
	_ =	sdelay $0x1  }
0x4ef: {  	v38 =	vadd.f32 v37, v38  }
0x4f0: {  	v60 =	vmov s24  }
0x4f1: {  	v37 =	vshrl.u32 v60, $0x3;
	v61 =	vperm.xlane v38, v4  }
0x4f2: {  	v37 =	vshll.u32 v37, v30  }
0x4f3: {  	v62 =	vbroadcast v37, $0x0;
	v38 =	vadd.f32 v38, v61;
	_ =	sdelay $0x1  }
0x4f4: {  	v38 =	vmul.f32 v35, v38;
	_ =	sdelay $0x1  }
0x4f5: {  	v38 =	vadd.f32 v38, v36;
	_ =	sdelay $0x1  }
0x4f6: {  	[tilespmem:v62+s23+$0x0] =	vst.idx.msk vm0, v38  }
0x4f7: {  	v38 =	vld [tilespmem:s12+$0xFFFFFE40]  }
0x4f8: {  	v39 =	vld [tilespmem:s12+$0xFFFFFE50];
	_ =	sdelay $0x1  }
0x4f9: {  	v63 =	vld [tilespmem:s12+$0xFFFFFE60];
	_ =	sdelay $0x1  }
0x4fa: {  	v41 =	vld [tilespmem:s12+$0xFFFFFE70]  }
0x4fb: {  	v38 =	vmul.f32 v38, v31;
	v39 =	vmul.f32 v39, v32;
	_ =	sdelay $0x1  }
0x4fc: {  	v43 =	vmul.f32 v63, v33;
	v38 =	vadd.f32 v39, v38;
	_ =	sdelay $0x1  }
0x4fd: {  	v44 =	vmul.f32 v41, v34;
	v38 =	vadd.f32 v43, v38;
	_ =	sdelay $0x1  }
0x4fe: {  	v38 =	vadd.f32 v44, v38;
	_ =	sdelay $0x1  }
0x4ff: {  	v39 =	vperm.xlane v38, v1;
	_ =	sdelay $0x1  }
0x500: {  	v38 =	vadd.f32 v38, v39;
	_ =	sdelay $0x1  }
0x501: {  	v39 =	vperm.xlane v38, v2;
	_ =	sdelay $0x1  }
0x502: {  	v38 =	vadd.f32 v38, v39;
	_ =	sdelay $0x1  }
0x503: {  	v39 =	vperm.xlane v38, v3;
	_ =	sdelay $0x1  }
0x504: {  	v38 =	vadd.f32 v38, v39;
	_ =	sdelay $0x1  }
0x505: {  	v39 =	vperm.xlane v38, v4  }
0x506: {  	v45 =	vadd.s32 $0x1, v37  }
0x507: {  	v46 =	vbroadcast v45, $0x0;
	v38 =	vadd.f32 v38, v39;
	_ =	sdelay $0x1  }
0x508: {  	v38 =	vmul.f32 v35, v38;
	_ =	sdelay $0x1  }
0x509: {  	v38 =	vadd.f32 v38, v36;
	_ =	sdelay $0x1  }
0x50a: {  	[tilespmem:v46+s23+$0x0] =	vst.idx.msk vm0, v38  }
0x50b: {  	v38 =	vld [tilespmem:s12+$0xFFFFFE80]  }
0x50c: {  	v39 =	vld [tilespmem:s12+$0xFFFFFE90];
	_ =	sdelay $0x1  }
0x50d: {  	v47 =	vld [tilespmem:s12+$0xFFFFFEA0];
	_ =	sdelay $0x1  }
0x50e: {  	v48 =	vld [tilespmem:s12+$0xFFFFFEB0]  }
0x50f: {  	v38 =	vmul.f32 v38, v31;
	v39 =	vmul.f32 v39, v32;
	_ =	sdelay $0x1  }
0x510: {  	v49 =	vmul.f32 v47, v33;
	v38 =	vadd.f32 v39, v38;
	_ =	sdelay $0x1  }
0x511: {  	v50 =	vmul.f32 v48, v34;
	v38 =	vadd.f32 v49, v38;
	_ =	sdelay $0x1  }
0x512: {  	v38 =	vadd.f32 v50, v38;
	_ =	sdelay $0x1  }
0x513: {  	v39 =	vperm.xlane v38, v1;
	_ =	sdelay $0x1  }
0x514: {  	v38 =	vadd.f32 v38, v39;
	_ =	sdelay $0x1  }
0x515: {  	v39 =	vperm.xlane v38, v2;
	_ =	sdelay $0x1  }
0x516: {  	v38 =	vadd.f32 v38, v39;
	_ =	sdelay $0x1  }
0x517: {  	v39 =	vperm.xlane v38, v3;
	_ =	sdelay $0x1  }
0x518: {  	v38 =	vadd.f32 v38, v39;
	_ =	sdelay $0x1  }
0x519: {  	v39 =	vperm.xlane v38, v4  }
0x51a: {  	v51 =	vadd.s32 $0x2, v37  }
0x51b: {  	v52 =	vbroadcast v51, $0x0;
	v38 =	vadd.f32 v38, v39;
	_ =	sdelay $0x1  }
0x51c: {  	v38 =	vmul.f32 v35, v38;
	_ =	sdelay $0x1  }
0x51d: {  	v38 =	vadd.f32 v38, v36;
	_ =	sdelay $0x1  }
0x51e: {  	[tilespmem:v52+s23+$0x0] =	vst.idx.msk vm0, v38  }
0x51f: {  	v38 =	vld [tilespmem:s12+$0xFFFFFEC0]  }
0x520: {  	v39 =	vld [tilespmem:s12+$0xFFFFFED0];
	_ =	sdelay $0x1  }
0x521: {  	v53 =	vld [tilespmem:s12+$0xFFFFFEE0];
	_ =	sdelay $0x1  }
0x522: {  	v54 =	vld [tilespmem:s12+$0xFFFFFEF0]  }
0x523: {  	v38 =	vmul.f32 v38, v31;
	v39 =	vmul.f32 v39, v32;
	_ =	sdelay $0x1  }
0x524: {  	v55 =	vmul.f32 v53, v33;
	v38 =	vadd.f32 v39, v38;
	_ =	sdelay $0x1  }
0x525: {  	v56 =	vmul.f32 v54, v34;
	v38 =	vadd.f32 v55, v38;
	_ =	sdelay $0x1  }
0x526: {  	v38 =	vadd.f32 v56, v38;
	_ =	sdelay $0x1  }
0x527: {  	v39 =	vperm.xlane v38, v1;
	_ =	sdelay $0x1  }
0x528: {  	v38 =	vadd.f32 v38, v39;
	_ =	sdelay $0x1  }
0x529: {  	v39 =	vperm.xlane v38, v2;
	_ =	sdelay $0x1  }
0x52a: {  	v38 =	vadd.f32 v38, v39;
	_ =	sdelay $0x1  }
0x52b: {  	v39 =	vperm.xlane v38, v3;
	_ =	sdelay $0x1  }
0x52c: {  	v38 =	vadd.f32 v38, v39;
	_ =	sdelay $0x1  }
0x52d: {  	v39 =	vperm.xlane v38, v4  }
0x52e: {  	v57 =	vadd.s32 $0x3, v37  }
0x52f: {  	v58 =	vbroadcast v57, $0x0;
	v38 =	vadd.f32 v38, v39;
	_ =	sdelay $0x1  }
0x530: {  	v38 =	vmul.f32 v35, v38;
	_ =	sdelay $0x1  }
0x531: {  	v38 =	vadd.f32 v38, v36;
	_ =	sdelay $0x1  }
0x532: {  	[tilespmem:v58+s23+$0x0] =	vst.idx.msk vm0, v38  }
0x533: {  	v38 =	vld [tilespmem:s12+$0xFFFFFF00]  }
0x534: {  	v39 =	vld [tilespmem:s12+$0xFFFFFF10];
	_ =	sdelay $0x1  }
0x535: {  	v59 =	vld [tilespmem:s12+$0xFFFFFF20];
	_ =	sdelay $0x1  }
0x536: {  	v60 =	vld [tilespmem:s12+$0xFFFFFF30]  }
0x537: {  	v38 =	vmul.f32 v38, v31;
	v39 =	vmul.f32 v39, v32;
	_ =	sdelay $0x1  }
0x538: {  	v61 =	vmul.f32 v59, v33;
	v38 =	vadd.f32 v39, v38;
	_ =	sdelay $0x1  }
0x539: {  	v62 =	vmul.f32 v60, v34;
	v38 =	vadd.f32 v61, v38;
	_ =	sdelay $0x1  }
0x53a: {  	v38 =	vadd.f32 v62, v38;
	_ =	sdelay $0x1  }
0x53b: {  	v39 =	vperm.xlane v38, v1;
	_ =	sdelay $0x1  }
0x53c: {  	v38 =	vadd.f32 v38, v39;
	_ =	sdelay $0x1  }
0x53d: {  	v39 =	vperm.xlane v38, v2;
	_ =	sdelay $0x1  }
0x53e: {  	v38 =	vadd.f32 v38, v39;
	_ =	sdelay $0x1  }
0x53f: {  	v39 =	vperm.xlane v38, v3;
	_ =	sdelay $0x1  }
0x540: {  	v38 =	vadd.f32 v38, v39;
	_ =	sdelay $0x1  }
0x541: {  	v39 =	vperm.xlane v38, v4  }
0x542: {  	v63 =	vadd.s32 $0x4, v37  }
0x543: {  	v44 =	vbroadcast v63, $0x0;
	v38 =	vadd.f32 v38, v39;
	_ =	sdelay $0x1  }
0x544: {  	v38 =	vmul.f32 v35, v38;
	_ =	sdelay $0x1  }
0x545: {  	v38 =	vadd.f32 v38, v36;
	_ =	sdelay $0x1  }
0x546: {  	[tilespmem:v44+s23+$0x0] =	vst.idx.msk vm0, v38  }
0x547: {  	v38 =	vld [tilespmem:s12+$0xFFFFFF40]  }
0x548: {  	v39 =	vld [tilespmem:s12+$0xFFFFFF50];
	_ =	sdelay $0x1  }
0x549: {  	v45 =	vld [tilespmem:s12+$0xFFFFFF60];
	_ =	sdelay $0x1  }
0x54a: {  	v46 =	vld [tilespmem:s12+$0xFFFFFF70]  }
0x54b: {  	v38 =	vmul.f32 v38, v31;
	v39 =	vmul.f32 v39, v32;
	_ =	sdelay $0x1  }
0x54c: {  	v47 =	vmul.f32 v45, v33;
	v38 =	vadd.f32 v39, v38;
	_ =	sdelay $0x1  }
0x54d: {  	v48 =	vmul.f32 v46, v34;
	v38 =	vadd.f32 v47, v38;
	_ =	sdelay $0x1  }
0x54e: {  	v38 =	vadd.f32 v48, v38;
	_ =	sdelay $0x1  }
0x54f: {  	v39 =	vperm.xlane v38, v1;
	_ =	sdelay $0x1  }
0x550: {  	v38 =	vadd.f32 v38, v39;
	_ =	sdelay $0x1  }
0x551: {  	v39 =	vperm.xlane v38, v2;
	_ =	sdelay $0x1  }
0x552: {  	v38 =	vadd.f32 v38, v39;
	_ =	sdelay $0x1  }
0x553: {  	v39 =	vperm.xlane v38, v3;
	_ =	sdelay $0x1  }
0x554: {  	v38 =	vadd.f32 v38, v39;
	_ =	sdelay $0x1  }
0x555: {  	v39 =	vperm.xlane v38, v4  }
0x556: {  	v49 =	vadd.s32 $0x5, v37  }
0x557: {  	v50 =	vbroadcast v49, $0x0;
	v38 =	vadd.f32 v38, v39;
	_ =	sdelay $0x1  }
0x558: {  	v38 =	vmul.f32 v35, v38;
	_ =	sdelay $0x1  }
0x559: {  	v38 =	vadd.f32 v38, v36;
	_ =	sdelay $0x1  }
0x55a: {  	[tilespmem:v50+s23+$0x0] =	vst.idx.msk vm0, v38  }
0x55b: {  	v38 =	vld [tilespmem:s12+$0xFFFFFF80]  }
0x55c: {  	v39 =	vld [tilespmem:s12+$0xFFFFFF90];
	_ =	sdelay $0x1  }
0x55d: {  	v51 =	vld [tilespmem:s12+$0xFFFFFFA0];
	_ =	sdelay $0x1  }
0x55e: {  	v52 =	vld [tilespmem:s12+$0xFFFFFFB0]  }
0x55f: {  	v38 =	vmul.f32 v38, v31;
	v39 =	vmul.f32 v39, v32;
	_ =	sdelay $0x1  }
0x560: {  	v53 =	vmul.f32 v51, v33;
	v38 =	vadd.f32 v39, v38;
	_ =	sdelay $0x1  }
0x561: {  	v54 =	vmul.f32 v52, v34;
	v38 =	vadd.f32 v53, v38;
	_ =	sdelay $0x1  }
0x562: {  	v38 =	vadd.f32 v54, v38;
	_ =	sdelay $0x1  }
0x563: {  	v39 =	vperm.xlane v38, v1;
	_ =	sdelay $0x1  }
0x564: {  	v38 =	vadd.f32 v38, v39;
	_ =	sdelay $0x1  }
0x565: {  	v39 =	vperm.xlane v38, v2;
	_ =	sdelay $0x1  }
0x566: {  	v38 =	vadd.f32 v38, v39;
	_ =	sdelay $0x1  }
0x567: {  	v39 =	vperm.xlane v38, v3;
	_ =	sdelay $0x1  }
0x568: {  	v38 =	vadd.f32 v38, v39;
	_ =	sdelay $0x1  }
0x569: {  	v39 =	vperm.xlane v38, v4  }
0x56a: {  	v55 =	vadd.s32 $0x6, v37  }
0x56b: {  	v56 =	vbroadcast v55, $0x0;
	v38 =	vadd.f32 v38, v39;
	_ =	sdelay $0x1  }
0x56c: {  	v38 =	vmul.f32 v35, v38;
	_ =	sdelay $0x1  }
0x56d: {  	v38 =	vadd.f32 v38, v36;
	_ =	sdelay $0x1  }
0x56e: {  	[tilespmem:v56+s23+$0x0] =	vst.idx.msk vm0, v38  }
0x56f: {  	v38 =	vld [tilespmem:s12+$0xFFFFFFC0]  }
0x570: {  	v39 =	vld [tilespmem:s12+$0xFFFFFFD0];
	_ =	sdelay $0x1  }
0x571: {  	v57 =	vld [tilespmem:s12+$0xFFFFFFE0];
	_ =	sdelay $0x1  }
0x572: {  	v58 =	vld [tilespmem:s12+$0xFFFFFFF0]  }
0x573: {  	v38 =	vmul.f32 v38, v31;
	v39 =	vmul.f32 v39, v32;
	_ =	sdelay $0x1  }
0x574: {  	v59 =	vmul.f32 v57, v33;
	v38 =	vadd.f32 v39, v38;
	_ =	sdelay $0x1  }
0x575: {  	v60 =	vmul.f32 v58, v34;
	v38 =	vadd.f32 v59, v38;
	_ =	sdelay $0x1  }
0x576: {  	v38 =	vadd.f32 v60, v38;
	_ =	sdelay $0x1  }
0x577: {  	v39 =	vperm.xlane v38, v1;
	_ =	sdelay $0x1  }
0x578: {  	v38 =	vadd.f32 v38, v39;
	_ =	sdelay $0x1  }
0x579: {  	v39 =	vperm.xlane v38, v2;
	_ =	sdelay $0x1  }
0x57a: {  	v38 =	vadd.f32 v38, v39;
	_ =	sdelay $0x1  }
0x57b: {  	v39 =	vperm.xlane v38, v3;
	_ =	sdelay $0x1  }
0x57c: {  	v38 =	vadd.f32 v38, v39;
	_ =	sdelay $0x1  }
0x57d: {  	v39 =	vperm.xlane v38, v4  }
0x57e: {  	v37 =	vadd.s32 $0x7, v37  }
0x57f: {  	v37 =	vbroadcast v37, $0x0;
	v38 =	vadd.f32 v38, v39;
	_ =	sdelay $0x1  }
0x580: {  	v38 =	vmul.f32 v35, v38;
	_ =	sdelay $0x1  }
0x581: {  	v38 =	vadd.f32 v38, v36;
	_ =	sdelay $0x1  }
0x582: {  	[tilespmem:v37+s23+$0x0] =	vst.idx.msk vm0, v38  }
0x583: {  	v37 =	vld [tilespmem:s12+$0x0]  }
0x584: {  	v38 =	vld [tilespmem:s12+$0x10];
	_ =	sdelay $0x1  }
0x585: {  	v61 =	vld [tilespmem:s12+$0x20];
	_ =	sdelay $0x1  }
0x586: {  	v62 =	vld [tilespmem:s12+$0x30]  }
0x587: {  	v37 =	vmul.f32 v37, v31;
	v38 =	vmul.f32 v38, v32;
	_ =	sdelay $0x1  }
0x588: {  	v63 =	vmul.f32 v61, v33;
	v37 =	vadd.f32 v38, v37;
	_ =	sdelay $0x1  }
0x589: {  	v41 =	vmul.f32 v62, v34;
	v37 =	vadd.f32 v63, v37;
	_ =	sdelay $0x1  }
0x58a: {  	v37 =	vadd.f32 v41, v37;
	_ =	sdelay $0x1  }
0x58b: {  	v38 =	vperm.xlane v37, v1;
	_ =	sdelay $0x1  }
0x58c: {  	v37 =	vadd.f32 v37, v38;
	_ =	sdelay $0x1  }
0x58d: {  	v38 =	vperm.xlane v37, v2;
	_ =	sdelay $0x1  }
0x58e: {  	v37 =	vadd.f32 v37, v38;
	_ =	sdelay $0x1  }
0x58f: {  	v38 =	vperm.xlane v37, v3;
	_ =	sdelay $0x1  }
0x590: {  	s28 =	sadd.s32 $0x8, s24;
	v37 =	vadd.f32 v37, v38  }
0x591: {  	v42 =	vmov s28  }
0x592: {  	v38 =	vshrl.u32 v42, $0x3;
	v43 =	vperm.xlane v37, v4  }
0x593: {  	v38 =	vshll.u32 v38, v30  }
0x594: {  	v38 =	vbroadcast v38, $0x0;
	v37 =	vadd.f32 v37, v43;
	_ =	sdelay $0x1  }
0x595: {  	v37 =	vmul.f32 v35, v37;
	_ =	sdelay $0x1  }
0x596: {  	v37 =	vadd.f32 v37, v36;
	_ =	sdelay $0x1  }
0x597: {  	[tilespmem:v38+s23+$0x0] =	vst.idx.msk vm0, v37  }
0x598: {  	v37 =	vld [tilespmem:s12+$0x40]  }
0x599: {  	v38 =	vld [tilespmem:s12+$0x50];
	_ =	sdelay $0x1  }
0x59a: {  	v44 =	vld [tilespmem:s12+$0x60];
	_ =	sdelay $0x1  }
0x59b: {  	v45 =	vld [tilespmem:s12+$0x70]  }
0x59c: {  	v37 =	vmul.f32 v37, v31;
	v38 =	vmul.f32 v38, v32;
	_ =	sdelay $0x1  }
0x59d: {  	v46 =	vmul.f32 v44, v33;
	v37 =	vadd.f32 v38, v37;
	_ =	sdelay $0x1  }
0x59e: {  	v47 =	vmul.f32 v45, v34;
	v37 =	vadd.f32 v46, v37;
	_ =	sdelay $0x1  }
0x59f: {  	v37 =	vadd.f32 v47, v37;
	_ =	sdelay $0x1  }
0x5a0: {  	v38 =	vperm.xlane v37, v1;
	_ =	sdelay $0x1  }
0x5a1: {  	v37 =	vadd.f32 v37, v38;
	_ =	sdelay $0x1  }
0x5a2: {  	v38 =	vperm.xlane v37, v2;
	_ =	sdelay $0x1  }
0x5a3: {  	v37 =	vadd.f32 v37, v38;
	_ =	sdelay $0x1  }
0x5a4: {  	v38 =	vperm.xlane v37, v3  }
0x5a5: {  	s28 =	sadd.s32 $0x9, s24  }
0x5a6: {  	v48 =	vmov s28;
	v37 =	vadd.f32 v37, v38  }
0x5a7: {  	v38 =	vshrl.u32 v48, $0x3  }
0x5a8: {  	v38 =	vshll.u32 v38, v30;
	v49 =	vperm.xlane v37, v4  }
0x5a9: {  	v38 =	vadd.s32 $0x1, v38  }
0x5aa: {  	v38 =	vbroadcast v38, $0x0;
	v37 =	vadd.f32 v37, v49;
	_ =	sdelay $0x1  }
0x5ab: {  	v37 =	vmul.f32 v35, v37;
	_ =	sdelay $0x1  }
0x5ac: {  	v37 =	vadd.f32 v37, v36;
	_ =	sdelay $0x1  }
0x5ad: {  	[tilespmem:v38+s23+$0x0] =	vst.idx.msk vm0, v37  }
0x5ae: {  	v37 =	vld [tilespmem:s12+$0x80]  }
0x5af: {  	v38 =	vld [tilespmem:s12+$0x90];
	_ =	sdelay $0x1  }
0x5b0: {  	v50 =	vld [tilespmem:s12+$0xA0];
	_ =	sdelay $0x1  }
0x5b1: {  	v51 =	vld [tilespmem:s12+$0xB0]  }
0x5b2: {  	v37 =	vmul.f32 v37, v31;
	v38 =	vmul.f32 v38, v32;
	_ =	sdelay $0x1  }
0x5b3: {  	v52 =	vmul.f32 v50, v33;
	v37 =	vadd.f32 v38, v37;
	_ =	sdelay $0x1  }
0x5b4: {  	v53 =	vmul.f32 v51, v34;
	v37 =	vadd.f32 v52, v37;
	_ =	sdelay $0x1  }
0x5b5: {  	v37 =	vadd.f32 v53, v37;
	_ =	sdelay $0x1  }
0x5b6: {  	v38 =	vperm.xlane v37, v1;
	_ =	sdelay $0x1  }
0x5b7: {  	v37 =	vadd.f32 v37, v38;
	_ =	sdelay $0x1  }
0x5b8: {  	v38 =	vperm.xlane v37, v2;
	_ =	sdelay $0x1  }
0x5b9: {  	v37 =	vadd.f32 v37, v38;
	_ =	sdelay $0x1  }
0x5ba: {  	v38 =	vperm.xlane v37, v3  }
0x5bb: {  	s28 =	sadd.s32 $0xA, s24  }
0x5bc: {  	v54 =	vmov s28;
	v37 =	vadd.f32 v37, v38  }
0x5bd: {  	v38 =	vshrl.u32 v54, $0x3  }
0x5be: {  	v38 =	vshll.u32 v38, v30;
	v55 =	vperm.xlane v37, v4  }
0x5bf: {  	v38 =	vadd.s32 $0x2, v38  }
0x5c0: {  	v38 =	vbroadcast v38, $0x0;
	v37 =	vadd.f32 v37, v55;
	_ =	sdelay $0x1  }
0x5c1: {  	v37 =	vmul.f32 v35, v37;
	_ =	sdelay $0x1  }
0x5c2: {  	v37 =	vadd.f32 v37, v36;
	_ =	sdelay $0x1  }
0x5c3: {  	[tilespmem:v38+s23+$0x0] =	vst.idx.msk vm0, v37  }
0x5c4: {  	v37 =	vld [tilespmem:s12+$0xC0]  }
0x5c5: {  	v38 =	vld [tilespmem:s12+$0xD0];
	_ =	sdelay $0x1  }
0x5c6: {  	v56 =	vld [tilespmem:s12+$0xE0];
	_ =	sdelay $0x1  }
0x5c7: {  	v57 =	vld [tilespmem:s12+$0xF0]  }
0x5c8: {  	v37 =	vmul.f32 v37, v31;
	v38 =	vmul.f32 v38, v32;
	_ =	sdelay $0x1  }
0x5c9: {  	v58 =	vmul.f32 v56, v33;
	v37 =	vadd.f32 v38, v37;
	_ =	sdelay $0x1  }
0x5ca: {  	v59 =	vmul.f32 v57, v34;
	v37 =	vadd.f32 v58, v37;
	_ =	sdelay $0x1  }
0x5cb: {  	v37 =	vadd.f32 v59, v37;
	_ =	sdelay $0x1  }
0x5cc: {  	v38 =	vperm.xlane v37, v1;
	_ =	sdelay $0x1  }
0x5cd: {  	v37 =	vadd.f32 v37, v38;
	_ =	sdelay $0x1  }
0x5ce: {  	v38 =	vperm.xlane v37, v2;
	_ =	sdelay $0x1  }
0x5cf: {  	v37 =	vadd.f32 v37, v38;
	_ =	sdelay $0x1  }
0x5d0: {  	v38 =	vperm.xlane v37, v3  }
0x5d1: {  	s28 =	sadd.s32 $0xB, s24  }
0x5d2: {  	v60 =	vmov s28;
	v37 =	vadd.f32 v37, v38  }
0x5d3: {  	v38 =	vshrl.u32 v60, $0x3  }
0x5d4: {  	v38 =	vshll.u32 v38, v30;
	v61 =	vperm.xlane v37, v4  }
0x5d5: {  	v38 =	vadd.s32 $0x3, v38  }
0x5d6: {  	v38 =	vbroadcast v38, $0x0;
	v37 =	vadd.f32 v37, v61;
	_ =	sdelay $0x1  }
0x5d7: {  	v37 =	vmul.f32 v35, v37;
	_ =	sdelay $0x1  }
0x5d8: {  	v37 =	vadd.f32 v37, v36;
	_ =	sdelay $0x1  }
0x5d9: {  	[tilespmem:v38+s23+$0x0] =	vst.idx.msk vm0, v37  }
0x5da: {  	v37 =	vld [tilespmem:s12+$0x100]  }
0x5db: {  	v38 =	vld [tilespmem:s12+$0x110];
	_ =	sdelay $0x1  }
0x5dc: {  	v62 =	vld [tilespmem:s12+$0x120];
	_ =	sdelay $0x1  }
0x5dd: {  	v63 =	vld [tilespmem:s12+$0x130]  }
0x5de: {  	v37 =	vmul.f32 v37, v31;
	v38 =	vmul.f32 v38, v32;
	_ =	sdelay $0x1  }
0x5df: {  	v42 =	vmul.f32 v62, v33;
	v37 =	vadd.f32 v38, v37;
	_ =	sdelay $0x1  }
0x5e0: {  	v43 =	vmul.f32 v63, v34;
	v37 =	vadd.f32 v42, v37;
	_ =	sdelay $0x1  }
0x5e1: {  	v37 =	vadd.f32 v43, v37;
	_ =	sdelay $0x1  }
0x5e2: {  	v38 =	vperm.xlane v37, v1;
	_ =	sdelay $0x1  }
0x5e3: {  	v37 =	vadd.f32 v37, v38;
	_ =	sdelay $0x1  }
0x5e4: {  	v38 =	vperm.xlane v37, v2;
	_ =	sdelay $0x1  }
0x5e5: {  	v37 =	vadd.f32 v37, v38;
	_ =	sdelay $0x1  }
0x5e6: {  	v38 =	vperm.xlane v37, v3  }
0x5e7: {  	s28 =	sadd.s32 $0xC, s24  }
0x5e8: {  	v44 =	vmov s28;
	v37 =	vadd.f32 v37, v38  }
0x5e9: {  	v38 =	vshrl.u32 v44, $0x3  }
0x5ea: {  	v38 =	vshll.u32 v38, v30;
	v45 =	vperm.xlane v37, v4  }
0x5eb: {  	v38 =	vadd.s32 $0x4, v38  }
0x5ec: {  	v38 =	vbroadcast v38, $0x0;
	v37 =	vadd.f32 v37, v45;
	_ =	sdelay $0x1  }
0x5ed: {  	v37 =	vmul.f32 v35, v37;
	_ =	sdelay $0x1  }
0x5ee: {  	v37 =	vadd.f32 v37, v36;
	_ =	sdelay $0x1  }
0x5ef: {  	[tilespmem:v38+s23+$0x0] =	vst.idx.msk vm0, v37  }
0x5f0: {  	v37 =	vld [tilespmem:s12+$0x140]  }
0x5f1: {  	v38 =	vld [tilespmem:s12+$0x150];
	_ =	sdelay $0x1  }
0x5f2: {  	v46 =	vld [tilespmem:s12+$0x160];
	_ =	sdelay $0x1  }
0x5f3: {  	v47 =	vld [tilespmem:s12+$0x170]  }
0x5f4: {  	v37 =	vmul.f32 v37, v31;
	v38 =	vmul.f32 v38, v32;
	_ =	sdelay $0x1  }
0x5f5: {  	v48 =	vmul.f32 v46, v33;
	v37 =	vadd.f32 v38, v37;
	_ =	sdelay $0x1  }
0x5f6: {  	v49 =	vmul.f32 v47, v34;
	v37 =	vadd.f32 v48, v37;
	_ =	sdelay $0x1  }
0x5f7: {  	v37 =	vadd.f32 v49, v37;
	_ =	sdelay $0x1  }
0x5f8: {  	v38 =	vperm.xlane v37, v1;
	_ =	sdelay $0x1  }
0x5f9: {  	v37 =	vadd.f32 v37, v38;
	_ =	sdelay $0x1  }
0x5fa: {  	v38 =	vperm.xlane v37, v2;
	_ =	sdelay $0x1  }
0x5fb: {  	v37 =	vadd.f32 v37, v38;
	_ =	sdelay $0x1  }
0x5fc: {  	v38 =	vperm.xlane v37, v3  }
0x5fd: {  	s28 =	sadd.s32 $0xD, s24  }
0x5fe: {  	v50 =	vmov s28;
	v37 =	vadd.f32 v37, v38  }
0x5ff: {  	v38 =	vshrl.u32 v50, $0x3  }
0x600: {  	v38 =	vshll.u32 v38, v30;
	v51 =	vperm.xlane v37, v4  }
0x601: {  	v38 =	vadd.s32 $0x5, v38  }
0x602: {  	v38 =	vbroadcast v38, $0x0;
	v37 =	vadd.f32 v37, v51;
	_ =	sdelay $0x1  }
0x603: {  	v37 =	vmul.f32 v35, v37;
	_ =	sdelay $0x1  }
0x604: {  	v37 =	vadd.f32 v37, v36;
	_ =	sdelay $0x1  }
0x605: {  	[tilespmem:v38+s23+$0x0] =	vst.idx.msk vm0, v37  }
0x606: {  	v37 =	vld [tilespmem:s12+$0x180]  }
0x607: {  	v38 =	vld [tilespmem:s12+$0x190];
	_ =	sdelay $0x1  }
0x608: {  	v52 =	vld [tilespmem:s12+$0x1A0];
	_ =	sdelay $0x1  }
0x609: {  	v53 =	vld [tilespmem:s12+$0x1B0]  }
0x60a: {  	v37 =	vmul.f32 v37, v31;
	v38 =	vmul.f32 v38, v32;
	_ =	sdelay $0x1  }
0x60b: {  	v54 =	vmul.f32 v52, v33;
	v37 =	vadd.f32 v38, v37;
	_ =	sdelay $0x1  }
0x60c: {  	v55 =	vmul.f32 v53, v34;
	v37 =	vadd.f32 v54, v37;
	_ =	sdelay $0x1  }
0x60d: {  	v37 =	vadd.f32 v55, v37;
	_ =	sdelay $0x1  }
0x60e: {  	v38 =	vperm.xlane v37, v1;
	_ =	sdelay $0x1  }
0x60f: {  	v37 =	vadd.f32 v37, v38;
	_ =	sdelay $0x1  }
0x610: {  	v38 =	vperm.xlane v37, v2;
	_ =	sdelay $0x1  }
0x611: {  	v37 =	vadd.f32 v37, v38;
	_ =	sdelay $0x1  }
0x612: {  	v38 =	vperm.xlane v37, v3  }
0x613: {  	s28 =	sadd.s32 $0xE, s24  }
0x614: {  	v56 =	vmov s28;
	v37 =	vadd.f32 v37, v38  }
0x615: {  	v38 =	vshrl.u32 v56, $0x3  }
0x616: {  	v38 =	vshll.u32 v38, v30;
	v57 =	vperm.xlane v37, v4  }
0x617: {  	v38 =	vadd.s32 $0x6, v38  }
0x618: {  	v38 =	vbroadcast v38, $0x0;
	v37 =	vadd.f32 v37, v57;
	_ =	sdelay $0x1  }
0x619: {  	v37 =	vmul.f32 v35, v37;
	_ =	sdelay $0x1  }
0x61a: {  	v37 =	vadd.f32 v37, v36;
	_ =	sdelay $0x1  }
0x61b: {  	[tilespmem:v38+s23+$0x0] =	vst.idx.msk vm0, v37  }
0x61c: {  	v37 =	vld [tilespmem:s12+$0x1C0]  }
0x61d: {  	v38 =	vld [tilespmem:s12+$0x1D0];
	_ =	sdelay $0x1  }
0x61e: {  	v58 =	vld [tilespmem:s12+$0x1E0];
	_ =	sdelay $0x1  }
0x61f: {  	v59 =	vld [tilespmem:s12+$0x1F0]  }
0x620: {  	v37 =	vmul.f32 v37, v31;
	v38 =	vmul.f32 v38, v32;
	_ =	sdelay $0x1  }
0x621: {  	v60 =	vmul.f32 v58, v33;
	v37 =	vadd.f32 v38, v37;
	_ =	sdelay $0x1  }
0x622: {  	v61 =	vmul.f32 v59, v34;
	v37 =	vadd.f32 v60, v37;
	_ =	sdelay $0x1  }
0x623: {  	v37 =	vadd.f32 v61, v37;
	_ =	sdelay $0x1  }
0x624: {  	v38 =	vperm.xlane v37, v1;
	_ =	sdelay $0x1  }
0x625: {  	v37 =	vadd.f32 v37, v38;
	_ =	sdelay $0x1  }
0x626: {  	v38 =	vperm.xlane v37, v2;
	_ =	sdelay $0x1  }
0x627: {  	v37 =	vadd.f32 v37, v38;
	_ =	sdelay $0x1  }
0x628: {  	v38 =	vperm.xlane v37, v3  }
0x629: {  	s28 =	sadd.s32 $0xF, s24  }
0x62a: {  	v62 =	vmov s28;
	v37 =	vadd.f32 v37, v38  }
0x62b: {  	v38 =	vshrl.u32 v62, $0x3  }
0x62c: {  	v38 =	vshll.u32 v38, v30;
	v63 =	vperm.xlane v37, v4  }
0x62d: {  	v38 =	vadd.s32 $0x7, v38  }
0x62e: {  	v38 =	vbroadcast v38, $0x0;
	v37 =	vadd.f32 v37, v63  }
0x62f: {  	p0 =	sne.s32 s24, $0x1C8  }
.Ltmp3:
0x630: {  	v35 =	vmul.f32 v35, v37;
	(pc) =	sbr.rel @p0 .LBB2_5-.Ltmp3, $4  }
0x631: {  	_ = 	snop  }
0x632: {  	v35 =	vadd.f32 v35, v36  }
0x633: {  	s10 =	sadd.s32 $0x1, s10  }
0x634: {  	s26 =	sadd.s32 $0x40, s26;
	s24 =	sadd.s32 $0x18, s24;
	s12 =	sadd.s32 $0x400, s12;
	[tilespmem:v38+s23+$0x0] =	vst.idx.msk vm0, v35  }
0x635: {  	s10 =	smul.u32 $0x3, s14  }
.Ltmp4:
0x636: {  	_ = 	snop;
	(pc) =	sbr.rel @p1 .LBB2_8-.Ltmp4, $4  }
0x637: {  	s12 =	smul.u32 $0x3C, s14;
	s10 =	sadd.s32 s6, s10  }
0x638: {  	[hbm4b:s10+s2] =	stream.linear.scatter [tilespmem:s22], [sflag:$0x6], $0x18, $0x38;
	[tilespmem:$0xBE10] =	vst v63  }
0x639: {  	s28 =	sadd.s32 s7, s12  }
0x63a: {  	[hbm4b:s28+s2] =	stream.linear.scatter [tilespmem:s23], [sflag:$0x6], $0x1E0, $0x38;
	[tilespmem:$0xBE10] =	vst v63  }
0x63b: {  	s10 =	smul.u32 $0x190, s14  }
.Ltmp5:
0x63c: {  	_ = 	snop;
	(pc) =	sbr.rel .LBB2_2-.Ltmp5, $4  }
0x63d: {  	s10 =	sshrl.u32 s10, $0x3  }
0x63e: {  	s10 =	sadd.s32 s5, s10  }
0x63f: {  	s8 =	sadd.s32 $0x1, s8;
	s10 =	sadd.s32 $0x64, s10  }
0x640: {  	[tilespmem:s13], [sflag:$0x2] =	stream.linear.gather [hbm4b:s10+s2], $0x190, $0x38;
	[tilespmem:$0xBE10] =	vst v63  }
.LBB2_9:
0x641: {  	_ =	sfence.sel $0x180000  }
0x642: {  	[bflag:$0x0] =	sbarrier.arrive $0xFFFF  }
0x643: {  	_ =	strace $0x90000047  }
0x644: {  	s0 =	stileid.u32;
	[bflag:$0x2] =	sbarrier.arrive $0xFFFF  }
0x645: {  	p0 =	sne.s32 s0, $0x0;
	s0 =	rddreg [dreg:$0x1]  }
0x646: {  	s0 =	sadd.s32 @!p0 $0x100000, s0  }
0x647: {  	[sflag:s0] =	ssyncadd.tile.s32 @!p0 $0x1;
	_ =	shalt  }
.Lfunc_end2:
_tile_overlayer_lowered:
.L_overlay_start_2:
0x648: {  	(tag) =	ssettag $0x2  }
0x649: {  	s0 =	rddreg [dreg:$0x0];
	s2 =	stileid.u32  }
0x64a: {  	s1 =	rddreg [dreg:$0x1];
	p0 =	sne.s32 s2, $0x0  }
0x64b: {  	s3 =	rddreg [dreg:$0x2];
	[bflag:$0x3] =	sbarrier.arrive $0xFFFF;
	s2 =	simm.s32 @!p0 $0x1C07  }
0x64c: {  	[timem:s3], [sflag:s2] =	dma.local @!p0 [hbm:s0], s1  }
0x64d: {  	s0 =	simm.s32 @!p0 $0x7  }
0x64e: {  	_ =	swait.ge @!p0 [sflag:s0], s1  }
0x64f: {  	s1 =	ssub.s32 @!p0 $0x0, s1;
	[sflag:s0] =	ssyncset.done @!p0 $0x0  }
0x650: {  	[sflag:s0] =	ssyncadd.s32 @!p0 s1  }
0x651: {  	[bflag:$0x3] =	sbarrier.arrive $0xFFFF  }
0x652: {  	_ =	shalt  }

</sc_bundles>
